<compile_context>
chip_gen: v7x
topology: tpu7x:2x2x1
jax: 0.10.2.dev20260603
libtpu: 0.0.44.dev20260713+nightly
codegen_flags: <defaults>
</compile_context>

<pallas_src>
import functools

import jax
import jax.numpy as jnp
from jax import lax
from jax.experimental import pallas as pl
from jax.experimental.pallas import tpu as pltpu
from jax.experimental.pallas import tpu_sc as plsc

_NUM_TILES = 16
_CHUNK = 128
_NBUF = 5


def _pair_h(av, bv, dgav, dgbv, w, b, pa):
    hw = av.shape[1] // 2
    agg_e = jnp.concatenate([av[:, :hw], bv[:, :hw]], axis=1)
    agg_o = jnp.concatenate([av[:, hw:], bv[:, hw:]], axis=1)
    de = jnp.maximum(dgav[:, 0:1] + dgbv[:, 0:1], 1.0)
    do = jnp.maximum(dgav[:, hw:hw + 1] + dgbv[:, hw:hw + 1], 1.0)
    he = jnp.dot(agg_e, w, preferred_element_type=jnp.float32) / de + b
    ho = jnp.dot(agg_o, w, preferred_element_type=jnp.float32) / do + b
    he = jnp.where(he > 0, he, pa * he)
    ho = jnp.where(ho > 0, ho, pa * ho)
    return he, ho


def _readout_kernel(a1a_ref, a1b_ref, dga_ref, dgb_ref, me_ref, mo_ref,
                    w_ref, b_ref, pa_ref, csum_ref, msum_ref):
    @pl.when(pl.program_id(0) == 0)
    def _():
        csum_ref[...] = jnp.zeros_like(csum_ref)
        msum_ref[...] = jnp.zeros_like(msum_ref)

    he, ho = _pair_h(a1a_ref[...], a1b_ref[...], dga_ref[...], dgb_ref[...],
                     w_ref[...], b_ref[...], pa_ref[0, 0])
    me = me_ref[...]
    mo = mo_ref[...]
    csum_ref[...] += (jnp.sum(me * he, axis=0, keepdims=True)
                      + jnp.sum(mo * ho, axis=0, keepdims=True))
    msum_ref[...] += (jnp.sum(me, axis=0, keepdims=True)
                      + jnp.sum(mo, axis=0, keepdims=True))


def _cw_kernel(csum_ref, msum_ref, wd_ref, cw_ref):
    c = jax.nn.sigmoid(csum_ref[...] / msum_ref[0, 0])
    cw_ref[...] = jnp.sum(wd_ref[...] * c, axis=1, keepdims=True)


def _score_kernel(a1a_ref, a1b_ref, a2a_ref, a2b_ref, dga_ref, dgb_ref,
                  sb1e_ref, sb1o_ref, sb2e_ref, sb2o_ref, w_ref, b_ref,
                  cw_ref, bd_ref, pa_ref, o1_ref, o2_ref):
    w = w_ref[...]
    b = b_ref[...]
    pa = pa_ref[0, 0]
    cw = cw_ref[...]
    bias = bd_ref[0, 0]
    dga = dga_ref[...]
    dgb = dgb_ref[...]
    h1e, h1o = _pair_h(a1a_ref[...], a1b_ref[...], dga, dgb, w, b, pa)
    o1_ref[:, 0:1] = (jnp.dot(h1e, cw, preferred_element_type=jnp.float32)
                      + bias + sb1e_ref[...])
    o1_ref[:, 1:2] = (jnp.dot(h1o, cw, preferred_element_type=jnp.float32)
                      + bias + sb1o_ref[...])
    h2e, h2o = _pair_h(a2a_ref[...], a2b_ref[...], dga, dgb, w, b, pa)
    o2_ref[:, 0:1] = (jnp.dot(h2e, cw, preferred_element_type=jnp.float32)
                      + bias + sb2e_ref[...])
    o2_ref[:, 1:2] = (jnp.dot(h2o, cw, preferred_element_type=jnp.float32)
                      + bias + sb2o_ref[...])


def _sc_aggregate(tab_a, tab_b, src3, dst3, z_h, ones_h,
                  n_acc, cpt, rpt):
    hw = tab_a.shape[1]

    nbuf = _NBUF
    nt = _NUM_TILES
    last = n_acc - (nt - 1) * rpt
    assert cpt % nbuf == 0 and (cpt // 2) % nbuf == 0
    assert 0 < last <= rpt and last % 8 == 0

    nn = tab_a.shape[0]

    def body(ta_ref, tb_ref, src_ref, dst_ref, zh_ref,
             ones_ref, agg_a_ref, agg_b_ref,
             src_v, dst_v, rows_bufs, ones_v, acc_sh, sems):
        c = lax.axis_index("c")
        s = lax.axis_index("s")

        def each_stripe(do):
            @pl.when(s < nt - 1)
            def _():
                do(s * rpt, rpt)

            @pl.when(s == nt - 1)
            def _():
                do((nt - 1) * rpt, last)

        pltpu.sync_copy(src_ref.at[s], src_v)
        pltpu.sync_copy(dst_ref.at[s], dst_v)
        pltpu.sync_copy(ones_ref, ones_v)
        each_stripe(lambda off, ln: pltpu.sync_copy(
            zh_ref.at[pl.ds(0, ln)], acc_sh.at[pl.ds(off, ln)]))
        plsc.subcore_barrier()

        def run_chunks(table_ref, idx_v):
            for b in range(nbuf):
                pltpu.async_copy(table_ref.at[idx_v.at[b]], rows_bufs[b],
                                 sems[b])

            def gat_start(e, b):
                pltpu.async_copy(table_ref.at[idx_v.at[e]], rows_bufs[b],
                                 sems[b])

            def gat_wait(e, b):
                pltpu.make_async_copy(table_ref.at[idx_v.at[e]], rows_bufs[b],
                                      sems[b]).wait()

            def scat_start(e, b):
                pltpu.async_copy(rows_bufs[b], acc_sh.at[dst_v.at[e]],
                                 sems[b], add=True)

            def scat_wait(e, b):
                pltpu.make_async_copy(rows_bufs[b], acc_sh.at[dst_v.at[e]],
                                      sems[b]).wait()

            def block(k, carry):
                for b in range(nbuf):
                    e = nbuf * k + b
                    gat_wait(e, b)
                    scat_start(e, b)
                    bp = (b - 1) % nbuf
                    ep = e - 1

                    @pl.when(ep >= 0)
                    def _():
                        scat_wait(ep, bp)

                        @pl.when(ep + nbuf < cpt)
                        def _():
                            gat_start(ep + nbuf, bp)
                return carry

            lax.fori_loop(0, cpt // nbuf, block, 0)
            scat_wait(cpt - 1, (cpt - 1) % nbuf)

        def writeout(out_base, rezero):
            plsc.subcore_barrier()

            def drain(off, ln):
                asl = pl.ds(off, ln)
                osl = pl.ds(out_base + off, ln)

                @pl.when(c == 0)
                def _():
                    pltpu.sync_copy(acc_sh.at[asl], agg_a_ref.at[osl])

                @pl.when(c == 1)
                def _():
                    pltpu.sync_copy(acc_sh.at[asl], agg_b_ref.at[osl])
                if rezero:
                    pltpu.sync_copy(zh_ref.at[pl.ds(0, ln)], acc_sh.at[asl])

            each_stripe(drain)
            if rezero:
                plsc.subcore_barrier()

        def phase(table_ref, idx_v, out_base):
            run_chunks(table_ref, idx_v)
            writeout(out_base, True)

        def deg_phase():
            half = cpt // 2
            off = c * half

            def dscat_start(e, b):
                pltpu.async_copy(ones_v, acc_sh.at[dst_v.at[e]], sems[b],
                                 add=True)

            def dscat_wait(e, b):
                pltpu.make_async_copy(ones_v, acc_sh.at[dst_v.at[e]],
                                      sems[b]).wait()

            def dblock(k, carry):
                for b in range(nbuf):
                    e = off + nbuf * k + b

                    @pl.when(k > 0)
                    def _():
                        dscat_wait(e - nbuf, b)
                    dscat_start(e, b)
                return carry

            lax.fori_loop(0, half // nbuf, dblock, 0)
            for b in range(nbuf):
                dscat_wait(off + half - nbuf + b, b)
            writeout(2 * n_acc, False)

        @pl.when(c == 0)
        def _():
            phase(ta_ref, src_v, 0)
            phase(ta_ref.at[pl.ds(1, nn - 1)], src_v, n_acc)

        @pl.when(c == 1)
        def _():
            phase(tb_ref, src_v, 0)
            phase(tb_ref.at[pl.ds(1, nn - 1)], src_v, n_acc)

        deg_phase()

    mesh = plsc.VectorSubcoreMesh(core_axis_name="c", subcore_axis_name="s")
    run = pl.kernel(
        body,
        compiler_params=pltpu.CompilerParams(use_tc_tiling_on_sc=False),
        out_type=[
            jax.ShapeDtypeStruct((3 * n_acc, hw), jnp.float32),
            jax.ShapeDtypeStruct((3 * n_acc, hw), jnp.float32),
        ],
        mesh=mesh,
        scratch_types=[
            pltpu.VMEM((cpt, _CHUNK), jnp.int32),
            pltpu.VMEM((cpt, _CHUNK), jnp.int32),
            [pltpu.VMEM((_CHUNK, hw), jnp.float32) for _ in range(nbuf)],
            pltpu.VMEM((_CHUNK, hw), jnp.float32),
            pltpu.VMEM_SHARED((n_acc, hw), jnp.float32),
            [pltpu.SemaphoreType.DMA for _ in range(nbuf)],
        ],
    )
    return run(tab_a, tab_b, src3, dst3, z_h, ones_h)


def kernel(seq1, seq2, adj, sparse, msk, samp_bias1, samp_bias2,
           W_gcn, b_gcn, prelu_a, W_disc, b_disc):
    n = seq1.shape[1]
    d = seq1.shape[2]
    nh = W_gcn.shape[1] // 2
    hw = nh // 2
    e = adj.shape[1]
    assert e % _NUM_TILES == 0
    ept = e // _NUM_TILES
    cpt = -(-ept // (_CHUNK * 2 * _NBUF)) * 2 * _NBUF
    ept_pad = cpt * _CHUNK
    n_acc = -(-n // 8) * 8 + 8
    rpt = -(-n_acc // (_NUM_TILES * 8)) * 8

    w_e = W_gcn[:, 0::2]
    b_e = b_gcn[0::2][None, :]

    tab_a = jnp.concatenate([seq1[0, :, :hw], seq2[0, :, :hw]],
                            axis=1).reshape(2 * n, hw)
    tab_b = jnp.concatenate([seq1[0, :, hw:], seq2[0, :, hw:]],
                            axis=1).reshape(2 * n, hw)

    pad_w = ept_pad - ept
    src2 = adj[0].reshape(_NUM_TILES, ept)
    dst2 = adj[1].reshape(_NUM_TILES, ept)
    pad_src = jnp.broadcast_to((jnp.arange(pad_w, dtype=jnp.int32) % n),
                               (_NUM_TILES, pad_w))
    pad_dst = jnp.broadcast_to(
        n + (jnp.arange(pad_w, dtype=jnp.int32) % 8), (_NUM_TILES, pad_w))
    src3 = 2 * jnp.concatenate([src2, pad_src], axis=1).reshape(
        _NUM_TILES, cpt, _CHUNK)
    dst3 = jnp.concatenate([dst2, pad_dst], axis=1).reshape(
        _NUM_TILES, cpt, _CHUNK)
    z_h = jnp.zeros((rpt, hw), jnp.float32)
    ones_h = jnp.ones((_CHUNK, hw), jnp.float32)
    agg_a, agg_b = _sc_aggregate(tab_a, tab_b, src3, dst3,
                                 z_h, ones_h, n_acc, cpt, rpt)

    np2 = n // 2
    na2 = n_acc // 2
    A = agg_a.reshape(3 * na2, 2 * hw)
    B = agg_b.reshape(3 * na2, 2 * hw)
    a1a, a1b = A[:np2], B[:np2]
    a2a, a2b = A[na2:na2 + np2], B[na2:na2 + np2]
    dga, dgb = A[2 * na2:2 * na2 + np2], B[2 * na2:2 * na2 + np2]
    m2 = msk[0].reshape(np2, 2)
    sb1 = samp_bias1[0].reshape(np2, 2)
    sb2 = samp_bias2[0].reshape(np2, 2)
    pa = prelu_a.reshape(1, 1)
    bp = 1000
    grid = (np2 // bp,)
    row_spec = pl.BlockSpec((bp, 2 * hw), lambda i: (i, 0))
    col_spec = pl.BlockSpec((bp, 1), lambda i: (i, 0))
    out_spec = pl.BlockSpec((bp, 2), lambda i: (i, 0))
    fix = lambda shape: pl.BlockSpec(shape, lambda i: (0, 0))

    csum, msum = pl.pallas_call(
        _readout_kernel,
        grid=grid,
        in_specs=[row_spec, row_spec, row_spec, row_spec, col_spec, col_spec,
                  fix((d, nh)), fix((1, nh)), fix((1, 1))],
        out_specs=[fix((1, nh)), fix((1, 1))],
        out_shape=[
            jax.ShapeDtypeStruct((1, nh), jnp.float32),
            jax.ShapeDtypeStruct((1, 1), jnp.float32),
        ],
    )(a1a, a1b, dga, dgb, m2[:, 0:1], m2[:, 1:2], w_e, b_e, pa)

    cw = pl.pallas_call(
        _cw_kernel,
        out_shape=jax.ShapeDtypeStruct((nh, 1), jnp.float32),
    )(csum, msum, W_disc)

    o1, o2 = pl.pallas_call(
        _score_kernel,
        grid=grid,
        in_specs=[row_spec, row_spec, row_spec, row_spec, row_spec, row_spec,
                  col_spec, col_spec, col_spec, col_spec,
                  fix((d, nh)), fix((1, nh)), fix((nh, 1)), fix((1, 1)),
                  fix((1, 1))],
        out_specs=[out_spec, out_spec],
        out_shape=[
            jax.ShapeDtypeStruct((np2, 2), jnp.float32),
            jax.ShapeDtypeStruct((np2, 2), jnp.float32),
        ],
    )(a1a, a1b, a2a, a2b, dga, dgb, sb1[:, 0:1], sb1[:, 1:2],
      sb2[:, 0:1], sb2[:, 1:2], w_e, b_e, cw, b_disc.reshape(1, 1), pa)
    return jnp.concatenate([o1.reshape(-1), o2.reshape(-1)])[None, :]

# --- scband reference (transcript-rebuilt; emitter-appended) ---
"""Pipeline reference for scband-dgi-62208306315958 (READ-ONLY COPY).

The authoritative reference and input builder live on the scoring server;
editing this copy changes nothing except your own understanding.
"""

import jax, jax.numpy as jnp
import numpy as np

N = 10000
E = 320000
D = 128
NH = 128

def setup_inputs(seed: int = 0) -> dict:
    key = jax.random.key(seed)
    ks = jax.random.split(key, 8)
    seq1 = jax.random.normal(ks[0], (1, N, D), dtype=jnp.float32)
    seq2 = jax.random.normal(ks[1], (1, N, D), dtype=jnp.float32)
    adj = jax.random.randint(ks[2], (2, E), 0, N, dtype=jnp.int32)
    msk = jnp.ones((1, N), dtype=jnp.float32)
    samp_bias1 = jnp.zeros((1, N), dtype=jnp.float32)
    samp_bias2 = jnp.zeros((1, N), dtype=jnp.float32)
    W_gcn = jax.random.normal(ks[3], (D, 2 * NH), dtype=jnp.float32) * (1.0 / np.sqrt(D))
    b_gcn = jnp.zeros((2 * NH,), dtype=jnp.float32)
    prelu_a = jnp.array(0.25, dtype=jnp.float32)
    W_disc = jax.random.normal(ks[4], (NH, NH), dtype=jnp.float32) * (1.0 / np.sqrt(NH))
    b_disc = jnp.zeros((1,), dtype=jnp.float32)
    return {"seq1": seq1, "seq2": seq2, "adj": adj, "sparse": 1, "msk": msk,
            "samp_bias1": samp_bias1, "samp_bias2": samp_bias2,
            "W_gcn": W_gcn, "b_gcn": b_gcn, "prelu_a": prelu_a,
            "W_disc": W_disc, "b_disc": b_disc}

def reference(seq1, seq2, adj, sparse, msk, samp_bias1, samp_bias2,
              W_gcn, b_gcn, prelu_a, W_disc, b_disc):
    n_nodes = seq1.shape[1]
    n_h = W_gcn.shape[1] // 2
    src = adj[0]
    dst = adj[1]

    def gcn(seq):
        # linear transform then sparse (edge-list) mean aggregation = normalized adj spmm
        h = seq[0] @ W_gcn + b_gcn                                   # [N, 2*n_h]
        msgs = jnp.take(h, src, axis=0)                              # gather by src
        agg = jax.ops.segment_sum(msgs, dst, num_segments=n_nodes)   # scatter-add by dst
        deg = jax.ops.segment_sum(jnp.ones_like(dst, dtype=h.dtype), dst, num_segments=n_nodes)
        agg = agg / jnp.maximum(deg, 1.0)[:, None]
        # PReLU activation
        return jnp.where(agg > 0, agg, prelu_a * agg)

    # z_params view: (-1, n_h, nparams=2) take mean channel [:, :, 0]
    h_1 = gcn(seq1).reshape(n_nodes, n_h, 2)[:, :, 0]                # [N, n_h]
    h_2 = gcn(seq2).reshape(n_nodes, n_h, 2)[:, :, 0]                # [N, n_h]

    # AvgReadout with mask, then sigmoid
    m = msk[0]
    c = (m[:, None] * h_1).sum(axis=0) / m.sum()                     # [n_h]
    c = jax.nn.sigmoid(c)

    # Discriminator: bilinear score of each node embedding against summary c
    cw = W_disc @ c                                                  # [n_h]
    sc_1 = h_1 @ cw + b_disc[0] + samp_bias1[0]                      # [N]
    sc_2 = h_2 @ cw + b_disc[0] + samp_bias2[0]                      # [N]
    ret = jnp.concatenate([sc_1, sc_2])[None, :]                     # [1, 2N]
    return ret

if __name__ == "__main__":
    import jax
    _d = setup_inputs()
    print(jax.jit(kernel)(*tuple(_d.values())))

</pallas_src>

<mosaic_0001>
#map = affine_map<(d0, d1) -> (0, 0)>
#map1 = affine_map<(d0, d1) -> (0, 0, 0)>
module attributes {stable_mosaic.version = 14 : i64} {
  func.func @body(%arg0: i32, %arg1: i32, %arg2: memref<20000x64xf32, #tpu.memory_space<hbm>>, %arg3: memref<20000x64xf32, #tpu.memory_space<hbm>>, %arg4: memref<16x160x128xi32, #tpu.memory_space<hbm>>, %arg5: memref<16x160x128xi32, #tpu.memory_space<hbm>>, %arg6: memref<632x64xf32, #tpu.memory_space<hbm>>, %arg7: memref<128x64xf32, #tpu.memory_space<hbm>>, %arg8: memref<30024x64xf32, #tpu.memory_space<hbm>>, %arg9: memref<30024x64xf32, #tpu.memory_space<hbm>>, %arg10: memref<160x128xi32, #tpu.memory_space<vmem>>, %arg11: memref<160x128xi32, #tpu.memory_space<vmem>>, %arg12: memref<128x64xf32, #tpu.memory_space<vmem>>, %arg13: memref<128x64xf32, #tpu.memory_space<vmem>>, %arg14: memref<128x64xf32, #tpu.memory_space<vmem>>, %arg15: memref<128x64xf32, #tpu.memory_space<vmem>>, %arg16: memref<128x64xf32, #tpu.memory_space<vmem>>, %arg17: memref<128x64xf32, #tpu.memory_space<vmem>>, %arg18: memref<10008x64xf32, #tpu.memory_space<vmem_shared>>, %arg19: memref<!tpu.dma_semaphore, #tpu.memory_space<semaphore_mem>>, %arg20: memref<!tpu.dma_semaphore, #tpu.memory_space<semaphore_mem>>, %arg21: memref<!tpu.dma_semaphore, #tpu.memory_space<semaphore_mem>>, %arg22: memref<!tpu.dma_semaphore, #tpu.memory_space<semaphore_mem>>, %arg23: memref<!tpu.dma_semaphore, #tpu.memory_space<semaphore_mem>>) attributes {dimension_semantics = [#tpu.dimension_semantics<core_parallel>, #tpu.dimension_semantics<subcore_parallel>], iteration_bounds = array<i64: 2, 16>, scalar_prefetch = 0 : i64, scratch_operands = 14 : i64, tpu.core_type = #tpu.core_type<sc_vector_subcore>, window_params = [{transform_indices = #map}, {transform_indices = #map}, {transform_indices = #map1}, {transform_indices = #map1}, {transform_indices = #map}, {transform_indices = #map}, {transform_indices = #map}, {transform_indices = #map}]} {
    "tpu.region"() ({
      %run_scoped3A = tpu.sem_alloc : memref<!tpu.dma_semaphore, #tpu.memory_space<semaphore_mem>>
      %dma_start3A = arith.constant 0 : i32
      %dma_start3A_90 = arith.constant 0 : i32
      %dma_start3A_91 = tpu.memref_slice %arg4[%arg1, %dma_start3A, %dma_start3A_90] : memref<16x160x128xi32, #tpu.memory_space<hbm>> -> memref<1x160x128xi32, #tpu.memory_space<hbm>>
      %dma_start3A_92 = tpu.memref_squeeze %dma_start3A_91 : memref<1x160x128xi32, #tpu.memory_space<hbm>> -> memref<160x128xi32, #tpu.memory_space<hbm>>
      %dma_start3A_93 = arith.constant 0 : i32
      %dma_start3A_94 = arith.constant 0 : i32
      %dma_start3A_95 = tpu.memref_slice %arg4[%arg1, %dma_start3A_93, %dma_start3A_94] : memref<16x160x128xi32, #tpu.memory_space<hbm>> -> memref<1x160x128xi32, #tpu.memory_space<hbm>>
      %dma_start3A_96 = tpu.memref_squeeze %dma_start3A_95 : memref<1x160x128xi32, #tpu.memory_space<hbm>> -> memref<160x128xi32, #tpu.memory_space<hbm>>
      tpu.enqueue_dma source(%dma_start3A_96 : memref<160x128xi32, #tpu.memory_space<hbm>>) target(%arg10 : memref<160x128xi32, #tpu.memory_space<vmem>>) target_semaphore(%run_scoped3A : memref<!tpu.dma_semaphore, #tpu.memory_space<semaphore_mem>>)
      %dma_wait3A_97 = arith.constant 0 : i32
      %dma_wait3A_98 = arith.constant 0 : i32
      %dma_wait3A_99 = tpu.memref_slice %arg4[%arg1, %dma_wait3A_97, %dma_wait3A_98] : memref<16x160x128xi32, #tpu.memory_space<hbm>> -> memref<1x160x128xi32, #tpu.memory_space<hbm>>
      %dma_wait3A_100 = tpu.memref_squeeze %dma_wait3A_99 : memref<1x160x128xi32, #tpu.memory_space<hbm>> -> memref<160x128xi32, #tpu.memory_space<hbm>>
      %dma_wait3A_101 = arith.constant 0 : i32
      %dma_wait3A_102 = arith.constant 0 : i32
      %dma_wait3A_103 = tpu.memref_slice %arg4[%arg1, %dma_wait3A_101, %dma_wait3A_102] : memref<16x160x128xi32, #tpu.memory_space<hbm>> -> memref<1x160x128xi32, #tpu.memory_space<hbm>>
      %dma_wait3A_104 = tpu.memref_squeeze %dma_wait3A_103 : memref<1x160x128xi32, #tpu.memory_space<hbm>> -> memref<160x128xi32, #tpu.memory_space<hbm>>
      tpu.wait_dma2 semaphore(%run_scoped3A : memref<!tpu.dma_semaphore, #tpu.memory_space<semaphore_mem>>) src(%dma_wait3A_104 : memref<160x128xi32, #tpu.memory_space<hbm>>) dst(%arg10 : memref<160x128xi32, #tpu.memory_space<vmem>>)
      tpu.yield
    }) : () -> ()
    "tpu.region"() ({
      %run_scoped3A = tpu.sem_alloc : memref<!tpu.dma_semaphore, #tpu.memory_space<semaphore_mem>>
      %dma_start3A = arith.constant 0 : i32
      %dma_start3A_90 = arith.constant 0 : i32
      %dma_start3A_91 = tpu.memref_slice %arg5[%arg1, %dma_start3A, %dma_start3A_90] : memref<16x160x128xi32, #tpu.memory_space<hbm>> -> memref<1x160x128xi32, #tpu.memory_space<hbm>>
      %dma_start3A_92 = tpu.memref_squeeze %dma_start3A_91 : memref<1x160x128xi32, #tpu.memory_space<hbm>> -> memref<160x128xi32, #tpu.memory_space<hbm>>
      %dma_start3A_93 = arith.constant 0 : i32
      %dma_start3A_94 = arith.constant 0 : i32
      %dma_start3A_95 = tpu.memref_slice %arg5[%arg1, %dma_start3A_93, %dma_start3A_94] : memref<16x160x128xi32, #tpu.memory_space<hbm>> -> memref<1x160x128xi32, #tpu.memory_space<hbm>>
      %dma_start3A_96 = tpu.memref_squeeze %dma_start3A_95 : memref<1x160x128xi32, #tpu.memory_space<hbm>> -> memref<160x128xi32, #tpu.memory_space<hbm>>
      tpu.enqueue_dma source(%dma_start3A_96 : memref<160x128xi32, #tpu.memory_space<hbm>>) target(%arg11 : memref<160x128xi32, #tpu.memory_space<vmem>>) target_semaphore(%run_scoped3A : memref<!tpu.dma_semaphore, #tpu.memory_space<semaphore_mem>>)
      %dma_wait3A_97 = arith.constant 0 : i32
      %dma_wait3A_98 = arith.constant 0 : i32
      %dma_wait3A_99 = tpu.memref_slice %arg5[%arg1, %dma_wait3A_97, %dma_wait3A_98] : memref<16x160x128xi32, #tpu.memory_space<hbm>> -> memref<1x160x128xi32, #tpu.memory_space<hbm>>
      %dma_wait3A_100 = tpu.memref_squeeze %dma_wait3A_99 : memref<1x160x128xi32, #tpu.memory_space<hbm>> -> memref<160x128xi32, #tpu.memory_space<hbm>>
      %dma_wait3A_101 = arith.constant 0 : i32
      %dma_wait3A_102 = arith.constant 0 : i32
      %dma_wait3A_103 = tpu.memref_slice %arg5[%arg1, %dma_wait3A_101, %dma_wait3A_102] : memref<16x160x128xi32, #tpu.memory_space<hbm>> -> memref<1x160x128xi32, #tpu.memory_space<hbm>>
      %dma_wait3A_104 = tpu.memref_squeeze %dma_wait3A_103 : memref<1x160x128xi32, #tpu.memory_space<hbm>> -> memref<160x128xi32, #tpu.memory_space<hbm>>
      tpu.wait_dma2 semaphore(%run_scoped3A : memref<!tpu.dma_semaphore, #tpu.memory_space<semaphore_mem>>) src(%dma_wait3A_104 : memref<160x128xi32, #tpu.memory_space<hbm>>) dst(%arg11 : memref<160x128xi32, #tpu.memory_space<vmem>>)
      tpu.yield
    }) : () -> ()
    "tpu.region"() ({
      %run_scoped3A = tpu.sem_alloc : memref<!tpu.dma_semaphore, #tpu.memory_space<semaphore_mem>>
      tpu.enqueue_dma source(%arg7 : memref<128x64xf32, #tpu.memory_space<hbm>>) target(%arg17 : memref<128x64xf32, #tpu.memory_space<vmem>>) target_semaphore(%run_scoped3A : memref<!tpu.dma_semaphore, #tpu.memory_space<semaphore_mem>>)
      tpu.wait_dma2 semaphore(%run_scoped3A : memref<!tpu.dma_semaphore, #tpu.memory_space<semaphore_mem>>) src(%arg7 : memref<128x64xf32, #tpu.memory_space<hbm>>) dst(%arg17 : memref<128x64xf32, #tpu.memory_space<vmem>>)
      tpu.yield
    }) : () -> ()
    %lt3A = arith.constant 15 : i32
    %lt3A_0 = arith.cmpi slt, %arg1, %lt3A : i32
    %convert_element_type3A = arith.extui %lt3A_0 : i1 to i32
    %cond3A = arith.constant 0 : i32
    %cond3A_1 = arith.cmpi ne, %convert_element_type3A, %cond3A : i32
    scf.if %cond3A_1 {
      %mul3A_90 = arith.constant 632 : i32
      %mul3A_91 = arith.muli %arg1, %mul3A_90 : i32
      "tpu.region"() ({
        %run_scoped3A = tpu.sem_alloc : memref<!tpu.dma_semaphore, #tpu.memory_space<semaphore_mem>>
        %dma_start3A = arith.constant 0 : i32
        %dma_start3A_92 = tpu.memref_slice %arg18[%mul3A_91, %dma_start3A] : memref<10008x64xf32, #tpu.memory_space<vmem_shared>> -> memref<632x64xf32, #tpu.memory_space<vmem_shared>>
        %dma_start3A_93 = arith.constant 0 : i32
        %dma_start3A_94 = arith.constant 0 : i32
        %dma_start3A_95 = tpu.memref_slice %arg6[%dma_start3A_93, %dma_start3A_94] : memref<632x64xf32, #tpu.memory_space<hbm>> -> memref<632x64xf32, #tpu.memory_space<hbm>>
        tpu.enqueue_dma source(%dma_start3A_95 : memref<632x64xf32, #tpu.memory_space<hbm>>) target(%dma_start3A_92 : memref<632x64xf32, #tpu.memory_space<vmem_shared>>) target_semaphore(%run_scoped3A : memref<!tpu.dma_semaphore, #tpu.memory_space<semaphore_mem>>)
        %dma_wait3A_96 = arith.constant 0 : i32
        %dma_wait3A_97 = tpu.memref_slice %arg18[%mul3A_91, %dma_wait3A_96] : memref<10008x64xf32, #tpu.memory_space<vmem_shared>> -> memref<632x64xf32, #tpu.memory_space<vmem_shared>>
        %dma_wait3A_98 = arith.constant 0 : i32
        %dma_wait3A_99 = arith.constant 0 : i32
        %dma_wait3A_100 = tpu.memref_slice %arg6[%dma_wait3A_98, %dma_wait3A_99] : memref<632x64xf32, #tpu.memory_space<hbm>> -> memref<632x64xf32, #tpu.memory_space<hbm>>
        tpu.wait_dma2 semaphore(%run_scoped3A : memref<!tpu.dma_semaphore, #tpu.memory_space<semaphore_mem>>) src(%dma_wait3A_100 : memref<632x64xf32, #tpu.memory_space<hbm>>) dst(%dma_wait3A_97 : memref<632x64xf32, #tpu.memory_space<vmem_shared>>)
        tpu.yield
      }) : () -> ()
    } else {
    }
    %eq3A = arith.constant 15 : i32
    %eq3A_2 = arith.cmpi eq, %arg1, %eq3A : i32
    %convert_element_type3A_3 = arith.extui %eq3A_2 : i1 to i32
    %cond3A_4 = arith.constant 0 : i32
    %cond3A_5 = arith.cmpi ne, %convert_element_type3A_3, %cond3A_4 : i32
    scf.if %cond3A_5 {
      "tpu.region"() ({
        %run_scoped3A = tpu.sem_alloc : memref<!tpu.dma_semaphore, #tpu.memory_space<semaphore_mem>>
        %dma_start3A = arith.constant 9480 : i32
        %dma_start3A_90 = arith.constant 0 : i32
        %dma_start3A_91 = tpu.memref_slice %arg18[%dma_start3A, %dma_start3A_90] : memref<10008x64xf32, #tpu.memory_space<vmem_shared>> -> memref<528x64xf32, #tpu.memory_space<vmem_shared>>
        %dma_start3A_92 = arith.constant 0 : i32
        %dma_start3A_93 = arith.constant 0 : i32
        %dma_start3A_94 = tpu.memref_slice %arg6[%dma_start3A_92, %dma_start3A_93] : memref<632x64xf32, #tpu.memory_space<hbm>> -> memref<528x64xf32, #tpu.memory_space<hbm>>
        tpu.enqueue_dma source(%dma_start3A_94 : memref<528x64xf32, #tpu.memory_space<hbm>>) target(%dma_start3A_91 : memref<528x64xf32, #tpu.memory_space<vmem_shared>>) target_semaphore(%run_scoped3A : memref<!tpu.dma_semaphore, #tpu.memory_space<semaphore_mem>>)
        %dma_wait3A_95 = arith.constant 9480 : i32
        %dma_wait3A_96 = arith.constant 0 : i32
        %dma_wait3A_97 = tpu.memref_slice %arg18[%dma_wait3A_95, %dma_wait3A_96] : memref<10008x64xf32, #tpu.memory_space<vmem_shared>> -> memref<528x64xf32, #tpu.memory_space<vmem_shared>>
        %dma_wait3A_98 = arith.constant 0 : i32
        %dma_wait3A_99 = arith.constant 0 : i32
        %dma_wait3A_100 = tpu.memref_slice %arg6[%dma_wait3A_98, %dma_wait3A_99] : memref<632x64xf32, #tpu.memory_space<hbm>> -> memref<528x64xf32, #tpu.memory_space<hbm>>
        tpu.wait_dma2 semaphore(%run_scoped3A : memref<!tpu.dma_semaphore, #tpu.memory_space<semaphore_mem>>) src(%dma_wait3A_100 : memref<528x64xf32, #tpu.memory_space<hbm>>) dst(%dma_wait3A_97 : memref<528x64xf32, #tpu.memory_space<vmem_shared>>)
        tpu.yield
      }) : () -> ()
    } else {
    }
    %barrier3A = arith.constant 0 : index
    tpu.barrier barrier_id(%barrier3A)
    %eq3A_6 = arith.constant 0 : i32
    %eq3A_7 = arith.cmpi eq, %arg0, %eq3A_6 : i32
    %convert_element_type3A_8 = arith.extui %eq3A_7 : i1 to i32
    %cond3A_9 = arith.constant 0 : i32
    %cond3A_10 = arith.cmpi ne, %convert_element_type3A_8, %cond3A_9 : i32
    scf.if %cond3A_10 {
      %dma_start3A = arith.constant 0 : i32
      %dma_start3A_90 = arith.constant 0 : i32
      %dma_start3A_91 = tpu.memref_slice %arg10[%dma_start3A, %dma_start3A_90] : memref<160x128xi32, #tpu.memory_space<vmem>> -> memref<1x128xi32, #tpu.memory_space<vmem>>
      %dma_start3A_92 = tpu.memref_squeeze %dma_start3A_91 : memref<1x128xi32, #tpu.memory_space<vmem>> -> memref<128xi32, #tpu.memory_space<vmem>>
      %dma_start3A_93 = arith.constant 0 : i32
      %dma_start3A_94 = arith.constant 0 : i32
      %dma_start3A_95 = tpu.memref_slice %arg2[%dma_start3A_93, %dma_start3A_94] : memref<20000x64xf32, #tpu.memory_space<hbm>> -> memref<20000x64xf32, #tpu.memory_space<hbm>>
      tpu.enqueue_indirect_dma source(%dma_start3A_95 : memref<20000x64xf32, #tpu.memory_space<hbm>>) target(%arg12 : memref<128x64xf32, #tpu.memory_space<vmem>>) offsets(%dma_start3A_92 : memref<128xi32, #tpu.memory_space<vmem>>) semaphore(%arg19 : memref<!tpu.dma_semaphore, #tpu.memory_space<semaphore_mem>>)
      %dma_start3A_96 = arith.constant 1 : i32
      %dma_start3A_97 = arith.constant 0 : i32
      %dma_start3A_98 = tpu.memref_slice %arg10[%dma_start3A_96, %dma_start3A_97] : memref<160x128xi32, #tpu.memory_space<vmem>> -> memref<1x128xi32, #tpu.memory_space<vmem>>
      %dma_start3A_99 = tpu.memref_squeeze %dma_start3A_98 : memref<1x128xi32, #tpu.memory_space<vmem>> -> memref<128xi32, #tpu.memory_space<vmem>>
      %dma_start3A_100 = arith.constant 0 : i32
      %dma_start3A_101 = arith.constant 0 : i32
      %dma_start3A_102 = tpu.memref_slice %arg2[%dma_start3A_100, %dma_start3A_101] : memref<20000x64xf32, #tpu.memory_space<hbm>> -> memref<20000x64xf32, #tpu.memory_space<hbm>>
      tpu.enqueue_indirect_dma source(%dma_start3A_102 : memref<20000x64xf32, #tpu.memory_space<hbm>>) target(%arg13 : memref<128x64xf32, #tpu.memory_space<vmem>>) offsets(%dma_start3A_99 : memref<128xi32, #tpu.memory_space<vmem>>) semaphore(%arg20 : memref<!tpu.dma_semaphore, #tpu.memory_space<semaphore_mem>>)
      %dma_start3A_103 = arith.constant 2 : i32
      %dma_start3A_104 = arith.constant 0 : i32
      %dma_start3A_105 = tpu.memref_slice %arg10[%dma_start3A_103, %dma_start3A_104] : memref<160x128xi32, #tpu.memory_space<vmem>> -> memref<1x128xi32, #tpu.memory_space<vmem>>
      %dma_start3A_106 = tpu.memref_squeeze %dma_start3A_105 : memref<1x128xi32, #tpu.memory_space<vmem>> -> memref<128xi32, #tpu.memory_space<vmem>>
      %dma_start3A_107 = arith.constant 0 : i32
      %dma_start3A_108 = arith.constant 0 : i32
      %dma_start3A_109 = tpu.memref_slice %arg2[%dma_start3A_107, %dma_start3A_108] : memref<20000x64xf32, #tpu.memory_space<hbm>> -> memref<20000x64xf32, #tpu.memory_space<hbm>>
      tpu.enqueue_indirect_dma source(%dma_start3A_109 : memref<20000x64xf32, #tpu.memory_space<hbm>>) target(%arg14 : memref<128x64xf32, #tpu.memory_space<vmem>>) offsets(%dma_start3A_106 : memref<128xi32, #tpu.memory_space<vmem>>) semaphore(%arg21 : memref<!tpu.dma_semaphore, #tpu.memory_space<semaphore_mem>>)
      %dma_start3A_110 = arith.constant 3 : i32
      %dma_start3A_111 = arith.constant 0 : i32
      %dma_start3A_112 = tpu.memref_slice %arg10[%dma_start3A_110, %dma_start3A_111] : memref<160x128xi32, #tpu.memory_space<vmem>> -> memref<1x128xi32, #tpu.memory_space<vmem>>
      %dma_start3A_113 = tpu.memref_squeeze %dma_start3A_112 : memref<1x128xi32, #tpu.memory_space<vmem>> -> memref<128xi32, #tpu.memory_space<vmem>>
      %dma_start3A_114 = arith.constant 0 : i32
      %dma_start3A_115 = arith.constant 0 : i32
      %dma_start3A_116 = tpu.memref_slice %arg2[%dma_start3A_114, %dma_start3A_115] : memref<20000x64xf32, #tpu.memory_space<hbm>> -> memref<20000x64xf32, #tpu.memory_space<hbm>>
      tpu.enqueue_indirect_dma source(%dma_start3A_116 : memref<20000x64xf32, #tpu.memory_space<hbm>>) target(%arg15 : memref<128x64xf32, #tpu.memory_space<vmem>>) offsets(%dma_start3A_113 : memref<128xi32, #tpu.memory_space<vmem>>) semaphore(%arg22 : memref<!tpu.dma_semaphore, #tpu.memory_space<semaphore_mem>>)
      %dma_start3A_117 = arith.constant 4 : i32
      %dma_start3A_118 = arith.constant 0 : i32
      %dma_start3A_119 = tpu.memref_slice %arg10[%dma_start3A_117, %dma_start3A_118] : memref<160x128xi32, #tpu.memory_space<vmem>> -> memref<1x128xi32, #tpu.memory_space<vmem>>
      %dma_start3A_120 = tpu.memref_squeeze %dma_start3A_119 : memref<1x128xi32, #tpu.memory_space<vmem>> -> memref<128xi32, #tpu.memory_space<vmem>>
      %dma_start3A_121 = arith.constant 0 : i32
      %dma_start3A_122 = arith.constant 0 : i32
      %dma_start3A_123 = tpu.memref_slice %arg2[%dma_start3A_121, %dma_start3A_122] : memref<20000x64xf32, #tpu.memory_space<hbm>> -> memref<20000x64xf32, #tpu.memory_space<hbm>>
      tpu.enqueue_indirect_dma source(%dma_start3A_123 : memref<20000x64xf32, #tpu.memory_space<hbm>>) target(%arg16 : memref<128x64xf32, #tpu.memory_space<vmem>>) offsets(%dma_start3A_120 : memref<128xi32, #tpu.memory_space<vmem>>) semaphore(%arg23 : memref<!tpu.dma_semaphore, #tpu.memory_space<semaphore_mem>>)
      %scan3A_124 = arith.constant 0 : i32
      %scan3A_125 = arith.constant 0 : i32
      %scan3A_126 = arith.constant 32 : i32
      %scan3A_127 = arith.addi %scan3A_125, %scan3A_126 : i32
      %scan3A_128 = arith.constant 1 : i32
      scf.for %scan3A_224 = %scan3A_125 to %scan3A_127 step %scan3A_128  : i32 {
        %mul3A_225 = arith.constant 5 : i32
        %mul3A_226 = arith.muli %mul3A_225, %scan3A_224 : i32
        %add3A_227 = arith.constant 0 : i32
        %add3A_228 = arith.addi %mul3A_226, %add3A_227 : i32
        %dma_wait3A_229 = arith.constant 0 : i32
        %dma_wait3A_230 = tpu.memref_slice %arg10[%add3A_228, %dma_wait3A_229] : memref<160x128xi32, #tpu.memory_space<vmem>> -> memref<1x128xi32, #tpu.memory_space<vmem>>
        %dma_wait3A_231 = tpu.memref_squeeze %dma_wait3A_230 : memref<1x128xi32, #tpu.memory_space<vmem>> -> memref<128xi32, #tpu.memory_space<vmem>>
        %dma_wait3A_232 = arith.constant 0 : i32
        %dma_wait3A_233 = arith.constant 0 : i32
        %dma_wait3A_234 = tpu.memref_slice %arg2[%dma_wait3A_232, %dma_wait3A_233] : memref<20000x64xf32, #tpu.memory_space<hbm>> -> memref<20000x64xf32, #tpu.memory_space<hbm>>
        tpu.wait_indirect_dma semaphore(%arg19 : memref<!tpu.dma_semaphore, #tpu.memory_space<semaphore_mem>>) src(%dma_wait3A_234 : memref<20000x64xf32, #tpu.memory_space<hbm>>) dst(%arg12 : memref<128x64xf32, #tpu.memory_space<vmem>>)
        %dma_start3A_235 = arith.constant 0 : i32
        %dma_start3A_236 = tpu.memref_slice %arg11[%add3A_228, %dma_start3A_235] : memref<160x128xi32, #tpu.memory_space<vmem>> -> memref<1x128xi32, #tpu.memory_space<vmem>>
        %dma_start3A_237 = tpu.memref_squeeze %dma_start3A_236 : memref<1x128xi32, #tpu.memory_space<vmem>> -> memref<128xi32, #tpu.memory_space<vmem>>
        %dma_start3A_238 = arith.constant 0 : i32
        %dma_start3A_239 = arith.constant 0 : i32
        %dma_start3A_240 = tpu.memref_slice %arg18[%dma_start3A_238, %dma_start3A_239] : memref<10008x64xf32, #tpu.memory_space<vmem_shared>> -> memref<10008x64xf32, #tpu.memory_space<vmem_shared>>
        tpu.enqueue_indirect_dma source(%arg12 : memref<128x64xf32, #tpu.memory_space<vmem>>) target(%dma_start3A_240 : memref<10008x64xf32, #tpu.memory_space<vmem_shared>>) offsets(%dma_start3A_237 : memref<128xi32, #tpu.memory_space<vmem>>) semaphore(%arg19 : memref<!tpu.dma_semaphore, #tpu.memory_space<semaphore_mem>>) {add = true}
        %sub3A_241 = arith.constant 1 : i32
        %sub3A_242 = arith.subi %add3A_228, %sub3A_241 : i32
        %ge3A = arith.constant 0 : i32
        %ge3A_243 = arith.cmpi sge, %sub3A_242, %ge3A : i32
        %convert_element_type3A_244 = arith.extui %ge3A_243 : i1 to i32
        %cond3A_245 = arith.constant 0 : i32
        %cond3A_246 = arith.cmpi ne, %convert_element_type3A_244, %cond3A_245 : i32
        scf.if %cond3A_246 {
          %dma_wait3A_339 = arith.constant 0 : i32
          %dma_wait3A_340 = tpu.memref_slice %arg11[%sub3A_242, %dma_wait3A_339] : memref<160x128xi32, #tpu.memory_space<vmem>> -> memref<1x128xi32, #tpu.memory_space<vmem>>
          %dma_wait3A_341 = tpu.memref_squeeze %dma_wait3A_340 : memref<1x128xi32, #tpu.memory_space<vmem>> -> memref<128xi32, #tpu.memory_space<vmem>>
          %dma_wait3A_342 = arith.constant 0 : i32
          %dma_wait3A_343 = arith.constant 0 : i32
          %dma_wait3A_344 = tpu.memref_slice %arg18[%dma_wait3A_342, %dma_wait3A_343] : memref<10008x64xf32, #tpu.memory_space<vmem_shared>> -> memref<10008x64xf32, #tpu.memory_space<vmem_shared>>
          tpu.wait_indirect_dma semaphore(%arg23 : memref<!tpu.dma_semaphore, #tpu.memory_space<semaphore_mem>>) src(%arg16 : memref<128x64xf32, #tpu.memory_space<vmem>>) dst(%dma_wait3A_344 : memref<10008x64xf32, #tpu.memory_space<vmem_shared>>)
          %add3A_345 = arith.constant 5 : i32
          %add3A_346 = arith.addi %sub3A_242, %add3A_345 : i32
          %lt3A_347 = arith.constant 160 : i32
          %lt3A_348 = arith.cmpi slt, %add3A_346, %lt3A_347 : i32
          %convert_element_type3A_349 = arith.extui %lt3A_348 : i1 to i32
          %cond3A_350 = arith.constant 0 : i32
          %cond3A_351 = arith.cmpi ne, %convert_element_type3A_349, %cond3A_350 : i32
          scf.if %cond3A_351 {
            %add3A_352 = arith.constant 5 : i32
            %add3A_353 = arith.addi %sub3A_242, %add3A_352 : i32
            %dma_start3A_354 = arith.constant 0 : i32
            %dma_start3A_355 = tpu.memref_slice %arg10[%add3A_353, %dma_start3A_354] : memref<160x128xi32, #tpu.memory_space<vmem>> -> memref<1x128xi32, #tpu.memory_space<vmem>>
            %dma_start3A_356 = tpu.memref_squeeze %dma_start3A_355 : memref<1x128xi32, #tpu.memory_space<vmem>> -> memref<128xi32, #tpu.memory_space<vmem>>
            %dma_start3A_357 = arith.constant 0 : i32
            %dma_start3A_358 = arith.constant 0 : i32
            %dma_start3A_359 = tpu.memref_slice %arg2[%dma_start3A_357, %dma_start3A_358] : memref<20000x64xf32, #tpu.memory_space<hbm>> -> memref<20000x64xf32, #tpu.memory_space<hbm>>
            tpu.enqueue_indirect_dma source(%dma_start3A_359 : memref<20000x64xf32, #tpu.memory_space<hbm>>) target(%arg16 : memref<128x64xf32, #tpu.memory_space<vmem>>) offsets(%dma_start3A_356 : memref<128xi32, #tpu.memory_space<vmem>>) semaphore(%arg23 : memref<!tpu.dma_semaphore, #tpu.memory_space<semaphore_mem>>)
          } else {
          }
        } else {
        }
        %mul3A_247 = arith.constant 5 : i32
        %mul3A_248 = arith.muli %mul3A_247, %scan3A_224 : i32
        %add3A_249 = arith.constant 1 : i32
        %add3A_250 = arith.addi %mul3A_248, %add3A_249 : i32
        %dma_wait3A_251 = arith.constant 0 : i32
        %dma_wait3A_252 = tpu.memref_slice %arg10[%add3A_250, %dma_wait3A_251] : memref<160x128xi32, #tpu.memory_space<vmem>> -> memref<1x128xi32, #tpu.memory_space<vmem>>
        %dma_wait3A_253 = tpu.memref_squeeze %dma_wait3A_252 : memref<1x128xi32, #tpu.memory_space<vmem>> -> memref<128xi32, #tpu.memory_space<vmem>>
        %dma_wait3A_254 = arith.constant 0 : i32
        %dma_wait3A_255 = arith.constant 0 : i32
        %dma_wait3A_256 = tpu.memref_slice %arg2[%dma_wait3A_254, %dma_wait3A_255] : memref<20000x64xf32, #tpu.memory_space<hbm>> -> memref<20000x64xf32, #tpu.memory_space<hbm>>
        tpu.wait_indirect_dma semaphore(%arg20 : memref<!tpu.dma_semaphore, #tpu.memory_space<semaphore_mem>>) src(%dma_wait3A_256 : memref<20000x64xf32, #tpu.memory_space<hbm>>) dst(%arg13 : memref<128x64xf32, #tpu.memory_space<vmem>>)
        %dma_start3A_257 = arith.constant 0 : i32
        %dma_start3A_258 = tpu.memref_slice %arg11[%add3A_250, %dma_start3A_257] : memref<160x128xi32, #tpu.memory_space<vmem>> -> memref<1x128xi32, #tpu.memory_space<vmem>>
        %dma_start3A_259 = tpu.memref_squeeze %dma_start3A_258 : memref<1x128xi32, #tpu.memory_space<vmem>> -> memref<128xi32, #tpu.memory_space<vmem>>
        %dma_start3A_260 = arith.constant 0 : i32
        %dma_start3A_261 = arith.constant 0 : i32
        %dma_start3A_262 = tpu.memref_slice %arg18[%dma_start3A_260, %dma_start3A_261] : memref<10008x64xf32, #tpu.memory_space<vmem_shared>> -> memref<10008x64xf32, #tpu.memory_space<vmem_shared>>
        tpu.enqueue_indirect_dma source(%arg13 : memref<128x64xf32, #tpu.memory_space<vmem>>) target(%dma_start3A_262 : memref<10008x64xf32, #tpu.memory_space<vmem_shared>>) offsets(%dma_start3A_259 : memref<128xi32, #tpu.memory_space<vmem>>) semaphore(%arg20 : memref<!tpu.dma_semaphore, #tpu.memory_space<semaphore_mem>>) {add = true}
        %sub3A_263 = arith.constant 1 : i32
        %sub3A_264 = arith.subi %add3A_250, %sub3A_263 : i32
        %ge3A_265 = arith.constant 0 : i32
        %ge3A_266 = arith.cmpi sge, %sub3A_264, %ge3A_265 : i32
        %convert_element_type3A_267 = arith.extui %ge3A_266 : i1 to i32
        %cond3A_268 = arith.constant 0 : i32
        %cond3A_269 = arith.cmpi ne, %convert_element_type3A_267, %cond3A_268 : i32
        scf.if %cond3A_269 {
          %dma_wait3A_339 = arith.constant 0 : i32
          %dma_wait3A_340 = tpu.memref_slice %arg11[%sub3A_264, %dma_wait3A_339] : memref<160x128xi32, #tpu.memory_space<vmem>> -> memref<1x128xi32, #tpu.memory_space<vmem>>
          %dma_wait3A_341 = tpu.memref_squeeze %dma_wait3A_340 : memref<1x128xi32, #tpu.memory_space<vmem>> -> memref<128xi32, #tpu.memory_space<vmem>>
          %dma_wait3A_342 = arith.constant 0 : i32
          %dma_wait3A_343 = arith.constant 0 : i32
          %dma_wait3A_344 = tpu.memref_slice %arg18[%dma_wait3A_342, %dma_wait3A_343] : memref<10008x64xf32, #tpu.memory_space<vmem_shared>> -> memref<10008x64xf32, #tpu.memory_space<vmem_shared>>
          tpu.wait_indirect_dma semaphore(%arg19 : memref<!tpu.dma_semaphore, #tpu.memory_space<semaphore_mem>>) src(%arg12 : memref<128x64xf32, #tpu.memory_space<vmem>>) dst(%dma_wait3A_344 : memref<10008x64xf32, #tpu.memory_space<vmem_shared>>)
          %add3A_345 = arith.constant 5 : i32
          %add3A_346 = arith.addi %sub3A_264, %add3A_345 : i32
          %lt3A_347 = arith.constant 160 : i32
          %lt3A_348 = arith.cmpi slt, %add3A_346, %lt3A_347 : i32
          %convert_element_type3A_349 = arith.extui %lt3A_348 : i1 to i32
          %cond3A_350 = arith.constant 0 : i32
          %cond3A_351 = arith.cmpi ne, %convert_element_type3A_349, %cond3A_350 : i32
          scf.if %cond3A_351 {
            %add3A_352 = arith.constant 5 : i32
            %add3A_353 = arith.addi %sub3A_264, %add3A_352 : i32
            %dma_start3A_354 = arith.constant 0 : i32
            %dma_start3A_355 = tpu.memref_slice %arg10[%add3A_353, %dma_start3A_354] : memref<160x128xi32, #tpu.memory_space<vmem>> -> memref<1x128xi32, #tpu.memory_space<vmem>>
            %dma_start3A_356 = tpu.memref_squeeze %dma_start3A_355 : memref<1x128xi32, #tpu.memory_space<vmem>> -> memref<128xi32, #tpu.memory_space<vmem>>
            %dma_start3A_357 = arith.constant 0 : i32
            %dma_start3A_358 = arith.constant 0 : i32
            %dma_start3A_359 = tpu.memref_slice %arg2[%dma_start3A_357, %dma_start3A_358] : memref<20000x64xf32, #tpu.memory_space<hbm>> -> memref<20000x64xf32, #tpu.memory_space<hbm>>
            tpu.enqueue_indirect_dma source(%dma_start3A_359 : memref<20000x64xf32, #tpu.memory_space<hbm>>) target(%arg12 : memref<128x64xf32, #tpu.memory_space<vmem>>) offsets(%dma_start3A_356 : memref<128xi32, #tpu.memory_space<vmem>>) semaphore(%arg19 : memref<!tpu.dma_semaphore, #tpu.memory_space<semaphore_mem>>)
          } else {
          }
        } else {
        }
        %mul3A_270 = arith.constant 5 : i32
        %mul3A_271 = arith.muli %mul3A_270, %scan3A_224 : i32
        %add3A_272 = arith.constant 2 : i32
        %add3A_273 = arith.addi %mul3A_271, %add3A_272 : i32
        %dma_wait3A_274 = arith.constant 0 : i32
        %dma_wait3A_275 = tpu.memref_slice %arg10[%add3A_273, %dma_wait3A_274] : memref<160x128xi32, #tpu.memory_space<vmem>> -> memref<1x128xi32, #tpu.memory_space<vmem>>
        %dma_wait3A_276 = tpu.memref_squeeze %dma_wait3A_275 : memref<1x128xi32, #tpu.memory_space<vmem>> -> memref<128xi32, #tpu.memory_space<vmem>>
        %dma_wait3A_277 = arith.constant 0 : i32
        %dma_wait3A_278 = arith.constant 0 : i32
        %dma_wait3A_279 = tpu.memref_slice %arg2[%dma_wait3A_277, %dma_wait3A_278] : memref<20000x64xf32, #tpu.memory_space<hbm>> -> memref<20000x64xf32, #tpu.memory_space<hbm>>
        tpu.wait_indirect_dma semaphore(%arg21 : memref<!tpu.dma_semaphore, #tpu.memory_space<semaphore_mem>>) src(%dma_wait3A_279 : memref<20000x64xf32, #tpu.memory_space<hbm>>) dst(%arg14 : memref<128x64xf32, #tpu.memory_space<vmem>>)
        %dma_start3A_280 = arith.constant 0 : i32
        %dma_start3A_281 = tpu.memref_slice %arg11[%add3A_273, %dma_start3A_280] : memref<160x128xi32, #tpu.memory_space<vmem>> -> memref<1x128xi32, #tpu.memory_space<vmem>>
        %dma_start3A_282 = tpu.memref_squeeze %dma_start3A_281 : memref<1x128xi32, #tpu.memory_space<vmem>> -> memref<128xi32, #tpu.memory_space<vmem>>
        %dma_start3A_283 = arith.constant 0 : i32
        %dma_start3A_284 = arith.constant 0 : i32
        %dma_start3A_285 = tpu.memref_slice %arg18[%dma_start3A_283, %dma_start3A_284] : memref<10008x64xf32, #tpu.memory_space<vmem_shared>> -> memref<10008x64xf32, #tpu.memory_space<vmem_shared>>
        tpu.enqueue_indirect_dma source(%arg14 : memref<128x64xf32, #tpu.memory_space<vmem>>) target(%dma_start3A_285 : memref<10008x64xf32, #tpu.memory_space<vmem_shared>>) offsets(%dma_start3A_282 : memref<128xi32, #tpu.memory_space<vmem>>) semaphore(%arg21 : memref<!tpu.dma_semaphore, #tpu.memory_space<semaphore_mem>>) {add = true}
        %sub3A_286 = arith.constant 1 : i32
        %sub3A_287 = arith.subi %add3A_273, %sub3A_286 : i32
        %ge3A_288 = arith.constant 0 : i32
        %ge3A_289 = arith.cmpi sge, %sub3A_287, %ge3A_288 : i32
        %convert_element_type3A_290 = arith.extui %ge3A_289 : i1 to i32
        %cond3A_291 = arith.constant 0 : i32
        %cond3A_292 = arith.cmpi ne, %convert_element_type3A_290, %cond3A_291 : i32
        scf.if %cond3A_292 {
          %dma_wait3A_339 = arith.constant 0 : i32
          %dma_wait3A_340 = tpu.memref_slice %arg11[%sub3A_287, %dma_wait3A_339] : memref<160x128xi32, #tpu.memory_space<vmem>> -> memref<1x128xi32, #tpu.memory_space<vmem>>
          %dma_wait3A_341 = tpu.memref_squeeze %dma_wait3A_340 : memref<1x128xi32, #tpu.memory_space<vmem>> -> memref<128xi32, #tpu.memory_space<vmem>>
          %dma_wait3A_342 = arith.constant 0 : i32
          %dma_wait3A_343 = arith.constant 0 : i32
          %dma_wait3A_344 = tpu.memref_slice %arg18[%dma_wait3A_342, %dma_wait3A_343] : memref<10008x64xf32, #tpu.memory_space<vmem_shared>> -> memref<10008x64xf32, #tpu.memory_space<vmem_shared>>
          tpu.wait_indirect_dma semaphore(%arg20 : memref<!tpu.dma_semaphore, #tpu.memory_space<semaphore_mem>>) src(%arg13 : memref<128x64xf32, #tpu.memory_space<vmem>>) dst(%dma_wait3A_344 : memref<10008x64xf32, #tpu.memory_space<vmem_shared>>)
          %add3A_345 = arith.constant 5 : i32
          %add3A_346 = arith.addi %sub3A_287, %add3A_345 : i32
          %lt3A_347 = arith.constant 160 : i32
          %lt3A_348 = arith.cmpi slt, %add3A_346, %lt3A_347 : i32
          %convert_element_type3A_349 = arith.extui %lt3A_348 : i1 to i32
          %cond3A_350 = arith.constant 0 : i32
          %cond3A_351 = arith.cmpi ne, %convert_element_type3A_349, %cond3A_350 : i32
          scf.if %cond3A_351 {
            %add3A_352 = arith.constant 5 : i32
            %add3A_353 = arith.addi %sub3A_287, %add3A_352 : i32
            %dma_start3A_354 = arith.constant 0 : i32
            %dma_start3A_355 = tpu.memref_slice %arg10[%add3A_353, %dma_start3A_354] : memref<160x128xi32, #tpu.memory_space<vmem>> -> memref<1x128xi32, #tpu.memory_space<vmem>>
            %dma_start3A_356 = tpu.memref_squeeze %dma_start3A_355 : memref<1x128xi32, #tpu.memory_space<vmem>> -> memref<128xi32, #tpu.memory_space<vmem>>
            %dma_start3A_357 = arith.constant 0 : i32
            %dma_start3A_358 = arith.constant 0 : i32
            %dma_start3A_359 = tpu.memref_slice %arg2[%dma_start3A_357, %dma_start3A_358] : memref<20000x64xf32, #tpu.memory_space<hbm>> -> memref<20000x64xf32, #tpu.memory_space<hbm>>
            tpu.enqueue_indirect_dma source(%dma_start3A_359 : memref<20000x64xf32, #tpu.memory_space<hbm>>) target(%arg13 : memref<128x64xf32, #tpu.memory_space<vmem>>) offsets(%dma_start3A_356 : memref<128xi32, #tpu.memory_space<vmem>>) semaphore(%arg20 : memref<!tpu.dma_semaphore, #tpu.memory_space<semaphore_mem>>)
          } else {
          }
        } else {
        }
        %mul3A_293 = arith.constant 5 : i32
        %mul3A_294 = arith.muli %mul3A_293, %scan3A_224 : i32
        %add3A_295 = arith.constant 3 : i32
        %add3A_296 = arith.addi %mul3A_294, %add3A_295 : i32
        %dma_wait3A_297 = arith.constant 0 : i32
        %dma_wait3A_298 = tpu.memref_slice %arg10[%add3A_296, %dma_wait3A_297] : memref<160x128xi32, #tpu.memory_space<vmem>> -> memref<1x128xi32, #tpu.memory_space<vmem>>
        %dma_wait3A_299 = tpu.memref_squeeze %dma_wait3A_298 : memref<1x128xi32, #tpu.memory_space<vmem>> -> memref<128xi32, #tpu.memory_space<vmem>>
        %dma_wait3A_300 = arith.constant 0 : i32
        %dma_wait3A_301 = arith.constant 0 : i32
        %dma_wait3A_302 = tpu.memref_slice %arg2[%dma_wait3A_300, %dma_wait3A_301] : memref<20000x64xf32, #tpu.memory_space<hbm>> -> memref<20000x64xf32, #tpu.memory_space<hbm>>
        tpu.wait_indirect_dma semaphore(%arg22 : memref<!tpu.dma_semaphore, #tpu.memory_space<semaphore_mem>>) src(%dma_wait3A_302 : memref<20000x64xf32, #tpu.memory_space<hbm>>) dst(%arg15 : memref<128x64xf32, #tpu.memory_space<vmem>>)
        %dma_start3A_303 = arith.constant 0 : i32
        %dma_start3A_304 = tpu.memref_slice %arg11[%add3A_296, %dma_start3A_303] : memref<160x128xi32, #tpu.memory_space<vmem>> -> memref<1x128xi32, #tpu.memory_space<vmem>>
        %dma_start3A_305 = tpu.memref_squeeze %dma_start3A_304 : memref<1x128xi32, #tpu.memory_space<vmem>> -> memref<128xi32, #tpu.memory_space<vmem>>
        %dma_start3A_306 = arith.constant 0 : i32
        %dma_start3A_307 = arith.constant 0 : i32
        %dma_start3A_308 = tpu.memref_slice %arg18[%dma_start3A_306, %dma_start3A_307] : memref<10008x64xf32, #tpu.memory_space<vmem_shared>> -> memref<10008x64xf32, #tpu.memory_space<vmem_shared>>
        tpu.enqueue_indirect_dma source(%arg15 : memref<128x64xf32, #tpu.memory_space<vmem>>) target(%dma_start3A_308 : memref<10008x64xf32, #tpu.memory_space<vmem_shared>>) offsets(%dma_start3A_305 : memref<128xi32, #tpu.memory_space<vmem>>) semaphore(%arg22 : memref<!tpu.dma_semaphore, #tpu.memory_space<semaphore_mem>>) {add = true}
        %sub3A_309 = arith.constant 1 : i32
        %sub3A_310 = arith.subi %add3A_296, %sub3A_309 : i32
        %ge3A_311 = arith.constant 0 : i32
        %ge3A_312 = arith.cmpi sge, %sub3A_310, %ge3A_311 : i32
        %convert_element_type3A_313 = arith.extui %ge3A_312 : i1 to i32
        %cond3A_314 = arith.constant 0 : i32
        %cond3A_315 = arith.cmpi ne, %convert_element_type3A_313, %cond3A_314 : i32
        scf.if %cond3A_315 {
          %dma_wait3A_339 = arith.constant 0 : i32
          %dma_wait3A_340 = tpu.memref_slice %arg11[%sub3A_310, %dma_wait3A_339] : memref<160x128xi32, #tpu.memory_space<vmem>> -> memref<1x128xi32, #tpu.memory_space<vmem>>
          %dma_wait3A_341 = tpu.memref_squeeze %dma_wait3A_340 : memref<1x128xi32, #tpu.memory_space<vmem>> -> memref<128xi32, #tpu.memory_space<vmem>>
          %dma_wait3A_342 = arith.constant 0 : i32
          %dma_wait3A_343 = arith.constant 0 : i32
          %dma_wait3A_344 = tpu.memref_slice %arg18[%dma_wait3A_342, %dma_wait3A_343] : memref<10008x64xf32, #tpu.memory_space<vmem_shared>> -> memref<10008x64xf32, #tpu.memory_space<vmem_shared>>
          tpu.wait_indirect_dma semaphore(%arg21 : memref<!tpu.dma_semaphore, #tpu.memory_space<semaphore_mem>>) src(%arg14 : memref<128x64xf32, #tpu.memory_space<vmem>>) dst(%dma_wait3A_344 : memref<10008x64xf32, #tpu.memory_space<vmem_shared>>)
          %add3A_345 = arith.constant 5 : i32
          %add3A_346 = arith.addi %sub3A_310, %add3A_345 : i32
          %lt3A_347 = arith.constant 160 : i32
          %lt3A_348 = arith.cmpi slt, %add3A_346, %lt3A_347 : i32
          %convert_element_type3A_349 = arith.extui %lt3A_348 : i1 to i32
          %cond3A_350 = arith.constant 0 : i32
          %cond3A_351 = arith.cmpi ne, %convert_element_type3A_349, %cond3A_350 : i32
          scf.if %cond3A_351 {
            %add3A_352 = arith.constant 5 : i32
            %add3A_353 = arith.addi %sub3A_310, %add3A_352 : i32
            %dma_start3A_354 = arith.constant 0 : i32
            %dma_start3A_355 = tpu.memref_slice %arg10[%add3A_353, %dma_start3A_354] : memref<160x128xi32, #tpu.memory_space<vmem>> -> memref<1x128xi32, #tpu.memory_space<vmem>>
            %dma_start3A_356 = tpu.memref_squeeze %dma_start3A_355 : memref<1x128xi32, #tpu.memory_space<vmem>> -> memref<128xi32, #tpu.memory_space<vmem>>
            %dma_start3A_357 = arith.constant 0 : i32
            %dma_start3A_358 = arith.constant 0 : i32
            %dma_start3A_359 = tpu.memref_slice %arg2[%dma_start3A_357, %dma_start3A_358] : memref<20000x64xf32, #tpu.memory_space<hbm>> -> memref<20000x64xf32, #tpu.memory_space<hbm>>
            tpu.enqueue_indirect_dma source(%dma_start3A_359 : memref<20000x64xf32, #tpu.memory_space<hbm>>) target(%arg14 : memref<128x64xf32, #tpu.memory_space<vmem>>) offsets(%dma_start3A_356 : memref<128xi32, #tpu.memory_space<vmem>>) semaphore(%arg21 : memref<!tpu.dma_semaphore, #tpu.memory_space<semaphore_mem>>)
          } else {
          }
        } else {
        }
        %mul3A_316 = arith.constant 5 : i32
        %mul3A_317 = arith.muli %mul3A_316, %scan3A_224 : i32
        %add3A_318 = arith.constant 4 : i32
        %add3A_319 = arith.addi %mul3A_317, %add3A_318 : i32
        %dma_wait3A_320 = arith.constant 0 : i32
        %dma_wait3A_321 = tpu.memref_slice %arg10[%add3A_319, %dma_wait3A_320] : memref<160x128xi32, #tpu.memory_space<vmem>> -> memref<1x128xi32, #tpu.memory_space<vmem>>
        %dma_wait3A_322 = tpu.memref_squeeze %dma_wait3A_321 : memref<1x128xi32, #tpu.memory_space<vmem>> -> memref<128xi32, #tpu.memory_space<vmem>>
        %dma_wait3A_323 = arith.constant 0 : i32
        %dma_wait3A_324 = arith.constant 0 : i32
        %dma_wait3A_325 = tpu.memref_slice %arg2[%dma_wait3A_323, %dma_wait3A_324] : memref<20000x64xf32, #tpu.memory_space<hbm>> -> memref<20000x64xf32, #tpu.memory_space<hbm>>
        tpu.wait_indirect_dma semaphore(%arg23 : memref<!tpu.dma_semaphore, #tpu.memory_space<semaphore_mem>>) src(%dma_wait3A_325 : memref<20000x64xf32, #tpu.memory_space<hbm>>) dst(%arg16 : memref<128x64xf32, #tpu.memory_space<vmem>>)
        %dma_start3A_326 = arith.constant 0 : i32
        %dma_start3A_327 = tpu.memref_slice %arg11[%add3A_319, %dma_start3A_326] : memref<160x128xi32, #tpu.memory_space<vmem>> -> memref<1x128xi32, #tpu.memory_space<vmem>>
        %dma_start3A_328 = tpu.memref_squeeze %dma_start3A_327 : memref<1x128xi32, #tpu.memory_space<vmem>> -> memref<128xi32, #tpu.memory_space<vmem>>
        %dma_start3A_329 = arith.constant 0 : i32
        %dma_start3A_330 = arith.constant 0 : i32
        %dma_start3A_331 = tpu.memref_slice %arg18[%dma_start3A_329, %dma_start3A_330] : memref<10008x64xf32, #tpu.memory_space<vmem_shared>> -> memref<10008x64xf32, #tpu.memory_space<vmem_shared>>
        tpu.enqueue_indirect_dma source(%arg16 : memref<128x64xf32, #tpu.memory_space<vmem>>) target(%dma_start3A_331 : memref<10008x64xf32, #tpu.memory_space<vmem_shared>>) offsets(%dma_start3A_328 : memref<128xi32, #tpu.memory_space<vmem>>) semaphore(%arg23 : memref<!tpu.dma_semaphore, #tpu.memory_space<semaphore_mem>>) {add = true}
        %sub3A_332 = arith.constant 1 : i32
        %sub3A_333 = arith.subi %add3A_319, %sub3A_332 : i32
        %ge3A_334 = arith.constant 0 : i32
        %ge3A_335 = arith.cmpi sge, %sub3A_333, %ge3A_334 : i32
        %convert_element_type3A_336 = arith.extui %ge3A_335 : i1 to i32
        %cond3A_337 = arith.constant 0 : i32
        %cond3A_338 = arith.cmpi ne, %convert_element_type3A_336, %cond3A_337 : i32
        scf.if %cond3A_338 {
          %dma_wait3A_339 = arith.constant 0 : i32
          %dma_wait3A_340 = tpu.memref_slice %arg11[%sub3A_333, %dma_wait3A_339] : memref<160x128xi32, #tpu.memory_space<vmem>> -> memref<1x128xi32, #tpu.memory_space<vmem>>
          %dma_wait3A_341 = tpu.memref_squeeze %dma_wait3A_340 : memref<1x128xi32, #tpu.memory_space<vmem>> -> memref<128xi32, #tpu.memory_space<vmem>>
          %dma_wait3A_342 = arith.constant 0 : i32
          %dma_wait3A_343 = arith.constant 0 : i32
          %dma_wait3A_344 = tpu.memref_slice %arg18[%dma_wait3A_342, %dma_wait3A_343] : memref<10008x64xf32, #tpu.memory_space<vmem_shared>> -> memref<10008x64xf32, #tpu.memory_space<vmem_shared>>
          tpu.wait_indirect_dma semaphore(%arg22 : memref<!tpu.dma_semaphore, #tpu.memory_space<semaphore_mem>>) src(%arg15 : memref<128x64xf32, #tpu.memory_space<vmem>>) dst(%dma_wait3A_344 : memref<10008x64xf32, #tpu.memory_space<vmem_shared>>)
          %add3A_345 = arith.constant 5 : i32
          %add3A_346 = arith.addi %sub3A_333, %add3A_345 : i32
          %lt3A_347 = arith.constant 160 : i32
          %lt3A_348 = arith.cmpi slt, %add3A_346, %lt3A_347 : i32
          %convert_element_type3A_349 = arith.extui %lt3A_348 : i1 to i32
          %cond3A_350 = arith.constant 0 : i32
          %cond3A_351 = arith.cmpi ne, %convert_element_type3A_349, %cond3A_350 : i32
          scf.if %cond3A_351 {
            %add3A_352 = arith.constant 5 : i32
            %add3A_353 = arith.addi %sub3A_333, %add3A_352 : i32
            %dma_start3A_354 = arith.constant 0 : i32
            %dma_start3A_355 = tpu.memref_slice %arg10[%add3A_353, %dma_start3A_354] : memref<160x128xi32, #tpu.memory_space<vmem>> -> memref<1x128xi32, #tpu.memory_space<vmem>>
            %dma_start3A_356 = tpu.memref_squeeze %dma_start3A_355 : memref<1x128xi32, #tpu.memory_space<vmem>> -> memref<128xi32, #tpu.memory_space<vmem>>
            %dma_start3A_357 = arith.constant 0 : i32
            %dma_start3A_358 = arith.constant 0 : i32
            %dma_start3A_359 = tpu.memref_slice %arg2[%dma_start3A_357, %dma_start3A_358] : memref<20000x64xf32, #tpu.memory_space<hbm>> -> memref<20000x64xf32, #tpu.memory_space<hbm>>
            tpu.enqueue_indirect_dma source(%dma_start3A_359 : memref<20000x64xf32, #tpu.memory_space<hbm>>) target(%arg15 : memref<128x64xf32, #tpu.memory_space<vmem>>) offsets(%dma_start3A_356 : memref<128xi32, #tpu.memory_space<vmem>>) semaphore(%arg22 : memref<!tpu.dma_semaphore, #tpu.memory_space<semaphore_mem>>)
          } else {
          }
        } else {
        }
      }
      %scan3A_129 = arith.constant 32 : i32
      %dma_wait3A_130 = arith.constant 159 : i32
      %dma_wait3A_131 = arith.constant 0 : i32
      %dma_wait3A_132 = tpu.memref_slice %arg11[%dma_wait3A_130, %dma_wait3A_131] : memref<160x128xi32, #tpu.memory_space<vmem>> -> memref<1x128xi32, #tpu.memory_space<vmem>>
      %dma_wait3A_133 = tpu.memref_squeeze %dma_wait3A_132 : memref<1x128xi32, #tpu.memory_space<vmem>> -> memref<128xi32, #tpu.memory_space<vmem>>
      %dma_wait3A_134 = arith.constant 0 : i32
      %dma_wait3A_135 = arith.constant 0 : i32
      %dma_wait3A_136 = tpu.memref_slice %arg18[%dma_wait3A_134, %dma_wait3A_135] : memref<10008x64xf32, #tpu.memory_space<vmem_shared>> -> memref<10008x64xf32, #tpu.memory_space<vmem_shared>>
      tpu.wait_indirect_dma semaphore(%arg23 : memref<!tpu.dma_semaphore, #tpu.memory_space<semaphore_mem>>) src(%arg16 : memref<128x64xf32, #tpu.memory_space<vmem>>) dst(%dma_wait3A_136 : memref<10008x64xf32, #tpu.memory_space<vmem_shared>>)
      %barrier3A_137 = arith.constant 0 : index
      tpu.barrier barrier_id(%barrier3A_137)
      %lt3A_138 = arith.constant 15 : i32
      %lt3A_139 = arith.cmpi slt, %arg1, %lt3A_138 : i32
      %convert_element_type3A_140 = arith.extui %lt3A_139 : i1 to i32
      %cond3A_141 = arith.constant 0 : i32
      %cond3A_142 = arith.cmpi ne, %convert_element_type3A_140, %cond3A_141 : i32
      scf.if %cond3A_142 {
        %mul3A_224 = arith.constant 632 : i32
        %mul3A_225 = arith.muli %arg1, %mul3A_224 : i32
        %add3A_226 = arith.constant 0 : i32
        %add3A_227 = arith.addi %add3A_226, %mul3A_225 : i32
        %eq3A_228 = arith.constant 0 : i32
        %eq3A_229 = arith.cmpi eq, %arg0, %eq3A_228 : i32
        %convert_element_type3A_230 = arith.extui %eq3A_229 : i1 to i32
        %cond3A_231 = arith.constant 0 : i32
        %cond3A_232 = arith.cmpi ne, %convert_element_type3A_230, %cond3A_231 : i32
        scf.if %cond3A_232 {
          "tpu.region"() ({
            %run_scoped3A = tpu.sem_alloc : memref<!tpu.dma_semaphore, #tpu.memory_space<semaphore_mem>>
            %dma_start3A_238 = arith.constant 0 : i32
            %dma_start3A_239 = tpu.memref_slice %arg8[%add3A_227, %dma_start3A_238] : memref<30024x64xf32, #tpu.memory_space<hbm>> -> memref<632x64xf32, #tpu.memory_space<hbm>>
            %dma_start3A_240 = arith.constant 0 : i32
            %dma_start3A_241 = tpu.memref_slice %arg18[%mul3A_225, %dma_start3A_240] : memref<10008x64xf32, #tpu.memory_space<vmem_shared>> -> memref<632x64xf32, #tpu.memory_space<vmem_shared>>
            tpu.enqueue_dma source(%dma_start3A_241 : memref<632x64xf32, #tpu.memory_space<vmem_shared>>) target(%dma_start3A_239 : memref<632x64xf32, #tpu.memory_space<hbm>>) target_semaphore(%run_scoped3A : memref<!tpu.dma_semaphore, #tpu.memory_space<semaphore_mem>>)
            %dma_wait3A_242 = arith.constant 0 : i32
            %dma_wait3A_243 = tpu.memref_slice %arg8[%add3A_227, %dma_wait3A_242] : memref<30024x64xf32, #tpu.memory_space<hbm>> -> memref<632x64xf32, #tpu.memory_space<hbm>>
            %dma_wait3A_244 = arith.constant 0 : i32
            %dma_wait3A_245 = tpu.memref_slice %arg18[%mul3A_225, %dma_wait3A_244] : memref<10008x64xf32, #tpu.memory_space<vmem_shared>> -> memref<632x64xf32, #tpu.memory_space<vmem_shared>>
            tpu.wait_dma2 semaphore(%run_scoped3A : memref<!tpu.dma_semaphore, #tpu.memory_space<semaphore_mem>>) src(%dma_wait3A_245 : memref<632x64xf32, #tpu.memory_space<vmem_shared>>) dst(%dma_wait3A_243 : memref<632x64xf32, #tpu.memory_space<hbm>>)
            tpu.yield
          }) : () -> ()
        } else {
        }
        %eq3A_233 = arith.constant 1 : i32
        %eq3A_234 = arith.cmpi eq, %arg0, %eq3A_233 : i32
        %convert_element_type3A_235 = arith.extui %eq3A_234 : i1 to i32
        %cond3A_236 = arith.constant 0 : i32
        %cond3A_237 = arith.cmpi ne, %convert_element_type3A_235, %cond3A_236 : i32
        scf.if %cond3A_237 {
          "tpu.region"() ({
            %run_scoped3A = tpu.sem_alloc : memref<!tpu.dma_semaphore, #tpu.memory_space<semaphore_mem>>
            %dma_start3A_238 = arith.constant 0 : i32
            %dma_start3A_239 = tpu.memref_slice %arg9[%add3A_227, %dma_start3A_238] : memref<30024x64xf32, #tpu.memory_space<hbm>> -> memref<632x64xf32, #tpu.memory_space<hbm>>
            %dma_start3A_240 = arith.constant 0 : i32
            %dma_start3A_241 = tpu.memref_slice %arg18[%mul3A_225, %dma_start3A_240] : memref<10008x64xf32, #tpu.memory_space<vmem_shared>> -> memref<632x64xf32, #tpu.memory_space<vmem_shared>>
            tpu.enqueue_dma source(%dma_start3A_241 : memref<632x64xf32, #tpu.memory_space<vmem_shared>>) target(%dma_start3A_239 : memref<632x64xf32, #tpu.memory_space<hbm>>) target_semaphore(%run_scoped3A : memref<!tpu.dma_semaphore, #tpu.memory_space<semaphore_mem>>)
            %dma_wait3A_242 = arith.constant 0 : i32
            %dma_wait3A_243 = tpu.memref_slice %arg9[%add3A_227, %dma_wait3A_242] : memref<30024x64xf32, #tpu.memory_space<hbm>> -> memref<632x64xf32, #tpu.memory_space<hbm>>
            %dma_wait3A_244 = arith.constant 0 : i32
            %dma_wait3A_245 = tpu.memref_slice %arg18[%mul3A_225, %dma_wait3A_244] : memref<10008x64xf32, #tpu.memory_space<vmem_shared>> -> memref<632x64xf32, #tpu.memory_space<vmem_shared>>
            tpu.wait_dma2 semaphore(%run_scoped3A : memref<!tpu.dma_semaphore, #tpu.memory_space<semaphore_mem>>) src(%dma_wait3A_245 : memref<632x64xf32, #tpu.memory_space<vmem_shared>>) dst(%dma_wait3A_243 : memref<632x64xf32, #tpu.memory_space<hbm>>)
            tpu.yield
          }) : () -> ()
        } else {
        }
        "tpu.region"() ({
          %run_scoped3A = tpu.sem_alloc : memref<!tpu.dma_semaphore, #tpu.memory_space<semaphore_mem>>
          %dma_start3A_238 = arith.constant 0 : i32
          %dma_start3A_239 = tpu.memref_slice %arg18[%mul3A_225, %dma_start3A_238] : memref<10008x64xf32, #tpu.memory_space<vmem_shared>> -> memref<632x64xf32, #tpu.memory_space<vmem_shared>>
          %dma_start3A_240 = arith.constant 0 : i32
          %dma_start3A_241 = arith.constant 0 : i32
          %dma_start3A_242 = tpu.memref_slice %arg6[%dma_start3A_240, %dma_start3A_241] : memref<632x64xf32, #tpu.memory_space<hbm>> -> memref<632x64xf32, #tpu.memory_space<hbm>>
          tpu.enqueue_dma source(%dma_start3A_242 : memref<632x64xf32, #tpu.memory_space<hbm>>) target(%dma_start3A_239 : memref<632x64xf32, #tpu.memory_space<vmem_shared>>) target_semaphore(%run_scoped3A : memref<!tpu.dma_semaphore, #tpu.memory_space<semaphore_mem>>)
          %dma_wait3A_243 = arith.constant 0 : i32
          %dma_wait3A_244 = tpu.memref_slice %arg18[%mul3A_225, %dma_wait3A_243] : memref<10008x64xf32, #tpu.memory_space<vmem_shared>> -> memref<632x64xf32, #tpu.memory_space<vmem_shared>>
          %dma_wait3A_245 = arith.constant 0 : i32
          %dma_wait3A_246 = arith.constant 0 : i32
          %dma_wait3A_247 = tpu.memref_slice %arg6[%dma_wait3A_245, %dma_wait3A_246] : memref<632x64xf32, #tpu.memory_space<hbm>> -> memref<632x64xf32, #tpu.memory_space<hbm>>
          tpu.wait_dma2 semaphore(%run_scoped3A : memref<!tpu.dma_semaphore, #tpu.memory_space<semaphore_mem>>) src(%dma_wait3A_247 : memref<632x64xf32, #tpu.memory_space<hbm>>) dst(%dma_wait3A_244 : memref<632x64xf32, #tpu.memory_space<vmem_shared>>)
          tpu.yield
        }) : () -> ()
      } else {
      }
      %eq3A_143 = arith.constant 15 : i32
      %eq3A_144 = arith.cmpi eq, %arg1, %eq3A_143 : i32
      %convert_element_type3A_145 = arith.extui %eq3A_144 : i1 to i32
      %cond3A_146 = arith.constant 0 : i32
      %cond3A_147 = arith.cmpi ne, %convert_element_type3A_145, %cond3A_146 : i32
      scf.if %cond3A_147 {
        %eq3A_224 = arith.constant 0 : i32
        %eq3A_225 = arith.cmpi eq, %arg0, %eq3A_224 : i32
        %convert_element_type3A_226 = arith.extui %eq3A_225 : i1 to i32
        %cond3A_227 = arith.constant 0 : i32
        %cond3A_228 = arith.cmpi ne, %convert_element_type3A_226, %cond3A_227 : i32
        scf.if %cond3A_228 {
          "tpu.region"() ({
            %run_scoped3A = tpu.sem_alloc : memref<!tpu.dma_semaphore, #tpu.memory_space<semaphore_mem>>
            %dma_start3A_234 = arith.constant 9480 : i32
            %dma_start3A_235 = arith.constant 0 : i32
            %dma_start3A_236 = tpu.memref_slice %arg8[%dma_start3A_234, %dma_start3A_235] : memref<30024x64xf32, #tpu.memory_space<hbm>> -> memref<528x64xf32, #tpu.memory_space<hbm>>
            %dma_start3A_237 = arith.constant 9480 : i32
            %dma_start3A_238 = arith.constant 0 : i32
            %dma_start3A_239 = tpu.memref_slice %arg18[%dma_start3A_237, %dma_start3A_238] : memref<10008x64xf32, #tpu.memory_space<vmem_shared>> -> memref<528x64xf32, #tpu.memory_space<vmem_shared>>
            tpu.enqueue_dma source(%dma_start3A_239 : memref<528x64xf32, #tpu.memory_space<vmem_shared>>) target(%dma_start3A_236 : memref<528x64xf32, #tpu.memory_space<hbm>>) target_semaphore(%run_scoped3A : memref<!tpu.dma_semaphore, #tpu.memory_space<semaphore_mem>>)
            %dma_wait3A_240 = arith.constant 9480 : i32
            %dma_wait3A_241 = arith.constant 0 : i32
            %dma_wait3A_242 = tpu.memref_slice %arg8[%dma_wait3A_240, %dma_wait3A_241] : memref<30024x64xf32, #tpu.memory_space<hbm>> -> memref<528x64xf32, #tpu.memory_space<hbm>>
            %dma_wait3A_243 = arith.constant 9480 : i32
            %dma_wait3A_244 = arith.constant 0 : i32
            %dma_wait3A_245 = tpu.memref_slice %arg18[%dma_wait3A_243, %dma_wait3A_244] : memref<10008x64xf32, #tpu.memory_space<vmem_shared>> -> memref<528x64xf32, #tpu.memory_space<vmem_shared>>
            tpu.wait_dma2 semaphore(%run_scoped3A : memref<!tpu.dma_semaphore, #tpu.memory_space<semaphore_mem>>) src(%dma_wait3A_245 : memref<528x64xf32, #tpu.memory_space<vmem_shared>>) dst(%dma_wait3A_242 : memref<528x64xf32, #tpu.memory_space<hbm>>)
            tpu.yield
          }) : () -> ()
        } else {
        }
        %eq3A_229 = arith.constant 1 : i32
        %eq3A_230 = arith.cmpi eq, %arg0, %eq3A_229 : i32
        %convert_element_type3A_231 = arith.extui %eq3A_230 : i1 to i32
        %cond3A_232 = arith.constant 0 : i32
        %cond3A_233 = arith.cmpi ne, %convert_element_type3A_231, %cond3A_232 : i32
        scf.if %cond3A_233 {
          "tpu.region"() ({
            %run_scoped3A = tpu.sem_alloc : memref<!tpu.dma_semaphore, #tpu.memory_space<semaphore_mem>>
            %dma_start3A_234 = arith.constant 9480 : i32
            %dma_start3A_235 = arith.constant 0 : i32
            %dma_start3A_236 = tpu.memref_slice %arg9[%dma_start3A_234, %dma_start3A_235] : memref<30024x64xf32, #tpu.memory_space<hbm>> -> memref<528x64xf32, #tpu.memory_space<hbm>>
            %dma_start3A_237 = arith.constant 9480 : i32
            %dma_start3A_238 = arith.constant 0 : i32
            %dma_start3A_239 = tpu.memref_slice %arg18[%dma_start3A_237, %dma_start3A_238] : memref<10008x64xf32, #tpu.memory_space<vmem_shared>> -> memref<528x64xf32, #tpu.memory_space<vmem_shared>>
            tpu.enqueue_dma source(%dma_start3A_239 : memref<528x64xf32, #tpu.memory_space<vmem_shared>>) target(%dma_start3A_236 : memref<528x64xf32, #tpu.memory_space<hbm>>) target_semaphore(%run_scoped3A : memref<!tpu.dma_semaphore, #tpu.memory_space<semaphore_mem>>)
            %dma_wait3A_240 = arith.constant 9480 : i32
            %dma_wait3A_241 = arith.constant 0 : i32
            %dma_wait3A_242 = tpu.memref_slice %arg9[%dma_wait3A_240, %dma_wait3A_241] : memref<30024x64xf32, #tpu.memory_space<hbm>> -> memref<528x64xf32, #tpu.memory_space<hbm>>
            %dma_wait3A_243 = arith.constant 9480 : i32
            %dma_wait3A_244 = arith.constant 0 : i32
            %dma_wait3A_245 = tpu.memref_slice %arg18[%dma_wait3A_243, %dma_wait3A_244] : memref<10008x64xf32, #tpu.memory_space<vmem_shared>> -> memref<528x64xf32, #tpu.memory_space<vmem_shared>>
            tpu.wait_dma2 semaphore(%run_scoped3A : memref<!tpu.dma_semaphore, #tpu.memory_space<semaphore_mem>>) src(%dma_wait3A_245 : memref<528x64xf32, #tpu.memory_space<vmem_shared>>) dst(%dma_wait3A_242 : memref<528x64xf32, #tpu.memory_space<hbm>>)
            tpu.yield
          }) : () -> ()
        } else {
        }
        "tpu.region"() ({
          %run_scoped3A = tpu.sem_alloc : memref<!tpu.dma_semaphore, #tpu.memory_space<semaphore_mem>>
          %dma_start3A_234 = arith.constant 9480 : i32
          %dma_start3A_235 = arith.constant 0 : i32
          %dma_start3A_236 = tpu.memref_slice %arg18[%dma_start3A_234, %dma_start3A_235] : memref<10008x64xf32, #tpu.memory_space<vmem_shared>> -> memref<528x64xf32, #tpu.memory_space<vmem_shared>>
          %dma_start3A_237 = arith.constant 0 : i32
          %dma_start3A_238 = arith.constant 0 : i32
          %dma_start3A_239 = tpu.memref_slice %arg6[%dma_start3A_237, %dma_start3A_238] : memref<632x64xf32, #tpu.memory_space<hbm>> -> memref<528x64xf32, #tpu.memory_space<hbm>>
          tpu.enqueue_dma source(%dma_start3A_239 : memref<528x64xf32, #tpu.memory_space<hbm>>) target(%dma_start3A_236 : memref<528x64xf32, #tpu.memory_space<vmem_shared>>) target_semaphore(%run_scoped3A : memref<!tpu.dma_semaphore, #tpu.memory_space<semaphore_mem>>)
          %dma_wait3A_240 = arith.constant 9480 : i32
          %dma_wait3A_241 = arith.constant 0 : i32
          %dma_wait3A_242 = tpu.memref_slice %arg18[%dma_wait3A_240, %dma_wait3A_241] : memref<10008x64xf32, #tpu.memory_space<vmem_shared>> -> memref<528x64xf32, #tpu.memory_space<vmem_shared>>
          %dma_wait3A_243 = arith.constant 0 : i32
          %dma_wait3A_244 = arith.constant 0 : i32
          %dma_wait3A_245 = tpu.memref_slice %arg6[%dma_wait3A_243, %dma_wait3A_244] : memref<632x64xf32, #tpu.memory_space<hbm>> -> memref<528x64xf32, #tpu.memory_space<hbm>>
          tpu.wait_dma2 semaphore(%run_scoped3A : memref<!tpu.dma_semaphore, #tpu.memory_space<semaphore_mem>>) src(%dma_wait3A_245 : memref<528x64xf32, #tpu.memory_space<hbm>>) dst(%dma_wait3A_242 : memref<528x64xf32, #tpu.memory_space<vmem_shared>>)
          tpu.yield
        }) : () -> ()
      } else {
      }
      %barrier3A_148 = arith.constant 0 : index
      tpu.barrier barrier_id(%barrier3A_148)
      %dma_start3A_149 = arith.constant 0 : i32
      %dma_start3A_150 = arith.constant 0 : i32
      %dma_start3A_151 = tpu.memref_slice %arg10[%dma_start3A_149, %dma_start3A_150] : memref<160x128xi32, #tpu.memory_space<vmem>> -> memref<1x128xi32, #tpu.memory_space<vmem>>
      %dma_start3A_152 = tpu.memref_squeeze %dma_start3A_151 : memref<1x128xi32, #tpu.memory_space<vmem>> -> memref<128xi32, #tpu.memory_space<vmem>>
      %dma_start3A_153 = arith.constant 1 : i32
      %dma_start3A_154 = arith.constant 0 : i32
      %dma_start3A_155 = tpu.memref_slice %arg2[%dma_start3A_153, %dma_start3A_154] : memref<20000x64xf32, #tpu.memory_space<hbm>> -> memref<19999x64xf32, #tpu.memory_space<hbm>>
      %dma_start3A_156 = arith.constant 0 : i32
      %dma_start3A_157 = arith.constant 0 : i32
      %dma_start3A_158 = tpu.memref_slice %dma_start3A_155[%dma_start3A_156, %dma_start3A_157] : memref<19999x64xf32, #tpu.memory_space<hbm>> -> memref<19999x64xf32, #tpu.memory_space<hbm>>
      tpu.enqueue_indirect_dma source(%dma_start3A_158 : memref<19999x64xf32, #tpu.memory_space<hbm>>) target(%arg12 : memref<128x64xf32, #tpu.memory_space<vmem>>) offsets(%dma_start3A_152 : memref<128xi32, #tpu.memory_space<vmem>>) semaphore(%arg19 : memref<!tpu.dma_semaphore, #tpu.memory_space<semaphore_mem>>)
      %dma_start3A_159 = arith.constant 1 : i32
      %dma_start3A_160 = arith.constant 0 : i32
      %dma_start3A_161 = tpu.memref_slice %arg10[%dma_start3A_159, %dma_start3A_160] : memref<160x128xi32, #tpu.memory_space<vmem>> -> memref<1x128xi32, #tpu.memory_space<vmem>>
      %dma_start3A_162 = tpu.memref_squeeze %dma_start3A_161 : memref<1x128xi32, #tpu.memory_space<vmem>> -> memref<128xi32, #tpu.memory_space<vmem>>
      %dma_start3A_163 = arith.constant 1 : i32
      %dma_start3A_164 = arith.constant 0 : i32
      %dma_start3A_165 = tpu.memref_slice %arg2[%dma_start3A_163, %dma_start3A_164] : memref<20000x64xf32, #tpu.memory_space<hbm>> -> memref<19999x64xf32, #tpu.memory_space<hbm>>
      %dma_start3A_166 = arith.constant 0 : i32
      %dma_start3A_167 = arith.constant 0 : i32
      %dma_start3A_168 = tpu.memref_slice %dma_start3A_165[%dma_start3A_166, %dma_start3A_167] : memref<19999x64xf32, #tpu.memory_space<hbm>> -> memref<19999x64xf32, #tpu.memory_space<hbm>>
      tpu.enqueue_indirect_dma source(%dma_start3A_168 : memref<19999x64xf32, #tpu.memory_space<hbm>>) target(%arg13 : memref<128x64xf32, #tpu.memory_space<vmem>>) offsets(%dma_start3A_162 : memref<128xi32, #tpu.memory_space<vmem>>) semaphore(%arg20 : memref<!tpu.dma_semaphore, #tpu.memory_space<semaphore_mem>>)
      %dma_start3A_169 = arith.constant 2 : i32
      %dma_start3A_170 = arith.constant 0 : i32
      %dma_start3A_171 = tpu.memref_slice %arg10[%dma_start3A_169, %dma_start3A_170] : memref<160x128xi32, #tpu.memory_space<vmem>> -> memref<1x128xi32, #tpu.memory_space<vmem>>
      %dma_start3A_172 = tpu.memref_squeeze %dma_start3A_171 : memref<1x128xi32, #tpu.memory_space<vmem>> -> memref<128xi32, #tpu.memory_space<vmem>>
      %dma_start3A_173 = arith.constant 1 : i32
      %dma_start3A_174 = arith.constant 0 : i32
      %dma_start3A_175 = tpu.memref_slice %arg2[%dma_start3A_173, %dma_start3A_174] : memref<20000x64xf32, #tpu.memory_space<hbm>> -> memref<19999x64xf32, #tpu.memory_space<hbm>>
      %dma_start3A_176 = arith.constant 0 : i32
      %dma_start3A_177 = arith.constant 0 : i32
      %dma_start3A_178 = tpu.memref_slice %dma_start3A_175[%dma_start3A_176, %dma_start3A_177] : memref<19999x64xf32, #tpu.memory_space<hbm>> -> memref<19999x64xf32, #tpu.memory_space<hbm>>
      tpu.enqueue_indirect_dma source(%dma_start3A_178 : memref<19999x64xf32, #tpu.memory_space<hbm>>) target(%arg14 : memref<128x64xf32, #tpu.memory_space<vmem>>) offsets(%dma_start3A_172 : memref<128xi32, #tpu.memory_space<vmem>>) semaphore(%arg21 : memref<!tpu.dma_semaphore, #tpu.memory_space<semaphore_mem>>)
      %dma_start3A_179 = arith.constant 3 : i32
      %dma_start3A_180 = arith.constant 0 : i32
      %dma_start3A_181 = tpu.memref_slice %arg10[%dma_start3A_179, %dma_start3A_180] : memref<160x128xi32, #tpu.memory_space<vmem>> -> memref<1x128xi32, #tpu.memory_space<vmem>>
      %dma_start3A_182 = tpu.memref_squeeze %dma_start3A_181 : memref<1x128xi32, #tpu.memory_space<vmem>> -> memref<128xi32, #tpu.memory_space<vmem>>
      %dma_start3A_183 = arith.constant 1 : i32
      %dma_start3A_184 = arith.constant 0 : i32
      %dma_start3A_185 = tpu.memref_slice %arg2[%dma_start3A_183, %dma_start3A_184] : memref<20000x64xf32, #tpu.memory_space<hbm>> -> memref<19999x64xf32, #tpu.memory_space<hbm>>
      %dma_start3A_186 = arith.constant 0 : i32
      %dma_start3A_187 = arith.constant 0 : i32
      %dma_start3A_188 = tpu.memref_slice %dma_start3A_185[%dma_start3A_186, %dma_start3A_187] : memref<19999x64xf32, #tpu.memory_space<hbm>> -> memref<19999x64xf32, #tpu.memory_space<hbm>>
      tpu.enqueue_indirect_dma source(%dma_start3A_188 : memref<19999x64xf32, #tpu.memory_space<hbm>>) target(%arg15 : memref<128x64xf32, #tpu.memory_space<vmem>>) offsets(%dma_start3A_182 : memref<128xi32, #tpu.memory_space<vmem>>) semaphore(%arg22 : memref<!tpu.dma_semaphore, #tpu.memory_space<semaphore_mem>>)
      %dma_start3A_189 = arith.constant 4 : i32
      %dma_start3A_190 = arith.constant 0 : i32
      %dma_start3A_191 = tpu.memref_slice %arg10[%dma_start3A_189, %dma_start3A_190] : memref<160x128xi32, #tpu.memory_space<vmem>> -> memref<1x128xi32, #tpu.memory_space<vmem>>
      %dma_start3A_192 = tpu.memref_squeeze %dma_start3A_191 : memref<1x128xi32, #tpu.memory_space<vmem>> -> memref<128xi32, #tpu.memory_space<vmem>>
      %dma_start3A_193 = arith.constant 1 : i32
      %dma_start3A_194 = arith.constant 0 : i32
      %dma_start3A_195 = tpu.memref_slice %arg2[%dma_start3A_193, %dma_start3A_194] : memref<20000x64xf32, #tpu.memory_space<hbm>> -> memref<19999x64xf32, #tpu.memory_space<hbm>>
      %dma_start3A_196 = arith.constant 0 : i32
      %dma_start3A_197 = arith.constant 0 : i32
      %dma_start3A_198 = tpu.memref_slice %dma_start3A_195[%dma_start3A_196, %dma_start3A_197] : memref<19999x64xf32, #tpu.memory_space<hbm>> -> memref<19999x64xf32, #tpu.memory_space<hbm>>
      tpu.enqueue_indirect_dma source(%dma_start3A_198 : memref<19999x64xf32, #tpu.memory_space<hbm>>) target(%arg16 : memref<128x64xf32, #tpu.memory_space<vmem>>) offsets(%dma_start3A_192 : memref<128xi32, #tpu.memory_space<vmem>>) semaphore(%arg23 : memref<!tpu.dma_semaphore, #tpu.memory_space<semaphore_mem>>)
      %scan3A_199 = arith.constant 0 : i32
      %scan3A_200 = arith.constant 0 : i32
      %scan3A_201 = arith.constant 32 : i32
      %scan3A_202 = arith.addi %scan3A_200, %scan3A_201 : i32
      %scan3A_203 = arith.constant 1 : i32
      scf.for %scan3A_224 = %scan3A_200 to %scan3A_202 step %scan3A_203  : i32 {
        %mul3A_225 = arith.constant 5 : i32
        %mul3A_226 = arith.muli %mul3A_225, %scan3A_224 : i32
        %add3A_227 = arith.constant 0 : i32
        %add3A_228 = arith.addi %mul3A_226, %add3A_227 : i32
        %dma_wait3A_229 = arith.constant 0 : i32
        %dma_wait3A_230 = tpu.memref_slice %arg10[%add3A_228, %dma_wait3A_229] : memref<160x128xi32, #tpu.memory_space<vmem>> -> memref<1x128xi32, #tpu.memory_space<vmem>>
        %dma_wait3A_231 = tpu.memref_squeeze %dma_wait3A_230 : memref<1x128xi32, #tpu.memory_space<vmem>> -> memref<128xi32, #tpu.memory_space<vmem>>
        %dma_wait3A_232 = arith.constant 1 : i32
        %dma_wait3A_233 = arith.constant 0 : i32
        %dma_wait3A_234 = tpu.memref_slice %arg2[%dma_wait3A_232, %dma_wait3A_233] : memref<20000x64xf32, #tpu.memory_space<hbm>> -> memref<19999x64xf32, #tpu.memory_space<hbm>>
        %dma_wait3A_235 = arith.constant 0 : i32
        %dma_wait3A_236 = arith.constant 0 : i32
        %dma_wait3A_237 = tpu.memref_slice %dma_wait3A_234[%dma_wait3A_235, %dma_wait3A_236] : memref<19999x64xf32, #tpu.memory_space<hbm>> -> memref<19999x64xf32, #tpu.memory_space<hbm>>
        tpu.wait_indirect_dma semaphore(%arg19 : memref<!tpu.dma_semaphore, #tpu.memory_space<semaphore_mem>>) src(%dma_wait3A_237 : memref<19999x64xf32, #tpu.memory_space<hbm>>) dst(%arg12 : memref<128x64xf32, #tpu.memory_space<vmem>>)
        %dma_start3A_238 = arith.constant 0 : i32
        %dma_start3A_239 = tpu.memref_slice %arg11[%add3A_228, %dma_start3A_238] : memref<160x128xi32, #tpu.memory_space<vmem>> -> memref<1x128xi32, #tpu.memory_space<vmem>>
        %dma_start3A_240 = tpu.memref_squeeze %dma_start3A_239 : memref<1x128xi32, #tpu.memory_space<vmem>> -> memref<128xi32, #tpu.memory_space<vmem>>
        %dma_start3A_241 = arith.constant 0 : i32
        %dma_start3A_242 = arith.constant 0 : i32
        %dma_start3A_243 = tpu.memref_slice %arg18[%dma_start3A_241, %dma_start3A_242] : memref<10008x64xf32, #tpu.memory_space<vmem_shared>> -> memref<10008x64xf32, #tpu.memory_space<vmem_shared>>
        tpu.enqueue_indirect_dma source(%arg12 : memref<128x64xf32, #tpu.memory_space<vmem>>) target(%dma_start3A_243 : memref<10008x64xf32, #tpu.memory_space<vmem_shared>>) offsets(%dma_start3A_240 : memref<128xi32, #tpu.memory_space<vmem>>) semaphore(%arg19 : memref<!tpu.dma_semaphore, #tpu.memory_space<semaphore_mem>>) {add = true}
        %sub3A_244 = arith.constant 1 : i32
        %sub3A_245 = arith.subi %add3A_228, %sub3A_244 : i32
        %ge3A = arith.constant 0 : i32
        %ge3A_246 = arith.cmpi sge, %sub3A_245, %ge3A : i32
        %convert_element_type3A_247 = arith.extui %ge3A_246 : i1 to i32
        %cond3A_248 = arith.constant 0 : i32
        %cond3A_249 = arith.cmpi ne, %convert_element_type3A_247, %cond3A_248 : i32
        scf.if %cond3A_249 {
          %dma_wait3A_354 = arith.constant 0 : i32
          %dma_wait3A_355 = tpu.memref_slice %arg11[%sub3A_245, %dma_wait3A_354] : memref<160x128xi32, #tpu.memory_space<vmem>> -> memref<1x128xi32, #tpu.memory_space<vmem>>
          %dma_wait3A_356 = tpu.memref_squeeze %dma_wait3A_355 : memref<1x128xi32, #tpu.memory_space<vmem>> -> memref<128xi32, #tpu.memory_space<vmem>>
          %dma_wait3A_357 = arith.constant 0 : i32
          %dma_wait3A_358 = arith.constant 0 : i32
          %dma_wait3A_359 = tpu.memref_slice %arg18[%dma_wait3A_357, %dma_wait3A_358] : memref<10008x64xf32, #tpu.memory_space<vmem_shared>> -> memref<10008x64xf32, #tpu.memory_space<vmem_shared>>
          tpu.wait_indirect_dma semaphore(%arg23 : memref<!tpu.dma_semaphore, #tpu.memory_space<semaphore_mem>>) src(%arg16 : memref<128x64xf32, #tpu.memory_space<vmem>>) dst(%dma_wait3A_359 : memref<10008x64xf32, #tpu.memory_space<vmem_shared>>)
          %add3A_360 = arith.constant 5 : i32
          %add3A_361 = arith.addi %sub3A_245, %add3A_360 : i32
          %lt3A_362 = arith.constant 160 : i32
          %lt3A_363 = arith.cmpi slt, %add3A_361, %lt3A_362 : i32
          %convert_element_type3A_364 = arith.extui %lt3A_363 : i1 to i32
          %cond3A_365 = arith.constant 0 : i32
          %cond3A_366 = arith.cmpi ne, %convert_element_type3A_364, %cond3A_365 : i32
          scf.if %cond3A_366 {
            %add3A_367 = arith.constant 5 : i32
            %add3A_368 = arith.addi %sub3A_245, %add3A_367 : i32
            %dma_start3A_369 = arith.constant 0 : i32
            %dma_start3A_370 = tpu.memref_slice %arg10[%add3A_368, %dma_start3A_369] : memref<160x128xi32, #tpu.memory_space<vmem>> -> memref<1x128xi32, #tpu.memory_space<vmem>>
            %dma_start3A_371 = tpu.memref_squeeze %dma_start3A_370 : memref<1x128xi32, #tpu.memory_space<vmem>> -> memref<128xi32, #tpu.memory_space<vmem>>
            %dma_start3A_372 = arith.constant 1 : i32
            %dma_start3A_373 = arith.constant 0 : i32
            %dma_start3A_374 = tpu.memref_slice %arg2[%dma_start3A_372, %dma_start3A_373] : memref<20000x64xf32, #tpu.memory_space<hbm>> -> memref<19999x64xf32, #tpu.memory_space<hbm>>
            %dma_start3A_375 = arith.constant 0 : i32
            %dma_start3A_376 = arith.constant 0 : i32
            %dma_start3A_377 = tpu.memref_slice %dma_start3A_374[%dma_start3A_375, %dma_start3A_376] : memref<19999x64xf32, #tpu.memory_space<hbm>> -> memref<19999x64xf32, #tpu.memory_space<hbm>>
            tpu.enqueue_indirect_dma source(%dma_start3A_377 : memref<19999x64xf32, #tpu.memory_space<hbm>>) target(%arg16 : memref<128x64xf32, #tpu.memory_space<vmem>>) offsets(%dma_start3A_371 : memref<128xi32, #tpu.memory_space<vmem>>) semaphore(%arg23 : memref<!tpu.dma_semaphore, #tpu.memory_space<semaphore_mem>>)
          } else {
          }
        } else {
        }
        %mul3A_250 = arith.constant 5 : i32
        %mul3A_251 = arith.muli %mul3A_250, %scan3A_224 : i32
        %add3A_252 = arith.constant 1 : i32
        %add3A_253 = arith.addi %mul3A_251, %add3A_252 : i32
        %dma_wait3A_254 = arith.constant 0 : i32
        %dma_wait3A_255 = tpu.memref_slice %arg10[%add3A_253, %dma_wait3A_254] : memref<160x128xi32, #tpu.memory_space<vmem>> -> memref<1x128xi32, #tpu.memory_space<vmem>>
        %dma_wait3A_256 = tpu.memref_squeeze %dma_wait3A_255 : memref<1x128xi32, #tpu.memory_space<vmem>> -> memref<128xi32, #tpu.memory_space<vmem>>
        %dma_wait3A_257 = arith.constant 1 : i32
        %dma_wait3A_258 = arith.constant 0 : i32
        %dma_wait3A_259 = tpu.memref_slice %arg2[%dma_wait3A_257, %dma_wait3A_258] : memref<20000x64xf32, #tpu.memory_space<hbm>> -> memref<19999x64xf32, #tpu.memory_space<hbm>>
        %dma_wait3A_260 = arith.constant 0 : i32
        %dma_wait3A_261 = arith.constant 0 : i32
        %dma_wait3A_262 = tpu.memref_slice %dma_wait3A_259[%dma_wait3A_260, %dma_wait3A_261] : memref<19999x64xf32, #tpu.memory_space<hbm>> -> memref<19999x64xf32, #tpu.memory_space<hbm>>
        tpu.wait_indirect_dma semaphore(%arg20 : memref<!tpu.dma_semaphore, #tpu.memory_space<semaphore_mem>>) src(%dma_wait3A_262 : memref<19999x64xf32, #tpu.memory_space<hbm>>) dst(%arg13 : memref<128x64xf32, #tpu.memory_space<vmem>>)
        %dma_start3A_263 = arith.constant 0 : i32
        %dma_start3A_264 = tpu.memref_slice %arg11[%add3A_253, %dma_start3A_263] : memref<160x128xi32, #tpu.memory_space<vmem>> -> memref<1x128xi32, #tpu.memory_space<vmem>>
        %dma_start3A_265 = tpu.memref_squeeze %dma_start3A_264 : memref<1x128xi32, #tpu.memory_space<vmem>> -> memref<128xi32, #tpu.memory_space<vmem>>
        %dma_start3A_266 = arith.constant 0 : i32
        %dma_start3A_267 = arith.constant 0 : i32
        %dma_start3A_268 = tpu.memref_slice %arg18[%dma_start3A_266, %dma_start3A_267] : memref<10008x64xf32, #tpu.memory_space<vmem_shared>> -> memref<10008x64xf32, #tpu.memory_space<vmem_shared>>
        tpu.enqueue_indirect_dma source(%arg13 : memref<128x64xf32, #tpu.memory_space<vmem>>) target(%dma_start3A_268 : memref<10008x64xf32, #tpu.memory_space<vmem_shared>>) offsets(%dma_start3A_265 : memref<128xi32, #tpu.memory_space<vmem>>) semaphore(%arg20 : memref<!tpu.dma_semaphore, #tpu.memory_space<semaphore_mem>>) {add = true}
        %sub3A_269 = arith.constant 1 : i32
        %sub3A_270 = arith.subi %add3A_253, %sub3A_269 : i32
        %ge3A_271 = arith.constant 0 : i32
        %ge3A_272 = arith.cmpi sge, %sub3A_270, %ge3A_271 : i32
        %convert_element_type3A_273 = arith.extui %ge3A_272 : i1 to i32
        %cond3A_274 = arith.constant 0 : i32
        %cond3A_275 = arith.cmpi ne, %convert_element_type3A_273, %cond3A_274 : i32
        scf.if %cond3A_275 {
          %dma_wait3A_354 = arith.constant 0 : i32
          %dma_wait3A_355 = tpu.memref_slice %arg11[%sub3A_270, %dma_wait3A_354] : memref<160x128xi32, #tpu.memory_space<vmem>> -> memref<1x128xi32, #tpu.memory_space<vmem>>
          %dma_wait3A_356 = tpu.memref_squeeze %dma_wait3A_355 : memref<1x128xi32, #tpu.memory_space<vmem>> -> memref<128xi32, #tpu.memory_space<vmem>>
          %dma_wait3A_357 = arith.constant 0 : i32
          %dma_wait3A_358 = arith.constant 0 : i32
          %dma_wait3A_359 = tpu.memref_slice %arg18[%dma_wait3A_357, %dma_wait3A_358] : memref<10008x64xf32, #tpu.memory_space<vmem_shared>> -> memref<10008x64xf32, #tpu.memory_space<vmem_shared>>
          tpu.wait_indirect_dma semaphore(%arg19 : memref<!tpu.dma_semaphore, #tpu.memory_space<semaphore_mem>>) src(%arg12 : memref<128x64xf32, #tpu.memory_space<vmem>>) dst(%dma_wait3A_359 : memref<10008x64xf32, #tpu.memory_space<vmem_shared>>)
          %add3A_360 = arith.constant 5 : i32
          %add3A_361 = arith.addi %sub3A_270, %add3A_360 : i32
          %lt3A_362 = arith.constant 160 : i32
          %lt3A_363 = arith.cmpi slt, %add3A_361, %lt3A_362 : i32
          %convert_element_type3A_364 = arith.extui %lt3A_363 : i1 to i32
          %cond3A_365 = arith.constant 0 : i32
          %cond3A_366 = arith.cmpi ne, %convert_element_type3A_364, %cond3A_365 : i32
          scf.if %cond3A_366 {
            %add3A_367 = arith.constant 5 : i32
            %add3A_368 = arith.addi %sub3A_270, %add3A_367 : i32
            %dma_start3A_369 = arith.constant 0 : i32
            %dma_start3A_370 = tpu.memref_slice %arg10[%add3A_368, %dma_start3A_369] : memref<160x128xi32, #tpu.memory_space<vmem>> -> memref<1x128xi32, #tpu.memory_space<vmem>>
            %dma_start3A_371 = tpu.memref_squeeze %dma_start3A_370 : memref<1x128xi32, #tpu.memory_space<vmem>> -> memref<128xi32, #tpu.memory_space<vmem>>
            %dma_start3A_372 = arith.constant 1 : i32
            %dma_start3A_373 = arith.constant 0 : i32
            %dma_start3A_374 = tpu.memref_slice %arg2[%dma_start3A_372, %dma_start3A_373] : memref<20000x64xf32, #tpu.memory_space<hbm>> -> memref<19999x64xf32, #tpu.memory_space<hbm>>
            %dma_start3A_375 = arith.constant 0 : i32
            %dma_start3A_376 = arith.constant 0 : i32
            %dma_start3A_377 = tpu.memref_slice %dma_start3A_374[%dma_start3A_375, %dma_start3A_376] : memref<19999x64xf32, #tpu.memory_space<hbm>> -> memref<19999x64xf32, #tpu.memory_space<hbm>>
            tpu.enqueue_indirect_dma source(%dma_start3A_377 : memref<19999x64xf32, #tpu.memory_space<hbm>>) target(%arg12 : memref<128x64xf32, #tpu.memory_space<vmem>>) offsets(%dma_start3A_371 : memref<128xi32, #tpu.memory_space<vmem>>) semaphore(%arg19 : memref<!tpu.dma_semaphore, #tpu.memory_space<semaphore_mem>>)
          } else {
          }
        } else {
        }
        %mul3A_276 = arith.constant 5 : i32
        %mul3A_277 = arith.muli %mul3A_276, %scan3A_224 : i32
        %add3A_278 = arith.constant 2 : i32
        %add3A_279 = arith.addi %mul3A_277, %add3A_278 : i32
        %dma_wait3A_280 = arith.constant 0 : i32
        %dma_wait3A_281 = tpu.memref_slice %arg10[%add3A_279, %dma_wait3A_280] : memref<160x128xi32, #tpu.memory_space<vmem>> -> memref<1x128xi32, #tpu.memory_space<vmem>>
        %dma_wait3A_282 = tpu.memref_squeeze %dma_wait3A_281 : memref<1x128xi32, #tpu.memory_space<vmem>> -> memref<128xi32, #tpu.memory_space<vmem>>
        %dma_wait3A_283 = arith.constant 1 : i32
        %dma_wait3A_284 = arith.constant 0 : i32
        %dma_wait3A_285 = tpu.memref_slice %arg2[%dma_wait3A_283, %dma_wait3A_284] : memref<20000x64xf32, #tpu.memory_space<hbm>> -> memref<19999x64xf32, #tpu.memory_space<hbm>>
        %dma_wait3A_286 = arith.constant 0 : i32
        %dma_wait3A_287 = arith.constant 0 : i32
        %dma_wait3A_288 = tpu.memref_slice %dma_wait3A_285[%dma_wait3A_286, %dma_wait3A_287] : memref<19999x64xf32, #tpu.memory_space<hbm>> -> memref<19999x64xf32, #tpu.memory_space<hbm>>
        tpu.wait_indirect_dma semaphore(%arg21 : memref<!tpu.dma_semaphore, #tpu.memory_space<semaphore_mem>>) src(%dma_wait3A_288 : memref<19999x64xf32, #tpu.memory_space<hbm>>) dst(%arg14 : memref<128x64xf32, #tpu.memory_space<vmem>>)
        %dma_start3A_289 = arith.constant 0 : i32
        %dma_start3A_290 = tpu.memref_slice %arg11[%add3A_279, %dma_start3A_289] : memref<160x128xi32, #tpu.memory_space<vmem>> -> memref<1x128xi32, #tpu.memory_space<vmem>>
        %dma_start3A_291 = tpu.memref_squeeze %dma_start3A_290 : memref<1x128xi32, #tpu.memory_space<vmem>> -> memref<128xi32, #tpu.memory_space<vmem>>
        %dma_start3A_292 = arith.constant 0 : i32
        %dma_start3A_293 = arith.constant 0 : i32
        %dma_start3A_294 = tpu.memref_slice %arg18[%dma_start3A_292, %dma_start3A_293] : memref<10008x64xf32, #tpu.memory_space<vmem_shared>> -> memref<10008x64xf32, #tpu.memory_space<vmem_shared>>
        tpu.enqueue_indirect_dma source(%arg14 : memref<128x64xf32, #tpu.memory_space<vmem>>) target(%dma_start3A_294 : memref<10008x64xf32, #tpu.memory_space<vmem_shared>>) offsets(%dma_start3A_291 : memref<128xi32, #tpu.memory_space<vmem>>) semaphore(%arg21 : memref<!tpu.dma_semaphore, #tpu.memory_space<semaphore_mem>>) {add = true}
        %sub3A_295 = arith.constant 1 : i32
        %sub3A_296 = arith.subi %add3A_279, %sub3A_295 : i32
        %ge3A_297 = arith.constant 0 : i32
        %ge3A_298 = arith.cmpi sge, %sub3A_296, %ge3A_297 : i32
        %convert_element_type3A_299 = arith.extui %ge3A_298 : i1 to i32
        %cond3A_300 = arith.constant 0 : i32
        %cond3A_301 = arith.cmpi ne, %convert_element_type3A_299, %cond3A_300 : i32
        scf.if %cond3A_301 {
          %dma_wait3A_354 = arith.constant 0 : i32
          %dma_wait3A_355 = tpu.memref_slice %arg11[%sub3A_296, %dma_wait3A_354] : memref<160x128xi32, #tpu.memory_space<vmem>> -> memref<1x128xi32, #tpu.memory_space<vmem>>
          %dma_wait3A_356 = tpu.memref_squeeze %dma_wait3A_355 : memref<1x128xi32, #tpu.memory_space<vmem>> -> memref<128xi32, #tpu.memory_space<vmem>>
          %dma_wait3A_357 = arith.constant 0 : i32
          %dma_wait3A_358 = arith.constant 0 : i32
          %dma_wait3A_359 = tpu.memref_slice %arg18[%dma_wait3A_357, %dma_wait3A_358] : memref<10008x64xf32, #tpu.memory_space<vmem_shared>> -> memref<10008x64xf32, #tpu.memory_space<vmem_shared>>
          tpu.wait_indirect_dma semaphore(%arg20 : memref<!tpu.dma_semaphore, #tpu.memory_space<semaphore_mem>>) src(%arg13 : memref<128x64xf32, #tpu.memory_space<vmem>>) dst(%dma_wait3A_359 : memref<10008x64xf32, #tpu.memory_space<vmem_shared>>)
          %add3A_360 = arith.constant 5 : i32
          %add3A_361 = arith.addi %sub3A_296, %add3A_360 : i32
          %lt3A_362 = arith.constant 160 : i32
          %lt3A_363 = arith.cmpi slt, %add3A_361, %lt3A_362 : i32
          %convert_element_type3A_364 = arith.extui %lt3A_363 : i1 to i32
          %cond3A_365 = arith.constant 0 : i32
          %cond3A_366 = arith.cmpi ne, %convert_element_type3A_364, %cond3A_365 : i32
          scf.if %cond3A_366 {
            %add3A_367 = arith.constant 5 : i32
            %add3A_368 = arith.addi %sub3A_296, %add3A_367 : i32
            %dma_start3A_369 = arith.constant 0 : i32
            %dma_start3A_370 = tpu.memref_slice %arg10[%add3A_368, %dma_start3A_369] : memref<160x128xi32, #tpu.memory_space<vmem>> -> memref<1x128xi32, #tpu.memory_space<vmem>>
            %dma_start3A_371 = tpu.memref_squeeze %dma_start3A_370 : memref<1x128xi32, #tpu.memory_space<vmem>> -> memref<128xi32, #tpu.memory_space<vmem>>
            %dma_start3A_372 = arith.constant 1 : i32
            %dma_start3A_373 = arith.constant 0 : i32
            %dma_start3A_374 = tpu.memref_slice %arg2[%dma_start3A_372, %dma_start3A_373] : memref<20000x64xf32, #tpu.memory_space<hbm>> -> memref<19999x64xf32, #tpu.memory_space<hbm>>
            %dma_start3A_375 = arith.constant 0 : i32
            %dma_start3A_376 = arith.constant 0 : i32
            %dma_start3A_377 = tpu.memref_slice %dma_start3A_374[%dma_start3A_375, %dma_start3A_376] : memref<19999x64xf32, #tpu.memory_space<hbm>> -> memref<19999x64xf32, #tpu.memory_space<hbm>>
            tpu.enqueue_indirect_dma source(%dma_start3A_377 : memref<19999x64xf32, #tpu.memory_space<hbm>>) target(%arg13 : memref<128x64xf32, #tpu.memory_space<vmem>>) offsets(%dma_start3A_371 : memref<128xi32, #tpu.memory_space<vmem>>) semaphore(%arg20 : memref<!tpu.dma_semaphore, #tpu.memory_space<semaphore_mem>>)
          } else {
          }
        } else {
        }
        %mul3A_302 = arith.constant 5 : i32
        %mul3A_303 = arith.muli %mul3A_302, %scan3A_224 : i32
        %add3A_304 = arith.constant 3 : i32
        %add3A_305 = arith.addi %mul3A_303, %add3A_304 : i32
        %dma_wait3A_306 = arith.constant 0 : i32
        %dma_wait3A_307 = tpu.memref_slice %arg10[%add3A_305, %dma_wait3A_306] : memref<160x128xi32, #tpu.memory_space<vmem>> -> memref<1x128xi32, #tpu.memory_space<vmem>>
        %dma_wait3A_308 = tpu.memref_squeeze %dma_wait3A_307 : memref<1x128xi32, #tpu.memory_space<vmem>> -> memref<128xi32, #tpu.memory_space<vmem>>
        %dma_wait3A_309 = arith.constant 1 : i32
        %dma_wait3A_310 = arith.constant 0 : i32
        %dma_wait3A_311 = tpu.memref_slice %arg2[%dma_wait3A_309, %dma_wait3A_310] : memref<20000x64xf32, #tpu.memory_space<hbm>> -> memref<19999x64xf32, #tpu.memory_space<hbm>>
        %dma_wait3A_312 = arith.constant 0 : i32
        %dma_wait3A_313 = arith.constant 0 : i32
        %dma_wait3A_314 = tpu.memref_slice %dma_wait3A_311[%dma_wait3A_312, %dma_wait3A_313] : memref<19999x64xf32, #tpu.memory_space<hbm>> -> memref<19999x64xf32, #tpu.memory_space<hbm>>
        tpu.wait_indirect_dma semaphore(%arg22 : memref<!tpu.dma_semaphore, #tpu.memory_space<semaphore_mem>>) src(%dma_wait3A_314 : memref<19999x64xf32, #tpu.memory_space<hbm>>) dst(%arg15 : memref<128x64xf32, #tpu.memory_space<vmem>>)
        %dma_start3A_315 = arith.constant 0 : i32
        %dma_start3A_316 = tpu.memref_slice %arg11[%add3A_305, %dma_start3A_315] : memref<160x128xi32, #tpu.memory_space<vmem>> -> memref<1x128xi32, #tpu.memory_space<vmem>>
        %dma_start3A_317 = tpu.memref_squeeze %dma_start3A_316 : memref<1x128xi32, #tpu.memory_space<vmem>> -> memref<128xi32, #tpu.memory_space<vmem>>
        %dma_start3A_318 = arith.constant 0 : i32
        %dma_start3A_319 = arith.constant 0 : i32
        %dma_start3A_320 = tpu.memref_slice %arg18[%dma_start3A_318, %dma_start3A_319] : memref<10008x64xf32, #tpu.memory_space<vmem_shared>> -> memref<10008x64xf32, #tpu.memory_space<vmem_shared>>
        tpu.enqueue_indirect_dma source(%arg15 : memref<128x64xf32, #tpu.memory_space<vmem>>) target(%dma_start3A_320 : memref<10008x64xf32, #tpu.memory_space<vmem_shared>>) offsets(%dma_start3A_317 : memref<128xi32, #tpu.memory_space<vmem>>) semaphore(%arg22 : memref<!tpu.dma_semaphore, #tpu.memory_space<semaphore_mem>>) {add = true}
        %sub3A_321 = arith.constant 1 : i32
        %sub3A_322 = arith.subi %add3A_305, %sub3A_321 : i32
        %ge3A_323 = arith.constant 0 : i32
        %ge3A_324 = arith.cmpi sge, %sub3A_322, %ge3A_323 : i32
        %convert_element_type3A_325 = arith.extui %ge3A_324 : i1 to i32
        %cond3A_326 = arith.constant 0 : i32
        %cond3A_327 = arith.cmpi ne, %convert_element_type3A_325, %cond3A_326 : i32
        scf.if %cond3A_327 {
          %dma_wait3A_354 = arith.constant 0 : i32
          %dma_wait3A_355 = tpu.memref_slice %arg11[%sub3A_322, %dma_wait3A_354] : memref<160x128xi32, #tpu.memory_space<vmem>> -> memref<1x128xi32, #tpu.memory_space<vmem>>
          %dma_wait3A_356 = tpu.memref_squeeze %dma_wait3A_355 : memref<1x128xi32, #tpu.memory_space<vmem>> -> memref<128xi32, #tpu.memory_space<vmem>>
          %dma_wait3A_357 = arith.constant 0 : i32
          %dma_wait3A_358 = arith.constant 0 : i32
          %dma_wait3A_359 = tpu.memref_slice %arg18[%dma_wait3A_357, %dma_wait3A_358] : memref<10008x64xf32, #tpu.memory_space<vmem_shared>> -> memref<10008x64xf32, #tpu.memory_space<vmem_shared>>
          tpu.wait_indirect_dma semaphore(%arg21 : memref<!tpu.dma_semaphore, #tpu.memory_space<semaphore_mem>>) src(%arg14 : memref<128x64xf32, #tpu.memory_space<vmem>>) dst(%dma_wait3A_359 : memref<10008x64xf32, #tpu.memory_space<vmem_shared>>)
          %add3A_360 = arith.constant 5 : i32
          %add3A_361 = arith.addi %sub3A_322, %add3A_360 : i32
          %lt3A_362 = arith.constant 160 : i32
          %lt3A_363 = arith.cmpi slt, %add3A_361, %lt3A_362 : i32
          %convert_element_type3A_364 = arith.extui %lt3A_363 : i1 to i32
          %cond3A_365 = arith.constant 0 : i32
          %cond3A_366 = arith.cmpi ne, %convert_element_type3A_364, %cond3A_365 : i32
          scf.if %cond3A_366 {
            %add3A_367 = arith.constant 5 : i32
            %add3A_368 = arith.addi %sub3A_322, %add3A_367 : i32
            %dma_start3A_369 = arith.constant 0 : i32
            %dma_start3A_370 = tpu.memref_slice %arg10[%add3A_368, %dma_start3A_369] : memref<160x128xi32, #tpu.memory_space<vmem>> -> memref<1x128xi32, #tpu.memory_space<vmem>>
            %dma_start3A_371 = tpu.memref_squeeze %dma_start3A_370 : memref<1x128xi32, #tpu.memory_space<vmem>> -> memref<128xi32, #tpu.memory_space<vmem>>
            %dma_start3A_372 = arith.constant 1 : i32
            %dma_start3A_373 = arith.constant 0 : i32
            %dma_start3A_374 = tpu.memref_slice %arg2[%dma_start3A_372, %dma_start3A_373] : memref<20000x64xf32, #tpu.memory_space<hbm>> -> memref<19999x64xf32, #tpu.memory_space<hbm>>
            %dma_start3A_375 = arith.constant 0 : i32
            %dma_start3A_376 = arith.constant 0 : i32
            %dma_start3A_377 = tpu.memref_slice %dma_start3A_374[%dma_start3A_375, %dma_start3A_376] : memref<19999x64xf32, #tpu.memory_space<hbm>> -> memref<19999x64xf32, #tpu.memory_space<hbm>>
            tpu.enqueue_indirect_dma source(%dma_start3A_377 : memref<19999x64xf32, #tpu.memory_space<hbm>>) target(%arg14 : memref<128x64xf32, #tpu.memory_space<vmem>>) offsets(%dma_start3A_371 : memref<128xi32, #tpu.memory_space<vmem>>) semaphore(%arg21 : memref<!tpu.dma_semaphore, #tpu.memory_space<semaphore_mem>>)
          } else {
          }
        } else {
        }
        %mul3A_328 = arith.constant 5 : i32
        %mul3A_329 = arith.muli %mul3A_328, %scan3A_224 : i32
        %add3A_330 = arith.constant 4 : i32
        %add3A_331 = arith.addi %mul3A_329, %add3A_330 : i32
        %dma_wait3A_332 = arith.constant 0 : i32
        %dma_wait3A_333 = tpu.memref_slice %arg10[%add3A_331, %dma_wait3A_332] : memref<160x128xi32, #tpu.memory_space<vmem>> -> memref<1x128xi32, #tpu.memory_space<vmem>>
        %dma_wait3A_334 = tpu.memref_squeeze %dma_wait3A_333 : memref<1x128xi32, #tpu.memory_space<vmem>> -> memref<128xi32, #tpu.memory_space<vmem>>
        %dma_wait3A_335 = arith.constant 1 : i32
        %dma_wait3A_336 = arith.constant 0 : i32
        %dma_wait3A_337 = tpu.memref_slice %arg2[%dma_wait3A_335, %dma_wait3A_336] : memref<20000x64xf32, #tpu.memory_space<hbm>> -> memref<19999x64xf32, #tpu.memory_space<hbm>>
        %dma_wait3A_338 = arith.constant 0 : i32
        %dma_wait3A_339 = arith.constant 0 : i32
        %dma_wait3A_340 = tpu.memref_slice %dma_wait3A_337[%dma_wait3A_338, %dma_wait3A_339] : memref<19999x64xf32, #tpu.memory_space<hbm>> -> memref<19999x64xf32, #tpu.memory_space<hbm>>
        tpu.wait_indirect_dma semaphore(%arg23 : memref<!tpu.dma_semaphore, #tpu.memory_space<semaphore_mem>>) src(%dma_wait3A_340 : memref<19999x64xf32, #tpu.memory_space<hbm>>) dst(%arg16 : memref<128x64xf32, #tpu.memory_space<vmem>>)
        %dma_start3A_341 = arith.constant 0 : i32
        %dma_start3A_342 = tpu.memref_slice %arg11[%add3A_331, %dma_start3A_341] : memref<160x128xi32, #tpu.memory_space<vmem>> -> memref<1x128xi32, #tpu.memory_space<vmem>>
        %dma_start3A_343 = tpu.memref_squeeze %dma_start3A_342 : memref<1x128xi32, #tpu.memory_space<vmem>> -> memref<128xi32, #tpu.memory_space<vmem>>
        %dma_start3A_344 = arith.constant 0 : i32
        %dma_start3A_345 = arith.constant 0 : i32
        %dma_start3A_346 = tpu.memref_slice %arg18[%dma_start3A_344, %dma_start3A_345] : memref<10008x64xf32, #tpu.memory_space<vmem_shared>> -> memref<10008x64xf32, #tpu.memory_space<vmem_shared>>
        tpu.enqueue_indirect_dma source(%arg16 : memref<128x64xf32, #tpu.memory_space<vmem>>) target(%dma_start3A_346 : memref<10008x64xf32, #tpu.memory_space<vmem_shared>>) offsets(%dma_start3A_343 : memref<128xi32, #tpu.memory_space<vmem>>) semaphore(%arg23 : memref<!tpu.dma_semaphore, #tpu.memory_space<semaphore_mem>>) {add = true}
        %sub3A_347 = arith.constant 1 : i32
        %sub3A_348 = arith.subi %add3A_331, %sub3A_347 : i32
        %ge3A_349 = arith.constant 0 : i32
        %ge3A_350 = arith.cmpi sge, %sub3A_348, %ge3A_349 : i32
        %convert_element_type3A_351 = arith.extui %ge3A_350 : i1 to i32
        %cond3A_352 = arith.constant 0 : i32
        %cond3A_353 = arith.cmpi ne, %convert_element_type3A_351, %cond3A_352 : i32
        scf.if %cond3A_353 {
          %dma_wait3A_354 = arith.constant 0 : i32
          %dma_wait3A_355 = tpu.memref_slice %arg11[%sub3A_348, %dma_wait3A_354] : memref<160x128xi32, #tpu.memory_space<vmem>> -> memref<1x128xi32, #tpu.memory_space<vmem>>
          %dma_wait3A_356 = tpu.memref_squeeze %dma_wait3A_355 : memref<1x128xi32, #tpu.memory_space<vmem>> -> memref<128xi32, #tpu.memory_space<vmem>>
          %dma_wait3A_357 = arith.constant 0 : i32
          %dma_wait3A_358 = arith.constant 0 : i32
          %dma_wait3A_359 = tpu.memref_slice %arg18[%dma_wait3A_357, %dma_wait3A_358] : memref<10008x64xf32, #tpu.memory_space<vmem_shared>> -> memref<10008x64xf32, #tpu.memory_space<vmem_shared>>
          tpu.wait_indirect_dma semaphore(%arg22 : memref<!tpu.dma_semaphore, #tpu.memory_space<semaphore_mem>>) src(%arg15 : memref<128x64xf32, #tpu.memory_space<vmem>>) dst(%dma_wait3A_359 : memref<10008x64xf32, #tpu.memory_space<vmem_shared>>)
          %add3A_360 = arith.constant 5 : i32
          %add3A_361 = arith.addi %sub3A_348, %add3A_360 : i32
          %lt3A_362 = arith.constant 160 : i32
          %lt3A_363 = arith.cmpi slt, %add3A_361, %lt3A_362 : i32
          %convert_element_type3A_364 = arith.extui %lt3A_363 : i1 to i32
          %cond3A_365 = arith.constant 0 : i32
          %cond3A_366 = arith.cmpi ne, %convert_element_type3A_364, %cond3A_365 : i32
          scf.if %cond3A_366 {
            %add3A_367 = arith.constant 5 : i32
            %add3A_368 = arith.addi %sub3A_348, %add3A_367 : i32
            %dma_start3A_369 = arith.constant 0 : i32
            %dma_start3A_370 = tpu.memref_slice %arg10[%add3A_368, %dma_start3A_369] : memref<160x128xi32, #tpu.memory_space<vmem>> -> memref<1x128xi32, #tpu.memory_space<vmem>>
            %dma_start3A_371 = tpu.memref_squeeze %dma_start3A_370 : memref<1x128xi32, #tpu.memory_space<vmem>> -> memref<128xi32, #tpu.memory_space<vmem>>
            %dma_start3A_372 = arith.constant 1 : i32
            %dma_start3A_373 = arith.constant 0 : i32
            %dma_start3A_374 = tpu.memref_slice %arg2[%dma_start3A_372, %dma_start3A_373] : memref<20000x64xf32, #tpu.memory_space<hbm>> -> memref<19999x64xf32, #tpu.memory_space<hbm>>
            %dma_start3A_375 = arith.constant 0 : i32
            %dma_start3A_376 = arith.constant 0 : i32
            %dma_start3A_377 = tpu.memref_slice %dma_start3A_374[%dma_start3A_375, %dma_start3A_376] : memref<19999x64xf32, #tpu.memory_space<hbm>> -> memref<19999x64xf32, #tpu.memory_space<hbm>>
            tpu.enqueue_indirect_dma source(%dma_start3A_377 : memref<19999x64xf32, #tpu.memory_space<hbm>>) target(%arg15 : memref<128x64xf32, #tpu.memory_space<vmem>>) offsets(%dma_start3A_371 : memref<128xi32, #tpu.memory_space<vmem>>) semaphore(%arg22 : memref<!tpu.dma_semaphore, #tpu.memory_space<semaphore_mem>>)
          } else {
          }
        } else {
        }
      }
      %scan3A_204 = arith.constant 32 : i32
      %dma_wait3A_205 = arith.constant 159 : i32
      %dma_wait3A_206 = arith.constant 0 : i32
      %dma_wait3A_207 = tpu.memref_slice %arg11[%dma_wait3A_205, %dma_wait3A_206] : memref<160x128xi32, #tpu.memory_space<vmem>> -> memref<1x128xi32, #tpu.memory_space<vmem>>
      %dma_wait3A_208 = tpu.memref_squeeze %dma_wait3A_207 : memref<1x128xi32, #tpu.memory_space<vmem>> -> memref<128xi32, #tpu.memory_space<vmem>>
      %dma_wait3A_209 = arith.constant 0 : i32
      %dma_wait3A_210 = arith.constant 0 : i32
      %dma_wait3A_211 = tpu.memref_slice %arg18[%dma_wait3A_209, %dma_wait3A_210] : memref<10008x64xf32, #tpu.memory_space<vmem_shared>> -> memref<10008x64xf32, #tpu.memory_space<vmem_shared>>
      tpu.wait_indirect_dma semaphore(%arg23 : memref<!tpu.dma_semaphore, #tpu.memory_space<semaphore_mem>>) src(%arg16 : memref<128x64xf32, #tpu.memory_space<vmem>>) dst(%dma_wait3A_211 : memref<10008x64xf32, #tpu.memory_space<vmem_shared>>)
      %barrier3A_212 = arith.constant 0 : index
      tpu.barrier barrier_id(%barrier3A_212)
      %lt3A_213 = arith.constant 15 : i32
      %lt3A_214 = arith.cmpi slt, %arg1, %lt3A_213 : i32
      %convert_element_type3A_215 = arith.extui %lt3A_214 : i1 to i32
      %cond3A_216 = arith.constant 0 : i32
      %cond3A_217 = arith.cmpi ne, %convert_element_type3A_215, %cond3A_216 : i32
      scf.if %cond3A_217 {
        %mul3A_224 = arith.constant 632 : i32
        %mul3A_225 = arith.muli %arg1, %mul3A_224 : i32
        %add3A_226 = arith.constant 10008 : i32
        %add3A_227 = arith.addi %add3A_226, %mul3A_225 : i32
        %eq3A_228 = arith.constant 0 : i32
        %eq3A_229 = arith.cmpi eq, %arg0, %eq3A_228 : i32
        %convert_element_type3A_230 = arith.extui %eq3A_229 : i1 to i32
        %cond3A_231 = arith.constant 0 : i32
        %cond3A_232 = arith.cmpi ne, %convert_element_type3A_230, %cond3A_231 : i32
        scf.if %cond3A_232 {
          "tpu.region"() ({
            %run_scoped3A = tpu.sem_alloc : memref<!tpu.dma_semaphore, #tpu.memory_space<semaphore_mem>>
            %dma_start3A_238 = arith.constant 0 : i32
            %dma_start3A_239 = tpu.memref_slice %arg8[%add3A_227, %dma_start3A_238] : memref<30024x64xf32, #tpu.memory_space<hbm>> -> memref<632x64xf32, #tpu.memory_space<hbm>>
            %dma_start3A_240 = arith.constant 0 : i32
            %dma_start3A_241 = tpu.memref_slice %arg18[%mul3A_225, %dma_start3A_240] : memref<10008x64xf32, #tpu.memory_space<vmem_shared>> -> memref<632x64xf32, #tpu.memory_space<vmem_shared>>
            tpu.enqueue_dma source(%dma_start3A_241 : memref<632x64xf32, #tpu.memory_space<vmem_shared>>) target(%dma_start3A_239 : memref<632x64xf32, #tpu.memory_space<hbm>>) target_semaphore(%run_scoped3A : memref<!tpu.dma_semaphore, #tpu.memory_space<semaphore_mem>>)
            %dma_wait3A_242 = arith.constant 0 : i32
            %dma_wait3A_243 = tpu.memref_slice %arg8[%add3A_227, %dma_wait3A_242] : memref<30024x64xf32, #tpu.memory_space<hbm>> -> memref<632x64xf32, #tpu.memory_space<hbm>>
            %dma_wait3A_244 = arith.constant 0 : i32
            %dma_wait3A_245 = tpu.memref_slice %arg18[%mul3A_225, %dma_wait3A_244] : memref<10008x64xf32, #tpu.memory_space<vmem_shared>> -> memref<632x64xf32, #tpu.memory_space<vmem_shared>>
            tpu.wait_dma2 semaphore(%run_scoped3A : memref<!tpu.dma_semaphore, #tpu.memory_space<semaphore_mem>>) src(%dma_wait3A_245 : memref<632x64xf32, #tpu.memory_space<vmem_shared>>) dst(%dma_wait3A_243 : memref<632x64xf32, #tpu.memory_space<hbm>>)
            tpu.yield
          }) : () -> ()
        } else {
        }
        %eq3A_233 = arith.constant 1 : i32
        %eq3A_234 = arith.cmpi eq, %arg0, %eq3A_233 : i32
        %convert_element_type3A_235 = arith.extui %eq3A_234 : i1 to i32
        %cond3A_236 = arith.constant 0 : i32
        %cond3A_237 = arith.cmpi ne, %convert_element_type3A_235, %cond3A_236 : i32
        scf.if %cond3A_237 {
          "tpu.region"() ({
            %run_scoped3A = tpu.sem_alloc : memref<!tpu.dma_semaphore, #tpu.memory_space<semaphore_mem>>
            %dma_start3A_238 = arith.constant 0 : i32
            %dma_start3A_239 = tpu.memref_slice %arg9[%add3A_227, %dma_start3A_238] : memref<30024x64xf32, #tpu.memory_space<hbm>> -> memref<632x64xf32, #tpu.memory_space<hbm>>
            %dma_start3A_240 = arith.constant 0 : i32
            %dma_start3A_241 = tpu.memref_slice %arg18[%mul3A_225, %dma_start3A_240] : memref<10008x64xf32, #tpu.memory_space<vmem_shared>> -> memref<632x64xf32, #tpu.memory_space<vmem_shared>>
            tpu.enqueue_dma source(%dma_start3A_241 : memref<632x64xf32, #tpu.memory_space<vmem_shared>>) target(%dma_start3A_239 : memref<632x64xf32, #tpu.memory_space<hbm>>) target_semaphore(%run_scoped3A : memref<!tpu.dma_semaphore, #tpu.memory_space<semaphore_mem>>)
            %dma_wait3A_242 = arith.constant 0 : i32
            %dma_wait3A_243 = tpu.memref_slice %arg9[%add3A_227, %dma_wait3A_242] : memref<30024x64xf32, #tpu.memory_space<hbm>> -> memref<632x64xf32, #tpu.memory_space<hbm>>
            %dma_wait3A_244 = arith.constant 0 : i32
            %dma_wait3A_245 = tpu.memref_slice %arg18[%mul3A_225, %dma_wait3A_244] : memref<10008x64xf32, #tpu.memory_space<vmem_shared>> -> memref<632x64xf32, #tpu.memory_space<vmem_shared>>
            tpu.wait_dma2 semaphore(%run_scoped3A : memref<!tpu.dma_semaphore, #tpu.memory_space<semaphore_mem>>) src(%dma_wait3A_245 : memref<632x64xf32, #tpu.memory_space<vmem_shared>>) dst(%dma_wait3A_243 : memref<632x64xf32, #tpu.memory_space<hbm>>)
            tpu.yield
          }) : () -> ()
        } else {
        }
        "tpu.region"() ({
          %run_scoped3A = tpu.sem_alloc : memref<!tpu.dma_semaphore, #tpu.memory_space<semaphore_mem>>
          %dma_start3A_238 = arith.constant 0 : i32
          %dma_start3A_239 = tpu.memref_slice %arg18[%mul3A_225, %dma_start3A_238] : memref<10008x64xf32, #tpu.memory_space<vmem_shared>> -> memref<632x64xf32, #tpu.memory_space<vmem_shared>>
          %dma_start3A_240 = arith.constant 0 : i32
          %dma_start3A_241 = arith.constant 0 : i32
          %dma_start3A_242 = tpu.memref_slice %arg6[%dma_start3A_240, %dma_start3A_241] : memref<632x64xf32, #tpu.memory_space<hbm>> -> memref<632x64xf32, #tpu.memory_space<hbm>>
          tpu.enqueue_dma source(%dma_start3A_242 : memref<632x64xf32, #tpu.memory_space<hbm>>) target(%dma_start3A_239 : memref<632x64xf32, #tpu.memory_space<vmem_shared>>) target_semaphore(%run_scoped3A : memref<!tpu.dma_semaphore, #tpu.memory_space<semaphore_mem>>)
          %dma_wait3A_243 = arith.constant 0 : i32
          %dma_wait3A_244 = tpu.memref_slice %arg18[%mul3A_225, %dma_wait3A_243] : memref<10008x64xf32, #tpu.memory_space<vmem_shared>> -> memref<632x64xf32, #tpu.memory_space<vmem_shared>>
          %dma_wait3A_245 = arith.constant 0 : i32
          %dma_wait3A_246 = arith.constant 0 : i32
          %dma_wait3A_247 = tpu.memref_slice %arg6[%dma_wait3A_245, %dma_wait3A_246] : memref<632x64xf32, #tpu.memory_space<hbm>> -> memref<632x64xf32, #tpu.memory_space<hbm>>
          tpu.wait_dma2 semaphore(%run_scoped3A : memref<!tpu.dma_semaphore, #tpu.memory_space<semaphore_mem>>) src(%dma_wait3A_247 : memref<632x64xf32, #tpu.memory_space<hbm>>) dst(%dma_wait3A_244 : memref<632x64xf32, #tpu.memory_space<vmem_shared>>)
          tpu.yield
        }) : () -> ()
      } else {
      }
      %eq3A_218 = arith.constant 15 : i32
      %eq3A_219 = arith.cmpi eq, %arg1, %eq3A_218 : i32
      %convert_element_type3A_220 = arith.extui %eq3A_219 : i1 to i32
      %cond3A_221 = arith.constant 0 : i32
      %cond3A_222 = arith.cmpi ne, %convert_element_type3A_220, %cond3A_221 : i32
      scf.if %cond3A_222 {
        %eq3A_224 = arith.constant 0 : i32
        %eq3A_225 = arith.cmpi eq, %arg0, %eq3A_224 : i32
        %convert_element_type3A_226 = arith.extui %eq3A_225 : i1 to i32
        %cond3A_227 = arith.constant 0 : i32
        %cond3A_228 = arith.cmpi ne, %convert_element_type3A_226, %cond3A_227 : i32
        scf.if %cond3A_228 {
          "tpu.region"() ({
            %run_scoped3A = tpu.sem_alloc : memref<!tpu.dma_semaphore, #tpu.memory_space<semaphore_mem>>
            %dma_start3A_234 = arith.constant 19488 : i32
            %dma_start3A_235 = arith.constant 0 : i32
            %dma_start3A_236 = tpu.memref_slice %arg8[%dma_start3A_234, %dma_start3A_235] : memref<30024x64xf32, #tpu.memory_space<hbm>> -> memref<528x64xf32, #tpu.memory_space<hbm>>
            %dma_start3A_237 = arith.constant 9480 : i32
            %dma_start3A_238 = arith.constant 0 : i32
            %dma_start3A_239 = tpu.memref_slice %arg18[%dma_start3A_237, %dma_start3A_238] : memref<10008x64xf32, #tpu.memory_space<vmem_shared>> -> memref<528x64xf32, #tpu.memory_space<vmem_shared>>
            tpu.enqueue_dma source(%dma_start3A_239 : memref<528x64xf32, #tpu.memory_space<vmem_shared>>) target(%dma_start3A_236 : memref<528x64xf32, #tpu.memory_space<hbm>>) target_semaphore(%run_scoped3A : memref<!tpu.dma_semaphore, #tpu.memory_space<semaphore_mem>>)
            %dma_wait3A_240 = arith.constant 19488 : i32
            %dma_wait3A_241 = arith.constant 0 : i32
            %dma_wait3A_242 = tpu.memref_slice %arg8[%dma_wait3A_240, %dma_wait3A_241] : memref<30024x64xf32, #tpu.memory_space<hbm>> -> memref<528x64xf32, #tpu.memory_space<hbm>>
            %dma_wait3A_243 = arith.constant 9480 : i32
            %dma_wait3A_244 = arith.constant 0 : i32
            %dma_wait3A_245 = tpu.memref_slice %arg18[%dma_wait3A_243, %dma_wait3A_244] : memref<10008x64xf32, #tpu.memory_space<vmem_shared>> -> memref<528x64xf32, #tpu.memory_space<vmem_shared>>
            tpu.wait_dma2 semaphore(%run_scoped3A : memref<!tpu.dma_semaphore, #tpu.memory_space<semaphore_mem>>) src(%dma_wait3A_245 : memref<528x64xf32, #tpu.memory_space<vmem_shared>>) dst(%dma_wait3A_242 : memref<528x64xf32, #tpu.memory_space<hbm>>)
            tpu.yield
          }) : () -> ()
        } else {
        }
        %eq3A_229 = arith.constant 1 : i32
        %eq3A_230 = arith.cmpi eq, %arg0, %eq3A_229 : i32
        %convert_element_type3A_231 = arith.extui %eq3A_230 : i1 to i32
        %cond3A_232 = arith.constant 0 : i32
        %cond3A_233 = arith.cmpi ne, %convert_element_type3A_231, %cond3A_232 : i32
        scf.if %cond3A_233 {
          "tpu.region"() ({
            %run_scoped3A = tpu.sem_alloc : memref<!tpu.dma_semaphore, #tpu.memory_space<semaphore_mem>>
            %dma_start3A_234 = arith.constant 19488 : i32
            %dma_start3A_235 = arith.constant 0 : i32
            %dma_start3A_236 = tpu.memref_slice %arg9[%dma_start3A_234, %dma_start3A_235] : memref<30024x64xf32, #tpu.memory_space<hbm>> -> memref<528x64xf32, #tpu.memory_space<hbm>>
            %dma_start3A_237 = arith.constant 9480 : i32
            %dma_start3A_238 = arith.constant 0 : i32
            %dma_start3A_239 = tpu.memref_slice %arg18[%dma_start3A_237, %dma_start3A_238] : memref<10008x64xf32, #tpu.memory_space<vmem_shared>> -> memref<528x64xf32, #tpu.memory_space<vmem_shared>>
            tpu.enqueue_dma source(%dma_start3A_239 : memref<528x64xf32, #tpu.memory_space<vmem_shared>>) target(%dma_start3A_236 : memref<528x64xf32, #tpu.memory_space<hbm>>) target_semaphore(%run_scoped3A : memref<!tpu.dma_semaphore, #tpu.memory_space<semaphore_mem>>)
            %dma_wait3A_240 = arith.constant 19488 : i32
            %dma_wait3A_241 = arith.constant 0 : i32
            %dma_wait3A_242 = tpu.memref_slice %arg9[%dma_wait3A_240, %dma_wait3A_241] : memref<30024x64xf32, #tpu.memory_space<hbm>> -> memref<528x64xf32, #tpu.memory_space<hbm>>
            %dma_wait3A_243 = arith.constant 9480 : i32
            %dma_wait3A_244 = arith.constant 0 : i32
            %dma_wait3A_245 = tpu.memref_slice %arg18[%dma_wait3A_243, %dma_wait3A_244] : memref<10008x64xf32, #tpu.memory_space<vmem_shared>> -> memref<528x64xf32, #tpu.memory_space<vmem_shared>>
            tpu.wait_dma2 semaphore(%run_scoped3A : memref<!tpu.dma_semaphore, #tpu.memory_space<semaphore_mem>>) src(%dma_wait3A_245 : memref<528x64xf32, #tpu.memory_space<vmem_shared>>) dst(%dma_wait3A_242 : memref<528x64xf32, #tpu.memory_space<hbm>>)
            tpu.yield
          }) : () -> ()
        } else {
        }
        "tpu.region"() ({
          %run_scoped3A = tpu.sem_alloc : memref<!tpu.dma_semaphore, #tpu.memory_space<semaphore_mem>>
          %dma_start3A_234 = arith.constant 9480 : i32
          %dma_start3A_235 = arith.constant 0 : i32
          %dma_start3A_236 = tpu.memref_slice %arg18[%dma_start3A_234, %dma_start3A_235] : memref<10008x64xf32, #tpu.memory_space<vmem_shared>> -> memref<528x64xf32, #tpu.memory_space<vmem_shared>>
          %dma_start3A_237 = arith.constant 0 : i32
          %dma_start3A_238 = arith.constant 0 : i32
          %dma_start3A_239 = tpu.memref_slice %arg6[%dma_start3A_237, %dma_start3A_238] : memref<632x64xf32, #tpu.memory_space<hbm>> -> memref<528x64xf32, #tpu.memory_space<hbm>>
          tpu.enqueue_dma source(%dma_start3A_239 : memref<528x64xf32, #tpu.memory_space<hbm>>) target(%dma_start3A_236 : memref<528x64xf32, #tpu.memory_space<vmem_shared>>) target_semaphore(%run_scoped3A : memref<!tpu.dma_semaphore, #tpu.memory_space<semaphore_mem>>)
          %dma_wait3A_240 = arith.constant 9480 : i32
          %dma_wait3A_241 = arith.constant 0 : i32
          %dma_wait3A_242 = tpu.memref_slice %arg18[%dma_wait3A_240, %dma_wait3A_241] : memref<10008x64xf32, #tpu.memory_space<vmem_shared>> -> memref<528x64xf32, #tpu.memory_space<vmem_shared>>
          %dma_wait3A_243 = arith.constant 0 : i32
          %dma_wait3A_244 = arith.constant 0 : i32
          %dma_wait3A_245 = tpu.memref_slice %arg6[%dma_wait3A_243, %dma_wait3A_244] : memref<632x64xf32, #tpu.memory_space<hbm>> -> memref<528x64xf32, #tpu.memory_space<hbm>>
          tpu.wait_dma2 semaphore(%run_scoped3A : memref<!tpu.dma_semaphore, #tpu.memory_space<semaphore_mem>>) src(%dma_wait3A_245 : memref<528x64xf32, #tpu.memory_space<hbm>>) dst(%dma_wait3A_242 : memref<528x64xf32, #tpu.memory_space<vmem_shared>>)
          tpu.yield
        }) : () -> ()
      } else {
      }
      %barrier3A_223 = arith.constant 0 : index
      tpu.barrier barrier_id(%barrier3A_223)
    } else {
    }
    %eq3A_11 = arith.constant 1 : i32
    %eq3A_12 = arith.cmpi eq, %arg0, %eq3A_11 : i32
    %convert_element_type3A_13 = arith.extui %eq3A_12 : i1 to i32
    %cond3A_14 = arith.constant 0 : i32
    %cond3A_15 = arith.cmpi ne, %convert_element_type3A_13, %cond3A_14 : i32
    scf.if %cond3A_15 {
      %dma_start3A = arith.constant 0 : i32
      %dma_start3A_90 = arith.constant 0 : i32
      %dma_start3A_91 = tpu.memref_slice %arg10[%dma_start3A, %dma_start3A_90] : memref<160x128xi32, #tpu.memory_space<vmem>> -> memref<1x128xi32, #tpu.memory_space<vmem>>
      %dma_start3A_92 = tpu.memref_squeeze %dma_start3A_91 : memref<1x128xi32, #tpu.memory_space<vmem>> -> memref<128xi32, #tpu.memory_space<vmem>>
      %dma_start3A_93 = arith.constant 0 : i32
      %dma_start3A_94 = arith.constant 0 : i32
      %dma_start3A_95 = tpu.memref_slice %arg3[%dma_start3A_93, %dma_start3A_94] : memref<20000x64xf32, #tpu.memory_space<hbm>> -> memref<20000x64xf32, #tpu.memory_space<hbm>>
      tpu.enqueue_indirect_dma source(%dma_start3A_95 : memref<20000x64xf32, #tpu.memory_space<hbm>>) target(%arg12 : memref<128x64xf32, #tpu.memory_space<vmem>>) offsets(%dma_start3A_92 : memref<128xi32, #tpu.memory_space<vmem>>) semaphore(%arg19 : memref<!tpu.dma_semaphore, #tpu.memory_space<semaphore_mem>>)
      %dma_start3A_96 = arith.constant 1 : i32
      %dma_start3A_97 = arith.constant 0 : i32
      %dma_start3A_98 = tpu.memref_slice %arg10[%dma_start3A_96, %dma_start3A_97] : memref<160x128xi32, #tpu.memory_space<vmem>> -> memref<1x128xi32, #tpu.memory_space<vmem>>
      %dma_start3A_99 = tpu.memref_squeeze %dma_start3A_98 : memref<1x128xi32, #tpu.memory_space<vmem>> -> memref<128xi32, #tpu.memory_space<vmem>>
      %dma_start3A_100 = arith.constant 0 : i32
      %dma_start3A_101 = arith.constant 0 : i32
      %dma_start3A_102 = tpu.memref_slice %arg3[%dma_start3A_100, %dma_start3A_101] : memref<20000x64xf32, #tpu.memory_space<hbm>> -> memref<20000x64xf32, #tpu.memory_space<hbm>>
      tpu.enqueue_indirect_dma source(%dma_start3A_102 : memref<20000x64xf32, #tpu.memory_space<hbm>>) target(%arg13 : memref<128x64xf32, #tpu.memory_space<vmem>>) offsets(%dma_start3A_99 : memref<128xi32, #tpu.memory_space<vmem>>) semaphore(%arg20 : memref<!tpu.dma_semaphore, #tpu.memory_space<semaphore_mem>>)
      %dma_start3A_103 = arith.constant 2 : i32
      %dma_start3A_104 = arith.constant 0 : i32
      %dma_start3A_105 = tpu.memref_slice %arg10[%dma_start3A_103, %dma_start3A_104] : memref<160x128xi32, #tpu.memory_space<vmem>> -> memref<1x128xi32, #tpu.memory_space<vmem>>
      %dma_start3A_106 = tpu.memref_squeeze %dma_start3A_105 : memref<1x128xi32, #tpu.memory_space<vmem>> -> memref<128xi32, #tpu.memory_space<vmem>>
      %dma_start3A_107 = arith.constant 0 : i32
      %dma_start3A_108 = arith.constant 0 : i32
      %dma_start3A_109 = tpu.memref_slice %arg3[%dma_start3A_107, %dma_start3A_108] : memref<20000x64xf32, #tpu.memory_space<hbm>> -> memref<20000x64xf32, #tpu.memory_space<hbm>>
      tpu.enqueue_indirect_dma source(%dma_start3A_109 : memref<20000x64xf32, #tpu.memory_space<hbm>>) target(%arg14 : memref<128x64xf32, #tpu.memory_space<vmem>>) offsets(%dma_start3A_106 : memref<128xi32, #tpu.memory_space<vmem>>) semaphore(%arg21 : memref<!tpu.dma_semaphore, #tpu.memory_space<semaphore_mem>>)
      %dma_start3A_110 = arith.constant 3 : i32
      %dma_start3A_111 = arith.constant 0 : i32
      %dma_start3A_112 = tpu.memref_slice %arg10[%dma_start3A_110, %dma_start3A_111] : memref<160x128xi32, #tpu.memory_space<vmem>> -> memref<1x128xi32, #tpu.memory_space<vmem>>
      %dma_start3A_113 = tpu.memref_squeeze %dma_start3A_112 : memref<1x128xi32, #tpu.memory_space<vmem>> -> memref<128xi32, #tpu.memory_space<vmem>>
      %dma_start3A_114 = arith.constant 0 : i32
      %dma_start3A_115 = arith.constant 0 : i32
      %dma_start3A_116 = tpu.memref_slice %arg3[%dma_start3A_114, %dma_start3A_115] : memref<20000x64xf32, #tpu.memory_space<hbm>> -> memref<20000x64xf32, #tpu.memory_space<hbm>>
      tpu.enqueue_indirect_dma source(%dma_start3A_116 : memref<20000x64xf32, #tpu.memory_space<hbm>>) target(%arg15 : memref<128x64xf32, #tpu.memory_space<vmem>>) offsets(%dma_start3A_113 : memref<128xi32, #tpu.memory_space<vmem>>) semaphore(%arg22 : memref<!tpu.dma_semaphore, #tpu.memory_space<semaphore_mem>>)
      %dma_start3A_117 = arith.constant 4 : i32
      %dma_start3A_118 = arith.constant 0 : i32
      %dma_start3A_119 = tpu.memref_slice %arg10[%dma_start3A_117, %dma_start3A_118] : memref<160x128xi32, #tpu.memory_space<vmem>> -> memref<1x128xi32, #tpu.memory_space<vmem>>
      %dma_start3A_120 = tpu.memref_squeeze %dma_start3A_119 : memref<1x128xi32, #tpu.memory_space<vmem>> -> memref<128xi32, #tpu.memory_space<vmem>>
      %dma_start3A_121 = arith.constant 0 : i32
      %dma_start3A_122 = arith.constant 0 : i32
      %dma_start3A_123 = tpu.memref_slice %arg3[%dma_start3A_121, %dma_start3A_122] : memref<20000x64xf32, #tpu.memory_space<hbm>> -> memref<20000x64xf32, #tpu.memory_space<hbm>>
      tpu.enqueue_indirect_dma source(%dma_start3A_123 : memref<20000x64xf32, #tpu.memory_space<hbm>>) target(%arg16 : memref<128x64xf32, #tpu.memory_space<vmem>>) offsets(%dma_start3A_120 : memref<128xi32, #tpu.memory_space<vmem>>) semaphore(%arg23 : memref<!tpu.dma_semaphore, #tpu.memory_space<semaphore_mem>>)
      %scan3A_124 = arith.constant 0 : i32
      %scan3A_125 = arith.constant 0 : i32
      %scan3A_126 = arith.constant 32 : i32
      %scan3A_127 = arith.addi %scan3A_125, %scan3A_126 : i32
      %scan3A_128 = arith.constant 1 : i32
      scf.for %scan3A_224 = %scan3A_125 to %scan3A_127 step %scan3A_128  : i32 {
        %mul3A_225 = arith.constant 5 : i32
        %mul3A_226 = arith.muli %mul3A_225, %scan3A_224 : i32
        %add3A_227 = arith.constant 0 : i32
        %add3A_228 = arith.addi %mul3A_226, %add3A_227 : i32
        %dma_wait3A_229 = arith.constant 0 : i32
        %dma_wait3A_230 = tpu.memref_slice %arg10[%add3A_228, %dma_wait3A_229] : memref<160x128xi32, #tpu.memory_space<vmem>> -> memref<1x128xi32, #tpu.memory_space<vmem>>
        %dma_wait3A_231 = tpu.memref_squeeze %dma_wait3A_230 : memref<1x128xi32, #tpu.memory_space<vmem>> -> memref<128xi32, #tpu.memory_space<vmem>>
        %dma_wait3A_232 = arith.constant 0 : i32
        %dma_wait3A_233 = arith.constant 0 : i32
        %dma_wait3A_234 = tpu.memref_slice %arg3[%dma_wait3A_232, %dma_wait3A_233] : memref<20000x64xf32, #tpu.memory_space<hbm>> -> memref<20000x64xf32, #tpu.memory_space<hbm>>
        tpu.wait_indirect_dma semaphore(%arg19 : memref<!tpu.dma_semaphore, #tpu.memory_space<semaphore_mem>>) src(%dma_wait3A_234 : memref<20000x64xf32, #tpu.memory_space<hbm>>) dst(%arg12 : memref<128x64xf32, #tpu.memory_space<vmem>>)
        %dma_start3A_235 = arith.constant 0 : i32
        %dma_start3A_236 = tpu.memref_slice %arg11[%add3A_228, %dma_start3A_235] : memref<160x128xi32, #tpu.memory_space<vmem>> -> memref<1x128xi32, #tpu.memory_space<vmem>>
        %dma_start3A_237 = tpu.memref_squeeze %dma_start3A_236 : memref<1x128xi32, #tpu.memory_space<vmem>> -> memref<128xi32, #tpu.memory_space<vmem>>
        %dma_start3A_238 = arith.constant 0 : i32
        %dma_start3A_239 = arith.constant 0 : i32
        %dma_start3A_240 = tpu.memref_slice %arg18[%dma_start3A_238, %dma_start3A_239] : memref<10008x64xf32, #tpu.memory_space<vmem_shared>> -> memref<10008x64xf32, #tpu.memory_space<vmem_shared>>
        tpu.enqueue_indirect_dma source(%arg12 : memref<128x64xf32, #tpu.memory_space<vmem>>) target(%dma_start3A_240 : memref<10008x64xf32, #tpu.memory_space<vmem_shared>>) offsets(%dma_start3A_237 : memref<128xi32, #tpu.memory_space<vmem>>) semaphore(%arg19 : memref<!tpu.dma_semaphore, #tpu.memory_space<semaphore_mem>>) {add = true}
        %sub3A_241 = arith.constant 1 : i32
        %sub3A_242 = arith.subi %add3A_228, %sub3A_241 : i32
        %ge3A = arith.constant 0 : i32
        %ge3A_243 = arith.cmpi sge, %sub3A_242, %ge3A : i32
        %convert_element_type3A_244 = arith.extui %ge3A_243 : i1 to i32
        %cond3A_245 = arith.constant 0 : i32
        %cond3A_246 = arith.cmpi ne, %convert_element_type3A_244, %cond3A_245 : i32
        scf.if %cond3A_246 {
          %dma_wait3A_339 = arith.constant 0 : i32
          %dma_wait3A_340 = tpu.memref_slice %arg11[%sub3A_242, %dma_wait3A_339] : memref<160x128xi32, #tpu.memory_space<vmem>> -> memref<1x128xi32, #tpu.memory_space<vmem>>
          %dma_wait3A_341 = tpu.memref_squeeze %dma_wait3A_340 : memref<1x128xi32, #tpu.memory_space<vmem>> -> memref<128xi32, #tpu.memory_space<vmem>>
          %dma_wait3A_342 = arith.constant 0 : i32
          %dma_wait3A_343 = arith.constant 0 : i32
          %dma_wait3A_344 = tpu.memref_slice %arg18[%dma_wait3A_342, %dma_wait3A_343] : memref<10008x64xf32, #tpu.memory_space<vmem_shared>> -> memref<10008x64xf32, #tpu.memory_space<vmem_shared>>
          tpu.wait_indirect_dma semaphore(%arg23 : memref<!tpu.dma_semaphore, #tpu.memory_space<semaphore_mem>>) src(%arg16 : memref<128x64xf32, #tpu.memory_space<vmem>>) dst(%dma_wait3A_344 : memref<10008x64xf32, #tpu.memory_space<vmem_shared>>)
          %add3A_345 = arith.constant 5 : i32
          %add3A_346 = arith.addi %sub3A_242, %add3A_345 : i32
          %lt3A_347 = arith.constant 160 : i32
          %lt3A_348 = arith.cmpi slt, %add3A_346, %lt3A_347 : i32
          %convert_element_type3A_349 = arith.extui %lt3A_348 : i1 to i32
          %cond3A_350 = arith.constant 0 : i32
          %cond3A_351 = arith.cmpi ne, %convert_element_type3A_349, %cond3A_350 : i32
          scf.if %cond3A_351 {
            %add3A_352 = arith.constant 5 : i32
            %add3A_353 = arith.addi %sub3A_242, %add3A_352 : i32
            %dma_start3A_354 = arith.constant 0 : i32
            %dma_start3A_355 = tpu.memref_slice %arg10[%add3A_353, %dma_start3A_354] : memref<160x128xi32, #tpu.memory_space<vmem>> -> memref<1x128xi32, #tpu.memory_space<vmem>>
            %dma_start3A_356 = tpu.memref_squeeze %dma_start3A_355 : memref<1x128xi32, #tpu.memory_space<vmem>> -> memref<128xi32, #tpu.memory_space<vmem>>
            %dma_start3A_357 = arith.constant 0 : i32
            %dma_start3A_358 = arith.constant 0 : i32
            %dma_start3A_359 = tpu.memref_slice %arg3[%dma_start3A_357, %dma_start3A_358] : memref<20000x64xf32, #tpu.memory_space<hbm>> -> memref<20000x64xf32, #tpu.memory_space<hbm>>
            tpu.enqueue_indirect_dma source(%dma_start3A_359 : memref<20000x64xf32, #tpu.memory_space<hbm>>) target(%arg16 : memref<128x64xf32, #tpu.memory_space<vmem>>) offsets(%dma_start3A_356 : memref<128xi32, #tpu.memory_space<vmem>>) semaphore(%arg23 : memref<!tpu.dma_semaphore, #tpu.memory_space<semaphore_mem>>)
          } else {
          }
        } else {
        }
        %mul3A_247 = arith.constant 5 : i32
        %mul3A_248 = arith.muli %mul3A_247, %scan3A_224 : i32
        %add3A_249 = arith.constant 1 : i32
        %add3A_250 = arith.addi %mul3A_248, %add3A_249 : i32
        %dma_wait3A_251 = arith.constant 0 : i32
        %dma_wait3A_252 = tpu.memref_slice %arg10[%add3A_250, %dma_wait3A_251] : memref<160x128xi32, #tpu.memory_space<vmem>> -> memref<1x128xi32, #tpu.memory_space<vmem>>
        %dma_wait3A_253 = tpu.memref_squeeze %dma_wait3A_252 : memref<1x128xi32, #tpu.memory_space<vmem>> -> memref<128xi32, #tpu.memory_space<vmem>>
        %dma_wait3A_254 = arith.constant 0 : i32
        %dma_wait3A_255 = arith.constant 0 : i32
        %dma_wait3A_256 = tpu.memref_slice %arg3[%dma_wait3A_254, %dma_wait3A_255] : memref<20000x64xf32, #tpu.memory_space<hbm>> -> memref<20000x64xf32, #tpu.memory_space<hbm>>
        tpu.wait_indirect_dma semaphore(%arg20 : memref<!tpu.dma_semaphore, #tpu.memory_space<semaphore_mem>>) src(%dma_wait3A_256 : memref<20000x64xf32, #tpu.memory_space<hbm>>) dst(%arg13 : memref<128x64xf32, #tpu.memory_space<vmem>>)
        %dma_start3A_257 = arith.constant 0 : i32
        %dma_start3A_258 = tpu.memref_slice %arg11[%add3A_250, %dma_start3A_257] : memref<160x128xi32, #tpu.memory_space<vmem>> -> memref<1x128xi32, #tpu.memory_space<vmem>>
        %dma_start3A_259 = tpu.memref_squeeze %dma_start3A_258 : memref<1x128xi32, #tpu.memory_space<vmem>> -> memref<128xi32, #tpu.memory_space<vmem>>
        %dma_start3A_260 = arith.constant 0 : i32
        %dma_start3A_261 = arith.constant 0 : i32
        %dma_start3A_262 = tpu.memref_slice %arg18[%dma_start3A_260, %dma_start3A_261] : memref<10008x64xf32, #tpu.memory_space<vmem_shared>> -> memref<10008x64xf32, #tpu.memory_space<vmem_shared>>
        tpu.enqueue_indirect_dma source(%arg13 : memref<128x64xf32, #tpu.memory_space<vmem>>) target(%dma_start3A_262 : memref<10008x64xf32, #tpu.memory_space<vmem_shared>>) offsets(%dma_start3A_259 : memref<128xi32, #tpu.memory_space<vmem>>) semaphore(%arg20 : memref<!tpu.dma_semaphore, #tpu.memory_space<semaphore_mem>>) {add = true}
        %sub3A_263 = arith.constant 1 : i32
        %sub3A_264 = arith.subi %add3A_250, %sub3A_263 : i32
        %ge3A_265 = arith.constant 0 : i32
        %ge3A_266 = arith.cmpi sge, %sub3A_264, %ge3A_265 : i32
        %convert_element_type3A_267 = arith.extui %ge3A_266 : i1 to i32
        %cond3A_268 = arith.constant 0 : i32
        %cond3A_269 = arith.cmpi ne, %convert_element_type3A_267, %cond3A_268 : i32
        scf.if %cond3A_269 {
          %dma_wait3A_339 = arith.constant 0 : i32
          %dma_wait3A_340 = tpu.memref_slice %arg11[%sub3A_264, %dma_wait3A_339] : memref<160x128xi32, #tpu.memory_space<vmem>> -> memref<1x128xi32, #tpu.memory_space<vmem>>
          %dma_wait3A_341 = tpu.memref_squeeze %dma_wait3A_340 : memref<1x128xi32, #tpu.memory_space<vmem>> -> memref<128xi32, #tpu.memory_space<vmem>>
          %dma_wait3A_342 = arith.constant 0 : i32
          %dma_wait3A_343 = arith.constant 0 : i32
          %dma_wait3A_344 = tpu.memref_slice %arg18[%dma_wait3A_342, %dma_wait3A_343] : memref<10008x64xf32, #tpu.memory_space<vmem_shared>> -> memref<10008x64xf32, #tpu.memory_space<vmem_shared>>
          tpu.wait_indirect_dma semaphore(%arg19 : memref<!tpu.dma_semaphore, #tpu.memory_space<semaphore_mem>>) src(%arg12 : memref<128x64xf32, #tpu.memory_space<vmem>>) dst(%dma_wait3A_344 : memref<10008x64xf32, #tpu.memory_space<vmem_shared>>)
          %add3A_345 = arith.constant 5 : i32
          %add3A_346 = arith.addi %sub3A_264, %add3A_345 : i32
          %lt3A_347 = arith.constant 160 : i32
          %lt3A_348 = arith.cmpi slt, %add3A_346, %lt3A_347 : i32
          %convert_element_type3A_349 = arith.extui %lt3A_348 : i1 to i32
          %cond3A_350 = arith.constant 0 : i32
          %cond3A_351 = arith.cmpi ne, %convert_element_type3A_349, %cond3A_350 : i32
          scf.if %cond3A_351 {
            %add3A_352 = arith.constant 5 : i32
            %add3A_353 = arith.addi %sub3A_264, %add3A_352 : i32
            %dma_start3A_354 = arith.constant 0 : i32
            %dma_start3A_355 = tpu.memref_slice %arg10[%add3A_353, %dma_start3A_354] : memref<160x128xi32, #tpu.memory_space<vmem>> -> memref<1x128xi32, #tpu.memory_space<vmem>>
            %dma_start3A_356 = tpu.memref_squeeze %dma_start3A_355 : memref<1x128xi32, #tpu.memory_space<vmem>> -> memref<128xi32, #tpu.memory_space<vmem>>
            %dma_start3A_357 = arith.constant 0 : i32
            %dma_start3A_358 = arith.constant 0 : i32
            %dma_start3A_359 = tpu.memref_slice %arg3[%dma_start3A_357, %dma_start3A_358] : memref<20000x64xf32, #tpu.memory_space<hbm>> -> memref<20000x64xf32, #tpu.memory_space<hbm>>
            tpu.enqueue_indirect_dma source(%dma_start3A_359 : memref<20000x64xf32, #tpu.memory_space<hbm>>) target(%arg12 : memref<128x64xf32, #tpu.memory_space<vmem>>) offsets(%dma_start3A_356 : memref<128xi32, #tpu.memory_space<vmem>>) semaphore(%arg19 : memref<!tpu.dma_semaphore, #tpu.memory_space<semaphore_mem>>)
          } else {
          }
        } else {
        }
        %mul3A_270 = arith.constant 5 : i32
        %mul3A_271 = arith.muli %mul3A_270, %scan3A_224 : i32
        %add3A_272 = arith.constant 2 : i32
        %add3A_273 = arith.addi %mul3A_271, %add3A_272 : i32
        %dma_wait3A_274 = arith.constant 0 : i32
        %dma_wait3A_275 = tpu.memref_slice %arg10[%add3A_273, %dma_wait3A_274] : memref<160x128xi32, #tpu.memory_space<vmem>> -> memref<1x128xi32, #tpu.memory_space<vmem>>
        %dma_wait3A_276 = tpu.memref_squeeze %dma_wait3A_275 : memref<1x128xi32, #tpu.memory_space<vmem>> -> memref<128xi32, #tpu.memory_space<vmem>>
        %dma_wait3A_277 = arith.constant 0 : i32
        %dma_wait3A_278 = arith.constant 0 : i32
        %dma_wait3A_279 = tpu.memref_slice %arg3[%dma_wait3A_277, %dma_wait3A_278] : memref<20000x64xf32, #tpu.memory_space<hbm>> -> memref<20000x64xf32, #tpu.memory_space<hbm>>
        tpu.wait_indirect_dma semaphore(%arg21 : memref<!tpu.dma_semaphore, #tpu.memory_space<semaphore_mem>>) src(%dma_wait3A_279 : memref<20000x64xf32, #tpu.memory_space<hbm>>) dst(%arg14 : memref<128x64xf32, #tpu.memory_space<vmem>>)
        %dma_start3A_280 = arith.constant 0 : i32
        %dma_start3A_281 = tpu.memref_slice %arg11[%add3A_273, %dma_start3A_280] : memref<160x128xi32, #tpu.memory_space<vmem>> -> memref<1x128xi32, #tpu.memory_space<vmem>>
        %dma_start3A_282 = tpu.memref_squeeze %dma_start3A_281 : memref<1x128xi32, #tpu.memory_space<vmem>> -> memref<128xi32, #tpu.memory_space<vmem>>
        %dma_start3A_283 = arith.constant 0 : i32
        %dma_start3A_284 = arith.constant 0 : i32
        %dma_start3A_285 = tpu.memref_slice %arg18[%dma_start3A_283, %dma_start3A_284] : memref<10008x64xf32, #tpu.memory_space<vmem_shared>> -> memref<10008x64xf32, #tpu.memory_space<vmem_shared>>
        tpu.enqueue_indirect_dma source(%arg14 : memref<128x64xf32, #tpu.memory_space<vmem>>) target(%dma_start3A_285 : memref<10008x64xf32, #tpu.memory_space<vmem_shared>>) offsets(%dma_start3A_282 : memref<128xi32, #tpu.memory_space<vmem>>) semaphore(%arg21 : memref<!tpu.dma_semaphore, #tpu.memory_space<semaphore_mem>>) {add = true}
        %sub3A_286 = arith.constant 1 : i32
        %sub3A_287 = arith.subi %add3A_273, %sub3A_286 : i32
        %ge3A_288 = arith.constant 0 : i32
        %ge3A_289 = arith.cmpi sge, %sub3A_287, %ge3A_288 : i32
        %convert_element_type3A_290 = arith.extui %ge3A_289 : i1 to i32
        %cond3A_291 = arith.constant 0 : i32
        %cond3A_292 = arith.cmpi ne, %convert_element_type3A_290, %cond3A_291 : i32
        scf.if %cond3A_292 {
          %dma_wait3A_339 = arith.constant 0 : i32
          %dma_wait3A_340 = tpu.memref_slice %arg11[%sub3A_287, %dma_wait3A_339] : memref<160x128xi32, #tpu.memory_space<vmem>> -> memref<1x128xi32, #tpu.memory_space<vmem>>
          %dma_wait3A_341 = tpu.memref_squeeze %dma_wait3A_340 : memref<1x128xi32, #tpu.memory_space<vmem>> -> memref<128xi32, #tpu.memory_space<vmem>>
          %dma_wait3A_342 = arith.constant 0 : i32
          %dma_wait3A_343 = arith.constant 0 : i32
          %dma_wait3A_344 = tpu.memref_slice %arg18[%dma_wait3A_342, %dma_wait3A_343] : memref<10008x64xf32, #tpu.memory_space<vmem_shared>> -> memref<10008x64xf32, #tpu.memory_space<vmem_shared>>
          tpu.wait_indirect_dma semaphore(%arg20 : memref<!tpu.dma_semaphore, #tpu.memory_space<semaphore_mem>>) src(%arg13 : memref<128x64xf32, #tpu.memory_space<vmem>>) dst(%dma_wait3A_344 : memref<10008x64xf32, #tpu.memory_space<vmem_shared>>)
          %add3A_345 = arith.constant 5 : i32
          %add3A_346 = arith.addi %sub3A_287, %add3A_345 : i32
          %lt3A_347 = arith.constant 160 : i32
          %lt3A_348 = arith.cmpi slt, %add3A_346, %lt3A_347 : i32
          %convert_element_type3A_349 = arith.extui %lt3A_348 : i1 to i32
          %cond3A_350 = arith.constant 0 : i32
          %cond3A_351 = arith.cmpi ne, %convert_element_type3A_349, %cond3A_350 : i32
          scf.if %cond3A_351 {
            %add3A_352 = arith.constant 5 : i32
            %add3A_353 = arith.addi %sub3A_287, %add3A_352 : i32
            %dma_start3A_354 = arith.constant 0 : i32
            %dma_start3A_355 = tpu.memref_slice %arg10[%add3A_353, %dma_start3A_354] : memref<160x128xi32, #tpu.memory_space<vmem>> -> memref<1x128xi32, #tpu.memory_space<vmem>>
            %dma_start3A_356 = tpu.memref_squeeze %dma_start3A_355 : memref<1x128xi32, #tpu.memory_space<vmem>> -> memref<128xi32, #tpu.memory_space<vmem>>
            %dma_start3A_357 = arith.constant 0 : i32
            %dma_start3A_358 = arith.constant 0 : i32
            %dma_start3A_359 = tpu.memref_slice %arg3[%dma_start3A_357, %dma_start3A_358] : memref<20000x64xf32, #tpu.memory_space<hbm>> -> memref<20000x64xf32, #tpu.memory_space<hbm>>
            tpu.enqueue_indirect_dma source(%dma_start3A_359 : memref<20000x64xf32, #tpu.memory_space<hbm>>) target(%arg13 : memref<128x64xf32, #tpu.memory_space<vmem>>) offsets(%dma_start3A_356 : memref<128xi32, #tpu.memory_space<vmem>>) semaphore(%arg20 : memref<!tpu.dma_semaphore, #tpu.memory_space<semaphore_mem>>)
          } else {
          }
        } else {
        }
        %mul3A_293 = arith.constant 5 : i32
        %mul3A_294 = arith.muli %mul3A_293, %scan3A_224 : i32
        %add3A_295 = arith.constant 3 : i32
        %add3A_296 = arith.addi %mul3A_294, %add3A_295 : i32
        %dma_wait3A_297 = arith.constant 0 : i32
        %dma_wait3A_298 = tpu.memref_slice %arg10[%add3A_296, %dma_wait3A_297] : memref<160x128xi32, #tpu.memory_space<vmem>> -> memref<1x128xi32, #tpu.memory_space<vmem>>
        %dma_wait3A_299 = tpu.memref_squeeze %dma_wait3A_298 : memref<1x128xi32, #tpu.memory_space<vmem>> -> memref<128xi32, #tpu.memory_space<vmem>>
        %dma_wait3A_300 = arith.constant 0 : i32
        %dma_wait3A_301 = arith.constant 0 : i32
        %dma_wait3A_302 = tpu.memref_slice %arg3[%dma_wait3A_300, %dma_wait3A_301] : memref<20000x64xf32, #tpu.memory_space<hbm>> -> memref<20000x64xf32, #tpu.memory_space<hbm>>
        tpu.wait_indirect_dma semaphore(%arg22 : memref<!tpu.dma_semaphore, #tpu.memory_space<semaphore_mem>>) src(%dma_wait3A_302 : memref<20000x64xf32, #tpu.memory_space<hbm>>) dst(%arg15 : memref<128x64xf32, #tpu.memory_space<vmem>>)
        %dma_start3A_303 = arith.constant 0 : i32
        %dma_start3A_304 = tpu.memref_slice %arg11[%add3A_296, %dma_start3A_303] : memref<160x128xi32, #tpu.memory_space<vmem>> -> memref<1x128xi32, #tpu.memory_space<vmem>>
        %dma_start3A_305 = tpu.memref_squeeze %dma_start3A_304 : memref<1x128xi32, #tpu.memory_space<vmem>> -> memref<128xi32, #tpu.memory_space<vmem>>
        %dma_start3A_306 = arith.constant 0 : i32
        %dma_start3A_307 = arith.constant 0 : i32
        %dma_start3A_308 = tpu.memref_slice %arg18[%dma_start3A_306, %dma_start3A_307] : memref<10008x64xf32, #tpu.memory_space<vmem_shared>> -> memref<10008x64xf32, #tpu.memory_space<vmem_shared>>
        tpu.enqueue_indirect_dma source(%arg15 : memref<128x64xf32, #tpu.memory_space<vmem>>) target(%dma_start3A_308 : memref<10008x64xf32, #tpu.memory_space<vmem_shared>>) offsets(%dma_start3A_305 : memref<128xi32, #tpu.memory_space<vmem>>) semaphore(%arg22 : memref<!tpu.dma_semaphore, #tpu.memory_space<semaphore_mem>>) {add = true}
        %sub3A_309 = arith.constant 1 : i32
        %sub3A_310 = arith.subi %add3A_296, %sub3A_309 : i32
        %ge3A_311 = arith.constant 0 : i32
        %ge3A_312 = arith.cmpi sge, %sub3A_310, %ge3A_311 : i32
        %convert_element_type3A_313 = arith.extui %ge3A_312 : i1 to i32
        %cond3A_314 = arith.constant 0 : i32
        %cond3A_315 = arith.cmpi ne, %convert_element_type3A_313, %cond3A_314 : i32
        scf.if %cond3A_315 {
          %dma_wait3A_339 = arith.constant 0 : i32
          %dma_wait3A_340 = tpu.memref_slice %arg11[%sub3A_310, %dma_wait3A_339] : memref<160x128xi32, #tpu.memory_space<vmem>> -> memref<1x128xi32, #tpu.memory_space<vmem>>
          %dma_wait3A_341 = tpu.memref_squeeze %dma_wait3A_340 : memref<1x128xi32, #tpu.memory_space<vmem>> -> memref<128xi32, #tpu.memory_space<vmem>>
          %dma_wait3A_342 = arith.constant 0 : i32
          %dma_wait3A_343 = arith.constant 0 : i32
          %dma_wait3A_344 = tpu.memref_slice %arg18[%dma_wait3A_342, %dma_wait3A_343] : memref<10008x64xf32, #tpu.memory_space<vmem_shared>> -> memref<10008x64xf32, #tpu.memory_space<vmem_shared>>
          tpu.wait_indirect_dma semaphore(%arg21 : memref<!tpu.dma_semaphore, #tpu.memory_space<semaphore_mem>>) src(%arg14 : memref<128x64xf32, #tpu.memory_space<vmem>>) dst(%dma_wait3A_344 : memref<10008x64xf32, #tpu.memory_space<vmem_shared>>)
          %add3A_345 = arith.constant 5 : i32
          %add3A_346 = arith.addi %sub3A_310, %add3A_345 : i32
          %lt3A_347 = arith.constant 160 : i32
          %lt3A_348 = arith.cmpi slt, %add3A_346, %lt3A_347 : i32
          %convert_element_type3A_349 = arith.extui %lt3A_348 : i1 to i32
          %cond3A_350 = arith.constant 0 : i32
          %cond3A_351 = arith.cmpi ne, %convert_element_type3A_349, %cond3A_350 : i32
          scf.if %cond3A_351 {
            %add3A_352 = arith.constant 5 : i32
            %add3A_353 = arith.addi %sub3A_310, %add3A_352 : i32
            %dma_start3A_354 = arith.constant 0 : i32
            %dma_start3A_355 = tpu.memref_slice %arg10[%add3A_353, %dma_start3A_354] : memref<160x128xi32, #tpu.memory_space<vmem>> -> memref<1x128xi32, #tpu.memory_space<vmem>>
            %dma_start3A_356 = tpu.memref_squeeze %dma_start3A_355 : memref<1x128xi32, #tpu.memory_space<vmem>> -> memref<128xi32, #tpu.memory_space<vmem>>
            %dma_start3A_357 = arith.constant 0 : i32
            %dma_start3A_358 = arith.constant 0 : i32
            %dma_start3A_359 = tpu.memref_slice %arg3[%dma_start3A_357, %dma_start3A_358] : memref<20000x64xf32, #tpu.memory_space<hbm>> -> memref<20000x64xf32, #tpu.memory_space<hbm>>
            tpu.enqueue_indirect_dma source(%dma_start3A_359 : memref<20000x64xf32, #tpu.memory_space<hbm>>) target(%arg14 : memref<128x64xf32, #tpu.memory_space<vmem>>) offsets(%dma_start3A_356 : memref<128xi32, #tpu.memory_space<vmem>>) semaphore(%arg21 : memref<!tpu.dma_semaphore, #tpu.memory_space<semaphore_mem>>)
          } else {
          }
        } else {
        }
        %mul3A_316 = arith.constant 5 : i32
        %mul3A_317 = arith.muli %mul3A_316, %scan3A_224 : i32
        %add3A_318 = arith.constant 4 : i32
        %add3A_319 = arith.addi %mul3A_317, %add3A_318 : i32
        %dma_wait3A_320 = arith.constant 0 : i32
        %dma_wait3A_321 = tpu.memref_slice %arg10[%add3A_319, %dma_wait3A_320] : memref<160x128xi32, #tpu.memory_space<vmem>> -> memref<1x128xi32, #tpu.memory_space<vmem>>
        %dma_wait3A_322 = tpu.memref_squeeze %dma_wait3A_321 : memref<1x128xi32, #tpu.memory_space<vmem>> -> memref<128xi32, #tpu.memory_space<vmem>>
        %dma_wait3A_323 = arith.constant 0 : i32
        %dma_wait3A_324 = arith.constant 0 : i32
        %dma_wait3A_325 = tpu.memref_slice %arg3[%dma_wait3A_323, %dma_wait3A_324] : memref<20000x64xf32, #tpu.memory_space<hbm>> -> memref<20000x64xf32, #tpu.memory_space<hbm>>
        tpu.wait_indirect_dma semaphore(%arg23 : memref<!tpu.dma_semaphore, #tpu.memory_space<semaphore_mem>>) src(%dma_wait3A_325 : memref<20000x64xf32, #tpu.memory_space<hbm>>) dst(%arg16 : memref<128x64xf32, #tpu.memory_space<vmem>>)
        %dma_start3A_326 = arith.constant 0 : i32
        %dma_start3A_327 = tpu.memref_slice %arg11[%add3A_319, %dma_start3A_326] : memref<160x128xi32, #tpu.memory_space<vmem>> -> memref<1x128xi32, #tpu.memory_space<vmem>>
        %dma_start3A_328 = tpu.memref_squeeze %dma_start3A_327 : memref<1x128xi32, #tpu.memory_space<vmem>> -> memref<128xi32, #tpu.memory_space<vmem>>
        %dma_start3A_329 = arith.constant 0 : i32
        %dma_start3A_330 = arith.constant 0 : i32
        %dma_start3A_331 = tpu.memref_slice %arg18[%dma_start3A_329, %dma_start3A_330] : memref<10008x64xf32, #tpu.memory_space<vmem_shared>> -> memref<10008x64xf32, #tpu.memory_space<vmem_shared>>
        tpu.enqueue_indirect_dma source(%arg16 : memref<128x64xf32, #tpu.memory_space<vmem>>) target(%dma_start3A_331 : memref<10008x64xf32, #tpu.memory_space<vmem_shared>>) offsets(%dma_start3A_328 : memref<128xi32, #tpu.memory_space<vmem>>) semaphore(%arg23 : memref<!tpu.dma_semaphore, #tpu.memory_space<semaphore_mem>>) {add = true}
        %sub3A_332 = arith.constant 1 : i32
        %sub3A_333 = arith.subi %add3A_319, %sub3A_332 : i32
        %ge3A_334 = arith.constant 0 : i32
        %ge3A_335 = arith.cmpi sge, %sub3A_333, %ge3A_334 : i32
        %convert_element_type3A_336 = arith.extui %ge3A_335 : i1 to i32
        %cond3A_337 = arith.constant 0 : i32
        %cond3A_338 = arith.cmpi ne, %convert_element_type3A_336, %cond3A_337 : i32
        scf.if %cond3A_338 {
          %dma_wait3A_339 = arith.constant 0 : i32
          %dma_wait3A_340 = tpu.memref_slice %arg11[%sub3A_333, %dma_wait3A_339] : memref<160x128xi32, #tpu.memory_space<vmem>> -> memref<1x128xi32, #tpu.memory_space<vmem>>
          %dma_wait3A_341 = tpu.memref_squeeze %dma_wait3A_340 : memref<1x128xi32, #tpu.memory_space<vmem>> -> memref<128xi32, #tpu.memory_space<vmem>>
          %dma_wait3A_342 = arith.constant 0 : i32
          %dma_wait3A_343 = arith.constant 0 : i32
          %dma_wait3A_344 = tpu.memref_slice %arg18[%dma_wait3A_342, %dma_wait3A_343] : memref<10008x64xf32, #tpu.memory_space<vmem_shared>> -> memref<10008x64xf32, #tpu.memory_space<vmem_shared>>
          tpu.wait_indirect_dma semaphore(%arg22 : memref<!tpu.dma_semaphore, #tpu.memory_space<semaphore_mem>>) src(%arg15 : memref<128x64xf32, #tpu.memory_space<vmem>>) dst(%dma_wait3A_344 : memref<10008x64xf32, #tpu.memory_space<vmem_shared>>)
          %add3A_345 = arith.constant 5 : i32
          %add3A_346 = arith.addi %sub3A_333, %add3A_345 : i32
          %lt3A_347 = arith.constant 160 : i32
          %lt3A_348 = arith.cmpi slt, %add3A_346, %lt3A_347 : i32
          %convert_element_type3A_349 = arith.extui %lt3A_348 : i1 to i32
          %cond3A_350 = arith.constant 0 : i32
          %cond3A_351 = arith.cmpi ne, %convert_element_type3A_349, %cond3A_350 : i32
          scf.if %cond3A_351 {
            %add3A_352 = arith.constant 5 : i32
            %add3A_353 = arith.addi %sub3A_333, %add3A_352 : i32
            %dma_start3A_354 = arith.constant 0 : i32
            %dma_start3A_355 = tpu.memref_slice %arg10[%add3A_353, %dma_start3A_354] : memref<160x128xi32, #tpu.memory_space<vmem>> -> memref<1x128xi32, #tpu.memory_space<vmem>>
            %dma_start3A_356 = tpu.memref_squeeze %dma_start3A_355 : memref<1x128xi32, #tpu.memory_space<vmem>> -> memref<128xi32, #tpu.memory_space<vmem>>
            %dma_start3A_357 = arith.constant 0 : i32
            %dma_start3A_358 = arith.constant 0 : i32
            %dma_start3A_359 = tpu.memref_slice %arg3[%dma_start3A_357, %dma_start3A_358] : memref<20000x64xf32, #tpu.memory_space<hbm>> -> memref<20000x64xf32, #tpu.memory_space<hbm>>
            tpu.enqueue_indirect_dma source(%dma_start3A_359 : memref<20000x64xf32, #tpu.memory_space<hbm>>) target(%arg15 : memref<128x64xf32, #tpu.memory_space<vmem>>) offsets(%dma_start3A_356 : memref<128xi32, #tpu.memory_space<vmem>>) semaphore(%arg22 : memref<!tpu.dma_semaphore, #tpu.memory_space<semaphore_mem>>)
          } else {
          }
        } else {
        }
      }
      %scan3A_129 = arith.constant 32 : i32
      %dma_wait3A_130 = arith.constant 159 : i32
      %dma_wait3A_131 = arith.constant 0 : i32
      %dma_wait3A_132 = tpu.memref_slice %arg11[%dma_wait3A_130, %dma_wait3A_131] : memref<160x128xi32, #tpu.memory_space<vmem>> -> memref<1x128xi32, #tpu.memory_space<vmem>>
      %dma_wait3A_133 = tpu.memref_squeeze %dma_wait3A_132 : memref<1x128xi32, #tpu.memory_space<vmem>> -> memref<128xi32, #tpu.memory_space<vmem>>
      %dma_wait3A_134 = arith.constant 0 : i32
      %dma_wait3A_135 = arith.constant 0 : i32
      %dma_wait3A_136 = tpu.memref_slice %arg18[%dma_wait3A_134, %dma_wait3A_135] : memref<10008x64xf32, #tpu.memory_space<vmem_shared>> -> memref<10008x64xf32, #tpu.memory_space<vmem_shared>>
      tpu.wait_indirect_dma semaphore(%arg23 : memref<!tpu.dma_semaphore, #tpu.memory_space<semaphore_mem>>) src(%arg16 : memref<128x64xf32, #tpu.memory_space<vmem>>) dst(%dma_wait3A_136 : memref<10008x64xf32, #tpu.memory_space<vmem_shared>>)
      %barrier3A_137 = arith.constant 0 : index
      tpu.barrier barrier_id(%barrier3A_137)
      %lt3A_138 = arith.constant 15 : i32
      %lt3A_139 = arith.cmpi slt, %arg1, %lt3A_138 : i32
      %convert_element_type3A_140 = arith.extui %lt3A_139 : i1 to i32
      %cond3A_141 = arith.constant 0 : i32
      %cond3A_142 = arith.cmpi ne, %convert_element_type3A_140, %cond3A_141 : i32
      scf.if %cond3A_142 {
        %mul3A_224 = arith.constant 632 : i32
        %mul3A_225 = arith.muli %arg1, %mul3A_224 : i32
        %add3A_226 = arith.constant 0 : i32
        %add3A_227 = arith.addi %add3A_226, %mul3A_225 : i32
        %eq3A_228 = arith.constant 0 : i32
        %eq3A_229 = arith.cmpi eq, %arg0, %eq3A_228 : i32
        %convert_element_type3A_230 = arith.extui %eq3A_229 : i1 to i32
        %cond3A_231 = arith.constant 0 : i32
        %cond3A_232 = arith.cmpi ne, %convert_element_type3A_230, %cond3A_231 : i32
        scf.if %cond3A_232 {
          "tpu.region"() ({
            %run_scoped3A = tpu.sem_alloc : memref<!tpu.dma_semaphore, #tpu.memory_space<semaphore_mem>>
            %dma_start3A_238 = arith.constant 0 : i32
            %dma_start3A_239 = tpu.memref_slice %arg8[%add3A_227, %dma_start3A_238] : memref<30024x64xf32, #tpu.memory_space<hbm>> -> memref<632x64xf32, #tpu.memory_space<hbm>>
            %dma_start3A_240 = arith.constant 0 : i32
            %dma_start3A_241 = tpu.memref_slice %arg18[%mul3A_225, %dma_start3A_240] : memref<10008x64xf32, #tpu.memory_space<vmem_shared>> -> memref<632x64xf32, #tpu.memory_space<vmem_shared>>
            tpu.enqueue_dma source(%dma_start3A_241 : memref<632x64xf32, #tpu.memory_space<vmem_shared>>) target(%dma_start3A_239 : memref<632x64xf32, #tpu.memory_space<hbm>>) target_semaphore(%run_scoped3A : memref<!tpu.dma_semaphore, #tpu.memory_space<semaphore_mem>>)
            %dma_wait3A_242 = arith.constant 0 : i32
            %dma_wait3A_243 = tpu.memref_slice %arg8[%add3A_227, %dma_wait3A_242] : memref<30024x64xf32, #tpu.memory_space<hbm>> -> memref<632x64xf32, #tpu.memory_space<hbm>>
            %dma_wait3A_244 = arith.constant 0 : i32
            %dma_wait3A_245 = tpu.memref_slice %arg18[%mul3A_225, %dma_wait3A_244] : memref<10008x64xf32, #tpu.memory_space<vmem_shared>> -> memref<632x64xf32, #tpu.memory_space<vmem_shared>>
            tpu.wait_dma2 semaphore(%run_scoped3A : memref<!tpu.dma_semaphore, #tpu.memory_space<semaphore_mem>>) src(%dma_wait3A_245 : memref<632x64xf32, #tpu.memory_space<vmem_shared>>) dst(%dma_wait3A_243 : memref<632x64xf32, #tpu.memory_space<hbm>>)
            tpu.yield
          }) : () -> ()
        } else {
        }
        %eq3A_233 = arith.constant 1 : i32
        %eq3A_234 = arith.cmpi eq, %arg0, %eq3A_233 : i32
        %convert_element_type3A_235 = arith.extui %eq3A_234 : i1 to i32
        %cond3A_236 = arith.constant 0 : i32
        %cond3A_237 = arith.cmpi ne, %convert_element_type3A_235, %cond3A_236 : i32
        scf.if %cond3A_237 {
          "tpu.region"() ({
            %run_scoped3A = tpu.sem_alloc : memref<!tpu.dma_semaphore, #tpu.memory_space<semaphore_mem>>
            %dma_start3A_238 = arith.constant 0 : i32
            %dma_start3A_239 = tpu.memref_slice %arg9[%add3A_227, %dma_start3A_238] : memref<30024x64xf32, #tpu.memory_space<hbm>> -> memref<632x64xf32, #tpu.memory_space<hbm>>
            %dma_start3A_240 = arith.constant 0 : i32
            %dma_start3A_241 = tpu.memref_slice %arg18[%mul3A_225, %dma_start3A_240] : memref<10008x64xf32, #tpu.memory_space<vmem_shared>> -> memref<632x64xf32, #tpu.memory_space<vmem_shared>>
            tpu.enqueue_dma source(%dma_start3A_241 : memref<632x64xf32, #tpu.memory_space<vmem_shared>>) target(%dma_start3A_239 : memref<632x64xf32, #tpu.memory_space<hbm>>) target_semaphore(%run_scoped3A : memref<!tpu.dma_semaphore, #tpu.memory_space<semaphore_mem>>)
            %dma_wait3A_242 = arith.constant 0 : i32
            %dma_wait3A_243 = tpu.memref_slice %arg9[%add3A_227, %dma_wait3A_242] : memref<30024x64xf32, #tpu.memory_space<hbm>> -> memref<632x64xf32, #tpu.memory_space<hbm>>
            %dma_wait3A_244 = arith.constant 0 : i32
            %dma_wait3A_245 = tpu.memref_slice %arg18[%mul3A_225, %dma_wait3A_244] : memref<10008x64xf32, #tpu.memory_space<vmem_shared>> -> memref<632x64xf32, #tpu.memory_space<vmem_shared>>
            tpu.wait_dma2 semaphore(%run_scoped3A : memref<!tpu.dma_semaphore, #tpu.memory_space<semaphore_mem>>) src(%dma_wait3A_245 : memref<632x64xf32, #tpu.memory_space<vmem_shared>>) dst(%dma_wait3A_243 : memref<632x64xf32, #tpu.memory_space<hbm>>)
            tpu.yield
          }) : () -> ()
        } else {
        }
        "tpu.region"() ({
          %run_scoped3A = tpu.sem_alloc : memref<!tpu.dma_semaphore, #tpu.memory_space<semaphore_mem>>
          %dma_start3A_238 = arith.constant 0 : i32
          %dma_start3A_239 = tpu.memref_slice %arg18[%mul3A_225, %dma_start3A_238] : memref<10008x64xf32, #tpu.memory_space<vmem_shared>> -> memref<632x64xf32, #tpu.memory_space<vmem_shared>>
          %dma_start3A_240 = arith.constant 0 : i32
          %dma_start3A_241 = arith.constant 0 : i32
          %dma_start3A_242 = tpu.memref_slice %arg6[%dma_start3A_240, %dma_start3A_241] : memref<632x64xf32, #tpu.memory_space<hbm>> -> memref<632x64xf32, #tpu.memory_space<hbm>>
          tpu.enqueue_dma source(%dma_start3A_242 : memref<632x64xf32, #tpu.memory_space<hbm>>) target(%dma_start3A_239 : memref<632x64xf32, #tpu.memory_space<vmem_shared>>) target_semaphore(%run_scoped3A : memref<!tpu.dma_semaphore, #tpu.memory_space<semaphore_mem>>)
          %dma_wait3A_243 = arith.constant 0 : i32
          %dma_wait3A_244 = tpu.memref_slice %arg18[%mul3A_225, %dma_wait3A_243] : memref<10008x64xf32, #tpu.memory_space<vmem_shared>> -> memref<632x64xf32, #tpu.memory_space<vmem_shared>>
          %dma_wait3A_245 = arith.constant 0 : i32
          %dma_wait3A_246 = arith.constant 0 : i32
          %dma_wait3A_247 = tpu.memref_slice %arg6[%dma_wait3A_245, %dma_wait3A_246] : memref<632x64xf32, #tpu.memory_space<hbm>> -> memref<632x64xf32, #tpu.memory_space<hbm>>
          tpu.wait_dma2 semaphore(%run_scoped3A : memref<!tpu.dma_semaphore, #tpu.memory_space<semaphore_mem>>) src(%dma_wait3A_247 : memref<632x64xf32, #tpu.memory_space<hbm>>) dst(%dma_wait3A_244 : memref<632x64xf32, #tpu.memory_space<vmem_shared>>)
          tpu.yield
        }) : () -> ()
      } else {
      }
      %eq3A_143 = arith.constant 15 : i32
      %eq3A_144 = arith.cmpi eq, %arg1, %eq3A_143 : i32
      %convert_element_type3A_145 = arith.extui %eq3A_144 : i1 to i32
      %cond3A_146 = arith.constant 0 : i32
      %cond3A_147 = arith.cmpi ne, %convert_element_type3A_145, %cond3A_146 : i32
      scf.if %cond3A_147 {
        %eq3A_224 = arith.constant 0 : i32
        %eq3A_225 = arith.cmpi eq, %arg0, %eq3A_224 : i32
        %convert_element_type3A_226 = arith.extui %eq3A_225 : i1 to i32
        %cond3A_227 = arith.constant 0 : i32
        %cond3A_228 = arith.cmpi ne, %convert_element_type3A_226, %cond3A_227 : i32
        scf.if %cond3A_228 {
          "tpu.region"() ({
            %run_scoped3A = tpu.sem_alloc : memref<!tpu.dma_semaphore, #tpu.memory_space<semaphore_mem>>
            %dma_start3A_234 = arith.constant 9480 : i32
            %dma_start3A_235 = arith.constant 0 : i32
            %dma_start3A_236 = tpu.memref_slice %arg8[%dma_start3A_234, %dma_start3A_235] : memref<30024x64xf32, #tpu.memory_space<hbm>> -> memref<528x64xf32, #tpu.memory_space<hbm>>
            %dma_start3A_237 = arith.constant 9480 : i32
            %dma_start3A_238 = arith.constant 0 : i32
            %dma_start3A_239 = tpu.memref_slice %arg18[%dma_start3A_237, %dma_start3A_238] : memref<10008x64xf32, #tpu.memory_space<vmem_shared>> -> memref<528x64xf32, #tpu.memory_space<vmem_shared>>
            tpu.enqueue_dma source(%dma_start3A_239 : memref<528x64xf32, #tpu.memory_space<vmem_shared>>) target(%dma_start3A_236 : memref<528x64xf32, #tpu.memory_space<hbm>>) target_semaphore(%run_scoped3A : memref<!tpu.dma_semaphore, #tpu.memory_space<semaphore_mem>>)
            %dma_wait3A_240 = arith.constant 9480 : i32
            %dma_wait3A_241 = arith.constant 0 : i32
            %dma_wait3A_242 = tpu.memref_slice %arg8[%dma_wait3A_240, %dma_wait3A_241] : memref<30024x64xf32, #tpu.memory_space<hbm>> -> memref<528x64xf32, #tpu.memory_space<hbm>>
            %dma_wait3A_243 = arith.constant 9480 : i32
            %dma_wait3A_244 = arith.constant 0 : i32
            %dma_wait3A_245 = tpu.memref_slice %arg18[%dma_wait3A_243, %dma_wait3A_244] : memref<10008x64xf32, #tpu.memory_space<vmem_shared>> -> memref<528x64xf32, #tpu.memory_space<vmem_shared>>
            tpu.wait_dma2 semaphore(%run_scoped3A : memref<!tpu.dma_semaphore, #tpu.memory_space<semaphore_mem>>) src(%dma_wait3A_245 : memref<528x64xf32, #tpu.memory_space<vmem_shared>>) dst(%dma_wait3A_242 : memref<528x64xf32, #tpu.memory_space<hbm>>)
            tpu.yield
          }) : () -> ()
        } else {
        }
        %eq3A_229 = arith.constant 1 : i32
        %eq3A_230 = arith.cmpi eq, %arg0, %eq3A_229 : i32
        %convert_element_type3A_231 = arith.extui %eq3A_230 : i1 to i32
        %cond3A_232 = arith.constant 0 : i32
        %cond3A_233 = arith.cmpi ne, %convert_element_type3A_231, %cond3A_232 : i32
        scf.if %cond3A_233 {
          "tpu.region"() ({
            %run_scoped3A = tpu.sem_alloc : memref<!tpu.dma_semaphore, #tpu.memory_space<semaphore_mem>>
            %dma_start3A_234 = arith.constant 9480 : i32
            %dma_start3A_235 = arith.constant 0 : i32
            %dma_start3A_236 = tpu.memref_slice %arg9[%dma_start3A_234, %dma_start3A_235] : memref<30024x64xf32, #tpu.memory_space<hbm>> -> memref<528x64xf32, #tpu.memory_space<hbm>>
            %dma_start3A_237 = arith.constant 9480 : i32
            %dma_start3A_238 = arith.constant 0 : i32
            %dma_start3A_239 = tpu.memref_slice %arg18[%dma_start3A_237, %dma_start3A_238] : memref<10008x64xf32, #tpu.memory_space<vmem_shared>> -> memref<528x64xf32, #tpu.memory_space<vmem_shared>>
            tpu.enqueue_dma source(%dma_start3A_239 : memref<528x64xf32, #tpu.memory_space<vmem_shared>>) target(%dma_start3A_236 : memref<528x64xf32, #tpu.memory_space<hbm>>) target_semaphore(%run_scoped3A : memref<!tpu.dma_semaphore, #tpu.memory_space<semaphore_mem>>)
            %dma_wait3A_240 = arith.constant 9480 : i32
            %dma_wait3A_241 = arith.constant 0 : i32
            %dma_wait3A_242 = tpu.memref_slice %arg9[%dma_wait3A_240, %dma_wait3A_241] : memref<30024x64xf32, #tpu.memory_space<hbm>> -> memref<528x64xf32, #tpu.memory_space<hbm>>
            %dma_wait3A_243 = arith.constant 9480 : i32
            %dma_wait3A_244 = arith.constant 0 : i32
            %dma_wait3A_245 = tpu.memref_slice %arg18[%dma_wait3A_243, %dma_wait3A_244] : memref<10008x64xf32, #tpu.memory_space<vmem_shared>> -> memref<528x64xf32, #tpu.memory_space<vmem_shared>>
            tpu.wait_dma2 semaphore(%run_scoped3A : memref<!tpu.dma_semaphore, #tpu.memory_space<semaphore_mem>>) src(%dma_wait3A_245 : memref<528x64xf32, #tpu.memory_space<vmem_shared>>) dst(%dma_wait3A_242 : memref<528x64xf32, #tpu.memory_space<hbm>>)
            tpu.yield
          }) : () -> ()
        } else {
        }
        "tpu.region"() ({
          %run_scoped3A = tpu.sem_alloc : memref<!tpu.dma_semaphore, #tpu.memory_space<semaphore_mem>>
          %dma_start3A_234 = arith.constant 9480 : i32
          %dma_start3A_235 = arith.constant 0 : i32
          %dma_start3A_236 = tpu.memref_slice %arg18[%dma_start3A_234, %dma_start3A_235] : memref<10008x64xf32, #tpu.memory_space<vmem_shared>> -> memref<528x64xf32, #tpu.memory_space<vmem_shared>>
          %dma_start3A_237 = arith.constant 0 : i32
          %dma_start3A_238 = arith.constant 0 : i32
          %dma_start3A_239 = tpu.memref_slice %arg6[%dma_start3A_237, %dma_start3A_238] : memref<632x64xf32, #tpu.memory_space<hbm>> -> memref<528x64xf32, #tpu.memory_space<hbm>>
          tpu.enqueue_dma source(%dma_start3A_239 : memref<528x64xf32, #tpu.memory_space<hbm>>) target(%dma_start3A_236 : memref<528x64xf32, #tpu.memory_space<vmem_shared>>) target_semaphore(%run_scoped3A : memref<!tpu.dma_semaphore, #tpu.memory_space<semaphore_mem>>)
          %dma_wait3A_240 = arith.constant 9480 : i32
          %dma_wait3A_241 = arith.constant 0 : i32
          %dma_wait3A_242 = tpu.memref_slice %arg18[%dma_wait3A_240, %dma_wait3A_241] : memref<10008x64xf32, #tpu.memory_space<vmem_shared>> -> memref<528x64xf32, #tpu.memory_space<vmem_shared>>
          %dma_wait3A_243 = arith.constant 0 : i32
          %dma_wait3A_244 = arith.constant 0 : i32
          %dma_wait3A_245 = tpu.memref_slice %arg6[%dma_wait3A_243, %dma_wait3A_244] : memref<632x64xf32, #tpu.memory_space<hbm>> -> memref<528x64xf32, #tpu.memory_space<hbm>>
          tpu.wait_dma2 semaphore(%run_scoped3A : memref<!tpu.dma_semaphore, #tpu.memory_space<semaphore_mem>>) src(%dma_wait3A_245 : memref<528x64xf32, #tpu.memory_space<hbm>>) dst(%dma_wait3A_242 : memref<528x64xf32, #tpu.memory_space<vmem_shared>>)
          tpu.yield
        }) : () -> ()
      } else {
      }
      %barrier3A_148 = arith.constant 0 : index
      tpu.barrier barrier_id(%barrier3A_148)
      %dma_start3A_149 = arith.constant 0 : i32
      %dma_start3A_150 = arith.constant 0 : i32
      %dma_start3A_151 = tpu.memref_slice %arg10[%dma_start3A_149, %dma_start3A_150] : memref<160x128xi32, #tpu.memory_space<vmem>> -> memref<1x128xi32, #tpu.memory_space<vmem>>
      %dma_start3A_152 = tpu.memref_squeeze %dma_start3A_151 : memref<1x128xi32, #tpu.memory_space<vmem>> -> memref<128xi32, #tpu.memory_space<vmem>>
      %dma_start3A_153 = arith.constant 1 : i32
      %dma_start3A_154 = arith.constant 0 : i32
      %dma_start3A_155 = tpu.memref_slice %arg3[%dma_start3A_153, %dma_start3A_154] : memref<20000x64xf32, #tpu.memory_space<hbm>> -> memref<19999x64xf32, #tpu.memory_space<hbm>>
      %dma_start3A_156 = arith.constant 0 : i32
      %dma_start3A_157 = arith.constant 0 : i32
      %dma_start3A_158 = tpu.memref_slice %dma_start3A_155[%dma_start3A_156, %dma_start3A_157] : memref<19999x64xf32, #tpu.memory_space<hbm>> -> memref<19999x64xf32, #tpu.memory_space<hbm>>
      tpu.enqueue_indirect_dma source(%dma_start3A_158 : memref<19999x64xf32, #tpu.memory_space<hbm>>) target(%arg12 : memref<128x64xf32, #tpu.memory_space<vmem>>) offsets(%dma_start3A_152 : memref<128xi32, #tpu.memory_space<vmem>>) semaphore(%arg19 : memref<!tpu.dma_semaphore, #tpu.memory_space<semaphore_mem>>)
      %dma_start3A_159 = arith.constant 1 : i32
      %dma_start3A_160 = arith.constant 0 : i32
      %dma_start3A_161 = tpu.memref_slice %arg10[%dma_start3A_159, %dma_start3A_160] : memref<160x128xi32, #tpu.memory_space<vmem>> -> memref<1x128xi32, #tpu.memory_space<vmem>>
      %dma_start3A_162 = tpu.memref_squeeze %dma_start3A_161 : memref<1x128xi32, #tpu.memory_space<vmem>> -> memref<128xi32, #tpu.memory_space<vmem>>
      %dma_start3A_163 = arith.constant 1 : i32
      %dma_start3A_164 = arith.constant 0 : i32
      %dma_start3A_165 = tpu.memref_slice %arg3[%dma_start3A_163, %dma_start3A_164] : memref<20000x64xf32, #tpu.memory_space<hbm>> -> memref<19999x64xf32, #tpu.memory_space<hbm>>
      %dma_start3A_166 = arith.constant 0 : i32
      %dma_start3A_167 = arith.constant 0 : i32
      %dma_start3A_168 = tpu.memref_slice %dma_start3A_165[%dma_start3A_166, %dma_start3A_167] : memref<19999x64xf32, #tpu.memory_space<hbm>> -> memref<19999x64xf32, #tpu.memory_space<hbm>>
      tpu.enqueue_indirect_dma source(%dma_start3A_168 : memref<19999x64xf32, #tpu.memory_space<hbm>>) target(%arg13 : memref<128x64xf32, #tpu.memory_space<vmem>>) offsets(%dma_start3A_162 : memref<128xi32, #tpu.memory_space<vmem>>) semaphore(%arg20 : memref<!tpu.dma_semaphore, #tpu.memory_space<semaphore_mem>>)
      %dma_start3A_169 = arith.constant 2 : i32
      %dma_start3A_170 = arith.constant 0 : i32
      %dma_start3A_171 = tpu.memref_slice %arg10[%dma_start3A_169, %dma_start3A_170] : memref<160x128xi32, #tpu.memory_space<vmem>> -> memref<1x128xi32, #tpu.memory_space<vmem>>
      %dma_start3A_172 = tpu.memref_squeeze %dma_start3A_171 : memref<1x128xi32, #tpu.memory_space<vmem>> -> memref<128xi32, #tpu.memory_space<vmem>>
      %dma_start3A_173 = arith.constant 1 : i32
      %dma_start3A_174 = arith.constant 0 : i32
      %dma_start3A_175 = tpu.memref_slice %arg3[%dma_start3A_173, %dma_start3A_174] : memref<20000x64xf32, #tpu.memory_space<hbm>> -> memref<19999x64xf32, #tpu.memory_space<hbm>>
      %dma_start3A_176 = arith.constant 0 : i32
      %dma_start3A_177 = arith.constant 0 : i32
      %dma_start3A_178 = tpu.memref_slice %dma_start3A_175[%dma_start3A_176, %dma_start3A_177] : memref<19999x64xf32, #tpu.memory_space<hbm>> -> memref<19999x64xf32, #tpu.memory_space<hbm>>
      tpu.enqueue_indirect_dma source(%dma_start3A_178 : memref<19999x64xf32, #tpu.memory_space<hbm>>) target(%arg14 : memref<128x64xf32, #tpu.memory_space<vmem>>) offsets(%dma_start3A_172 : memref<128xi32, #tpu.memory_space<vmem>>) semaphore(%arg21 : memref<!tpu.dma_semaphore, #tpu.memory_space<semaphore_mem>>)
      %dma_start3A_179 = arith.constant 3 : i32
      %dma_start3A_180 = arith.constant 0 : i32
      %dma_start3A_181 = tpu.memref_slice %arg10[%dma_start3A_179, %dma_start3A_180] : memref<160x128xi32, #tpu.memory_space<vmem>> -> memref<1x128xi32, #tpu.memory_space<vmem>>
      %dma_start3A_182 = tpu.memref_squeeze %dma_start3A_181 : memref<1x128xi32, #tpu.memory_space<vmem>> -> memref<128xi32, #tpu.memory_space<vmem>>
      %dma_start3A_183 = arith.constant 1 : i32
      %dma_start3A_184 = arith.constant 0 : i32
      %dma_start3A_185 = tpu.memref_slice %arg3[%dma_start3A_183, %dma_start3A_184] : memref<20000x64xf32, #tpu.memory_space<hbm>> -> memref<19999x64xf32, #tpu.memory_space<hbm>>
      %dma_start3A_186 = arith.constant 0 : i32
      %dma_start3A_187 = arith.constant 0 : i32
      %dma_start3A_188 = tpu.memref_slice %dma_start3A_185[%dma_start3A_186, %dma_start3A_187] : memref<19999x64xf32, #tpu.memory_space<hbm>> -> memref<19999x64xf32, #tpu.memory_space<hbm>>
      tpu.enqueue_indirect_dma source(%dma_start3A_188 : memref<19999x64xf32, #tpu.memory_space<hbm>>) target(%arg15 : memref<128x64xf32, #tpu.memory_space<vmem>>) offsets(%dma_start3A_182 : memref<128xi32, #tpu.memory_space<vmem>>) semaphore(%arg22 : memref<!tpu.dma_semaphore, #tpu.memory_space<semaphore_mem>>)
      %dma_start3A_189 = arith.constant 4 : i32
      %dma_start3A_190 = arith.constant 0 : i32
      %dma_start3A_191 = tpu.memref_slice %arg10[%dma_start3A_189, %dma_start3A_190] : memref<160x128xi32, #tpu.memory_space<vmem>> -> memref<1x128xi32, #tpu.memory_space<vmem>>
      %dma_start3A_192 = tpu.memref_squeeze %dma_start3A_191 : memref<1x128xi32, #tpu.memory_space<vmem>> -> memref<128xi32, #tpu.memory_space<vmem>>
      %dma_start3A_193 = arith.constant 1 : i32
      %dma_start3A_194 = arith.constant 0 : i32
      %dma_start3A_195 = tpu.memref_slice %arg3[%dma_start3A_193, %dma_start3A_194] : memref<20000x64xf32, #tpu.memory_space<hbm>> -> memref<19999x64xf32, #tpu.memory_space<hbm>>
      %dma_start3A_196 = arith.constant 0 : i32
      %dma_start3A_197 = arith.constant 0 : i32
      %dma_start3A_198 = tpu.memref_slice %dma_start3A_195[%dma_start3A_196, %dma_start3A_197] : memref<19999x64xf32, #tpu.memory_space<hbm>> -> memref<19999x64xf32, #tpu.memory_space<hbm>>
      tpu.enqueue_indirect_dma source(%dma_start3A_198 : memref<19999x64xf32, #tpu.memory_space<hbm>>) target(%arg16 : memref<128x64xf32, #tpu.memory_space<vmem>>) offsets(%dma_start3A_192 : memref<128xi32, #tpu.memory_space<vmem>>) semaphore(%arg23 : memref<!tpu.dma_semaphore, #tpu.memory_space<semaphore_mem>>)
      %scan3A_199 = arith.constant 0 : i32
      %scan3A_200 = arith.constant 0 : i32
      %scan3A_201 = arith.constant 32 : i32
      %scan3A_202 = arith.addi %scan3A_200, %scan3A_201 : i32
      %scan3A_203 = arith.constant 1 : i32
      scf.for %scan3A_224 = %scan3A_200 to %scan3A_202 step %scan3A_203  : i32 {
        %mul3A_225 = arith.constant 5 : i32
        %mul3A_226 = arith.muli %mul3A_225, %scan3A_224 : i32
        %add3A_227 = arith.constant 0 : i32
        %add3A_228 = arith.addi %mul3A_226, %add3A_227 : i32
        %dma_wait3A_229 = arith.constant 0 : i32
        %dma_wait3A_230 = tpu.memref_slice %arg10[%add3A_228, %dma_wait3A_229] : memref<160x128xi32, #tpu.memory_space<vmem>> -> memref<1x128xi32, #tpu.memory_space<vmem>>
        %dma_wait3A_231 = tpu.memref_squeeze %dma_wait3A_230 : memref<1x128xi32, #tpu.memory_space<vmem>> -> memref<128xi32, #tpu.memory_space<vmem>>
        %dma_wait3A_232 = arith.constant 1 : i32
        %dma_wait3A_233 = arith.constant 0 : i32
        %dma_wait3A_234 = tpu.memref_slice %arg3[%dma_wait3A_232, %dma_wait3A_233] : memref<20000x64xf32, #tpu.memory_space<hbm>> -> memref<19999x64xf32, #tpu.memory_space<hbm>>
        %dma_wait3A_235 = arith.constant 0 : i32
        %dma_wait3A_236 = arith.constant 0 : i32
        %dma_wait3A_237 = tpu.memref_slice %dma_wait3A_234[%dma_wait3A_235, %dma_wait3A_236] : memref<19999x64xf32, #tpu.memory_space<hbm>> -> memref<19999x64xf32, #tpu.memory_space<hbm>>
        tpu.wait_indirect_dma semaphore(%arg19 : memref<!tpu.dma_semaphore, #tpu.memory_space<semaphore_mem>>) src(%dma_wait3A_237 : memref<19999x64xf32, #tpu.memory_space<hbm>>) dst(%arg12 : memref<128x64xf32, #tpu.memory_space<vmem>>)
        %dma_start3A_238 = arith.constant 0 : i32
        %dma_start3A_239 = tpu.memref_slice %arg11[%add3A_228, %dma_start3A_238] : memref<160x128xi32, #tpu.memory_space<vmem>> -> memref<1x128xi32, #tpu.memory_space<vmem>>
        %dma_start3A_240 = tpu.memref_squeeze %dma_start3A_239 : memref<1x128xi32, #tpu.memory_space<vmem>> -> memref<128xi32, #tpu.memory_space<vmem>>
        %dma_start3A_241 = arith.constant 0 : i32
        %dma_start3A_242 = arith.constant 0 : i32
        %dma_start3A_243 = tpu.memref_slice %arg18[%dma_start3A_241, %dma_start3A_242] : memref<10008x64xf32, #tpu.memory_space<vmem_shared>> -> memref<10008x64xf32, #tpu.memory_space<vmem_shared>>
        tpu.enqueue_indirect_dma source(%arg12 : memref<128x64xf32, #tpu.memory_space<vmem>>) target(%dma_start3A_243 : memref<10008x64xf32, #tpu.memory_space<vmem_shared>>) offsets(%dma_start3A_240 : memref<128xi32, #tpu.memory_space<vmem>>) semaphore(%arg19 : memref<!tpu.dma_semaphore, #tpu.memory_space<semaphore_mem>>) {add = true}
        %sub3A_244 = arith.constant 1 : i32
        %sub3A_245 = arith.subi %add3A_228, %sub3A_244 : i32
        %ge3A = arith.constant 0 : i32
        %ge3A_246 = arith.cmpi sge, %sub3A_245, %ge3A : i32
        %convert_element_type3A_247 = arith.extui %ge3A_246 : i1 to i32
        %cond3A_248 = arith.constant 0 : i32
        %cond3A_249 = arith.cmpi ne, %convert_element_type3A_247, %cond3A_248 : i32
        scf.if %cond3A_249 {
          %dma_wait3A_354 = arith.constant 0 : i32
          %dma_wait3A_355 = tpu.memref_slice %arg11[%sub3A_245, %dma_wait3A_354] : memref<160x128xi32, #tpu.memory_space<vmem>> -> memref<1x128xi32, #tpu.memory_space<vmem>>
          %dma_wait3A_356 = tpu.memref_squeeze %dma_wait3A_355 : memref<1x128xi32, #tpu.memory_space<vmem>> -> memref<128xi32, #tpu.memory_space<vmem>>
          %dma_wait3A_357 = arith.constant 0 : i32
          %dma_wait3A_358 = arith.constant 0 : i32
          %dma_wait3A_359 = tpu.memref_slice %arg18[%dma_wait3A_357, %dma_wait3A_358] : memref<10008x64xf32, #tpu.memory_space<vmem_shared>> -> memref<10008x64xf32, #tpu.memory_space<vmem_shared>>
          tpu.wait_indirect_dma semaphore(%arg23 : memref<!tpu.dma_semaphore, #tpu.memory_space<semaphore_mem>>) src(%arg16 : memref<128x64xf32, #tpu.memory_space<vmem>>) dst(%dma_wait3A_359 : memref<10008x64xf32, #tpu.memory_space<vmem_shared>>)
          %add3A_360 = arith.constant 5 : i32
          %add3A_361 = arith.addi %sub3A_245, %add3A_360 : i32
          %lt3A_362 = arith.constant 160 : i32
          %lt3A_363 = arith.cmpi slt, %add3A_361, %lt3A_362 : i32
          %convert_element_type3A_364 = arith.extui %lt3A_363 : i1 to i32
          %cond3A_365 = arith.constant 0 : i32
          %cond3A_366 = arith.cmpi ne, %convert_element_type3A_364, %cond3A_365 : i32
          scf.if %cond3A_366 {
            %add3A_367 = arith.constant 5 : i32
            %add3A_368 = arith.addi %sub3A_245, %add3A_367 : i32
            %dma_start3A_369 = arith.constant 0 : i32
            %dma_start3A_370 = tpu.memref_slice %arg10[%add3A_368, %dma_start3A_369] : memref<160x128xi32, #tpu.memory_space<vmem>> -> memref<1x128xi32, #tpu.memory_space<vmem>>
            %dma_start3A_371 = tpu.memref_squeeze %dma_start3A_370 : memref<1x128xi32, #tpu.memory_space<vmem>> -> memref<128xi32, #tpu.memory_space<vmem>>
            %dma_start3A_372 = arith.constant 1 : i32
            %dma_start3A_373 = arith.constant 0 : i32
            %dma_start3A_374 = tpu.memref_slice %arg3[%dma_start3A_372, %dma_start3A_373] : memref<20000x64xf32, #tpu.memory_space<hbm>> -> memref<19999x64xf32, #tpu.memory_space<hbm>>
            %dma_start3A_375 = arith.constant 0 : i32
            %dma_start3A_376 = arith.constant 0 : i32
            %dma_start3A_377 = tpu.memref_slice %dma_start3A_374[%dma_start3A_375, %dma_start3A_376] : memref<19999x64xf32, #tpu.memory_space<hbm>> -> memref<19999x64xf32, #tpu.memory_space<hbm>>
            tpu.enqueue_indirect_dma source(%dma_start3A_377 : memref<19999x64xf32, #tpu.memory_space<hbm>>) target(%arg16 : memref<128x64xf32, #tpu.memory_space<vmem>>) offsets(%dma_start3A_371 : memref<128xi32, #tpu.memory_space<vmem>>) semaphore(%arg23 : memref<!tpu.dma_semaphore, #tpu.memory_space<semaphore_mem>>)
          } else {
          }
        } else {
        }
        %mul3A_250 = arith.constant 5 : i32
        %mul3A_251 = arith.muli %mul3A_250, %scan3A_224 : i32
        %add3A_252 = arith.constant 1 : i32
        %add3A_253 = arith.addi %mul3A_251, %add3A_252 : i32
        %dma_wait3A_254 = arith.constant 0 : i32
        %dma_wait3A_255 = tpu.memref_slice %arg10[%add3A_253, %dma_wait3A_254] : memref<160x128xi32, #tpu.memory_space<vmem>> -> memref<1x128xi32, #tpu.memory_space<vmem>>
        %dma_wait3A_256 = tpu.memref_squeeze %dma_wait3A_255 : memref<1x128xi32, #tpu.memory_space<vmem>> -> memref<128xi32, #tpu.memory_space<vmem>>
        %dma_wait3A_257 = arith.constant 1 : i32
        %dma_wait3A_258 = arith.constant 0 : i32
        %dma_wait3A_259 = tpu.memref_slice %arg3[%dma_wait3A_257, %dma_wait3A_258] : memref<20000x64xf32, #tpu.memory_space<hbm>> -> memref<19999x64xf32, #tpu.memory_space<hbm>>
        %dma_wait3A_260 = arith.constant 0 : i32
        %dma_wait3A_261 = arith.constant 0 : i32
        %dma_wait3A_262 = tpu.memref_slice %dma_wait3A_259[%dma_wait3A_260, %dma_wait3A_261] : memref<19999x64xf32, #tpu.memory_space<hbm>> -> memref<19999x64xf32, #tpu.memory_space<hbm>>
        tpu.wait_indirect_dma semaphore(%arg20 : memref<!tpu.dma_semaphore, #tpu.memory_space<semaphore_mem>>) src(%dma_wait3A_262 : memref<19999x64xf32, #tpu.memory_space<hbm>>) dst(%arg13 : memref<128x64xf32, #tpu.memory_space<vmem>>)
        %dma_start3A_263 = arith.constant 0 : i32
        %dma_start3A_264 = tpu.memref_slice %arg11[%add3A_253, %dma_start3A_263] : memref<160x128xi32, #tpu.memory_space<vmem>> -> memref<1x128xi32, #tpu.memory_space<vmem>>
        %dma_start3A_265 = tpu.memref_squeeze %dma_start3A_264 : memref<1x128xi32, #tpu.memory_space<vmem>> -> memref<128xi32, #tpu.memory_space<vmem>>
        %dma_start3A_266 = arith.constant 0 : i32
        %dma_start3A_267 = arith.constant 0 : i32
        %dma_start3A_268 = tpu.memref_slice %arg18[%dma_start3A_266, %dma_start3A_267] : memref<10008x64xf32, #tpu.memory_space<vmem_shared>> -> memref<10008x64xf32, #tpu.memory_space<vmem_shared>>
        tpu.enqueue_indirect_dma source(%arg13 : memref<128x64xf32, #tpu.memory_space<vmem>>) target(%dma_start3A_268 : memref<10008x64xf32, #tpu.memory_space<vmem_shared>>) offsets(%dma_start3A_265 : memref<128xi32, #tpu.memory_space<vmem>>) semaphore(%arg20 : memref<!tpu.dma_semaphore, #tpu.memory_space<semaphore_mem>>) {add = true}
        %sub3A_269 = arith.constant 1 : i32
        %sub3A_270 = arith.subi %add3A_253, %sub3A_269 : i32
        %ge3A_271 = arith.constant 0 : i32
        %ge3A_272 = arith.cmpi sge, %sub3A_270, %ge3A_271 : i32
        %convert_element_type3A_273 = arith.extui %ge3A_272 : i1 to i32
        %cond3A_274 = arith.constant 0 : i32
        %cond3A_275 = arith.cmpi ne, %convert_element_type3A_273, %cond3A_274 : i32
        scf.if %cond3A_275 {
          %dma_wait3A_354 = arith.constant 0 : i32
          %dma_wait3A_355 = tpu.memref_slice %arg11[%sub3A_270, %dma_wait3A_354] : memref<160x128xi32, #tpu.memory_space<vmem>> -> memref<1x128xi32, #tpu.memory_space<vmem>>
          %dma_wait3A_356 = tpu.memref_squeeze %dma_wait3A_355 : memref<1x128xi32, #tpu.memory_space<vmem>> -> memref<128xi32, #tpu.memory_space<vmem>>
          %dma_wait3A_357 = arith.constant 0 : i32
          %dma_wait3A_358 = arith.constant 0 : i32
          %dma_wait3A_359 = tpu.memref_slice %arg18[%dma_wait3A_357, %dma_wait3A_358] : memref<10008x64xf32, #tpu.memory_space<vmem_shared>> -> memref<10008x64xf32, #tpu.memory_space<vmem_shared>>
          tpu.wait_indirect_dma semaphore(%arg19 : memref<!tpu.dma_semaphore, #tpu.memory_space<semaphore_mem>>) src(%arg12 : memref<128x64xf32, #tpu.memory_space<vmem>>) dst(%dma_wait3A_359 : memref<10008x64xf32, #tpu.memory_space<vmem_shared>>)
          %add3A_360 = arith.constant 5 : i32
          %add3A_361 = arith.addi %sub3A_270, %add3A_360 : i32
          %lt3A_362 = arith.constant 160 : i32
          %lt3A_363 = arith.cmpi slt, %add3A_361, %lt3A_362 : i32
          %convert_element_type3A_364 = arith.extui %lt3A_363 : i1 to i32
          %cond3A_365 = arith.constant 0 : i32
          %cond3A_366 = arith.cmpi ne, %convert_element_type3A_364, %cond3A_365 : i32
          scf.if %cond3A_366 {
            %add3A_367 = arith.constant 5 : i32
            %add3A_368 = arith.addi %sub3A_270, %add3A_367 : i32
            %dma_start3A_369 = arith.constant 0 : i32
            %dma_start3A_370 = tpu.memref_slice %arg10[%add3A_368, %dma_start3A_369] : memref<160x128xi32, #tpu.memory_space<vmem>> -> memref<1x128xi32, #tpu.memory_space<vmem>>
            %dma_start3A_371 = tpu.memref_squeeze %dma_start3A_370 : memref<1x128xi32, #tpu.memory_space<vmem>> -> memref<128xi32, #tpu.memory_space<vmem>>
            %dma_start3A_372 = arith.constant 1 : i32
            %dma_start3A_373 = arith.constant 0 : i32
            %dma_start3A_374 = tpu.memref_slice %arg3[%dma_start3A_372, %dma_start3A_373] : memref<20000x64xf32, #tpu.memory_space<hbm>> -> memref<19999x64xf32, #tpu.memory_space<hbm>>
            %dma_start3A_375 = arith.constant 0 : i32
            %dma_start3A_376 = arith.constant 0 : i32
            %dma_start3A_377 = tpu.memref_slice %dma_start3A_374[%dma_start3A_375, %dma_start3A_376] : memref<19999x64xf32, #tpu.memory_space<hbm>> -> memref<19999x64xf32, #tpu.memory_space<hbm>>
            tpu.enqueue_indirect_dma source(%dma_start3A_377 : memref<19999x64xf32, #tpu.memory_space<hbm>>) target(%arg12 : memref<128x64xf32, #tpu.memory_space<vmem>>) offsets(%dma_start3A_371 : memref<128xi32, #tpu.memory_space<vmem>>) semaphore(%arg19 : memref<!tpu.dma_semaphore, #tpu.memory_space<semaphore_mem>>)
          } else {
          }
        } else {
        }
        %mul3A_276 = arith.constant 5 : i32
        %mul3A_277 = arith.muli %mul3A_276, %scan3A_224 : i32
        %add3A_278 = arith.constant 2 : i32
        %add3A_279 = arith.addi %mul3A_277, %add3A_278 : i32
        %dma_wait3A_280 = arith.constant 0 : i32
        %dma_wait3A_281 = tpu.memref_slice %arg10[%add3A_279, %dma_wait3A_280] : memref<160x128xi32, #tpu.memory_space<vmem>> -> memref<1x128xi32, #tpu.memory_space<vmem>>
        %dma_wait3A_282 = tpu.memref_squeeze %dma_wait3A_281 : memref<1x128xi32, #tpu.memory_space<vmem>> -> memref<128xi32, #tpu.memory_space<vmem>>
        %dma_wait3A_283 = arith.constant 1 : i32
        %dma_wait3A_284 = arith.constant 0 : i32
        %dma_wait3A_285 = tpu.memref_slice %arg3[%dma_wait3A_283, %dma_wait3A_284] : memref<20000x64xf32, #tpu.memory_space<hbm>> -> memref<19999x64xf32, #tpu.memory_space<hbm>>
        %dma_wait3A_286 = arith.constant 0 : i32
        %dma_wait3A_287 = arith.constant 0 : i32
        %dma_wait3A_288 = tpu.memref_slice %dma_wait3A_285[%dma_wait3A_286, %dma_wait3A_287] : memref<19999x64xf32, #tpu.memory_space<hbm>> -> memref<19999x64xf32, #tpu.memory_space<hbm>>
        tpu.wait_indirect_dma semaphore(%arg21 : memref<!tpu.dma_semaphore, #tpu.memory_space<semaphore_mem>>) src(%dma_wait3A_288 : memref<19999x64xf32, #tpu.memory_space<hbm>>) dst(%arg14 : memref<128x64xf32, #tpu.memory_space<vmem>>)
        %dma_start3A_289 = arith.constant 0 : i32
        %dma_start3A_290 = tpu.memref_slice %arg11[%add3A_279, %dma_start3A_289] : memref<160x128xi32, #tpu.memory_space<vmem>> -> memref<1x128xi32, #tpu.memory_space<vmem>>
        %dma_start3A_291 = tpu.memref_squeeze %dma_start3A_290 : memref<1x128xi32, #tpu.memory_space<vmem>> -> memref<128xi32, #tpu.memory_space<vmem>>
        %dma_start3A_292 = arith.constant 0 : i32
        %dma_start3A_293 = arith.constant 0 : i32
        %dma_start3A_294 = tpu.memref_slice %arg18[%dma_start3A_292, %dma_start3A_293] : memref<10008x64xf32, #tpu.memory_space<vmem_shared>> -> memref<10008x64xf32, #tpu.memory_space<vmem_shared>>
        tpu.enqueue_indirect_dma source(%arg14 : memref<128x64xf32, #tpu.memory_space<vmem>>) target(%dma_start3A_294 : memref<10008x64xf32, #tpu.memory_space<vmem_shared>>) offsets(%dma_start3A_291 : memref<128xi32, #tpu.memory_space<vmem>>) semaphore(%arg21 : memref<!tpu.dma_semaphore, #tpu.memory_space<semaphore_mem>>) {add = true}
        %sub3A_295 = arith.constant 1 : i32
        %sub3A_296 = arith.subi %add3A_279, %sub3A_295 : i32
        %ge3A_297 = arith.constant 0 : i32
        %ge3A_298 = arith.cmpi sge, %sub3A_296, %ge3A_297 : i32
        %convert_element_type3A_299 = arith.extui %ge3A_298 : i1 to i32
        %cond3A_300 = arith.constant 0 : i32
        %cond3A_301 = arith.cmpi ne, %convert_element_type3A_299, %cond3A_300 : i32
        scf.if %cond3A_301 {
          %dma_wait3A_354 = arith.constant 0 : i32
          %dma_wait3A_355 = tpu.memref_slice %arg11[%sub3A_296, %dma_wait3A_354] : memref<160x128xi32, #tpu.memory_space<vmem>> -> memref<1x128xi32, #tpu.memory_space<vmem>>
          %dma_wait3A_356 = tpu.memref_squeeze %dma_wait3A_355 : memref<1x128xi32, #tpu.memory_space<vmem>> -> memref<128xi32, #tpu.memory_space<vmem>>
          %dma_wait3A_357 = arith.constant 0 : i32
          %dma_wait3A_358 = arith.constant 0 : i32
          %dma_wait3A_359 = tpu.memref_slice %arg18[%dma_wait3A_357, %dma_wait3A_358] : memref<10008x64xf32, #tpu.memory_space<vmem_shared>> -> memref<10008x64xf32, #tpu.memory_space<vmem_shared>>
          tpu.wait_indirect_dma semaphore(%arg20 : memref<!tpu.dma_semaphore, #tpu.memory_space<semaphore_mem>>) src(%arg13 : memref<128x64xf32, #tpu.memory_space<vmem>>) dst(%dma_wait3A_359 : memref<10008x64xf32, #tpu.memory_space<vmem_shared>>)
          %add3A_360 = arith.constant 5 : i32
          %add3A_361 = arith.addi %sub3A_296, %add3A_360 : i32
          %lt3A_362 = arith.constant 160 : i32
          %lt3A_363 = arith.cmpi slt, %add3A_361, %lt3A_362 : i32
          %convert_element_type3A_364 = arith.extui %lt3A_363 : i1 to i32
          %cond3A_365 = arith.constant 0 : i32
          %cond3A_366 = arith.cmpi ne, %convert_element_type3A_364, %cond3A_365 : i32
          scf.if %cond3A_366 {
            %add3A_367 = arith.constant 5 : i32
            %add3A_368 = arith.addi %sub3A_296, %add3A_367 : i32
            %dma_start3A_369 = arith.constant 0 : i32
            %dma_start3A_370 = tpu.memref_slice %arg10[%add3A_368, %dma_start3A_369] : memref<160x128xi32, #tpu.memory_space<vmem>> -> memref<1x128xi32, #tpu.memory_space<vmem>>
            %dma_start3A_371 = tpu.memref_squeeze %dma_start3A_370 : memref<1x128xi32, #tpu.memory_space<vmem>> -> memref<128xi32, #tpu.memory_space<vmem>>
            %dma_start3A_372 = arith.constant 1 : i32
            %dma_start3A_373 = arith.constant 0 : i32
            %dma_start3A_374 = tpu.memref_slice %arg3[%dma_start3A_372, %dma_start3A_373] : memref<20000x64xf32, #tpu.memory_space<hbm>> -> memref<19999x64xf32, #tpu.memory_space<hbm>>
            %dma_start3A_375 = arith.constant 0 : i32
            %dma_start3A_376 = arith.constant 0 : i32
            %dma_start3A_377 = tpu.memref_slice %dma_start3A_374[%dma_start3A_375, %dma_start3A_376] : memref<19999x64xf32, #tpu.memory_space<hbm>> -> memref<19999x64xf32, #tpu.memory_space<hbm>>
            tpu.enqueue_indirect_dma source(%dma_start3A_377 : memref<19999x64xf32, #tpu.memory_space<hbm>>) target(%arg13 : memref<128x64xf32, #tpu.memory_space<vmem>>) offsets(%dma_start3A_371 : memref<128xi32, #tpu.memory_space<vmem>>) semaphore(%arg20 : memref<!tpu.dma_semaphore, #tpu.memory_space<semaphore_mem>>)
          } else {
          }
        } else {
        }
        %mul3A_302 = arith.constant 5 : i32
        %mul3A_303 = arith.muli %mul3A_302, %scan3A_224 : i32
        %add3A_304 = arith.constant 3 : i32
        %add3A_305 = arith.addi %mul3A_303, %add3A_304 : i32
        %dma_wait3A_306 = arith.constant 0 : i32
        %dma_wait3A_307 = tpu.memref_slice %arg10[%add3A_305, %dma_wait3A_306] : memref<160x128xi32, #tpu.memory_space<vmem>> -> memref<1x128xi32, #tpu.memory_space<vmem>>
        %dma_wait3A_308 = tpu.memref_squeeze %dma_wait3A_307 : memref<1x128xi32, #tpu.memory_space<vmem>> -> memref<128xi32, #tpu.memory_space<vmem>>
        %dma_wait3A_309 = arith.constant 1 : i32
        %dma_wait3A_310 = arith.constant 0 : i32
        %dma_wait3A_311 = tpu.memref_slice %arg3[%dma_wait3A_309, %dma_wait3A_310] : memref<20000x64xf32, #tpu.memory_space<hbm>> -> memref<19999x64xf32, #tpu.memory_space<hbm>>
        %dma_wait3A_312 = arith.constant 0 : i32
        %dma_wait3A_313 = arith.constant 0 : i32
        %dma_wait3A_314 = tpu.memref_slice %dma_wait3A_311[%dma_wait3A_312, %dma_wait3A_313] : memref<19999x64xf32, #tpu.memory_space<hbm>> -> memref<19999x64xf32, #tpu.memory_space<hbm>>
        tpu.wait_indirect_dma semaphore(%arg22 : memref<!tpu.dma_semaphore, #tpu.memory_space<semaphore_mem>>) src(%dma_wait3A_314 : memref<19999x64xf32, #tpu.memory_space<hbm>>) dst(%arg15 : memref<128x64xf32, #tpu.memory_space<vmem>>)
        %dma_start3A_315 = arith.constant 0 : i32
        %dma_start3A_316 = tpu.memref_slice %arg11[%add3A_305, %dma_start3A_315] : memref<160x128xi32, #tpu.memory_space<vmem>> -> memref<1x128xi32, #tpu.memory_space<vmem>>
        %dma_start3A_317 = tpu.memref_squeeze %dma_start3A_316 : memref<1x128xi32, #tpu.memory_space<vmem>> -> memref<128xi32, #tpu.memory_space<vmem>>
        %dma_start3A_318 = arith.constant 0 : i32
        %dma_start3A_319 = arith.constant 0 : i32
        %dma_start3A_320 = tpu.memref_slice %arg18[%dma_start3A_318, %dma_start3A_319] : memref<10008x64xf32, #tpu.memory_space<vmem_shared>> -> memref<10008x64xf32, #tpu.memory_space<vmem_shared>>
        tpu.enqueue_indirect_dma source(%arg15 : memref<128x64xf32, #tpu.memory_space<vmem>>) target(%dma_start3A_320 : memref<10008x64xf32, #tpu.memory_space<vmem_shared>>) offsets(%dma_start3A_317 : memref<128xi32, #tpu.memory_space<vmem>>) semaphore(%arg22 : memref<!tpu.dma_semaphore, #tpu.memory_space<semaphore_mem>>) {add = true}
        %sub3A_321 = arith.constant 1 : i32
        %sub3A_322 = arith.subi %add3A_305, %sub3A_321 : i32
        %ge3A_323 = arith.constant 0 : i32
        %ge3A_324 = arith.cmpi sge, %sub3A_322, %ge3A_323 : i32
        %convert_element_type3A_325 = arith.extui %ge3A_324 : i1 to i32
        %cond3A_326 = arith.constant 0 : i32
        %cond3A_327 = arith.cmpi ne, %convert_element_type3A_325, %cond3A_326 : i32
        scf.if %cond3A_327 {
          %dma_wait3A_354 = arith.constant 0 : i32
          %dma_wait3A_355 = tpu.memref_slice %arg11[%sub3A_322, %dma_wait3A_354] : memref<160x128xi32, #tpu.memory_space<vmem>> -> memref<1x128xi32, #tpu.memory_space<vmem>>
          %dma_wait3A_356 = tpu.memref_squeeze %dma_wait3A_355 : memref<1x128xi32, #tpu.memory_space<vmem>> -> memref<128xi32, #tpu.memory_space<vmem>>
          %dma_wait3A_357 = arith.constant 0 : i32
          %dma_wait3A_358 = arith.constant 0 : i32
          %dma_wait3A_359 = tpu.memref_slice %arg18[%dma_wait3A_357, %dma_wait3A_358] : memref<10008x64xf32, #tpu.memory_space<vmem_shared>> -> memref<10008x64xf32, #tpu.memory_space<vmem_shared>>
          tpu.wait_indirect_dma semaphore(%arg21 : memref<!tpu.dma_semaphore, #tpu.memory_space<semaphore_mem>>) src(%arg14 : memref<128x64xf32, #tpu.memory_space<vmem>>) dst(%dma_wait3A_359 : memref<10008x64xf32, #tpu.memory_space<vmem_shared>>)
          %add3A_360 = arith.constant 5 : i32
          %add3A_361 = arith.addi %sub3A_322, %add3A_360 : i32
          %lt3A_362 = arith.constant 160 : i32
          %lt3A_363 = arith.cmpi slt, %add3A_361, %lt3A_362 : i32
          %convert_element_type3A_364 = arith.extui %lt3A_363 : i1 to i32
          %cond3A_365 = arith.constant 0 : i32
          %cond3A_366 = arith.cmpi ne, %convert_element_type3A_364, %cond3A_365 : i32
          scf.if %cond3A_366 {
            %add3A_367 = arith.constant 5 : i32
            %add3A_368 = arith.addi %sub3A_322, %add3A_367 : i32
            %dma_start3A_369 = arith.constant 0 : i32
            %dma_start3A_370 = tpu.memref_slice %arg10[%add3A_368, %dma_start3A_369] : memref<160x128xi32, #tpu.memory_space<vmem>> -> memref<1x128xi32, #tpu.memory_space<vmem>>
            %dma_start3A_371 = tpu.memref_squeeze %dma_start3A_370 : memref<1x128xi32, #tpu.memory_space<vmem>> -> memref<128xi32, #tpu.memory_space<vmem>>
            %dma_start3A_372 = arith.constant 1 : i32
            %dma_start3A_373 = arith.constant 0 : i32
            %dma_start3A_374 = tpu.memref_slice %arg3[%dma_start3A_372, %dma_start3A_373] : memref<20000x64xf32, #tpu.memory_space<hbm>> -> memref<19999x64xf32, #tpu.memory_space<hbm>>
            %dma_start3A_375 = arith.constant 0 : i32
            %dma_start3A_376 = arith.constant 0 : i32
            %dma_start3A_377 = tpu.memref_slice %dma_start3A_374[%dma_start3A_375, %dma_start3A_376] : memref<19999x64xf32, #tpu.memory_space<hbm>> -> memref<19999x64xf32, #tpu.memory_space<hbm>>
            tpu.enqueue_indirect_dma source(%dma_start3A_377 : memref<19999x64xf32, #tpu.memory_space<hbm>>) target(%arg14 : memref<128x64xf32, #tpu.memory_space<vmem>>) offsets(%dma_start3A_371 : memref<128xi32, #tpu.memory_space<vmem>>) semaphore(%arg21 : memref<!tpu.dma_semaphore, #tpu.memory_space<semaphore_mem>>)
          } else {
          }
        } else {
        }
        %mul3A_328 = arith.constant 5 : i32
        %mul3A_329 = arith.muli %mul3A_328, %scan3A_224 : i32
        %add3A_330 = arith.constant 4 : i32
        %add3A_331 = arith.addi %mul3A_329, %add3A_330 : i32
        %dma_wait3A_332 = arith.constant 0 : i32
        %dma_wait3A_333 = tpu.memref_slice %arg10[%add3A_331, %dma_wait3A_332] : memref<160x128xi32, #tpu.memory_space<vmem>> -> memref<1x128xi32, #tpu.memory_space<vmem>>
        %dma_wait3A_334 = tpu.memref_squeeze %dma_wait3A_333 : memref<1x128xi32, #tpu.memory_space<vmem>> -> memref<128xi32, #tpu.memory_space<vmem>>
        %dma_wait3A_335 = arith.constant 1 : i32
        %dma_wait3A_336 = arith.constant 0 : i32
        %dma_wait3A_337 = tpu.memref_slice %arg3[%dma_wait3A_335, %dma_wait3A_336] : memref<20000x64xf32, #tpu.memory_space<hbm>> -> memref<19999x64xf32, #tpu.memory_space<hbm>>
        %dma_wait3A_338 = arith.constant 0 : i32
        %dma_wait3A_339 = arith.constant 0 : i32
        %dma_wait3A_340 = tpu.memref_slice %dma_wait3A_337[%dma_wait3A_338, %dma_wait3A_339] : memref<19999x64xf32, #tpu.memory_space<hbm>> -> memref<19999x64xf32, #tpu.memory_space<hbm>>
        tpu.wait_indirect_dma semaphore(%arg23 : memref<!tpu.dma_semaphore, #tpu.memory_space<semaphore_mem>>) src(%dma_wait3A_340 : memref<19999x64xf32, #tpu.memory_space<hbm>>) dst(%arg16 : memref<128x64xf32, #tpu.memory_space<vmem>>)
        %dma_start3A_341 = arith.constant 0 : i32
        %dma_start3A_342 = tpu.memref_slice %arg11[%add3A_331, %dma_start3A_341] : memref<160x128xi32, #tpu.memory_space<vmem>> -> memref<1x128xi32, #tpu.memory_space<vmem>>
        %dma_start3A_343 = tpu.memref_squeeze %dma_start3A_342 : memref<1x128xi32, #tpu.memory_space<vmem>> -> memref<128xi32, #tpu.memory_space<vmem>>
        %dma_start3A_344 = arith.constant 0 : i32
        %dma_start3A_345 = arith.constant 0 : i32
        %dma_start3A_346 = tpu.memref_slice %arg18[%dma_start3A_344, %dma_start3A_345] : memref<10008x64xf32, #tpu.memory_space<vmem_shared>> -> memref<10008x64xf32, #tpu.memory_space<vmem_shared>>
        tpu.enqueue_indirect_dma source(%arg16 : memref<128x64xf32, #tpu.memory_space<vmem>>) target(%dma_start3A_346 : memref<10008x64xf32, #tpu.memory_space<vmem_shared>>) offsets(%dma_start3A_343 : memref<128xi32, #tpu.memory_space<vmem>>) semaphore(%arg23 : memref<!tpu.dma_semaphore, #tpu.memory_space<semaphore_mem>>) {add = true}
        %sub3A_347 = arith.constant 1 : i32
        %sub3A_348 = arith.subi %add3A_331, %sub3A_347 : i32
        %ge3A_349 = arith.constant 0 : i32
        %ge3A_350 = arith.cmpi sge, %sub3A_348, %ge3A_349 : i32
        %convert_element_type3A_351 = arith.extui %ge3A_350 : i1 to i32
        %cond3A_352 = arith.constant 0 : i32
        %cond3A_353 = arith.cmpi ne, %convert_element_type3A_351, %cond3A_352 : i32
        scf.if %cond3A_353 {
          %dma_wait3A_354 = arith.constant 0 : i32
          %dma_wait3A_355 = tpu.memref_slice %arg11[%sub3A_348, %dma_wait3A_354] : memref<160x128xi32, #tpu.memory_space<vmem>> -> memref<1x128xi32, #tpu.memory_space<vmem>>
          %dma_wait3A_356 = tpu.memref_squeeze %dma_wait3A_355 : memref<1x128xi32, #tpu.memory_space<vmem>> -> memref<128xi32, #tpu.memory_space<vmem>>
          %dma_wait3A_357 = arith.constant 0 : i32
          %dma_wait3A_358 = arith.constant 0 : i32
          %dma_wait3A_359 = tpu.memref_slice %arg18[%dma_wait3A_357, %dma_wait3A_358] : memref<10008x64xf32, #tpu.memory_space<vmem_shared>> -> memref<10008x64xf32, #tpu.memory_space<vmem_shared>>
          tpu.wait_indirect_dma semaphore(%arg22 : memref<!tpu.dma_semaphore, #tpu.memory_space<semaphore_mem>>) src(%arg15 : memref<128x64xf32, #tpu.memory_space<vmem>>) dst(%dma_wait3A_359 : memref<10008x64xf32, #tpu.memory_space<vmem_shared>>)
          %add3A_360 = arith.constant 5 : i32
          %add3A_361 = arith.addi %sub3A_348, %add3A_360 : i32
          %lt3A_362 = arith.constant 160 : i32
          %lt3A_363 = arith.cmpi slt, %add3A_361, %lt3A_362 : i32
          %convert_element_type3A_364 = arith.extui %lt3A_363 : i1 to i32
          %cond3A_365 = arith.constant 0 : i32
          %cond3A_366 = arith.cmpi ne, %convert_element_type3A_364, %cond3A_365 : i32
          scf.if %cond3A_366 {
            %add3A_367 = arith.constant 5 : i32
            %add3A_368 = arith.addi %sub3A_348, %add3A_367 : i32
            %dma_start3A_369 = arith.constant 0 : i32
            %dma_start3A_370 = tpu.memref_slice %arg10[%add3A_368, %dma_start3A_369] : memref<160x128xi32, #tpu.memory_space<vmem>> -> memref<1x128xi32, #tpu.memory_space<vmem>>
            %dma_start3A_371 = tpu.memref_squeeze %dma_start3A_370 : memref<1x128xi32, #tpu.memory_space<vmem>> -> memref<128xi32, #tpu.memory_space<vmem>>
            %dma_start3A_372 = arith.constant 1 : i32
            %dma_start3A_373 = arith.constant 0 : i32
            %dma_start3A_374 = tpu.memref_slice %arg3[%dma_start3A_372, %dma_start3A_373] : memref<20000x64xf32, #tpu.memory_space<hbm>> -> memref<19999x64xf32, #tpu.memory_space<hbm>>
            %dma_start3A_375 = arith.constant 0 : i32
            %dma_start3A_376 = arith.constant 0 : i32
            %dma_start3A_377 = tpu.memref_slice %dma_start3A_374[%dma_start3A_375, %dma_start3A_376] : memref<19999x64xf32, #tpu.memory_space<hbm>> -> memref<19999x64xf32, #tpu.memory_space<hbm>>
            tpu.enqueue_indirect_dma source(%dma_start3A_377 : memref<19999x64xf32, #tpu.memory_space<hbm>>) target(%arg15 : memref<128x64xf32, #tpu.memory_space<vmem>>) offsets(%dma_start3A_371 : memref<128xi32, #tpu.memory_space<vmem>>) semaphore(%arg22 : memref<!tpu.dma_semaphore, #tpu.memory_space<semaphore_mem>>)
          } else {
          }
        } else {
        }
      }
      %scan3A_204 = arith.constant 32 : i32
      %dma_wait3A_205 = arith.constant 159 : i32
      %dma_wait3A_206 = arith.constant 0 : i32
      %dma_wait3A_207 = tpu.memref_slice %arg11[%dma_wait3A_205, %dma_wait3A_206] : memref<160x128xi32, #tpu.memory_space<vmem>> -> memref<1x128xi32, #tpu.memory_space<vmem>>
      %dma_wait3A_208 = tpu.memref_squeeze %dma_wait3A_207 : memref<1x128xi32, #tpu.memory_space<vmem>> -> memref<128xi32, #tpu.memory_space<vmem>>
      %dma_wait3A_209 = arith.constant 0 : i32
      %dma_wait3A_210 = arith.constant 0 : i32
      %dma_wait3A_211 = tpu.memref_slice %arg18[%dma_wait3A_209, %dma_wait3A_210] : memref<10008x64xf32, #tpu.memory_space<vmem_shared>> -> memref<10008x64xf32, #tpu.memory_space<vmem_shared>>
      tpu.wait_indirect_dma semaphore(%arg23 : memref<!tpu.dma_semaphore, #tpu.memory_space<semaphore_mem>>) src(%arg16 : memref<128x64xf32, #tpu.memory_space<vmem>>) dst(%dma_wait3A_211 : memref<10008x64xf32, #tpu.memory_space<vmem_shared>>)
      %barrier3A_212 = arith.constant 0 : index
      tpu.barrier barrier_id(%barrier3A_212)
      %lt3A_213 = arith.constant 15 : i32
      %lt3A_214 = arith.cmpi slt, %arg1, %lt3A_213 : i32
      %convert_element_type3A_215 = arith.extui %lt3A_214 : i1 to i32
      %cond3A_216 = arith.constant 0 : i32
      %cond3A_217 = arith.cmpi ne, %convert_element_type3A_215, %cond3A_216 : i32
      scf.if %cond3A_217 {
        %mul3A_224 = arith.constant 632 : i32
        %mul3A_225 = arith.muli %arg1, %mul3A_224 : i32
        %add3A_226 = arith.constant 10008 : i32
        %add3A_227 = arith.addi %add3A_226, %mul3A_225 : i32
        %eq3A_228 = arith.constant 0 : i32
        %eq3A_229 = arith.cmpi eq, %arg0, %eq3A_228 : i32
        %convert_element_type3A_230 = arith.extui %eq3A_229 : i1 to i32
        %cond3A_231 = arith.constant 0 : i32
        %cond3A_232 = arith.cmpi ne, %convert_element_type3A_230, %cond3A_231 : i32
        scf.if %cond3A_232 {
          "tpu.region"() ({
            %run_scoped3A = tpu.sem_alloc : memref<!tpu.dma_semaphore, #tpu.memory_space<semaphore_mem>>
            %dma_start3A_238 = arith.constant 0 : i32
            %dma_start3A_239 = tpu.memref_slice %arg8[%add3A_227, %dma_start3A_238] : memref<30024x64xf32, #tpu.memory_space<hbm>> -> memref<632x64xf32, #tpu.memory_space<hbm>>
            %dma_start3A_240 = arith.constant 0 : i32
            %dma_start3A_241 = tpu.memref_slice %arg18[%mul3A_225, %dma_start3A_240] : memref<10008x64xf32, #tpu.memory_space<vmem_shared>> -> memref<632x64xf32, #tpu.memory_space<vmem_shared>>
            tpu.enqueue_dma source(%dma_start3A_241 : memref<632x64xf32, #tpu.memory_space<vmem_shared>>) target(%dma_start3A_239 : memref<632x64xf32, #tpu.memory_space<hbm>>) target_semaphore(%run_scoped3A : memref<!tpu.dma_semaphore, #tpu.memory_space<semaphore_mem>>)
            %dma_wait3A_242 = arith.constant 0 : i32
            %dma_wait3A_243 = tpu.memref_slice %arg8[%add3A_227, %dma_wait3A_242] : memref<30024x64xf32, #tpu.memory_space<hbm>> -> memref<632x64xf32, #tpu.memory_space<hbm>>
            %dma_wait3A_244 = arith.constant 0 : i32
            %dma_wait3A_245 = tpu.memref_slice %arg18[%mul3A_225, %dma_wait3A_244] : memref<10008x64xf32, #tpu.memory_space<vmem_shared>> -> memref<632x64xf32, #tpu.memory_space<vmem_shared>>
            tpu.wait_dma2 semaphore(%run_scoped3A : memref<!tpu.dma_semaphore, #tpu.memory_space<semaphore_mem>>) src(%dma_wait3A_245 : memref<632x64xf32, #tpu.memory_space<vmem_shared>>) dst(%dma_wait3A_243 : memref<632x64xf32, #tpu.memory_space<hbm>>)
            tpu.yield
          }) : () -> ()
        } else {
        }
        %eq3A_233 = arith.constant 1 : i32
        %eq3A_234 = arith.cmpi eq, %arg0, %eq3A_233 : i32
        %convert_element_type3A_235 = arith.extui %eq3A_234 : i1 to i32
        %cond3A_236 = arith.constant 0 : i32
        %cond3A_237 = arith.cmpi ne, %convert_element_type3A_235, %cond3A_236 : i32
        scf.if %cond3A_237 {
          "tpu.region"() ({
            %run_scoped3A = tpu.sem_alloc : memref<!tpu.dma_semaphore, #tpu.memory_space<semaphore_mem>>
            %dma_start3A_238 = arith.constant 0 : i32
            %dma_start3A_239 = tpu.memref_slice %arg9[%add3A_227, %dma_start3A_238] : memref<30024x64xf32, #tpu.memory_space<hbm>> -> memref<632x64xf32, #tpu.memory_space<hbm>>
            %dma_start3A_240 = arith.constant 0 : i32
            %dma_start3A_241 = tpu.memref_slice %arg18[%mul3A_225, %dma_start3A_240] : memref<10008x64xf32, #tpu.memory_space<vmem_shared>> -> memref<632x64xf32, #tpu.memory_space<vmem_shared>>
            tpu.enqueue_dma source(%dma_start3A_241 : memref<632x64xf32, #tpu.memory_space<vmem_shared>>) target(%dma_start3A_239 : memref<632x64xf32, #tpu.memory_space<hbm>>) target_semaphore(%run_scoped3A : memref<!tpu.dma_semaphore, #tpu.memory_space<semaphore_mem>>)
            %dma_wait3A_242 = arith.constant 0 : i32
            %dma_wait3A_243 = tpu.memref_slice %arg9[%add3A_227, %dma_wait3A_242] : memref<30024x64xf32, #tpu.memory_space<hbm>> -> memref<632x64xf32, #tpu.memory_space<hbm>>
            %dma_wait3A_244 = arith.constant 0 : i32
            %dma_wait3A_245 = tpu.memref_slice %arg18[%mul3A_225, %dma_wait3A_244] : memref<10008x64xf32, #tpu.memory_space<vmem_shared>> -> memref<632x64xf32, #tpu.memory_space<vmem_shared>>
            tpu.wait_dma2 semaphore(%run_scoped3A : memref<!tpu.dma_semaphore, #tpu.memory_space<semaphore_mem>>) src(%dma_wait3A_245 : memref<632x64xf32, #tpu.memory_space<vmem_shared>>) dst(%dma_wait3A_243 : memref<632x64xf32, #tpu.memory_space<hbm>>)
            tpu.yield
          }) : () -> ()
        } else {
        }
        "tpu.region"() ({
          %run_scoped3A = tpu.sem_alloc : memref<!tpu.dma_semaphore, #tpu.memory_space<semaphore_mem>>
          %dma_start3A_238 = arith.constant 0 : i32
          %dma_start3A_239 = tpu.memref_slice %arg18[%mul3A_225, %dma_start3A_238] : memref<10008x64xf32, #tpu.memory_space<vmem_shared>> -> memref<632x64xf32, #tpu.memory_space<vmem_shared>>
          %dma_start3A_240 = arith.constant 0 : i32
          %dma_start3A_241 = arith.constant 0 : i32
          %dma_start3A_242 = tpu.memref_slice %arg6[%dma_start3A_240, %dma_start3A_241] : memref<632x64xf32, #tpu.memory_space<hbm>> -> memref<632x64xf32, #tpu.memory_space<hbm>>
          tpu.enqueue_dma source(%dma_start3A_242 : memref<632x64xf32, #tpu.memory_space<hbm>>) target(%dma_start3A_239 : memref<632x64xf32, #tpu.memory_space<vmem_shared>>) target_semaphore(%run_scoped3A : memref<!tpu.dma_semaphore, #tpu.memory_space<semaphore_mem>>)
          %dma_wait3A_243 = arith.constant 0 : i32
          %dma_wait3A_244 = tpu.memref_slice %arg18[%mul3A_225, %dma_wait3A_243] : memref<10008x64xf32, #tpu.memory_space<vmem_shared>> -> memref<632x64xf32, #tpu.memory_space<vmem_shared>>
          %dma_wait3A_245 = arith.constant 0 : i32
          %dma_wait3A_246 = arith.constant 0 : i32
          %dma_wait3A_247 = tpu.memref_slice %arg6[%dma_wait3A_245, %dma_wait3A_246] : memref<632x64xf32, #tpu.memory_space<hbm>> -> memref<632x64xf32, #tpu.memory_space<hbm>>
          tpu.wait_dma2 semaphore(%run_scoped3A : memref<!tpu.dma_semaphore, #tpu.memory_space<semaphore_mem>>) src(%dma_wait3A_247 : memref<632x64xf32, #tpu.memory_space<hbm>>) dst(%dma_wait3A_244 : memref<632x64xf32, #tpu.memory_space<vmem_shared>>)
          tpu.yield
        }) : () -> ()
      } else {
      }
      %eq3A_218 = arith.constant 15 : i32
      %eq3A_219 = arith.cmpi eq, %arg1, %eq3A_218 : i32
      %convert_element_type3A_220 = arith.extui %eq3A_219 : i1 to i32
      %cond3A_221 = arith.constant 0 : i32
      %cond3A_222 = arith.cmpi ne, %convert_element_type3A_220, %cond3A_221 : i32
      scf.if %cond3A_222 {
        %eq3A_224 = arith.constant 0 : i32
        %eq3A_225 = arith.cmpi eq, %arg0, %eq3A_224 : i32
        %convert_element_type3A_226 = arith.extui %eq3A_225 : i1 to i32
        %cond3A_227 = arith.constant 0 : i32
        %cond3A_228 = arith.cmpi ne, %convert_element_type3A_226, %cond3A_227 : i32
        scf.if %cond3A_228 {
          "tpu.region"() ({
            %run_scoped3A = tpu.sem_alloc : memref<!tpu.dma_semaphore, #tpu.memory_space<semaphore_mem>>
            %dma_start3A_234 = arith.constant 19488 : i32
            %dma_start3A_235 = arith.constant 0 : i32
            %dma_start3A_236 = tpu.memref_slice %arg8[%dma_start3A_234, %dma_start3A_235] : memref<30024x64xf32, #tpu.memory_space<hbm>> -> memref<528x64xf32, #tpu.memory_space<hbm>>
            %dma_start3A_237 = arith.constant 9480 : i32
            %dma_start3A_238 = arith.constant 0 : i32
            %dma_start3A_239 = tpu.memref_slice %arg18[%dma_start3A_237, %dma_start3A_238] : memref<10008x64xf32, #tpu.memory_space<vmem_shared>> -> memref<528x64xf32, #tpu.memory_space<vmem_shared>>
            tpu.enqueue_dma source(%dma_start3A_239 : memref<528x64xf32, #tpu.memory_space<vmem_shared>>) target(%dma_start3A_236 : memref<528x64xf32, #tpu.memory_space<hbm>>) target_semaphore(%run_scoped3A : memref<!tpu.dma_semaphore, #tpu.memory_space<semaphore_mem>>)
            %dma_wait3A_240 = arith.constant 19488 : i32
            %dma_wait3A_241 = arith.constant 0 : i32
            %dma_wait3A_242 = tpu.memref_slice %arg8[%dma_wait3A_240, %dma_wait3A_241] : memref<30024x64xf32, #tpu.memory_space<hbm>> -> memref<528x64xf32, #tpu.memory_space<hbm>>
            %dma_wait3A_243 = arith.constant 9480 : i32
            %dma_wait3A_244 = arith.constant 0 : i32
            %dma_wait3A_245 = tpu.memref_slice %arg18[%dma_wait3A_243, %dma_wait3A_244] : memref<10008x64xf32, #tpu.memory_space<vmem_shared>> -> memref<528x64xf32, #tpu.memory_space<vmem_shared>>
            tpu.wait_dma2 semaphore(%run_scoped3A : memref<!tpu.dma_semaphore, #tpu.memory_space<semaphore_mem>>) src(%dma_wait3A_245 : memref<528x64xf32, #tpu.memory_space<vmem_shared>>) dst(%dma_wait3A_242 : memref<528x64xf32, #tpu.memory_space<hbm>>)
            tpu.yield
          }) : () -> ()
        } else {
        }
        %eq3A_229 = arith.constant 1 : i32
        %eq3A_230 = arith.cmpi eq, %arg0, %eq3A_229 : i32
        %convert_element_type3A_231 = arith.extui %eq3A_230 : i1 to i32
        %cond3A_232 = arith.constant 0 : i32
        %cond3A_233 = arith.cmpi ne, %convert_element_type3A_231, %cond3A_232 : i32
        scf.if %cond3A_233 {
          "tpu.region"() ({
            %run_scoped3A = tpu.sem_alloc : memref<!tpu.dma_semaphore, #tpu.memory_space<semaphore_mem>>
            %dma_start3A_234 = arith.constant 19488 : i32
            %dma_start3A_235 = arith.constant 0 : i32
            %dma_start3A_236 = tpu.memref_slice %arg9[%dma_start3A_234, %dma_start3A_235] : memref<30024x64xf32, #tpu.memory_space<hbm>> -> memref<528x64xf32, #tpu.memory_space<hbm>>
            %dma_start3A_237 = arith.constant 9480 : i32
            %dma_start3A_238 = arith.constant 0 : i32
            %dma_start3A_239 = tpu.memref_slice %arg18[%dma_start3A_237, %dma_start3A_238] : memref<10008x64xf32, #tpu.memory_space<vmem_shared>> -> memref<528x64xf32, #tpu.memory_space<vmem_shared>>
            tpu.enqueue_dma source(%dma_start3A_239 : memref<528x64xf32, #tpu.memory_space<vmem_shared>>) target(%dma_start3A_236 : memref<528x64xf32, #tpu.memory_space<hbm>>) target_semaphore(%run_scoped3A : memref<!tpu.dma_semaphore, #tpu.memory_space<semaphore_mem>>)
            %dma_wait3A_240 = arith.constant 19488 : i32
            %dma_wait3A_241 = arith.constant 0 : i32
            %dma_wait3A_242 = tpu.memref_slice %arg9[%dma_wait3A_240, %dma_wait3A_241] : memref<30024x64xf32, #tpu.memory_space<hbm>> -> memref<528x64xf32, #tpu.memory_space<hbm>>
            %dma_wait3A_243 = arith.constant 9480 : i32
            %dma_wait3A_244 = arith.constant 0 : i32
            %dma_wait3A_245 = tpu.memref_slice %arg18[%dma_wait3A_243, %dma_wait3A_244] : memref<10008x64xf32, #tpu.memory_space<vmem_shared>> -> memref<528x64xf32, #tpu.memory_space<vmem_shared>>
            tpu.wait_dma2 semaphore(%run_scoped3A : memref<!tpu.dma_semaphore, #tpu.memory_space<semaphore_mem>>) src(%dma_wait3A_245 : memref<528x64xf32, #tpu.memory_space<vmem_shared>>) dst(%dma_wait3A_242 : memref<528x64xf32, #tpu.memory_space<hbm>>)
            tpu.yield
          }) : () -> ()
        } else {
        }
        "tpu.region"() ({
          %run_scoped3A = tpu.sem_alloc : memref<!tpu.dma_semaphore, #tpu.memory_space<semaphore_mem>>
          %dma_start3A_234 = arith.constant 9480 : i32
          %dma_start3A_235 = arith.constant 0 : i32
          %dma_start3A_236 = tpu.memref_slice %arg18[%dma_start3A_234, %dma_start3A_235] : memref<10008x64xf32, #tpu.memory_space<vmem_shared>> -> memref<528x64xf32, #tpu.memory_space<vmem_shared>>
          %dma_start3A_237 = arith.constant 0 : i32
          %dma_start3A_238 = arith.constant 0 : i32
          %dma_start3A_239 = tpu.memref_slice %arg6[%dma_start3A_237, %dma_start3A_238] : memref<632x64xf32, #tpu.memory_space<hbm>> -> memref<528x64xf32, #tpu.memory_space<hbm>>
          tpu.enqueue_dma source(%dma_start3A_239 : memref<528x64xf32, #tpu.memory_space<hbm>>) target(%dma_start3A_236 : memref<528x64xf32, #tpu.memory_space<vmem_shared>>) target_semaphore(%run_scoped3A : memref<!tpu.dma_semaphore, #tpu.memory_space<semaphore_mem>>)
          %dma_wait3A_240 = arith.constant 9480 : i32
          %dma_wait3A_241 = arith.constant 0 : i32
          %dma_wait3A_242 = tpu.memref_slice %arg18[%dma_wait3A_240, %dma_wait3A_241] : memref<10008x64xf32, #tpu.memory_space<vmem_shared>> -> memref<528x64xf32, #tpu.memory_space<vmem_shared>>
          %dma_wait3A_243 = arith.constant 0 : i32
          %dma_wait3A_244 = arith.constant 0 : i32
          %dma_wait3A_245 = tpu.memref_slice %arg6[%dma_wait3A_243, %dma_wait3A_244] : memref<632x64xf32, #tpu.memory_space<hbm>> -> memref<528x64xf32, #tpu.memory_space<hbm>>
          tpu.wait_dma2 semaphore(%run_scoped3A : memref<!tpu.dma_semaphore, #tpu.memory_space<semaphore_mem>>) src(%dma_wait3A_245 : memref<528x64xf32, #tpu.memory_space<hbm>>) dst(%dma_wait3A_242 : memref<528x64xf32, #tpu.memory_space<vmem_shared>>)
          tpu.yield
        }) : () -> ()
      } else {
      }
      %barrier3A_223 = arith.constant 0 : index
      tpu.barrier barrier_id(%barrier3A_223)
    } else {
    }
    %mul3A = arith.constant 80 : i32
    %mul3A_16 = arith.muli %arg0, %mul3A : i32
    %scan3A = arith.constant 0 : i32
    %scan3A_17 = arith.constant 0 : i32
    %scan3A_18 = arith.constant 16 : i32
    %scan3A_19 = arith.addi %scan3A_17, %scan3A_18 : i32
    %scan3A_20 = arith.constant 1 : i32
    scf.for %scan3A_90 = %scan3A_17 to %scan3A_19 step %scan3A_20  : i32 {
      %mul3A_91 = arith.constant 5 : i32
      %mul3A_92 = arith.muli %mul3A_91, %scan3A_90 : i32
      %add3A_93 = arith.addi %mul3A_16, %mul3A_92 : i32
      %add3A_94 = arith.constant 0 : i32
      %add3A_95 = arith.addi %add3A_93, %add3A_94 : i32
      %gt3A = arith.constant 0 : i32
      %gt3A_96 = arith.cmpi sgt, %scan3A_90, %gt3A : i32
      %convert_element_type3A_97 = arith.extui %gt3A_96 : i1 to i32
      %cond3A_98 = arith.constant 0 : i32
      %cond3A_99 = arith.cmpi ne, %convert_element_type3A_97, %cond3A_98 : i32
      scf.if %cond3A_99 {
        %sub3A_169 = arith.constant 5 : i32
        %sub3A_170 = arith.subi %add3A_95, %sub3A_169 : i32
        %dma_wait3A_171 = arith.constant 0 : i32
        %dma_wait3A_172 = tpu.memref_slice %arg11[%sub3A_170, %dma_wait3A_171] : memref<160x128xi32, #tpu.memory_space<vmem>> -> memref<1x128xi32, #tpu.memory_space<vmem>>
        %dma_wait3A_173 = tpu.memref_squeeze %dma_wait3A_172 : memref<1x128xi32, #tpu.memory_space<vmem>> -> memref<128xi32, #tpu.memory_space<vmem>>
        %dma_wait3A_174 = arith.constant 0 : i32
        %dma_wait3A_175 = arith.constant 0 : i32
        %dma_wait3A_176 = tpu.memref_slice %arg18[%dma_wait3A_174, %dma_wait3A_175] : memref<10008x64xf32, #tpu.memory_space<vmem_shared>> -> memref<10008x64xf32, #tpu.memory_space<vmem_shared>>
        tpu.wait_indirect_dma semaphore(%arg19 : memref<!tpu.dma_semaphore, #tpu.memory_space<semaphore_mem>>) src(%arg17 : memref<128x64xf32, #tpu.memory_space<vmem>>) dst(%dma_wait3A_176 : memref<10008x64xf32, #tpu.memory_space<vmem_shared>>)
      } else {
      }
      %dma_start3A = arith.constant 0 : i32
      %dma_start3A_100 = tpu.memref_slice %arg11[%add3A_95, %dma_start3A] : memref<160x128xi32, #tpu.memory_space<vmem>> -> memref<1x128xi32, #tpu.memory_space<vmem>>
      %dma_start3A_101 = tpu.memref_squeeze %dma_start3A_100 : memref<1x128xi32, #tpu.memory_space<vmem>> -> memref<128xi32, #tpu.memory_space<vmem>>
      %dma_start3A_102 = arith.constant 0 : i32
      %dma_start3A_103 = arith.constant 0 : i32
      %dma_start3A_104 = tpu.memref_slice %arg18[%dma_start3A_102, %dma_start3A_103] : memref<10008x64xf32, #tpu.memory_space<vmem_shared>> -> memref<10008x64xf32, #tpu.memory_space<vmem_shared>>
      tpu.enqueue_indirect_dma source(%arg17 : memref<128x64xf32, #tpu.memory_space<vmem>>) target(%dma_start3A_104 : memref<10008x64xf32, #tpu.memory_space<vmem_shared>>) offsets(%dma_start3A_101 : memref<128xi32, #tpu.memory_space<vmem>>) semaphore(%arg19 : memref<!tpu.dma_semaphore, #tpu.memory_space<semaphore_mem>>) {add = true}
      %mul3A_105 = arith.constant 5 : i32
      %mul3A_106 = arith.muli %mul3A_105, %scan3A_90 : i32
      %add3A_107 = arith.addi %mul3A_16, %mul3A_106 : i32
      %add3A_108 = arith.constant 1 : i32
      %add3A_109 = arith.addi %add3A_107, %add3A_108 : i32
      %gt3A_110 = arith.constant 0 : i32
      %gt3A_111 = arith.cmpi sgt, %scan3A_90, %gt3A_110 : i32
      %convert_element_type3A_112 = arith.extui %gt3A_111 : i1 to i32
      %cond3A_113 = arith.constant 0 : i32
      %cond3A_114 = arith.cmpi ne, %convert_element_type3A_112, %cond3A_113 : i32
      scf.if %cond3A_114 {
        %sub3A_169 = arith.constant 5 : i32
        %sub3A_170 = arith.subi %add3A_109, %sub3A_169 : i32
        %dma_wait3A_171 = arith.constant 0 : i32
        %dma_wait3A_172 = tpu.memref_slice %arg11[%sub3A_170, %dma_wait3A_171] : memref<160x128xi32, #tpu.memory_space<vmem>> -> memref<1x128xi32, #tpu.memory_space<vmem>>
        %dma_wait3A_173 = tpu.memref_squeeze %dma_wait3A_172 : memref<1x128xi32, #tpu.memory_space<vmem>> -> memref<128xi32, #tpu.memory_space<vmem>>
        %dma_wait3A_174 = arith.constant 0 : i32
        %dma_wait3A_175 = arith.constant 0 : i32
        %dma_wait3A_176 = tpu.memref_slice %arg18[%dma_wait3A_174, %dma_wait3A_175] : memref<10008x64xf32, #tpu.memory_space<vmem_shared>> -> memref<10008x64xf32, #tpu.memory_space<vmem_shared>>
        tpu.wait_indirect_dma semaphore(%arg20 : memref<!tpu.dma_semaphore, #tpu.memory_space<semaphore_mem>>) src(%arg17 : memref<128x64xf32, #tpu.memory_space<vmem>>) dst(%dma_wait3A_176 : memref<10008x64xf32, #tpu.memory_space<vmem_shared>>)
      } else {
      }
      %dma_start3A_115 = arith.constant 0 : i32
      %dma_start3A_116 = tpu.memref_slice %arg11[%add3A_109, %dma_start3A_115] : memref<160x128xi32, #tpu.memory_space<vmem>> -> memref<1x128xi32, #tpu.memory_space<vmem>>
      %dma_start3A_117 = tpu.memref_squeeze %dma_start3A_116 : memref<1x128xi32, #tpu.memory_space<vmem>> -> memref<128xi32, #tpu.memory_space<vmem>>
      %dma_start3A_118 = arith.constant 0 : i32
      %dma_start3A_119 = arith.constant 0 : i32
      %dma_start3A_120 = tpu.memref_slice %arg18[%dma_start3A_118, %dma_start3A_119] : memref<10008x64xf32, #tpu.memory_space<vmem_shared>> -> memref<10008x64xf32, #tpu.memory_space<vmem_shared>>
      tpu.enqueue_indirect_dma source(%arg17 : memref<128x64xf32, #tpu.memory_space<vmem>>) target(%dma_start3A_120 : memref<10008x64xf32, #tpu.memory_space<vmem_shared>>) offsets(%dma_start3A_117 : memref<128xi32, #tpu.memory_space<vmem>>) semaphore(%arg20 : memref<!tpu.dma_semaphore, #tpu.memory_space<semaphore_mem>>) {add = true}
      %mul3A_121 = arith.constant 5 : i32
      %mul3A_122 = arith.muli %mul3A_121, %scan3A_90 : i32
      %add3A_123 = arith.addi %mul3A_16, %mul3A_122 : i32
      %add3A_124 = arith.constant 2 : i32
      %add3A_125 = arith.addi %add3A_123, %add3A_124 : i32
      %gt3A_126 = arith.constant 0 : i32
      %gt3A_127 = arith.cmpi sgt, %scan3A_90, %gt3A_126 : i32
      %convert_element_type3A_128 = arith.extui %gt3A_127 : i1 to i32
      %cond3A_129 = arith.constant 0 : i32
      %cond3A_130 = arith.cmpi ne, %convert_element_type3A_128, %cond3A_129 : i32
      scf.if %cond3A_130 {
        %sub3A_169 = arith.constant 5 : i32
        %sub3A_170 = arith.subi %add3A_125, %sub3A_169 : i32
        %dma_wait3A_171 = arith.constant 0 : i32
        %dma_wait3A_172 = tpu.memref_slice %arg11[%sub3A_170, %dma_wait3A_171] : memref<160x128xi32, #tpu.memory_space<vmem>> -> memref<1x128xi32, #tpu.memory_space<vmem>>
        %dma_wait3A_173 = tpu.memref_squeeze %dma_wait3A_172 : memref<1x128xi32, #tpu.memory_space<vmem>> -> memref<128xi32, #tpu.memory_space<vmem>>
        %dma_wait3A_174 = arith.constant 0 : i32
        %dma_wait3A_175 = arith.constant 0 : i32
        %dma_wait3A_176 = tpu.memref_slice %arg18[%dma_wait3A_174, %dma_wait3A_175] : memref<10008x64xf32, #tpu.memory_space<vmem_shared>> -> memref<10008x64xf32, #tpu.memory_space<vmem_shared>>
        tpu.wait_indirect_dma semaphore(%arg21 : memref<!tpu.dma_semaphore, #tpu.memory_space<semaphore_mem>>) src(%arg17 : memref<128x64xf32, #tpu.memory_space<vmem>>) dst(%dma_wait3A_176 : memref<10008x64xf32, #tpu.memory_space<vmem_shared>>)
      } else {
      }
      %dma_start3A_131 = arith.constant 0 : i32
      %dma_start3A_132 = tpu.memref_slice %arg11[%add3A_125, %dma_start3A_131] : memref<160x128xi32, #tpu.memory_space<vmem>> -> memref<1x128xi32, #tpu.memory_space<vmem>>
      %dma_start3A_133 = tpu.memref_squeeze %dma_start3A_132 : memref<1x128xi32, #tpu.memory_space<vmem>> -> memref<128xi32, #tpu.memory_space<vmem>>
      %dma_start3A_134 = arith.constant 0 : i32
      %dma_start3A_135 = arith.constant 0 : i32
      %dma_start3A_136 = tpu.memref_slice %arg18[%dma_start3A_134, %dma_start3A_135] : memref<10008x64xf32, #tpu.memory_space<vmem_shared>> -> memref<10008x64xf32, #tpu.memory_space<vmem_shared>>
      tpu.enqueue_indirect_dma source(%arg17 : memref<128x64xf32, #tpu.memory_space<vmem>>) target(%dma_start3A_136 : memref<10008x64xf32, #tpu.memory_space<vmem_shared>>) offsets(%dma_start3A_133 : memref<128xi32, #tpu.memory_space<vmem>>) semaphore(%arg21 : memref<!tpu.dma_semaphore, #tpu.memory_space<semaphore_mem>>) {add = true}
      %mul3A_137 = arith.constant 5 : i32
      %mul3A_138 = arith.muli %mul3A_137, %scan3A_90 : i32
      %add3A_139 = arith.addi %mul3A_16, %mul3A_138 : i32
      %add3A_140 = arith.constant 3 : i32
      %add3A_141 = arith.addi %add3A_139, %add3A_140 : i32
      %gt3A_142 = arith.constant 0 : i32
      %gt3A_143 = arith.cmpi sgt, %scan3A_90, %gt3A_142 : i32
      %convert_element_type3A_144 = arith.extui %gt3A_143 : i1 to i32
      %cond3A_145 = arith.constant 0 : i32
      %cond3A_146 = arith.cmpi ne, %convert_element_type3A_144, %cond3A_145 : i32
      scf.if %cond3A_146 {
        %sub3A_169 = arith.constant 5 : i32
        %sub3A_170 = arith.subi %add3A_141, %sub3A_169 : i32
        %dma_wait3A_171 = arith.constant 0 : i32
        %dma_wait3A_172 = tpu.memref_slice %arg11[%sub3A_170, %dma_wait3A_171] : memref<160x128xi32, #tpu.memory_space<vmem>> -> memref<1x128xi32, #tpu.memory_space<vmem>>
        %dma_wait3A_173 = tpu.memref_squeeze %dma_wait3A_172 : memref<1x128xi32, #tpu.memory_space<vmem>> -> memref<128xi32, #tpu.memory_space<vmem>>
        %dma_wait3A_174 = arith.constant 0 : i32
        %dma_wait3A_175 = arith.constant 0 : i32
        %dma_wait3A_176 = tpu.memref_slice %arg18[%dma_wait3A_174, %dma_wait3A_175] : memref<10008x64xf32, #tpu.memory_space<vmem_shared>> -> memref<10008x64xf32, #tpu.memory_space<vmem_shared>>
        tpu.wait_indirect_dma semaphore(%arg22 : memref<!tpu.dma_semaphore, #tpu.memory_space<semaphore_mem>>) src(%arg17 : memref<128x64xf32, #tpu.memory_space<vmem>>) dst(%dma_wait3A_176 : memref<10008x64xf32, #tpu.memory_space<vmem_shared>>)
      } else {
      }
      %dma_start3A_147 = arith.constant 0 : i32
      %dma_start3A_148 = tpu.memref_slice %arg11[%add3A_141, %dma_start3A_147] : memref<160x128xi32, #tpu.memory_space<vmem>> -> memref<1x128xi32, #tpu.memory_space<vmem>>
      %dma_start3A_149 = tpu.memref_squeeze %dma_start3A_148 : memref<1x128xi32, #tpu.memory_space<vmem>> -> memref<128xi32, #tpu.memory_space<vmem>>
      %dma_start3A_150 = arith.constant 0 : i32
      %dma_start3A_151 = arith.constant 0 : i32
      %dma_start3A_152 = tpu.memref_slice %arg18[%dma_start3A_150, %dma_start3A_151] : memref<10008x64xf32, #tpu.memory_space<vmem_shared>> -> memref<10008x64xf32, #tpu.memory_space<vmem_shared>>
      tpu.enqueue_indirect_dma source(%arg17 : memref<128x64xf32, #tpu.memory_space<vmem>>) target(%dma_start3A_152 : memref<10008x64xf32, #tpu.memory_space<vmem_shared>>) offsets(%dma_start3A_149 : memref<128xi32, #tpu.memory_space<vmem>>) semaphore(%arg22 : memref<!tpu.dma_semaphore, #tpu.memory_space<semaphore_mem>>) {add = true}
      %mul3A_153 = arith.constant 5 : i32
      %mul3A_154 = arith.muli %mul3A_153, %scan3A_90 : i32
      %add3A_155 = arith.addi %mul3A_16, %mul3A_154 : i32
      %add3A_156 = arith.constant 4 : i32
      %add3A_157 = arith.addi %add3A_155, %add3A_156 : i32
      %gt3A_158 = arith.constant 0 : i32
      %gt3A_159 = arith.cmpi sgt, %scan3A_90, %gt3A_158 : i32
      %convert_element_type3A_160 = arith.extui %gt3A_159 : i1 to i32
      %cond3A_161 = arith.constant 0 : i32
      %cond3A_162 = arith.cmpi ne, %convert_element_type3A_160, %cond3A_161 : i32
      scf.if %cond3A_162 {
        %sub3A_169 = arith.constant 5 : i32
        %sub3A_170 = arith.subi %add3A_157, %sub3A_169 : i32
        %dma_wait3A_171 = arith.constant 0 : i32
        %dma_wait3A_172 = tpu.memref_slice %arg11[%sub3A_170, %dma_wait3A_171] : memref<160x128xi32, #tpu.memory_space<vmem>> -> memref<1x128xi32, #tpu.memory_space<vmem>>
        %dma_wait3A_173 = tpu.memref_squeeze %dma_wait3A_172 : memref<1x128xi32, #tpu.memory_space<vmem>> -> memref<128xi32, #tpu.memory_space<vmem>>
        %dma_wait3A_174 = arith.constant 0 : i32
        %dma_wait3A_175 = arith.constant 0 : i32
        %dma_wait3A_176 = tpu.memref_slice %arg18[%dma_wait3A_174, %dma_wait3A_175] : memref<10008x64xf32, #tpu.memory_space<vmem_shared>> -> memref<10008x64xf32, #tpu.memory_space<vmem_shared>>
        tpu.wait_indirect_dma semaphore(%arg23 : memref<!tpu.dma_semaphore, #tpu.memory_space<semaphore_mem>>) src(%arg17 : memref<128x64xf32, #tpu.memory_space<vmem>>) dst(%dma_wait3A_176 : memref<10008x64xf32, #tpu.memory_space<vmem_shared>>)
      } else {
      }
      %dma_start3A_163 = arith.constant 0 : i32
      %dma_start3A_164 = tpu.memref_slice %arg11[%add3A_157, %dma_start3A_163] : memref<160x128xi32, #tpu.memory_space<vmem>> -> memref<1x128xi32, #tpu.memory_space<vmem>>
      %dma_start3A_165 = tpu.memref_squeeze %dma_start3A_164 : memref<1x128xi32, #tpu.memory_space<vmem>> -> memref<128xi32, #tpu.memory_space<vmem>>
      %dma_start3A_166 = arith.constant 0 : i32
      %dma_start3A_167 = arith.constant 0 : i32
      %dma_start3A_168 = tpu.memref_slice %arg18[%dma_start3A_166, %dma_start3A_167] : memref<10008x64xf32, #tpu.memory_space<vmem_shared>> -> memref<10008x64xf32, #tpu.memory_space<vmem_shared>>
      tpu.enqueue_indirect_dma source(%arg17 : memref<128x64xf32, #tpu.memory_space<vmem>>) target(%dma_start3A_168 : memref<10008x64xf32, #tpu.memory_space<vmem_shared>>) offsets(%dma_start3A_165 : memref<128xi32, #tpu.memory_space<vmem>>) semaphore(%arg23 : memref<!tpu.dma_semaphore, #tpu.memory_space<semaphore_mem>>) {add = true}
    }
    %scan3A_21 = arith.constant 16 : i32
    %add3A = arith.constant 80 : i32
    %add3A_22 = arith.addi %mul3A_16, %add3A : i32
    %sub3A = arith.constant 5 : i32
    %sub3A_23 = arith.subi %add3A_22, %sub3A : i32
    %add3A_24 = arith.constant 0 : i32
    %add3A_25 = arith.addi %sub3A_23, %add3A_24 : i32
    %dma_wait3A = arith.constant 0 : i32
    %dma_wait3A_26 = tpu.memref_slice %arg11[%add3A_25, %dma_wait3A] : memref<160x128xi32, #tpu.memory_space<vmem>> -> memref<1x128xi32, #tpu.memory_space<vmem>>
    %dma_wait3A_27 = tpu.memref_squeeze %dma_wait3A_26 : memref<1x128xi32, #tpu.memory_space<vmem>> -> memref<128xi32, #tpu.memory_space<vmem>>
    %dma_wait3A_28 = arith.constant 0 : i32
    %dma_wait3A_29 = arith.constant 0 : i32
    %dma_wait3A_30 = tpu.memref_slice %arg18[%dma_wait3A_28, %dma_wait3A_29] : memref<10008x64xf32, #tpu.memory_space<vmem_shared>> -> memref<10008x64xf32, #tpu.memory_space<vmem_shared>>
    tpu.wait_indirect_dma semaphore(%arg19 : memref<!tpu.dma_semaphore, #tpu.memory_space<semaphore_mem>>) src(%arg17 : memref<128x64xf32, #tpu.memory_space<vmem>>) dst(%dma_wait3A_30 : memref<10008x64xf32, #tpu.memory_space<vmem_shared>>)
    %add3A_31 = arith.constant 80 : i32
    %add3A_32 = arith.addi %mul3A_16, %add3A_31 : i32
    %sub3A_33 = arith.constant 5 : i32
    %sub3A_34 = arith.subi %add3A_32, %sub3A_33 : i32
    %add3A_35 = arith.constant 1 : i32
    %add3A_36 = arith.addi %sub3A_34, %add3A_35 : i32
    %dma_wait3A_37 = arith.constant 0 : i32
    %dma_wait3A_38 = tpu.memref_slice %arg11[%add3A_36, %dma_wait3A_37] : memref<160x128xi32, #tpu.memory_space<vmem>> -> memref<1x128xi32, #tpu.memory_space<vmem>>
    %dma_wait3A_39 = tpu.memref_squeeze %dma_wait3A_38 : memref<1x128xi32, #tpu.memory_space<vmem>> -> memref<128xi32, #tpu.memory_space<vmem>>
    %dma_wait3A_40 = arith.constant 0 : i32
    %dma_wait3A_41 = arith.constant 0 : i32
    %dma_wait3A_42 = tpu.memref_slice %arg18[%dma_wait3A_40, %dma_wait3A_41] : memref<10008x64xf32, #tpu.memory_space<vmem_shared>> -> memref<10008x64xf32, #tpu.memory_space<vmem_shared>>
    tpu.wait_indirect_dma semaphore(%arg20 : memref<!tpu.dma_semaphore, #tpu.memory_space<semaphore_mem>>) src(%arg17 : memref<128x64xf32, #tpu.memory_space<vmem>>) dst(%dma_wait3A_42 : memref<10008x64xf32, #tpu.memory_space<vmem_shared>>)
    %add3A_43 = arith.constant 80 : i32
    %add3A_44 = arith.addi %mul3A_16, %add3A_43 : i32
    %sub3A_45 = arith.constant 5 : i32
    %sub3A_46 = arith.subi %add3A_44, %sub3A_45 : i32
    %add3A_47 = arith.constant 2 : i32
    %add3A_48 = arith.addi %sub3A_46, %add3A_47 : i32
    %dma_wait3A_49 = arith.constant 0 : i32
    %dma_wait3A_50 = tpu.memref_slice %arg11[%add3A_48, %dma_wait3A_49] : memref<160x128xi32, #tpu.memory_space<vmem>> -> memref<1x128xi32, #tpu.memory_space<vmem>>
    %dma_wait3A_51 = tpu.memref_squeeze %dma_wait3A_50 : memref<1x128xi32, #tpu.memory_space<vmem>> -> memref<128xi32, #tpu.memory_space<vmem>>
    %dma_wait3A_52 = arith.constant 0 : i32
    %dma_wait3A_53 = arith.constant 0 : i32
    %dma_wait3A_54 = tpu.memref_slice %arg18[%dma_wait3A_52, %dma_wait3A_53] : memref<10008x64xf32, #tpu.memory_space<vmem_shared>> -> memref<10008x64xf32, #tpu.memory_space<vmem_shared>>
    tpu.wait_indirect_dma semaphore(%arg21 : memref<!tpu.dma_semaphore, #tpu.memory_space<semaphore_mem>>) src(%arg17 : memref<128x64xf32, #tpu.memory_space<vmem>>) dst(%dma_wait3A_54 : memref<10008x64xf32, #tpu.memory_space<vmem_shared>>)
    %add3A_55 = arith.constant 80 : i32
    %add3A_56 = arith.addi %mul3A_16, %add3A_55 : i32
    %sub3A_57 = arith.constant 5 : i32
    %sub3A_58 = arith.subi %add3A_56, %sub3A_57 : i32
    %add3A_59 = arith.constant 3 : i32
    %add3A_60 = arith.addi %sub3A_58, %add3A_59 : i32
    %dma_wait3A_61 = arith.constant 0 : i32
    %dma_wait3A_62 = tpu.memref_slice %arg11[%add3A_60, %dma_wait3A_61] : memref<160x128xi32, #tpu.memory_space<vmem>> -> memref<1x128xi32, #tpu.memory_space<vmem>>
    %dma_wait3A_63 = tpu.memref_squeeze %dma_wait3A_62 : memref<1x128xi32, #tpu.memory_space<vmem>> -> memref<128xi32, #tpu.memory_space<vmem>>
    %dma_wait3A_64 = arith.constant 0 : i32
    %dma_wait3A_65 = arith.constant 0 : i32
    %dma_wait3A_66 = tpu.memref_slice %arg18[%dma_wait3A_64, %dma_wait3A_65] : memref<10008x64xf32, #tpu.memory_space<vmem_shared>> -> memref<10008x64xf32, #tpu.memory_space<vmem_shared>>
    tpu.wait_indirect_dma semaphore(%arg22 : memref<!tpu.dma_semaphore, #tpu.memory_space<semaphore_mem>>) src(%arg17 : memref<128x64xf32, #tpu.memory_space<vmem>>) dst(%dma_wait3A_66 : memref<10008x64xf32, #tpu.memory_space<vmem_shared>>)
    %add3A_67 = arith.constant 80 : i32
    %add3A_68 = arith.addi %mul3A_16, %add3A_67 : i32
    %sub3A_69 = arith.constant 5 : i32
    %sub3A_70 = arith.subi %add3A_68, %sub3A_69 : i32
    %add3A_71 = arith.constant 4 : i32
    %add3A_72 = arith.addi %sub3A_70, %add3A_71 : i32
    %dma_wait3A_73 = arith.constant 0 : i32
    %dma_wait3A_74 = tpu.memref_slice %arg11[%add3A_72, %dma_wait3A_73] : memref<160x128xi32, #tpu.memory_space<vmem>> -> memref<1x128xi32, #tpu.memory_space<vmem>>
    %dma_wait3A_75 = tpu.memref_squeeze %dma_wait3A_74 : memref<1x128xi32, #tpu.memory_space<vmem>> -> memref<128xi32, #tpu.memory_space<vmem>>
    %dma_wait3A_76 = arith.constant 0 : i32
    %dma_wait3A_77 = arith.constant 0 : i32
    %dma_wait3A_78 = tpu.memref_slice %arg18[%dma_wait3A_76, %dma_wait3A_77] : memref<10008x64xf32, #tpu.memory_space<vmem_shared>> -> memref<10008x64xf32, #tpu.memory_space<vmem_shared>>
    tpu.wait_indirect_dma semaphore(%arg23 : memref<!tpu.dma_semaphore, #tpu.memory_space<semaphore_mem>>) src(%arg17 : memref<128x64xf32, #tpu.memory_space<vmem>>) dst(%dma_wait3A_78 : memref<10008x64xf32, #tpu.memory_space<vmem_shared>>)
    %barrier3A_79 = arith.constant 0 : index
    tpu.barrier barrier_id(%barrier3A_79)
    %lt3A_80 = arith.constant 15 : i32
    %lt3A_81 = arith.cmpi slt, %arg1, %lt3A_80 : i32
    %convert_element_type3A_82 = arith.extui %lt3A_81 : i1 to i32
    %cond3A_83 = arith.constant 0 : i32
    %cond3A_84 = arith.cmpi ne, %convert_element_type3A_82, %cond3A_83 : i32
    scf.if %cond3A_84 {
      %mul3A_90 = arith.constant 632 : i32
      %mul3A_91 = arith.muli %arg1, %mul3A_90 : i32
      %add3A_92 = arith.constant 20016 : i32
      %add3A_93 = arith.addi %add3A_92, %mul3A_91 : i32
      %eq3A_94 = arith.constant 0 : i32
      %eq3A_95 = arith.cmpi eq, %arg0, %eq3A_94 : i32
      %convert_element_type3A_96 = arith.extui %eq3A_95 : i1 to i32
      %cond3A_97 = arith.constant 0 : i32
      %cond3A_98 = arith.cmpi ne, %convert_element_type3A_96, %cond3A_97 : i32
      scf.if %cond3A_98 {
        "tpu.region"() ({
          %run_scoped3A = tpu.sem_alloc : memref<!tpu.dma_semaphore, #tpu.memory_space<semaphore_mem>>
          %dma_start3A = arith.constant 0 : i32
          %dma_start3A_104 = tpu.memref_slice %arg8[%add3A_93, %dma_start3A] : memref<30024x64xf32, #tpu.memory_space<hbm>> -> memref<632x64xf32, #tpu.memory_space<hbm>>
          %dma_start3A_105 = arith.constant 0 : i32
          %dma_start3A_106 = tpu.memref_slice %arg18[%mul3A_91, %dma_start3A_105] : memref<10008x64xf32, #tpu.memory_space<vmem_shared>> -> memref<632x64xf32, #tpu.memory_space<vmem_shared>>
          tpu.enqueue_dma source(%dma_start3A_106 : memref<632x64xf32, #tpu.memory_space<vmem_shared>>) target(%dma_start3A_104 : memref<632x64xf32, #tpu.memory_space<hbm>>) target_semaphore(%run_scoped3A : memref<!tpu.dma_semaphore, #tpu.memory_space<semaphore_mem>>)
          %dma_wait3A_107 = arith.constant 0 : i32
          %dma_wait3A_108 = tpu.memref_slice %arg8[%add3A_93, %dma_wait3A_107] : memref<30024x64xf32, #tpu.memory_space<hbm>> -> memref<632x64xf32, #tpu.memory_space<hbm>>
          %dma_wait3A_109 = arith.constant 0 : i32
          %dma_wait3A_110 = tpu.memref_slice %arg18[%mul3A_91, %dma_wait3A_109] : memref<10008x64xf32, #tpu.memory_space<vmem_shared>> -> memref<632x64xf32, #tpu.memory_space<vmem_shared>>
          tpu.wait_dma2 semaphore(%run_scoped3A : memref<!tpu.dma_semaphore, #tpu.memory_space<semaphore_mem>>) src(%dma_wait3A_110 : memref<632x64xf32, #tpu.memory_space<vmem_shared>>) dst(%dma_wait3A_108 : memref<632x64xf32, #tpu.memory_space<hbm>>)
          tpu.yield
        }) : () -> ()
      } else {
      }
      %eq3A_99 = arith.constant 1 : i32
      %eq3A_100 = arith.cmpi eq, %arg0, %eq3A_99 : i32
      %convert_element_type3A_101 = arith.extui %eq3A_100 : i1 to i32
      %cond3A_102 = arith.constant 0 : i32
      %cond3A_103 = arith.cmpi ne, %convert_element_type3A_101, %cond3A_102 : i32
      scf.if %cond3A_103 {
        "tpu.region"() ({
          %run_scoped3A = tpu.sem_alloc : memref<!tpu.dma_semaphore, #tpu.memory_space<semaphore_mem>>
          %dma_start3A = arith.constant 0 : i32
          %dma_start3A_104 = tpu.memref_slice %arg9[%add3A_93, %dma_start3A] : memref<30024x64xf32, #tpu.memory_space<hbm>> -> memref<632x64xf32, #tpu.memory_space<hbm>>
          %dma_start3A_105 = arith.constant 0 : i32
          %dma_start3A_106 = tpu.memref_slice %arg18[%mul3A_91, %dma_start3A_105] : memref<10008x64xf32, #tpu.memory_space<vmem_shared>> -> memref<632x64xf32, #tpu.memory_space<vmem_shared>>
          tpu.enqueue_dma source(%dma_start3A_106 : memref<632x64xf32, #tpu.memory_space<vmem_shared>>) target(%dma_start3A_104 : memref<632x64xf32, #tpu.memory_space<hbm>>) target_semaphore(%run_scoped3A : memref<!tpu.dma_semaphore, #tpu.memory_space<semaphore_mem>>)
          %dma_wait3A_107 = arith.constant 0 : i32
          %dma_wait3A_108 = tpu.memref_slice %arg9[%add3A_93, %dma_wait3A_107] : memref<30024x64xf32, #tpu.memory_space<hbm>> -> memref<632x64xf32, #tpu.memory_space<hbm>>
          %dma_wait3A_109 = arith.constant 0 : i32
          %dma_wait3A_110 = tpu.memref_slice %arg18[%mul3A_91, %dma_wait3A_109] : memref<10008x64xf32, #tpu.memory_space<vmem_shared>> -> memref<632x64xf32, #tpu.memory_space<vmem_shared>>
          tpu.wait_dma2 semaphore(%run_scoped3A : memref<!tpu.dma_semaphore, #tpu.memory_space<semaphore_mem>>) src(%dma_wait3A_110 : memref<632x64xf32, #tpu.memory_space<vmem_shared>>) dst(%dma_wait3A_108 : memref<632x64xf32, #tpu.memory_space<hbm>>)
          tpu.yield
        }) : () -> ()
      } else {
      }
    } else {
    }
    %eq3A_85 = arith.constant 15 : i32
    %eq3A_86 = arith.cmpi eq, %arg1, %eq3A_85 : i32
    %convert_element_type3A_87 = arith.extui %eq3A_86 : i1 to i32
    %cond3A_88 = arith.constant 0 : i32
    %cond3A_89 = arith.cmpi ne, %convert_element_type3A_87, %cond3A_88 : i32
    scf.if %cond3A_89 {
      %eq3A_90 = arith.constant 0 : i32
      %eq3A_91 = arith.cmpi eq, %arg0, %eq3A_90 : i32
      %convert_element_type3A_92 = arith.extui %eq3A_91 : i1 to i32
      %cond3A_93 = arith.constant 0 : i32
      %cond3A_94 = arith.cmpi ne, %convert_element_type3A_92, %cond3A_93 : i32
      scf.if %cond3A_94 {
        "tpu.region"() ({
          %run_scoped3A = tpu.sem_alloc : memref<!tpu.dma_semaphore, #tpu.memory_space<semaphore_mem>>
          %dma_start3A = arith.constant 29496 : i32
          %dma_start3A_100 = arith.constant 0 : i32
          %dma_start3A_101 = tpu.memref_slice %arg8[%dma_start3A, %dma_start3A_100] : memref<30024x64xf32, #tpu.memory_space<hbm>> -> memref<528x64xf32, #tpu.memory_space<hbm>>
          %dma_start3A_102 = arith.constant 9480 : i32
          %dma_start3A_103 = arith.constant 0 : i32
          %dma_start3A_104 = tpu.memref_slice %arg18[%dma_start3A_102, %dma_start3A_103] : memref<10008x64xf32, #tpu.memory_space<vmem_shared>> -> memref<528x64xf32, #tpu.memory_space<vmem_shared>>
          tpu.enqueue_dma source(%dma_start3A_104 : memref<528x64xf32, #tpu.memory_space<vmem_shared>>) target(%dma_start3A_101 : memref<528x64xf32, #tpu.memory_space<hbm>>) target_semaphore(%run_scoped3A : memref<!tpu.dma_semaphore, #tpu.memory_space<semaphore_mem>>)
          %dma_wait3A_105 = arith.constant 29496 : i32
          %dma_wait3A_106 = arith.constant 0 : i32
          %dma_wait3A_107 = tpu.memref_slice %arg8[%dma_wait3A_105, %dma_wait3A_106] : memref<30024x64xf32, #tpu.memory_space<hbm>> -> memref<528x64xf32, #tpu.memory_space<hbm>>
          %dma_wait3A_108 = arith.constant 9480 : i32
          %dma_wait3A_109 = arith.constant 0 : i32
          %dma_wait3A_110 = tpu.memref_slice %arg18[%dma_wait3A_108, %dma_wait3A_109] : memref<10008x64xf32, #tpu.memory_space<vmem_shared>> -> memref<528x64xf32, #tpu.memory_space<vmem_shared>>
          tpu.wait_dma2 semaphore(%run_scoped3A : memref<!tpu.dma_semaphore, #tpu.memory_space<semaphore_mem>>) src(%dma_wait3A_110 : memref<528x64xf32, #tpu.memory_space<vmem_shared>>) dst(%dma_wait3A_107 : memref<528x64xf32, #tpu.memory_space<hbm>>)
          tpu.yield
        }) : () -> ()
      } else {
      }
      %eq3A_95 = arith.constant 1 : i32
      %eq3A_96 = arith.cmpi eq, %arg0, %eq3A_95 : i32
      %convert_element_type3A_97 = arith.extui %eq3A_96 : i1 to i32
      %cond3A_98 = arith.constant 0 : i32
      %cond3A_99 = arith.cmpi ne, %convert_element_type3A_97, %cond3A_98 : i32
      scf.if %cond3A_99 {
        "tpu.region"() ({
          %run_scoped3A = tpu.sem_alloc : memref<!tpu.dma_semaphore, #tpu.memory_space<semaphore_mem>>
          %dma_start3A = arith.constant 29496 : i32
          %dma_start3A_100 = arith.constant 0 : i32
          %dma_start3A_101 = tpu.memref_slice %arg9[%dma_start3A, %dma_start3A_100] : memref<30024x64xf32, #tpu.memory_space<hbm>> -> memref<528x64xf32, #tpu.memory_space<hbm>>
          %dma_start3A_102 = arith.constant 9480 : i32
          %dma_start3A_103 = arith.constant 0 : i32
          %dma_start3A_104 = tpu.memref_slice %arg18[%dma_start3A_102, %dma_start3A_103] : memref<10008x64xf32, #tpu.memory_space<vmem_shared>> -> memref<528x64xf32, #tpu.memory_space<vmem_shared>>
          tpu.enqueue_dma source(%dma_start3A_104 : memref<528x64xf32, #tpu.memory_space<vmem_shared>>) target(%dma_start3A_101 : memref<528x64xf32, #tpu.memory_space<hbm>>) target_semaphore(%run_scoped3A : memref<!tpu.dma_semaphore, #tpu.memory_space<semaphore_mem>>)
          %dma_wait3A_105 = arith.constant 29496 : i32
          %dma_wait3A_106 = arith.constant 0 : i32
          %dma_wait3A_107 = tpu.memref_slice %arg9[%dma_wait3A_105, %dma_wait3A_106] : memref<30024x64xf32, #tpu.memory_space<hbm>> -> memref<528x64xf32, #tpu.memory_space<hbm>>
          %dma_wait3A_108 = arith.constant 9480 : i32
          %dma_wait3A_109 = arith.constant 0 : i32
          %dma_wait3A_110 = tpu.memref_slice %arg18[%dma_wait3A_108, %dma_wait3A_109] : memref<10008x64xf32, #tpu.memory_space<vmem_shared>> -> memref<528x64xf32, #tpu.memory_space<vmem_shared>>
          tpu.wait_dma2 semaphore(%run_scoped3A : memref<!tpu.dma_semaphore, #tpu.memory_space<semaphore_mem>>) src(%dma_wait3A_110 : memref<528x64xf32, #tpu.memory_space<vmem_shared>>) dst(%dma_wait3A_107 : memref<528x64xf32, #tpu.memory_space<hbm>>)
          tpu.yield
        }) : () -> ()
      } else {
      }
    } else {
    }
    return
  }
}

module attributes {stable_mosaic.version = 14 : i64} {
  func.func @_readout_kernel(%arg0: i32, %arg1: memref<1000x128xf32, #tpu.memory_space<vmem>>, %arg2: memref<1000x128xf32, #tpu.memory_space<vmem>>, %arg3: memref<1000x128xf32, #tpu.memory_space<vmem>>, %arg4: memref<1000x128xf32, #tpu.memory_space<vmem>>, %arg5: memref<1000x1xf32, #tpu.memory_space<vmem>>, %arg6: memref<1000x1xf32, #tpu.memory_space<vmem>>, %arg7: memref<128x128xf32, #tpu.memory_space<vmem>>, %arg8: memref<1x128xf32, #tpu.memory_space<vmem>>, %arg9: memref<1x1xf32, #tpu.memory_space<vmem>>, %arg10: memref<1x128xf32, #tpu.memory_space<vmem>>, %arg11: memref<1x1xf32, #tpu.memory_space<vmem>>) attributes {dimension_semantics = [#tpu.dimension_semantics<arbitrary>], iteration_bounds = array<i64: 5>, scalar_prefetch = 0 : i64, scratch_operands = 0 : i64, tpu.core_type = #tpu.core_type<tc>, window_params = [{transform_indices = @transform_0, window_bounds = array<i64: 1000, 128>}, {transform_indices = @transform_1, window_bounds = array<i64: 1000, 128>}, {transform_indices = @transform_2, window_bounds = array<i64: 1000, 128>}, {transform_indices = @transform_3, window_bounds = array<i64: 1000, 128>}, {transform_indices = @transform_4, window_bounds = array<i64: 1000, 1>}, {transform_indices = @transform_5, window_bounds = array<i64: 1000, 1>}, {pipeline_mode = #tpu.pipeline_mode<synchronous>, transform_indices = @transform_6, window_bounds = array<i64: 128, 128>}, {pipeline_mode = #tpu.pipeline_mode<synchronous>, transform_indices = @transform_7, window_bounds = array<i64: 1, 128>}, {pipeline_mode = #tpu.pipeline_mode<synchronous>, transform_indices = @transform_8, window_bounds = array<i64: 1, 1>}, {pipeline_mode = #tpu.pipeline_mode<synchronous>, transform_indices = @transform_9, window_bounds = array<i64: 1, 128>}, {pipeline_mode = #tpu.pipeline_mode<synchronous>, transform_indices = @transform_10, window_bounds = array<i64: 1, 1>}]} {
    %eq3A = arith.constant 0 : i32
    %eq3A_0 = arith.cmpi eq, %arg0, %eq3A : i32
    %convert_element_type3A = arith.extui %eq3A_0 : i1 to i32
    %cond3A = arith.constant 0 : i32
    %cond3A_1 = arith.cmpi ne, %convert_element_type3A, %cond3A : i32
    scf.if %cond3A_1 {
      %broadcast_in_dim3A_91 = arith.constant 0.000000e+00 : f32
      %broadcast_in_dim3A_92 = vector.broadcast %broadcast_in_dim3A_91 : f32 to vector<1x128xf32>
      %swap3A_93 = arith.constant 0 : index
      %swap3A_94 = arith.constant 0 : index
      %swap3A_95 = vector.load %arg10[%swap3A_93, %swap3A_94] : memref<1x128xf32, #tpu.memory_space<vmem>>, vector<1x128xf32>
      tpu.vector_store %arg10[%swap3A_93, %swap3A_94], %broadcast_in_dim3A_92 {strides = array<i32>} : memref<1x128xf32, #tpu.memory_space<vmem>>, vector<1x128xf32>,
      %broadcast_in_dim3A_96 = arith.constant 0.000000e+00 : f32
      %broadcast_in_dim3A_97 = vector.broadcast %broadcast_in_dim3A_96 : f32 to vector<1x1xf32>
      %swap3A_98 = arith.constant 0 : index
      %swap3A_99 = arith.constant 0 : index
      %swap3A_100 = vector.load %arg11[%swap3A_98, %swap3A_99] : memref<1x1xf32, #tpu.memory_space<vmem>>, vector<1x1xf32>
      tpu.vector_store %arg11[%swap3A_98, %swap3A_99], %broadcast_in_dim3A_97 {strides = array<i32>} : memref<1x1xf32, #tpu.memory_space<vmem>>, vector<1x1xf32>,
    } else {
    }
    %get3A = arith.constant 0 : index
    %get3A_2 = arith.constant 0 : index
    %get3A_3 = vector.load %arg1[%get3A, %get3A_2] : memref<1000x128xf32, #tpu.memory_space<vmem>>, vector<1000x128xf32>
    %get3A_4 = arith.constant 0 : index
    %get3A_5 = arith.constant 0 : index
    %get3A_6 = vector.load %arg2[%get3A_4, %get3A_5] : memref<1000x128xf32, #tpu.memory_space<vmem>>, vector<1000x128xf32>
    %get3A_7 = arith.constant 0 : index
    %get3A_8 = arith.constant 0 : index
    %get3A_9 = vector.load %arg3[%get3A_7, %get3A_8] : memref<1000x128xf32, #tpu.memory_space<vmem>>, vector<1000x128xf32>
    %get3A_10 = arith.constant 0 : index
    %get3A_11 = arith.constant 0 : index
    %get3A_12 = vector.load %arg4[%get3A_10, %get3A_11] : memref<1000x128xf32, #tpu.memory_space<vmem>>, vector<1000x128xf32>
    %get3A_13 = arith.constant 0 : index
    %get3A_14 = arith.constant 0 : index
    %get3A_15 = vector.load %arg7[%get3A_13, %get3A_14] : memref<128x128xf32, #tpu.memory_space<vmem>>, vector<128x128xf32>
    %get3A_16 = arith.constant 0 : index
    %get3A_17 = arith.constant 0 : index
    %get3A_18 = vector.load %arg8[%get3A_16, %get3A_17] : memref<1x128xf32, #tpu.memory_space<vmem>>, vector<1x128xf32>
    %get3A_19 = arith.constant 0 : index
    %get3A_20 = arith.constant 0 : index
    %get3A_21 = vector.load %arg9[%get3A_19, %get3A_20] : memref<1x1xf32, #tpu.memory_space<vmem>>, vector<1x1xf32>
    %get3A_22 = vector.extract %get3A_21[0, 0] : f32 from vector<1x1xf32>
    %slice3A = vector.extract_strided_slice %get3A_3 {offsets = [0, 0], sizes = [1000, 64], strides = [1, 1]} : vector<1000x128xf32> to vector<1000x64xf32>
    %slice3A_23 = vector.extract_strided_slice %get3A_6 {offsets = [0, 0], sizes = [1000, 64], strides = [1, 1]} : vector<1000x128xf32> to vector<1000x64xf32>
    %concatenate3A = tpu.concatenate %slice3A, %slice3A_23 in 1 : vector<1000x64xf32>, vector<1000x64xf32> -> vector<1000x128xf32>
    %slice3A_24 = vector.extract_strided_slice %get3A_3 {offsets = [0, 64], sizes = [1000, 64], strides = [1, 1]} : vector<1000x128xf32> to vector<1000x64xf32>
    %slice3A_25 = vector.extract_strided_slice %get3A_6 {offsets = [0, 64], sizes = [1000, 64], strides = [1, 1]} : vector<1000x128xf32> to vector<1000x64xf32>
    %concatenate3A_26 = tpu.concatenate %slice3A_24, %slice3A_25 in 1 : vector<1000x64xf32>, vector<1000x64xf32> -> vector<1000x128xf32>
    %slice3A_27 = vector.extract_strided_slice %get3A_9 {offsets = [0, 0], sizes = [1000, 1], strides = [1, 1]} : vector<1000x128xf32> to vector<1000x1xf32>
    %slice3A_28 = vector.extract_strided_slice %get3A_12 {offsets = [0, 0], sizes = [1000, 1], strides = [1, 1]} : vector<1000x128xf32> to vector<1000x1xf32>
    %add3A = arith.addf %slice3A_27, %slice3A_28 : vector<1000x1xf32>
    %max3A = arith.constant 1.000000e+00 : f32
    %max3A_29 = vector.broadcast %max3A : f32 to vector<1000x1xf32>
    %max3A_30 = arith.maximumf %add3A, %max3A_29 : vector<1000x1xf32>
    %slice3A_31 = vector.extract_strided_slice %get3A_9 {offsets = [0, 64], sizes = [1000, 1], strides = [1, 1]} : vector<1000x128xf32> to vector<1000x1xf32>
    %slice3A_32 = vector.extract_strided_slice %get3A_12 {offsets = [0, 64], sizes = [1000, 1], strides = [1, 1]} : vector<1000x128xf32> to vector<1000x1xf32>
    %add3A_33 = arith.addf %slice3A_31, %slice3A_32 : vector<1000x1xf32>
    %max3A_34 = arith.constant 1.000000e+00 : f32
    %max3A_35 = vector.broadcast %max3A_34 : f32 to vector<1000x1xf32>
    %max3A_36 = arith.maximumf %add3A_33, %max3A_35 : vector<1000x1xf32>
    %dot_general3A = arith.constant dense<0.000000e+00> : vector<1000x128xf32>
    %dot_general3A_37 = tpu.matmul %concatenate3A, %get3A_15, %dot_general3A {dimension_numbers = #tpu.dot_dimension_numbers<[1], [0], [0], [1], [0, 0, 1, 1], [], []>, transpose_lhs_hint = false} : vector<1000x128xf32>, vector<128x128xf32>, vector<1000x128xf32> -> vector<1000x128xf32>
    %div3A = vector.broadcast %max3A_30 : vector<1000x1xf32> to vector<1000x128xf32>
    %div3A_38 = arith.divf %dot_general3A_37, %div3A : vector<1000x128xf32>
    %add3A_39 = vector.broadcast %get3A_18 : vector<1x128xf32> to vector<1000x128xf32>
    %add3A_40 = arith.addf %div3A_38, %add3A_39 : vector<1000x128xf32>
    %dot_general3A_41 = arith.constant dense<0.000000e+00> : vector<1000x128xf32>
    %dot_general3A_42 = tpu.matmul %concatenate3A_26, %get3A_15, %dot_general3A_41 {dimension_numbers = #tpu.dot_dimension_numbers<[1], [0], [0], [1], [0, 0, 1, 1], [], []>, transpose_lhs_hint = false} : vector<1000x128xf32>, vector<128x128xf32>, vector<1000x128xf32> -> vector<1000x128xf32>
    %div3A_43 = vector.broadcast %max3A_36 : vector<1000x1xf32> to vector<1000x128xf32>
    %div3A_44 = arith.divf %dot_general3A_42, %div3A_43 : vector<1000x128xf32>
    %add3A_45 = vector.broadcast %get3A_18 : vector<1x128xf32> to vector<1000x128xf32>
    %add3A_46 = arith.addf %div3A_44, %add3A_45 : vector<1000x128xf32>
    %gt3A = arith.constant 0.000000e+00 : f32
    %gt3A_47 = vector.broadcast %gt3A : f32 to vector<1000x128xf32>
    %gt3A_48 = arith.cmpf ogt, %add3A_40, %gt3A_47 : vector<1000x128xf32>
    %mul3A = vector.broadcast %get3A_22 : f32 to vector<1000x128xf32>
    %mul3A_49 = arith.mulf %mul3A, %add3A_40 : vector<1000x128xf32>
    %select_n3A = arith.select %gt3A_48, %add3A_40, %mul3A_49 : vector<1000x128xi1>, vector<1000x128xf32>
    %gt3A_50 = arith.constant 0.000000e+00 : f32
    %gt3A_51 = vector.broadcast %gt3A_50 : f32 to vector<1000x128xf32>
    %gt3A_52 = arith.cmpf ogt, %add3A_46, %gt3A_51 : vector<1000x128xf32>
    %mul3A_53 = vector.broadcast %get3A_22 : f32 to vector<1000x128xf32>
    %mul3A_54 = arith.mulf %mul3A_53, %add3A_46 : vector<1000x128xf32>
    %select_n3A_55 = arith.select %gt3A_52, %add3A_46, %mul3A_54 : vector<1000x128xi1>, vector<1000x128xf32>
    %get3A_56 = arith.constant 0 : index
    %get3A_57 = arith.constant 0 : index
    %get3A_58 = vector.load %arg5[%get3A_56, %get3A_57] : memref<1000x1xf32, #tpu.memory_space<vmem>>, vector<1000x1xf32>
    %get3A_59 = arith.constant 0 : index
    %get3A_60 = arith.constant 0 : index
    %get3A_61 = vector.load %arg6[%get3A_59, %get3A_60] : memref<1000x1xf32, #tpu.memory_space<vmem>>, vector<1000x1xf32>
    %get3A_62 = arith.constant 0 : index
    %get3A_63 = arith.constant 0 : index
    %get3A_64 = vector.load %arg10[%get3A_62, %get3A_63] : memref<1x128xf32, #tpu.memory_space<vmem>>, vector<1x128xf32>
    %mul3A_65 = vector.broadcast %get3A_58 : vector<1000x1xf32> to vector<1000x128xf32>
    %mul3A_66 = arith.mulf %mul3A_65, %select_n3A : vector<1000x128xf32>
    %reduce_sum3A = arith.constant dense<0.000000e+00> : vector<128xf32>
    %reduce_sum3A_67 = vector.multi_reduction <add>, %mul3A_66, %reduce_sum3A [0] : vector<1000x128xf32> to vector<128xf32>
    %broadcast_in_dim3A = vector.shape_cast %reduce_sum3A_67 : vector<128xf32> to vector<1x128xf32>
    %mul3A_68 = vector.broadcast %get3A_61 : vector<1000x1xf32> to vector<1000x128xf32>
    %mul3A_69 = arith.mulf %mul3A_68, %select_n3A_55 : vector<1000x128xf32>
    %reduce_sum3A_70 = arith.constant dense<0.000000e+00> : vector<128xf32>
    %reduce_sum3A_71 = vector.multi_reduction <add>, %mul3A_69, %reduce_sum3A_70 [0] : vector<1000x128xf32> to vector<128xf32>
    %broadcast_in_dim3A_72 = vector.shape_cast %reduce_sum3A_71 : vector<128xf32> to vector<1x128xf32>
    %add3A_73 = arith.addf %broadcast_in_dim3A, %broadcast_in_dim3A_72 : vector<1x128xf32>
    %add3A_74 = arith.addf %get3A_64, %add3A_73 : vector<1x128xf32>
    %swap3A = arith.constant 0 : index
    %swap3A_75 = arith.constant 0 : index
    %swap3A_76 = vector.load %arg10[%swap3A, %swap3A_75] : memref<1x128xf32, #tpu.memory_space<vmem>>, vector<1x128xf32>
    tpu.vector_store %arg10[%swap3A, %swap3A_75], %add3A_74 {strides = array<i32>} : memref<1x128xf32, #tpu.memory_space<vmem>>, vector<1x128xf32>,
    %get3A_77 = arith.constant 0 : index
    %get3A_78 = arith.constant 0 : index
    %get3A_79 = vector.load %arg11[%get3A_77, %get3A_78] : memref<1x1xf32, #tpu.memory_space<vmem>>, vector<1x1xf32>
    %reduce_sum3A_80 = arith.constant dense<0.000000e+00> : vector<1xf32>
    %reduce_sum3A_81 = vector.multi_reduction <add>, %get3A_58, %reduce_sum3A_80 [0] : vector<1000x1xf32> to vector<1xf32>
    %broadcast_in_dim3A_82 = vector.shape_cast %reduce_sum3A_81 : vector<1xf32> to vector<1x1xf32>
    %reduce_sum3A_83 = arith.constant dense<0.000000e+00> : vector<1xf32>
    %reduce_sum3A_84 = vector.multi_reduction <add>, %get3A_61, %reduce_sum3A_83 [0] : vector<1000x1xf32> to vector<1xf32>
    %broadcast_in_dim3A_85 = vector.shape_cast %reduce_sum3A_84 : vector<1xf32> to vector<1x1xf32>
    %add3A_86 = arith.addf %broadcast_in_dim3A_82, %broadcast_in_dim3A_85 : vector<1x1xf32>
    %add3A_87 = arith.addf %get3A_79, %add3A_86 : vector<1x1xf32>
    %swap3A_88 = arith.constant 0 : index
    %swap3A_89 = arith.constant 0 : index
    %swap3A_90 = vector.load %arg11[%swap3A_88, %swap3A_89] : memref<1x1xf32, #tpu.memory_space<vmem>>, vector<1x1xf32>
    tpu.vector_store %arg11[%swap3A_88, %swap3A_89], %add3A_87 {strides = array<i32>} : memref<1x1xf32, #tpu.memory_space<vmem>>, vector<1x1xf32>,
    return
  }
  func.func @transform_0(%arg0: i32) -> (i32, i32) {
    %c0_i32 = arith.constant 0 : i32
    %c0_i32_0 = arith.constant 0 : i32
    return %arg0, %c0_i32 : i32, i32
  }
  func.func @transform_1(%arg0: i32) -> (i32, i32) {
    %c0_i32 = arith.constant 0 : i32
    %c0_i32_0 = arith.constant 0 : i32
    return %arg0, %c0_i32 : i32, i32
  }
  func.func @transform_2(%arg0: i32) -> (i32, i32) {
    %c0_i32 = arith.constant 0 : i32
    %c0_i32_0 = arith.constant 0 : i32
    return %arg0, %c0_i32 : i32, i32
  }
  func.func @transform_3(%arg0: i32) -> (i32, i32) {
    %c0_i32 = arith.constant 0 : i32
    %c0_i32_0 = arith.constant 0 : i32
    return %arg0, %c0_i32 : i32, i32
  }
  func.func @transform_4(%arg0: i32) -> (i32, i32) {
    %c0_i32 = arith.constant 0 : i32
    %c0_i32_0 = arith.constant 0 : i32
    return %arg0, %c0_i32 : i32, i32
  }
  func.func @transform_5(%arg0: i32) -> (i32, i32) {
    %c0_i32 = arith.constant 0 : i32
    %c0_i32_0 = arith.constant 0 : i32
    return %arg0, %c0_i32 : i32, i32
  }
  func.func @transform_6(%arg0: i32) -> (i32, i32) {
    %c0_i32 = arith.constant 0 : i32
    %c0_i32_0 = arith.constant 0 : i32
    %c0_i32_1 = arith.constant 0 : i32
    return %c0_i32, %c0_i32_0 : i32, i32
  }
  func.func @transform_7(%arg0: i32) -> (i32, i32) {
    %c0_i32 = arith.constant 0 : i32
    %c0_i32_0 = arith.constant 0 : i32
    %c0_i32_1 = arith.constant 0 : i32
    return %c0_i32, %c0_i32_0 : i32, i32
  }
  func.func @transform_8(%arg0: i32) -> (i32, i32) {
    %c0_i32 = arith.constant 0 : i32
    %c0_i32_0 = arith.constant 0 : i32
    %c0_i32_1 = arith.constant 0 : i32
    return %c0_i32, %c0_i32_0 : i32, i32
  }
  func.func @transform_9(%arg0: i32) -> (i32, i32) {
    %c0_i32 = arith.constant 0 : i32
    %c0_i32_0 = arith.constant 0 : i32
    %c0_i32_1 = arith.constant 0 : i32
    return %c0_i32, %c0_i32_0 : i32, i32
  }
  func.func @transform_10(%arg0: i32) -> (i32, i32) {
    %c0_i32 = arith.constant 0 : i32
    %c0_i32_0 = arith.constant 0 : i32
    %c0_i32_1 = arith.constant 0 : i32
    return %c0_i32, %c0_i32_0 : i32, i32
  }
}

module attributes {stable_mosaic.version = 14 : i64} {
  func.func @_cw_kernel(%arg0: memref<1x128xf32, #tpu.memory_space<vmem>>, %arg1: memref<1x1xf32, #tpu.memory_space<vmem>>, %arg2: memref<128x128xf32, #tpu.memory_space<vmem>>, %arg3: memref<128x1xf32, #tpu.memory_space<vmem>>) attributes {dimension_semantics = [], scalar_prefetch = 0 : i64, scratch_operands = 0 : i64, tpu.core_type = #tpu.core_type<tc>} {
    %get3A = arith.constant 0 : index
    %get3A_0 = arith.constant 0 : index
    %get3A_1 = vector.load %arg0[%get3A, %get3A_0] : memref<1x128xf32, #tpu.memory_space<vmem>>, vector<1x128xf32>
    %get3A_2 = arith.constant 0 : index
    %get3A_3 = arith.constant 0 : index
    %get3A_4 = vector.load %arg1[%get3A_2, %get3A_3] : memref<1x1xf32, #tpu.memory_space<vmem>>, vector<1x1xf32>
    %get3A_5 = vector.extract %get3A_4[0, 0] : f32 from vector<1x1xf32>
    %div3A = vector.broadcast %get3A_5 : f32 to vector<1x128xf32>
    %div3A_6 = arith.divf %get3A_1, %div3A : vector<1x128xf32>
    %logistic3A = arith.negf %div3A_6 : vector<1x128xf32>
    %logistic3A_7 = math.exp %logistic3A : vector<1x128xf32>
    %logistic3A_8 = arith.constant 1.000000e+00 : f32
    %logistic3A_9 = vector.broadcast %logistic3A_8 : f32 to vector<1x128xf32>
    %logistic3A_10 = arith.addf %logistic3A_9, %logistic3A_7 : vector<1x128xf32>
    %logistic3A_11 = arith.divf %logistic3A_9, %logistic3A_10 : vector<1x128xf32>
    %get3A_12 = arith.constant 0 : index
    %get3A_13 = arith.constant 0 : index
    %get3A_14 = vector.load %arg2[%get3A_12, %get3A_13] : memref<128x128xf32, #tpu.memory_space<vmem>>, vector<128x128xf32>
    %mul3A = vector.broadcast %logistic3A_11 : vector<1x128xf32> to vector<128x128xf32>
    %mul3A_15 = arith.mulf %get3A_14, %mul3A : vector<128x128xf32>
    %reduce_sum3A = arith.constant dense<0.000000e+00> : vector<128xf32>
    %reduce_sum3A_16 = vector.multi_reduction <add>, %mul3A_15, %reduce_sum3A [1] : vector<128x128xf32> to vector<128xf32>
    %broadcast_in_dim3A = vector.shape_cast %reduce_sum3A_16 : vector<128xf32> to vector<128x1xf32>
    %swap3A = arith.constant 0 : index
    %swap3A_17 = arith.constant 0 : index
    %swap3A_18 = vector.load %arg3[%swap3A, %swap3A_17] : memref<128x1xf32, #tpu.memory_space<vmem>>, vector<128x1xf32>
    tpu.vector_store %arg3[%swap3A, %swap3A_17], %broadcast_in_dim3A {strides = array<i32>} : memref<128x1xf32, #tpu.memory_space<vmem>>, vector<128x1xf32>,
    return
  }
}

module attributes {stable_mosaic.version = 14 : i64} {
  func.func @_score_kernel(%arg0: i32, %arg1: memref<1000x128xf32, #tpu.memory_space<vmem>>, %arg2: memref<1000x128xf32, #tpu.memory_space<vmem>>, %arg3: memref<1000x128xf32, #tpu.memory_space<vmem>>, %arg4: memref<1000x128xf32, #tpu.memory_space<vmem>>, %arg5: memref<1000x128xf32, #tpu.memory_space<vmem>>, %arg6: memref<1000x128xf32, #tpu.memory_space<vmem>>, %arg7: memref<1000x1xf32, #tpu.memory_space<vmem>>, %arg8: memref<1000x1xf32, #tpu.memory_space<vmem>>, %arg9: memref<1000x1xf32, #tpu.memory_space<vmem>>, %arg10: memref<1000x1xf32, #tpu.memory_space<vmem>>, %arg11: memref<128x128xf32, #tpu.memory_space<vmem>>, %arg12: memref<1x128xf32, #tpu.memory_space<vmem>>, %arg13: memref<128x1xf32, #tpu.memory_space<vmem>>, %arg14: memref<1x1xf32, #tpu.memory_space<vmem>>, %arg15: memref<1x1xf32, #tpu.memory_space<vmem>>, %arg16: memref<1000x2xf32, #tpu.memory_space<vmem>>, %arg17: memref<1000x2xf32, #tpu.memory_space<vmem>>) attributes {dimension_semantics = [#tpu.dimension_semantics<arbitrary>], iteration_bounds = array<i64: 5>, scalar_prefetch = 0 : i64, scratch_operands = 0 : i64, tpu.core_type = #tpu.core_type<tc>, window_params = [{transform_indices = @transform_0, window_bounds = array<i64: 1000, 128>}, {transform_indices = @transform_1, window_bounds = array<i64: 1000, 128>}, {transform_indices = @transform_2, window_bounds = array<i64: 1000, 128>}, {transform_indices = @transform_3, window_bounds = array<i64: 1000, 128>}, {transform_indices = @transform_4, window_bounds = array<i64: 1000, 128>}, {transform_indices = @transform_5, window_bounds = array<i64: 1000, 128>}, {transform_indices = @transform_6, window_bounds = array<i64: 1000, 1>}, {transform_indices = @transform_7, window_bounds = array<i64: 1000, 1>}, {transform_indices = @transform_8, window_bounds = array<i64: 1000, 1>}, {transform_indices = @transform_9, window_bounds = array<i64: 1000, 1>}, {pipeline_mode = #tpu.pipeline_mode<synchronous>, transform_indices = @transform_10, window_bounds = array<i64: 128, 128>}, {pipeline_mode = #tpu.pipeline_mode<synchronous>, transform_indices = @transform_11, window_bounds = array<i64: 1, 128>}, {pipeline_mode = #tpu.pipeline_mode<synchronous>, transform_indices = @transform_12, window_bounds = array<i64: 128, 1>}, {pipeline_mode = #tpu.pipeline_mode<synchronous>, transform_indices = @transform_13, window_bounds = array<i64: 1, 1>}, {pipeline_mode = #tpu.pipeline_mode<synchronous>, transform_indices = @transform_14, window_bounds = array<i64: 1, 1>}, {transform_indices = @transform_15, window_bounds = array<i64: 1000, 2>}, {transform_indices = @transform_16, window_bounds = array<i64: 1000, 2>}]} {
    %get3A = arith.constant 0 : index
    %get3A_0 = arith.constant 0 : index
    %get3A_1 = vector.load %arg11[%get3A, %get3A_0] : memref<128x128xf32, #tpu.memory_space<vmem>>, vector<128x128xf32>
    %get3A_2 = arith.constant 0 : index
    %get3A_3 = arith.constant 0 : index
    %get3A_4 = vector.load %arg12[%get3A_2, %get3A_3] : memref<1x128xf32, #tpu.memory_space<vmem>>, vector<1x128xf32>
    %get3A_5 = arith.constant 0 : index
    %get3A_6 = arith.constant 0 : index
    %get3A_7 = vector.load %arg15[%get3A_5, %get3A_6] : memref<1x1xf32, #tpu.memory_space<vmem>>, vector<1x1xf32>
    %get3A_8 = vector.extract %get3A_7[0, 0] : f32 from vector<1x1xf32>
    %get3A_9 = arith.constant 0 : index
    %get3A_10 = arith.constant 0 : index
    %get3A_11 = vector.load %arg13[%get3A_9, %get3A_10] : memref<128x1xf32, #tpu.memory_space<vmem>>, vector<128x1xf32>
    %get3A_12 = arith.constant 0 : index
    %get3A_13 = arith.constant 0 : index
    %get3A_14 = vector.load %arg14[%get3A_12, %get3A_13] : memref<1x1xf32, #tpu.memory_space<vmem>>, vector<1x1xf32>
    %get3A_15 = vector.extract %get3A_14[0, 0] : f32 from vector<1x1xf32>
    %get3A_16 = arith.constant 0 : index
    %get3A_17 = arith.constant 0 : index
    %get3A_18 = vector.load %arg5[%get3A_16, %get3A_17] : memref<1000x128xf32, #tpu.memory_space<vmem>>, vector<1000x128xf32>
    %get3A_19 = arith.constant 0 : index
    %get3A_20 = arith.constant 0 : index
    %get3A_21 = vector.load %arg6[%get3A_19, %get3A_20] : memref<1000x128xf32, #tpu.memory_space<vmem>>, vector<1000x128xf32>
    %get3A_22 = arith.constant 0 : index
    %get3A_23 = arith.constant 0 : index
    %get3A_24 = vector.load %arg1[%get3A_22, %get3A_23] : memref<1000x128xf32, #tpu.memory_space<vmem>>, vector<1000x128xf32>
    %get3A_25 = arith.constant 0 : index
    %get3A_26 = arith.constant 0 : index
    %get3A_27 = vector.load %arg2[%get3A_25, %get3A_26] : memref<1000x128xf32, #tpu.memory_space<vmem>>, vector<1000x128xf32>
    %slice3A = vector.extract_strided_slice %get3A_24 {offsets = [0, 0], sizes = [1000, 64], strides = [1, 1]} : vector<1000x128xf32> to vector<1000x64xf32>
    %slice3A_28 = vector.extract_strided_slice %get3A_27 {offsets = [0, 0], sizes = [1000, 64], strides = [1, 1]} : vector<1000x128xf32> to vector<1000x64xf32>
    %concatenate3A = tpu.concatenate %slice3A, %slice3A_28 in 1 : vector<1000x64xf32>, vector<1000x64xf32> -> vector<1000x128xf32>
    %slice3A_29 = vector.extract_strided_slice %get3A_24 {offsets = [0, 64], sizes = [1000, 64], strides = [1, 1]} : vector<1000x128xf32> to vector<1000x64xf32>
    %slice3A_30 = vector.extract_strided_slice %get3A_27 {offsets = [0, 64], sizes = [1000, 64], strides = [1, 1]} : vector<1000x128xf32> to vector<1000x64xf32>
    %concatenate3A_31 = tpu.concatenate %slice3A_29, %slice3A_30 in 1 : vector<1000x64xf32>, vector<1000x64xf32> -> vector<1000x128xf32>
    %slice3A_32 = vector.extract_strided_slice %get3A_18 {offsets = [0, 0], sizes = [1000, 1], strides = [1, 1]} : vector<1000x128xf32> to vector<1000x1xf32>
    %slice3A_33 = vector.extract_strided_slice %get3A_21 {offsets = [0, 0], sizes = [1000, 1], strides = [1, 1]} : vector<1000x128xf32> to vector<1000x1xf32>
    %add3A = arith.addf %slice3A_32, %slice3A_33 : vector<1000x1xf32>
    %max3A = arith.constant 1.000000e+00 : f32
    %max3A_34 = vector.broadcast %max3A : f32 to vector<1000x1xf32>
    %max3A_35 = arith.maximumf %add3A, %max3A_34 : vector<1000x1xf32>
    %slice3A_36 = vector.extract_strided_slice %get3A_18 {offsets = [0, 64], sizes = [1000, 1], strides = [1, 1]} : vector<1000x128xf32> to vector<1000x1xf32>
    %slice3A_37 = vector.extract_strided_slice %get3A_21 {offsets = [0, 64], sizes = [1000, 1], strides = [1, 1]} : vector<1000x128xf32> to vector<1000x1xf32>
    %add3A_38 = arith.addf %slice3A_36, %slice3A_37 : vector<1000x1xf32>
    %max3A_39 = arith.constant 1.000000e+00 : f32
    %max3A_40 = vector.broadcast %max3A_39 : f32 to vector<1000x1xf32>
    %max3A_41 = arith.maximumf %add3A_38, %max3A_40 : vector<1000x1xf32>
    %dot_general3A = arith.constant dense<0.000000e+00> : vector<1000x128xf32>
    %dot_general3A_42 = tpu.matmul %concatenate3A, %get3A_1, %dot_general3A {dimension_numbers = #tpu.dot_dimension_numbers<[1], [0], [0], [1], [0, 0, 1, 1], [], []>, transpose_lhs_hint = false} : vector<1000x128xf32>, vector<128x128xf32>, vector<1000x128xf32> -> vector<1000x128xf32>
    %div3A = vector.broadcast %max3A_35 : vector<1000x1xf32> to vector<1000x128xf32>
    %div3A_43 = arith.divf %dot_general3A_42, %div3A : vector<1000x128xf32>
    %add3A_44 = vector.broadcast %get3A_4 : vector<1x128xf32> to vector<1000x128xf32>
    %add3A_45 = arith.addf %div3A_43, %add3A_44 : vector<1000x128xf32>
    %dot_general3A_46 = arith.constant dense<0.000000e+00> : vector<1000x128xf32>
    %dot_general3A_47 = tpu.matmul %concatenate3A_31, %get3A_1, %dot_general3A_46 {dimension_numbers = #tpu.dot_dimension_numbers<[1], [0], [0], [1], [0, 0, 1, 1], [], []>, transpose_lhs_hint = false} : vector<1000x128xf32>, vector<128x128xf32>, vector<1000x128xf32> -> vector<1000x128xf32>
    %div3A_48 = vector.broadcast %max3A_41 : vector<1000x1xf32> to vector<1000x128xf32>
    %div3A_49 = arith.divf %dot_general3A_47, %div3A_48 : vector<1000x128xf32>
    %add3A_50 = vector.broadcast %get3A_4 : vector<1x128xf32> to vector<1000x128xf32>
    %add3A_51 = arith.addf %div3A_49, %add3A_50 : vector<1000x128xf32>
    %gt3A = arith.constant 0.000000e+00 : f32
    %gt3A_52 = vector.broadcast %gt3A : f32 to vector<1000x128xf32>
    %gt3A_53 = arith.cmpf ogt, %add3A_45, %gt3A_52 : vector<1000x128xf32>
    %mul3A = vector.broadcast %get3A_8 : f32 to vector<1000x128xf32>
    %mul3A_54 = arith.mulf %mul3A, %add3A_45 : vector<1000x128xf32>
    %select_n3A = arith.select %gt3A_53, %add3A_45, %mul3A_54 : vector<1000x128xi1>, vector<1000x128xf32>
    %gt3A_55 = arith.constant 0.000000e+00 : f32
    %gt3A_56 = vector.broadcast %gt3A_55 : f32 to vector<1000x128xf32>
    %gt3A_57 = arith.cmpf ogt, %add3A_51, %gt3A_56 : vector<1000x128xf32>
    %mul3A_58 = vector.broadcast %get3A_8 : f32 to vector<1000x128xf32>
    %mul3A_59 = arith.mulf %mul3A_58, %add3A_51 : vector<1000x128xf32>
    %select_n3A_60 = arith.select %gt3A_57, %add3A_51, %mul3A_59 : vector<1000x128xi1>, vector<1000x128xf32>
    %dot_general3A_61 = arith.constant dense<0.000000e+00> : vector<1000x1xf32>
    %dot_general3A_62 = tpu.matmul %select_n3A, %get3A_11, %dot_general3A_61 {dimension_numbers = #tpu.dot_dimension_numbers<[1], [0], [0], [1], [0, 0, 1, 1], [], []>, transpose_lhs_hint = false} : vector<1000x128xf32>, vector<128x1xf32>, vector<1000x1xf32> -> vector<1000x1xf32>
    %add3A_63 = vector.broadcast %get3A_15 : f32 to vector<1000x1xf32>
    %add3A_64 = arith.addf %dot_general3A_62, %add3A_63 : vector<1000x1xf32>
    %get3A_65 = arith.constant 0 : index
    %get3A_66 = arith.constant 0 : index
    %get3A_67 = vector.load %arg7[%get3A_65, %get3A_66] : memref<1000x1xf32, #tpu.memory_space<vmem>>, vector<1000x1xf32>
    %add3A_68 = arith.addf %add3A_64, %get3A_67 : vector<1000x1xf32>
    %swap3A = arith.constant 0 : index
    %swap3A_69 = arith.constant 0 : index
    %swap3A_70 = vector.load %arg16[%swap3A, %swap3A_69] : memref<1000x2xf32, #tpu.memory_space<vmem>>, vector<1000x1xf32>
    tpu.vector_store %arg16[%swap3A, %swap3A_69], %add3A_68 {strides = array<i32>} : memref<1000x2xf32, #tpu.memory_space<vmem>>, vector<1000x1xf32>,
    %dot_general3A_71 = arith.constant dense<0.000000e+00> : vector<1000x1xf32>
    %dot_general3A_72 = tpu.matmul %select_n3A_60, %get3A_11, %dot_general3A_71 {dimension_numbers = #tpu.dot_dimension_numbers<[1], [0], [0], [1], [0, 0, 1, 1], [], []>, transpose_lhs_hint = false} : vector<1000x128xf32>, vector<128x1xf32>, vector<1000x1xf32> -> vector<1000x1xf32>
    %add3A_73 = vector.broadcast %get3A_15 : f32 to vector<1000x1xf32>
    %add3A_74 = arith.addf %dot_general3A_72, %add3A_73 : vector<1000x1xf32>
    %get3A_75 = arith.constant 0 : index
    %get3A_76 = arith.constant 0 : index
    %get3A_77 = vector.load %arg8[%get3A_75, %get3A_76] : memref<1000x1xf32, #tpu.memory_space<vmem>>, vector<1000x1xf32>
    %add3A_78 = arith.addf %add3A_74, %get3A_77 : vector<1000x1xf32>
    %swap3A_79 = arith.constant 0 : index
    %swap3A_80 = arith.constant 1 : index
    %swap3A_81 = vector.load %arg16[%swap3A_79, %swap3A_80] : memref<1000x2xf32, #tpu.memory_space<vmem>>, vector<1000x1xf32>
    tpu.vector_store %arg16[%swap3A_79, %swap3A_80], %add3A_78 {strides = array<i32>} : memref<1000x2xf32, #tpu.memory_space<vmem>>, vector<1000x1xf32>,
    %get3A_82 = arith.constant 0 : index
    %get3A_83 = arith.constant 0 : index
    %get3A_84 = vector.load %arg3[%get3A_82, %get3A_83] : memref<1000x128xf32, #tpu.memory_space<vmem>>, vector<1000x128xf32>
    %get3A_85 = arith.constant 0 : index
    %get3A_86 = arith.constant 0 : index
    %get3A_87 = vector.load %arg4[%get3A_85, %get3A_86] : memref<1000x128xf32, #tpu.memory_space<vmem>>, vector<1000x128xf32>
    %slice3A_88 = vector.extract_strided_slice %get3A_84 {offsets = [0, 0], sizes = [1000, 64], strides = [1, 1]} : vector<1000x128xf32> to vector<1000x64xf32>
    %slice3A_89 = vector.extract_strided_slice %get3A_87 {offsets = [0, 0], sizes = [1000, 64], strides = [1, 1]} : vector<1000x128xf32> to vector<1000x64xf32>
    %concatenate3A_90 = tpu.concatenate %slice3A_88, %slice3A_89 in 1 : vector<1000x64xf32>, vector<1000x64xf32> -> vector<1000x128xf32>
    %slice3A_91 = vector.extract_strided_slice %get3A_84 {offsets = [0, 64], sizes = [1000, 64], strides = [1, 1]} : vector<1000x128xf32> to vector<1000x64xf32>
    %slice3A_92 = vector.extract_strided_slice %get3A_87 {offsets = [0, 64], sizes = [1000, 64], strides = [1, 1]} : vector<1000x128xf32> to vector<1000x64xf32>
    %concatenate3A_93 = tpu.concatenate %slice3A_91, %slice3A_92 in 1 : vector<1000x64xf32>, vector<1000x64xf32> -> vector<1000x128xf32>
    %slice3A_94 = vector.extract_strided_slice %get3A_18 {offsets = [0, 0], sizes = [1000, 1], strides = [1, 1]} : vector<1000x128xf32> to vector<1000x1xf32>
    %slice3A_95 = vector.extract_strided_slice %get3A_21 {offsets = [0, 0], sizes = [1000, 1], strides = [1, 1]} : vector<1000x128xf32> to vector<1000x1xf32>
    %add3A_96 = arith.addf %slice3A_94, %slice3A_95 : vector<1000x1xf32>
    %max3A_97 = arith.constant 1.000000e+00 : f32
    %max3A_98 = vector.broadcast %max3A_97 : f32 to vector<1000x1xf32>
    %max3A_99 = arith.maximumf %add3A_96, %max3A_98 : vector<1000x1xf32>
    %slice3A_100 = vector.extract_strided_slice %get3A_18 {offsets = [0, 64], sizes = [1000, 1], strides = [1, 1]} : vector<1000x128xf32> to vector<1000x1xf32>
    %slice3A_101 = vector.extract_strided_slice %get3A_21 {offsets = [0, 64], sizes = [1000, 1], strides = [1, 1]} : vector<1000x128xf32> to vector<1000x1xf32>
    %add3A_102 = arith.addf %slice3A_100, %slice3A_101 : vector<1000x1xf32>
    %max3A_103 = arith.constant 1.000000e+00 : f32
    %max3A_104 = vector.broadcast %max3A_103 : f32 to vector<1000x1xf32>
    %max3A_105 = arith.maximumf %add3A_102, %max3A_104 : vector<1000x1xf32>
    %dot_general3A_106 = arith.constant dense<0.000000e+00> : vector<1000x128xf32>
    %dot_general3A_107 = tpu.matmul %concatenate3A_90, %get3A_1, %dot_general3A_106 {dimension_numbers = #tpu.dot_dimension_numbers<[1], [0], [0], [1], [0, 0, 1, 1], [], []>, transpose_lhs_hint = false} : vector<1000x128xf32>, vector<128x128xf32>, vector<1000x128xf32> -> vector<1000x128xf32>
    %div3A_108 = vector.broadcast %max3A_99 : vector<1000x1xf32> to vector<1000x128xf32>
    %div3A_109 = arith.divf %dot_general3A_107, %div3A_108 : vector<1000x128xf32>
    %add3A_110 = vector.broadcast %get3A_4 : vector<1x128xf32> to vector<1000x128xf32>
    %add3A_111 = arith.addf %div3A_109, %add3A_110 : vector<1000x128xf32>
    %dot_general3A_112 = arith.constant dense<0.000000e+00> : vector<1000x128xf32>
    %dot_general3A_113 = tpu.matmul %concatenate3A_93, %get3A_1, %dot_general3A_112 {dimension_numbers = #tpu.dot_dimension_numbers<[1], [0], [0], [1], [0, 0, 1, 1], [], []>, transpose_lhs_hint = false} : vector<1000x128xf32>, vector<128x128xf32>, vector<1000x128xf32> -> vector<1000x128xf32>
    %div3A_114 = vector.broadcast %max3A_105 : vector<1000x1xf32> to vector<1000x128xf32>
    %div3A_115 = arith.divf %dot_general3A_113, %div3A_114 : vector<1000x128xf32>
    %add3A_116 = vector.broadcast %get3A_4 : vector<1x128xf32> to vector<1000x128xf32>
    %add3A_117 = arith.addf %div3A_115, %add3A_116 : vector<1000x128xf32>
    %gt3A_118 = arith.constant 0.000000e+00 : f32
    %gt3A_119 = vector.broadcast %gt3A_118 : f32 to vector<1000x128xf32>
    %gt3A_120 = arith.cmpf ogt, %add3A_111, %gt3A_119 : vector<1000x128xf32>
    %mul3A_121 = vector.broadcast %get3A_8 : f32 to vector<1000x128xf32>
    %mul3A_122 = arith.mulf %mul3A_121, %add3A_111 : vector<1000x128xf32>
    %select_n3A_123 = arith.select %gt3A_120, %add3A_111, %mul3A_122 : vector<1000x128xi1>, vector<1000x128xf32>
    %gt3A_124 = arith.constant 0.000000e+00 : f32
    %gt3A_125 = vector.broadcast %gt3A_124 : f32 to vector<1000x128xf32>
    %gt3A_126 = arith.cmpf ogt, %add3A_117, %gt3A_125 : vector<1000x128xf32>
    %mul3A_127 = vector.broadcast %get3A_8 : f32 to vector<1000x128xf32>
    %mul3A_128 = arith.mulf %mul3A_127, %add3A_117 : vector<1000x128xf32>
    %select_n3A_129 = arith.select %gt3A_126, %add3A_117, %mul3A_128 : vector<1000x128xi1>, vector<1000x128xf32>
    %dot_general3A_130 = arith.constant dense<0.000000e+00> : vector<1000x1xf32>
    %dot_general3A_131 = tpu.matmul %select_n3A_123, %get3A_11, %dot_general3A_130 {dimension_numbers = #tpu.dot_dimension_numbers<[1], [0], [0], [1], [0, 0, 1, 1], [], []>, transpose_lhs_hint = false} : vector<1000x128xf32>, vector<128x1xf32>, vector<1000x1xf32> -> vector<1000x1xf32>
    %add3A_132 = vector.broadcast %get3A_15 : f32 to vector<1000x1xf32>
    %add3A_133 = arith.addf %dot_general3A_131, %add3A_132 : vector<1000x1xf32>
    %get3A_134 = arith.constant 0 : index
    %get3A_135 = arith.constant 0 : index
    %get3A_136 = vector.load %arg9[%get3A_134, %get3A_135] : memref<1000x1xf32, #tpu.memory_space<vmem>>, vector<1000x1xf32>
    %add3A_137 = arith.addf %add3A_133, %get3A_136 : vector<1000x1xf32>
    %swap3A_138 = arith.constant 0 : index
    %swap3A_139 = arith.constant 0 : index
    %swap3A_140 = vector.load %arg17[%swap3A_138, %swap3A_139] : memref<1000x2xf32, #tpu.memory_space<vmem>>, vector<1000x1xf32>
    tpu.vector_store %arg17[%swap3A_138, %swap3A_139], %add3A_137 {strides = array<i32>} : memref<1000x2xf32, #tpu.memory_space<vmem>>, vector<1000x1xf32>,
    %dot_general3A_141 = arith.constant dense<0.000000e+00> : vector<1000x1xf32>
    %dot_general3A_142 = tpu.matmul %select_n3A_129, %get3A_11, %dot_general3A_141 {dimension_numbers = #tpu.dot_dimension_numbers<[1], [0], [0], [1], [0, 0, 1, 1], [], []>, transpose_lhs_hint = false} : vector<1000x128xf32>, vector<128x1xf32>, vector<1000x1xf32> -> vector<1000x1xf32>
    %add3A_143 = vector.broadcast %get3A_15 : f32 to vector<1000x1xf32>
    %add3A_144 = arith.addf %dot_general3A_142, %add3A_143 : vector<1000x1xf32>
    %get3A_145 = arith.constant 0 : index
    %get3A_146 = arith.constant 0 : index
    %get3A_147 = vector.load %arg10[%get3A_145, %get3A_146] : memref<1000x1xf32, #tpu.memory_space<vmem>>, vector<1000x1xf32>
    %add3A_148 = arith.addf %add3A_144, %get3A_147 : vector<1000x1xf32>
    %swap3A_149 = arith.constant 0 : index
    %swap3A_150 = arith.constant 1 : index
    %swap3A_151 = vector.load %arg17[%swap3A_149, %swap3A_150] : memref<1000x2xf32, #tpu.memory_space<vmem>>, vector<1000x1xf32>
    tpu.vector_store %arg17[%swap3A_149, %swap3A_150], %add3A_148 {strides = array<i32>} : memref<1000x2xf32, #tpu.memory_space<vmem>>, vector<1000x1xf32>,
    return
  }
  func.func @transform_0(%arg0: i32) -> (i32, i32) {
    %c0_i32 = arith.constant 0 : i32
    %c0_i32_0 = arith.constant 0 : i32
    return %arg0, %c0_i32 : i32, i32
  }
  func.func @transform_1(%arg0: i32) -> (i32, i32) {
    %c0_i32 = arith.constant 0 : i32
    %c0_i32_0 = arith.constant 0 : i32
    return %arg0, %c0_i32 : i32, i32
  }
  func.func @transform_2(%arg0: i32) -> (i32, i32) {
    %c0_i32 = arith.constant 0 : i32
    %c0_i32_0 = arith.constant 0 : i32
    return %arg0, %c0_i32 : i32, i32
  }
  func.func @transform_3(%arg0: i32) -> (i32, i32) {
    %c0_i32 = arith.constant 0 : i32
    %c0_i32_0 = arith.constant 0 : i32
    return %arg0, %c0_i32 : i32, i32
  }
  func.func @transform_4(%arg0: i32) -> (i32, i32) {
    %c0_i32 = arith.constant 0 : i32
    %c0_i32_0 = arith.constant 0 : i32
    return %arg0, %c0_i32 : i32, i32
  }
  func.func @transform_5(%arg0: i32) -> (i32, i32) {
    %c0_i32 = arith.constant 0 : i32
    %c0_i32_0 = arith.constant 0 : i32
    return %arg0, %c0_i32 : i32, i32
  }
  func.func @transform_6(%arg0: i32) -> (i32, i32) {
    %c0_i32 = arith.constant 0 : i32
    %c0_i32_0 = arith.constant 0 : i32
    return %arg0, %c0_i32 : i32, i32
  }
  func.func @transform_7(%arg0: i32) -> (i32, i32) {
    %c0_i32 = arith.constant 0 : i32
    %c0_i32_0 = arith.constant 0 : i32
    return %arg0, %c0_i32 : i32, i32
  }
  func.func @transform_8(%arg0: i32) -> (i32, i32) {
    %c0_i32 = arith.constant 0 : i32
    %c0_i32_0 = arith.constant 0 : i32
    return %arg0, %c0_i32 : i32, i32
  }
  func.func @transform_9(%arg0: i32) -> (i32, i32) {
    %c0_i32 = arith.constant 0 : i32
    %c0_i32_0 = arith.constant 0 : i32
    return %arg0, %c0_i32 : i32, i32
  }
  func.func @transform_10(%arg0: i32) -> (i32, i32) {
    %c0_i32 = arith.constant 0 : i32
    %c0_i32_0 = arith.constant 0 : i32
    %c0_i32_1 = arith.constant 0 : i32
    return %c0_i32, %c0_i32_0 : i32, i32
  }
  func.func @transform_11(%arg0: i32) -> (i32, i32) {
    %c0_i32 = arith.constant 0 : i32
    %c0_i32_0 = arith.constant 0 : i32
    %c0_i32_1 = arith.constant 0 : i32
    return %c0_i32, %c0_i32_0 : i32, i32
  }
  func.func @transform_12(%arg0: i32) -> (i32, i32) {
    %c0_i32 = arith.constant 0 : i32
    %c0_i32_0 = arith.constant 0 : i32
    %c0_i32_1 = arith.constant 0 : i32
    return %c0_i32, %c0_i32_0 : i32, i32
  }
  func.func @transform_13(%arg0: i32) -> (i32, i32) {
    %c0_i32 = arith.constant 0 : i32
    %c0_i32_0 = arith.constant 0 : i32
    %c0_i32_1 = arith.constant 0 : i32
    return %c0_i32, %c0_i32_0 : i32, i32
  }
  func.func @transform_14(%arg0: i32) -> (i32, i32) {
    %c0_i32 = arith.constant 0 : i32
    %c0_i32_0 = arith.constant 0 : i32
    %c0_i32_1 = arith.constant 0 : i32
    return %c0_i32, %c0_i32_0 : i32, i32
  }
  func.func @transform_15(%arg0: i32) -> (i32, i32) {
    %c0_i32 = arith.constant 0 : i32
    %c0_i32_0 = arith.constant 0 : i32
    return %arg0, %c0_i32 : i32, i32
  }
  func.func @transform_16(%arg0: i32) -> (i32, i32) {
    %c0_i32 = arith.constant 0 : i32
    %c0_i32_0 = arith.constant 0 : i32
    return %arg0, %c0_i32 : i32, i32
  }
}

</mosaic_0001>

<sc_bundles>
// kernel: kernel.6.cloned.1.call-start
scs
__scs_entry_jumppad:
0x0: {  	(pc) =	sbr.rel $0x88, $3  }
0x1: {  	(tag) =	ssettag $0x0;
	lr =	simm.s32 $0x1  }
0x2: {  	[smem:$0x3F96] =	sst lr;
	_ =	strace $0xD0000000  }
0x3: {  	_ = 	snop  }
0x4: {  	_ = 	snop  }
0x5: {  	_ = 	snop  }
0x6: {  	_ = 	snop  }
0x7: {  	_ = 	snop  }
__scs_overlays_trampoline_lowered:
0x8: {  	[smem:$0x3FA5] =	sst s0  }
0x9: {  	[smem:$0x3FA6] =	sst s1  }
0xa: {  	[smem:$0x3FA7] =	sst s2  }
0xb: {  	[smem:$0x3FA8] =	sst s3  }
0xc: {  	[smem:$0x3FA9] =	sst s4  }
0xd: {  	[smem:$0x3FAA] =	sst s5  }
0xe: {  	[smem:$0x3FAB] =	sst s6  }
0xf: {  	[smem:$0x3FAC] =	sst s7  }
0x10: {  	[smem:$0x3FAD] =	sst s8  }
0x11: {  	[smem:$0x3FAE] =	sst s9;
	s0 =	simm.s32 @!p0 $0x0  }
0x12: {  	s1 =	sld [smem:$0x3F94];
	s0 =	simm.s32 @p0 $0x1  }
0x13: {  	[smem:$0x3FAF] =	sst s0;
	s0 =	simm.s32 @!p1 $0x0  }
0x14: {  	s2 =	sld [smem:$0x3F93];
	s0 =	simm.s32 @p1 $0x1  }
0x15: {  	[smem:$0x3FB0] =	sst s0;
	s0 =	simm.s32 @!p2 $0x0  }
0x16: {  	s3 =	sld [smem:$0x3FDB];
	s0 =	simm.s32 @p2 $0x1  }
0x17: {  	s4 =	simm.s32 $0x1BF5;
	[smem:$0x3FB2] =	sst s0  }
0x18: {  	s0 =	sld [smem:$0x3F95];
	_ =	swait.ge [sflag:s4], $0x0  }
0x19: {  	s7 =	sld [smem:$0x3F96]  }
0x1a: {  	s8 =	sadd.s32 $0xFFFFE003, lr  }
0x1b: {  	s9 =	sadd.s32 $0xFFFFFEF7, lr;
	s5 =	simm.s32 $0xFFFFFFFF;
	p2 =	slt.u32 s8, $0xFFFFF086  }
0x1c: {  	p1 =	slt.u32 s9, $0xF7A;
	s5 =	simm.s32 @!p2 $0x0  }
0x1d: {  	s5 =	simm.s32 @p1 $0x1;
	p0 =	seq.s32 s7, s2  }
0x1e: {  	s7 =	smul.u32 @!p0 $0xF7A, s2;
	p2 =	seq.s32 @!p0 s5, $0x0  }
0x1f: {  	s9 =	smul.u32 $0xF7A, s1;
	s8 =	simm.s32 @!p0 $0x1BF5;
	p2 =	por !p2, p0  }
0x20: {  	[sflag:s8] =	ssyncset.s32 @!p0 $0xFFFFF086;
	s6 =	sadd.s32 @!p0 s3, s7;
	s7 =	simm.s32 @!p0 $0x108  }
0x21: {  	s3 =	sadd.s32 s3, s9;
	s6 =	sadd.s32 @!p0 $0x88, s6;
	s7 =	simm.s32 @p2 $0x1082  }
0x22: {  	[simem:s7], [sflag:s8] =	dma.local @!p0 [hbm:s6], $0xF7A  }
0x23: {  	s9 =	sor.u32 $0xD0000000, s2;
	s6 =	simm.s32 $0x108;
	_ =	swait.ge @!p0 [sflag:s8], $0x0  }
0x24: {  	s3 =	sadd.s32 $0x88, s3;
	s6 =	simm.s32 @!p1 $0x1082;
	[sflag:s4] =	ssyncset.s32 $0xFFFFF086  }
0x25: {  	[simem:s6], [sflag:s4] =	dma.local [hbm:s3], $0xF7A  }
0x26: {  	[smem:$0x3F96] =	sst s1;
	(tag) =	ssettag s2;
	_ =	strace s9  }
0x27: {  	s1 =	sld [smem:$0x3FA6]  }
0x28: {  	s2 =	sld [smem:$0x3FA7]  }
0x29: {  	s4 =	sld [smem:$0x3FA9]  }
0x2a: {  	p0 =	seq.s32 s5, $0x0;
	s5 =	sld [smem:$0x3FAA]  }
0x2b: {  	s6 =	sld [smem:$0x3FAB]  }
0x2c: {  	s7 =	sld [smem:$0x3FAC]  }
0x2d: {  	s3 =	simm.s32 $0x108;
	s8 =	sld [smem:$0x3FAD]  }
0x2e: {  	s3 =	simm.s32 @!p0 $0x1082;
	s9 =	sld [smem:$0x3FAE]  }
0x2f: {  	lr =	sadd.s32 s0, s3;
	s0 =	sld [smem:$0x3FA5]  }
0x30: {  	s3 =	sld [smem:$0x3FA8]  }
0x31: {  	[smem:$0x3FB1] =	sst s10  }
0x32: {  	s10 =	sld [smem:$0x3FAF];
	_ =	sdelay $0x3  }
0x33: {  	p0 =	seq.s32 s10, $0x1;
	s10 =	sld [smem:$0x3FB1];
	_ =	sdelay $0x3  }
0x34: {  	[smem:$0x3FB1] =	sst s10  }
0x35: {  	s10 =	sld [smem:$0x3FB0];
	_ =	sdelay $0x3  }
0x36: {  	p1 =	seq.s32 s10, $0x1;
	s10 =	sld [smem:$0x3FB1];
	_ =	sdelay $0x3  }
0x37: {  	[smem:$0x3FB1] =	sst s10  }
0x38: {  	s10 =	sld [smem:$0x3FB2]  }
0x39: {  	_ = 	snop;
	(pc) =	sbr.ind lr, $3  }
0x3a: {  	_ = 	snop  }
0x3b: {  	_ = 	snop  }
0x3c: {  	p2 =	seq.s32 s10, $0x1;
	s10 =	sld [smem:$0x3FB1]  }
0x3d: {  	_ =	shalt  }
0x3e: {  	_ =	shalt  }
0x3f: {  	_ =	shalt  }
0x40: {  	_ =	shalt  }
0x41: {  	_ =	shalt  }
0x42: {  	_ =	shalt  }
0x43: {  	_ =	shalt  }
0x44: {  	_ =	shalt  }
0x45: {  	_ =	shalt  }
0x46: {  	_ =	shalt  }
0x47: {  	_ =	shalt  }
0x48: {  	_ =	shalt  }
0x49: {  	_ =	shalt  }
0x4a: {  	_ =	shalt  }
0x4b: {  	_ =	shalt  }
0x4c: {  	_ =	shalt  }
0x4d: {  	_ =	shalt  }
0x4e: {  	_ =	shalt  }
0x4f: {  	_ =	shalt  }
0x50: {  	_ =	shalt  }
0x51: {  	_ =	shalt  }
0x52: {  	_ =	shalt  }
0x53: {  	_ =	shalt  }
0x54: {  	_ =	shalt  }
0x55: {  	_ =	shalt  }
0x56: {  	_ =	shalt  }
0x57: {  	_ =	shalt  }
0x58: {  	_ =	shalt  }
0x59: {  	_ =	shalt  }
0x5a: {  	_ =	shalt  }
0x5b: {  	_ =	shalt  }
0x5c: {  	_ =	shalt  }
0x5d: {  	_ =	shalt  }
0x5e: {  	_ =	shalt  }
0x5f: {  	_ =	shalt  }
0x60: {  	_ =	shalt  }
0x61: {  	_ =	shalt  }
0x62: {  	_ =	shalt  }
0x63: {  	_ =	shalt  }
0x64: {  	_ =	shalt  }
0x65: {  	_ =	shalt  }
0x66: {  	_ =	shalt  }
0x67: {  	_ =	shalt  }
0x68: {  	_ =	shalt  }
0x69: {  	_ =	shalt  }
0x6a: {  	_ =	shalt  }
0x6b: {  	_ =	shalt  }
0x6c: {  	_ =	shalt  }
0x6d: {  	_ =	shalt  }
0x6e: {  	_ =	shalt  }
0x6f: {  	_ =	shalt  }
0x70: {  	_ =	shalt  }
0x71: {  	_ =	shalt  }
0x72: {  	_ =	shalt  }
0x73: {  	_ =	shalt  }
0x74: {  	_ =	shalt  }
0x75: {  	_ =	shalt  }
0x76: {  	_ =	shalt  }
0x77: {  	_ =	shalt  }
0x78: {  	_ =	shalt  }
0x79: {  	_ =	shalt  }
0x7a: {  	_ =	shalt  }
0x7b: {  	_ =	shalt  }
0x7c: {  	_ =	shalt  }
0x7d: {  	_ =	shalt  }
0x7e: {  	_ =	shalt  }
0x7f: {  	_ =	shalt  }
0x80: {  	_ =	shalt  }
0x81: {  	_ =	shalt  }
0x82: {  	_ =	shalt  }
0x83: {  	_ =	shalt  }
0x84: {  	_ =	shalt  }
0x85: {  	_ =	shalt  }
0x86: {  	_ =	shalt  }
0x87: {  	_ =	shalt  }
.Lfunc_end0:
.L_simem_size_0:
called_computation_lowered:
.L_overlay_start_0:
0x88: {  	s2 =	sld [smem:$0x3FD9]  }
0x89: {  	s3 =	sld [smem:$0x3FFE];
	_ =	sdelay $0x1  }
0x8a: {  	s1 =	srdreg.scid  }
0x8b: {  	s0 =	sand.u32 $0x1, s1  }
0x8c: {  	s17 =	sshll.u32 s0, $0xA;
	s2 =	sadd.s32 s3, s2  }
0x8d: {  	s2 =	sadd.s32 s2, s17  }
0x8e: {  	[smem:$0x3FBD] =	sst s2  }
0x8f: {  	_ = 	snop  }
0x90: {  	s2 =	sld [smem:$0x3FD0];
	(tm) =	ssettm $0x1  }
0x91: {  	s18 =	sld [smem:$0x3FFB];
	_ =	sdelay $0x3  }
0x92: {  	_ =	strace s18  }
0x93: {  	s3 =	sld [smem:$0x3FFC];
	_ =	sdelay $0x3  }
0x94: {  	_ =	strace s3  }
0x95: {  	s3 =	sld [smem:$0x3FFD];
	_ =	sdelay $0x3  }
0x96: {  	_ =	strace s3  }
0x97: {  	_ =	strace $0x8FFFFFFF  }
0x98: {  	s19 =	sld [smem:$0x3FDB];
	_ =	sdelay $0x1  }
0x99: {  	s4 =	simm.s32 $_scs_section_size  }
0x9a: {  	s5 =	simm.s32 $_size__tile_overlayer_lowered;
	s6 =	simm.s32 $_tile_overlayer_lowered  }
0x9b: {  	s22 =	simm.s32 $0x1BFF;
	s21 =	sshll.u32 s6, $0x1;
	s3 =	sadd.s32 s4, s19  }
0x9c: {  	s7 =	simm.s32 $0x0;
	s20 =	sshll.u32 s5, $0x1;
	s5 =	sadd.s32 s21, s3  }
0x9d: {  	[timem:s7], [sflag:s22] =	dma.local [hbm:s5], s20  }
0x9e: {  	_ =	swait.ge [sflag:s22], s20  }
0x9f: {  	s4 =	ssub.s32 $0x0, s20;
	[sflag:s22] =	ssyncset.done $0x0  }
0xa0: {  	[sflag:s22] =	ssyncadd.s32 s4;
	_ =	sdelay $0x1  }
0xa1: {  	s23 =	simm.s32 $0x1B8B  }
0xa2: {  	_ =	swait.ge [sflag:s23], $0x1  }
0xa3: {  	[sflag:s23] =	ssyncset.done $0x0  }
0xa4: {  	s25 =	simm.s32 $0x1B8E;
	s24 =	sld [smem:$0x3FFE];
	[sflag:s23] =	ssyncadd.s32 $0xFFFFFFFF  }
0xa5: {  	s26 =	simm.s32 $execute0_lowered;
	[smem:$0x3FD2] =	sst s25  }
0xa6: {  	s5 =	sshll.u32 s26, $0x1;
	_ =	strace $0x80000046;
	[dreg:$0x1] =	wrdreg $0xFFFFFFFF  }
0xa7: {  	s28 =	simm.s32 $_size_execute0_lowered;
	s3 =	sadd.s32 s3, s5;
	[dreg:$0x0] =	wrdreg $0x0  }
0xa8: {  	s5 =	sshll.u32 s28, $0x1;
	[dreg:$0x2] =	wrdreg s3  }
0xa9: {  	[dreg:$0x3] =	wrdreg s5  }
0xaa: {  	[dreg:$0x4] =	wrdreg $0xC0  }
0xab: {  	_ =	task [dreg:s7], $0x5FFFF  }
0xac: {  	[dreg:$0x1] =	wrdreg $0xFFFFFFFF  }
0xad: {  	[dreg:$0x0] =	wrdreg $0x60  }
0xae: {  	[dreg:$0x2] =	wrdreg s24  }
0xaf: {  	[dreg:$0x3] =	wrdreg s2  }
0xb0: {  	[dreg:$0x4] =	wrdreg $0x160000  }
0xb1: {  	[dreg:$0x5] =	wrdreg $0x9  }
0xb2: {  	_ =	task.clear_ibuf [dreg:s7], $0x6FFFF;
	_ =	strace $0x90000046  }
0xb3: {  	s29 =	simm.s32 $0x9;
	_ =	strace $0x80000048  }
0xb4: {  	_ =	swait.ge [sflag:s29], $0x1  }
0xb5: {  	[sflag:s29] =	ssyncadd.s32 $0xFFFFFFFF  }
0xb6: {  	_ =	strace $0x90000048  }
0xb7: {  	_ =	sfence  }
0xb8: {  	s30 =	sld [smem:$0x0];
	_ =	sdelay $0x2  }
0xb9: {  	s31 =	sshll.u32 s1, $0xD;
	s1 =	sshrl.u32 s1, $0x2  }
0xba: {  	s3 =	sand.u32 $0x4000, s31;
	s1 =	sadd.s32 s1, s30  }
0xbb: {  	s0 =	sor.u32 s3, s0;
	s1 =	sshll.u32 s1, $0x11  }
0xbc: {  	s0 =	sor.u32 s1, s0  }
0xbd: {  	s0 =	sadd.s32 $0x8F2B, s0  }
0xbe: {  	[sflag:s0] =	ssyncadd.remote.s32 $0x1  }
0xbf: {  	_ =	sfence.sel $0xFFFF  }
0xc0: {  	[dreg:$0x0] =	wrdreg $0xFFFFFFFF;
	(pc) =	sbr.abs _section_cstart, $3  }
0xc1: {  	[dreg:$0x1] =	wrdreg $0xFFFFFFFF  }
0xc2: {  	_ =	task.clear_ibuf [dreg:s7], $0x2FFFF;
	_ =	strace $0x9FFFFFFF  }
0xc3: {  	(tm) =	ssettm $0x7FFFFFFF  }
tec
execute0_lowered:
.L_overlay_start_1:
0x0: {  	(tag) =	ssettag $0x1  }
0x1: {  	s0 =	rddreg [dreg:$0x0]  }
0x2: {  	s3 =	rddreg [dreg:$0x2];
	s1 =	simm.s32 $0x0;
	s13 =	stileid.u32  }
0x3: {  	s2 =	srdreg.scid;
	s28 =	simm.s32 $0x3;
	s31 =	simm.s32 $0x4  }
0x4: {  	s29 =	simm.s32 $0x0;
	[smem:$0x7FF] =	sst s1;
	s20 =	smul.u32 $0xA00, s13  }
0x5: {  	s5 =	sadd.s32 $0x15200, s0;
	s6 =	sadd.s32 $0x3C400, s0;
	s10 =	smul.u32 $0x27800, s13  }
0x6: {  	s2 =	sand.u32 $0x1, s2;
	s7 =	sadd.s32 $0x63600, s0;
	s21 =	smul.u32 $0x9E00, s13  }
0x7: {  	s8 =	sadd.s32 $0x9F600, s0;
	s11 =	sadd.s32 $0x64A00, s0;
	s22 =	smul.u32 $0x13C0, s13  }
0x8: {  	s25 =	sadd.s32 $0x77240, s0;
	s26 =	sadd.s32 $0x8AB00, s0;
	s16 =	sadd.s32 $0xB1E40, s0  }
0x9: {  	s19 =	sadd.s32 $0x15208, s0;
	_ =	strace $0x80000047;
	[dreg:$0x9] =	wrdreg s25  }
0xa: {  	p0 =	seq.s32 s13, $0xF;
	s18 =	sadd.s32 $0xC5700, s0;
	[dreg:$0xb] =	wrdreg s26  }
0xb: {  	s4 =	ssub.s32 $0x2, s2;
	[dreg:$0xd] =	wrdreg s16;
	s17 =	smul.u32 $0xA000, s2  }
0xc: {  	p1 =	sne.s32 s2, $0x0;
	p3 =	sne.s32 @p0 s2, $0x0;
	p5 =	sne.s32 @!p0 s2, $0x0  }
0xd: {  	[dreg:$0x10] =	wrdreg s18;
	s16 =	simm.s32 $0x80;
	s18 =	simm.s32 $0xA000  }
0xe: {  	s1 =	sadd.s32 s20, s0;
	s9 =	sshrl.u32 s4, $0x1;
	s20 =	sadd.s32 $0x9E3C0, s0  }
0xf: {  	s10 =	sshrl.u32 s10, $0x2;
	s12 =	sadd.s32 $0x1200, s1;
	[dreg:$0x11] =	wrdreg s20  }
0x10: {  	s23 =	sshrl.u32 s21, $0x3;
	s1 =	sadd.s32 $0xB200, s1;
	[dreg:$0x4] =	wrdreg s12  }
0x11: {  	s15 =	sadd.s32 $0x27180, s22;
	s14 =	sadd.s32 s11, s23;
	[dreg:$0x5] =	wrdreg s1  }
0x12: {  	s4 =	ssub.s32 s4, s9;
	s9 =	sadd.s32 s21, s3;
	[dreg:$0x7] =	wrdreg s14  }
0x13: {  	s24 =	sadd.s32 s22, s11;
	s11 =	sadd.s32 s11, s15;
	[dreg:$0x8] =	wrdreg s9  }
0x14: {  	p2 =	por !p3, !p0;
	s30 =	sadd.s32 s8, s23;
	[dreg:$0xe] =	wrdreg s11  }
0x15: {  	p3 =	por p3, !p0;
	s10 =	sadd.s32 s10, s3;
	[dreg:$0xc] =	wrdreg s30  }
0x16: {  	p4 =	por !p5, p0;
	s9 =	sadd.s32 $0x138C0, s24;
	[dreg:$0x6] =	wrdreg s10  }
0x17: {  	p5 =	por p5, p0;
	s1 =	sadd.s32 s8, s15;
	[dreg:$0xa] =	wrdreg s9  }
0x18: {  	s14 =	sadd.s32 $0x3C408, s0;
	s0 =	sadd.s32 $0xD8FC0, s0;
	[dreg:$0xf] =	wrdreg s1  }
0x19: {  	s20 =	simm.s32 $0x12000;
	s21 =	smax.u32 s4, $0x1;
	[dreg:$0x12] =	wrdreg s0  }
0x1a: {  	s4 =	sadd.s32 $0x94200, s3;
	s30 =	sadd.s32 $0x138C0, s30;
	[dreg:$0x13] =	wrdreg s21  }
0x1b: {  	s11 =	simm.s32 $0x6;
	s1 =	sshrl.u32 s17, $0x2;
	[dreg:$0x19] =	wrdreg s30  }
0x1c: {  	s15 =	simm.s32 $0x14000;
	[dreg:$0x18] =	wrdreg s4;
	s22 =	sadd.s32 $0x5080, s1  }
0x1d: {  	s12 =	simm.s32 $0x5;
	s23 =	sadd.s32 $0x5100, s1;
	[dreg:$0x14] =	wrdreg s22  }
0x1e: {  	s17 =	simm.s32 $0xE000;
	s24 =	sadd.s32 $0x5180, s1;
	[dreg:$0x15] =	wrdreg s23  }
0x1f: {  	s9 =	simm.s32 $0x10000;
	s25 =	sadd.s32 $0x5200, s1;
	[dreg:$0x16] =	wrdreg s24  }
0x20: {  	s21 =	simm.s32 $0x1;
	s26 =	sadd.s32 $0x5000, s1;
	[dreg:$0x17] =	wrdreg s25  }
0x21: {  	s25 =	simm.s32 $0x5000;
	s22 =	simm.s32 $0xC000;
	s23 =	simm.s32 $0x2  }
.LBB2_1:
0x22: {  	s1 =	simm.s32 $0x0;
	s0 =	rddreg [dreg:$0x4]  }
0x23: {  	[tilespmem:s1], [sflag:$0x6] =	stream.linear.gather [hbm4b:s0+s1], $0x5000, $0x38;
	[tilespmem:$0x1FC60] =	vst v63  }
0x24: {  	_ =	swait.ge [sflag:s11], $0x5000  }
0x25: {  	[sflag:s11] =	ssyncset.done $0x0  }
0x26: {  	s24 =	rddreg [dreg:$0x5];
	[sflag:s11] =	ssyncadd.s32 $0xFFFFB000  }
0x27: {  	[tilespmem:s25], [sflag:$0x6] =	stream.linear.gather [hbm4b:s24+s1], $0x5000, $0x38;
	[tilespmem:$0x1FC60] =	vst v63  }
0x28: {  	_ =	swait.ge [sflag:s11], $0x5000  }
0x29: {  	[sflag:s11] =	ssyncset.done $0x0  }
0x2a: {  	[sflag:s11] =	ssyncadd.s32 $0xFFFFB000  }
0x2b: {  	s25 =	rddreg [dreg:$0x1]  }
0x2c: {  	[tilespmem:s15], [sflag:$0x6] =	stream.linear.gather [hbm4b:s25+s1], $0x2000, $0x38;
	[tilespmem:$0x1FC60] =	vst v63  }
0x2d: {  	_ =	swait.ge [sflag:s11], $0x2000  }
0x2e: {  	[sflag:s11] =	ssyncset.done $0x0  }
0x2f: {  	s8 =	sshrl.u32 @p0 s4, $0x3;
	s1 =	simm.s32 @p0 $0x1FC6;
	[sflag:s11] =	ssyncadd.s32 $0xFFFFE000  }
0x30: {  	[spmem:s8], [sflag:s1] =	dma.local @p0 [hbm:s7], $0x1080  }
0x31: {  	s1 =	simm.s32 @p0 $0x6  }
0x32: {  	s2 =	sshll.u32 @!p0 s13, $0x6;
	_ =	swait.ge @p0 [sflag:s1], $0x1080  }
0x33: {  	s30 =	sor.u32 @!p0 $0x1C06, s2;
	[sflag:s1] =	ssyncset.done @p0 $0x0  }
0x34: {  	s2 =	simm.s32 @!p0 $0x6;
	[sflag:s1] =	ssyncadd.s32 @p0 $0xFFFFEF80;
	s1 =	sshrl.u32 @!p0 s10, $0x3  }
0x35: {  	[spmem:s1], [sflag:s30] =	dma.local @!p0 [hbm:s7], $0x13C0  }
0x36: {  	_ =	swait.ge @!p0 [sflag:s2], $0x13C0  }
.Ltmp0:
0x37: {  	[sflag:s2] =	ssyncset.done @!p0 $0x0;
	(pc) =	sbr.rel @p1 .LBB2_9-.Ltmp0, $4  }
0x38: {  	[sflag:s2] =	ssyncadd.s32 @!p0 $0xFFFFEC40  }
0x39: {  	[bflag:$0x0] =	sbarrier.arrive $0xFFFF  }
0x3a: {  	s0 =	rddreg [dreg:$0x8]  }
0x3b: {  	s25 =	simm.s32 $0x0;
	s24 =	sshrl.u32 @!p0 s0, $0x3;
	s0 =	simm.s32 $0x5000  }
0x3c: {  	[tilespmem:s18], [sflag:$0x1] =	stream.indirect.gather [hbm4b:s5+s16], $0x40, s25, s16, $0xb8;
	[tilespmem:$0x1FC60] =	vst v63  }
0x3d: {  	_ = 	snop  }
0x3e: {  	[tilespmem:s22], [sflag:$0x2] =	stream.indirect.gather [hbm4b:s5+s16], $0x40, s16, s16, $0xb8;
	[tilespmem:$0x1FC60] =	vst v63  }
0x3f: {  	s2 =	simm.s32 $0x100  }
0x40: {  	[tilespmem:s17], [sflag:$0x3] =	stream.indirect.gather [hbm4b:s5+s16], $0x40, s2, s16, $0xb8;
	[tilespmem:$0x1FC60] =	vst v63  }
0x41: {  	s10 =	simm.s32 $0x180  }
0x42: {  	[tilespmem:s9], [sflag:$0x4] =	stream.indirect.gather [hbm4b:s5+s16], $0x40, s10, s16, $0xb8;
	[tilespmem:$0x1FC60] =	vst v63  }
0x43: {  	s13 =	simm.s32 $0x200  }
0x44: {  	[tilespmem:s20], [sflag:$0x5] =	stream.indirect.gather [hbm4b:s5+s16], $0x40, s13, s16, $0xb8;
	[tilespmem:$0x1FC60] =	vst v63  }
0x45: {  	_ =	swait.ge [sflag:s21], $0x2000  }
0x46: {  	[sflag:s21] =	ssyncset.done $0x0  }
0x47: {  	[sflag:s21] =	ssyncadd.s32 $0xFFFFE000  }
0x48: {  	[spmem:s3] =	stream.indirect.scatter.add.f32 [tilespmem:s18], [sflag:$0x1], $0x40, s0, s16, $0xb8;
	[tilespmem:$0x1FC60] =	vst v63  }
0x49: {  	_ =	swait.ge [sflag:s23], $0x2000  }
0x4a: {  	[sflag:s23] =	ssyncset.done $0x0  }
0x4b: {  	s2 =	simm.s32 $0x5080;
	[sflag:s23] =	ssyncadd.s32 $0xFFFFE000  }
0x4c: {  	[spmem:s3] =	stream.indirect.scatter.add.f32 [tilespmem:s22], [sflag:$0x2], $0x40, s2, s16, $0xb8;
	[tilespmem:$0x1FC60] =	vst v63  }
0x4d: {  	_ =	swait.ge [sflag:s21], $0x2000  }
0x4e: {  	[sflag:s21] =	ssyncset.done $0x0  }
0x4f: {  	s4 =	simm.s32 $0x280;
	[sflag:s21] =	ssyncadd.s32 $0xFFFFE000  }
0x50: {  	[tilespmem:s18], [sflag:$0x1] =	stream.indirect.gather [hbm4b:s5+s16], $0x40, s4, s16, $0xb8;
	[tilespmem:$0x1FC60] =	vst v63  }
0x51: {  	_ =	swait.ge [sflag:s28], $0x2000  }
0x52: {  	[sflag:s28] =	ssyncset.done $0x0  }
0x53: {  	s10 =	simm.s32 $0x5100;
	[sflag:s28] =	ssyncadd.s32 $0xFFFFE000  }
0x54: {  	[spmem:s3] =	stream.indirect.scatter.add.f32 [tilespmem:s17], [sflag:$0x3], $0x40, s10, s16, $0xb8;
	[tilespmem:$0x1FC60] =	vst v63  }
0x55: {  	_ =	swait.ge [sflag:s23], $0x2000  }
0x56: {  	[sflag:s23] =	ssyncset.done $0x0  }
0x57: {  	s13 =	simm.s32 $0x300;
	[sflag:s23] =	ssyncadd.s32 $0xFFFFE000  }
0x58: {  	[tilespmem:s22], [sflag:$0x2] =	stream.indirect.gather [hbm4b:s5+s16], $0x40, s13, s16, $0xb8;
	[tilespmem:$0x1FC60] =	vst v63  }
0x59: {  	_ =	swait.ge [sflag:s31], $0x2000  }
0x5a: {  	[sflag:s31] =	ssyncset.done $0x0  }
0x5b: {  	s2 =	simm.s32 $0x5180;
	[sflag:s31] =	ssyncadd.s32 $0xFFFFE000  }
0x5c: {  	[spmem:s3] =	stream.indirect.scatter.add.f32 [tilespmem:s9], [sflag:$0x4], $0x40, s2, s16, $0xb8;
	[tilespmem:$0x1FC60] =	vst v63  }
0x5d: {  	_ =	swait.ge [sflag:s28], $0x2000  }
0x5e: {  	[sflag:s28] =	ssyncset.done $0x0  }
0x5f: {  	s4 =	simm.s32 $0x380;
	[sflag:s28] =	ssyncadd.s32 $0xFFFFE000  }
0x60: {  	[tilespmem:s17], [sflag:$0x3] =	stream.indirect.gather [hbm4b:s5+s16], $0x40, s4, s16, $0xb8;
	[tilespmem:$0x1FC60] =	vst v63  }
0x61: {  	_ =	swait.ge [sflag:s12], $0x2000  }
0x62: {  	[sflag:s12] =	ssyncset.done $0x0  }
0x63: {  	s10 =	simm.s32 $0x5200;
	[sflag:s12] =	ssyncadd.s32 $0xFFFFE000  }
0x64: {  	[spmem:s3] =	stream.indirect.scatter.add.f32 [tilespmem:s20], [sflag:$0x5], $0x40, s10, s16, $0xb8;
	[tilespmem:$0x1FC60] =	vst v63  }
0x65: {  	_ =	swait.ge [sflag:s31], $0x2000  }
0x66: {  	[sflag:s31] =	ssyncset.done $0x0  }
0x67: {  	s13 =	simm.s32 $0x400;
	[sflag:s31] =	ssyncadd.s32 $0xFFFFE000  }
0x68: {  	[tilespmem:s9], [sflag:$0x4] =	stream.indirect.gather [hbm4b:s5+s16], $0x40, s13, s16, $0xb8;
	[tilespmem:$0x1FC60] =	vst v63  }
.LBB2_3:
0x69: {  	_ =	swait.ge [sflag:s21], $0x2000  }
0x6a: {  	s4 =	sshra.s32 s25, $0x2;
	[sflag:s21] =	ssyncset.done $0x0  }
0x6b: {  	s2 =	sadd.s32 $0x5280, s4;
	[sflag:s21] =	ssyncadd.s32 $0xFFFFE000  }
0x6c: {  	[spmem:s3] =	stream.indirect.scatter.add.f32 [tilespmem:s18], [sflag:$0x1], $0x40, s2, s16, $0xb8;
	[tilespmem:$0x1FC60] =	vst v63  }
0x6d: {  	_ =	swait.ge [sflag:s12], $0x2000  }
0x6e: {  	[sflag:s12] =	ssyncset.done $0x0  }
0x6f: {  	s0 =	sadd.s32 $0x480, s4;
	[sflag:s12] =	ssyncadd.s32 $0xFFFFE000  }
0x70: {  	[tilespmem:s20], [sflag:$0x5] =	stream.indirect.gather [hbm4b:s5+s16], $0x40, s0, s16, $0xb8;
	[tilespmem:$0x1FC60] =	vst v63  }
0x71: {  	_ =	swait.ge [sflag:s23], $0x2000  }
0x72: {  	[sflag:s23] =	ssyncset.done $0x0  }
0x73: {  	s10 =	sadd.s32 $0x5300, s4;
	[sflag:s23] =	ssyncadd.s32 $0xFFFFE000  }
0x74: {  	[spmem:s3] =	stream.indirect.scatter.add.f32 [tilespmem:s22], [sflag:$0x2], $0x40, s10, s16, $0xb8;
	[tilespmem:$0x1FC60] =	vst v63  }
0x75: {  	_ =	swait.ge [sflag:s21], $0x2000  }
0x76: {  	p6 =	seq.s32 s25, $0x12C00;
	[sflag:s21] =	ssyncset.done $0x0  }
0x77: {  	s2 =	simm.s32 @p6 $0x3;
	[sflag:s21] =	ssyncadd.s32 $0xFFFFE000  }
0x78: {  	_ =	swait.ge @p6 [sflag:s2], $0x2000  }
0x79: {  	[sflag:s2] =	ssyncset.done @p6 $0x0  }
0x7a: {  	[sflag:s2] =	ssyncadd.s32 @p6 $0xFFFFE000;
	s2 =	sshra.s32 @p6 s25, $0x2  }
0x7b: {  	s13 =	simm.s32 @p6 $0x80;
	s10 =	simm.s32 @p6 $0xE000;
	s2 =	sadd.s32 @p6 $0x5380, s2  }
0x7c: {  	[spmem:s3] =	stream.indirect.scatter.add.f32 @p6 [tilespmem:s10], [sflag:$0x3], $0x40, s2, s13, $0xb8;
	[tilespmem:$0x1FC60] =	vst v63  }
0x7d: {  	s2 =	simm.s32 @p6 $0x2  }
0x7e: {  	_ =	swait.ge @p6 [sflag:s2], $0x2000  }
0x7f: {  	[sflag:s2] =	ssyncset.done @p6 $0x0  }
0x80: {  	[sflag:s2] =	ssyncadd.s32 @p6 $0xFFFFE000;
	s2 =	sshra.s32 @!p6 s25, $0x2  }
0x81: {  	s0 =	simm.s32 @!p6 $0xA000;
	s13 =	simm.s32 @!p6 $0x80;
	s10 =	sadd.s32 @!p6 $0x500, s2  }
0x82: {  	[tilespmem:s0], [sflag:$0x1] =	stream.indirect.gather @!p6 [hbm4b:s5+s13], $0x40, s10, s13, $0xb8;
	[tilespmem:$0x1FC60] =	vst v63  }
0x83: {  	s0 =	simm.s32 @!p6 $0x3  }
0x84: {  	_ =	swait.ge @!p6 [sflag:s0], $0x2000  }
0x85: {  	[sflag:s0] =	ssyncset.done @!p6 $0x0  }
0x86: {  	s10 =	simm.s32 @!p6 $0xE000;
	[sflag:s0] =	ssyncadd.s32 @!p6 $0xFFFFE000;
	s0 =	sadd.s32 @!p6 $0x5380, s2  }
0x87: {  	[spmem:s3] =	stream.indirect.scatter.add.f32 @!p6 [tilespmem:s10], [sflag:$0x3], $0x40, s0, s13, $0xb8;
	[tilespmem:$0x1FC60] =	vst v63  }
0x88: {  	s0 =	simm.s32 @!p6 $0x2  }
0x89: {  	_ =	swait.ge @!p6 [sflag:s0], $0x2000  }
0x8a: {  	[sflag:s0] =	ssyncset.done @!p6 $0x0  }
0x8b: {  	[sflag:s0] =	ssyncadd.s32 @!p6 $0xFFFFE000;
	s0 =	sadd.s32 @!p6 $0x580, s2;
	s2 =	simm.s32 @!p6 $0xC000  }
0x8c: {  	[tilespmem:s2], [sflag:$0x2] =	stream.indirect.gather @!p6 [hbm4b:s5+s13], $0x40, s0, s13, $0xb8;
	[tilespmem:$0x1FC60] =	vst v63  }
0x8d: {  	_ =	swait.ge [sflag:s31], $0x2000  }
0x8e: {  	[sflag:s31] =	ssyncset.done $0x0  }
.Ltmp1:
0x8f: {  	s13 =	sadd.s32 $0x5400, s4;
	[sflag:s31] =	ssyncadd.s32 $0xFFFFE000;
	(pc) =	sbr.rel @p6 .LBB2_5-.Ltmp1, $4  }
0x90: {  	[spmem:s3] =	stream.indirect.scatter.add.f32 [tilespmem:s9], [sflag:$0x4], $0x40, s13, s16, $0xb8;
	[tilespmem:$0x1FC60] =	vst v63  }
0x91: {  	_ =	swait.ge [sflag:s28], $0x2000  }
0x92: {  	[sflag:s28] =	ssyncset.done $0x0  }
0x93: {  	s2 =	sadd.s32 $0x5480, s4;
	[sflag:s28] =	ssyncadd.s32 $0xFFFFE000  }
0x94: {  	s0 =	sadd.s32 $0x600, s4  }
0x95: {  	[tilespmem:s17], [sflag:$0x3] =	stream.indirect.gather [hbm4b:s5+s16], $0x40, s0, s16, $0xb8;
	[tilespmem:$0x1FC60] =	vst v63  }
0x96: {  	_ =	swait.ge [sflag:s12], $0x2000  }
0x97: {  	[sflag:s12] =	ssyncset.done $0x0  }
0x98: {  	[sflag:s12] =	ssyncadd.s32 $0xFFFFE000  }
0x99: {  	[spmem:s3] =	stream.indirect.scatter.add.f32 [tilespmem:s20], [sflag:$0x5], $0x40, s2, s16, $0xb8;
	[tilespmem:$0x1FC60] =	vst v63  }
.Ltmp2:
0x9a: {  	_ = 	snop;
	(pc) =	sbr.rel .LBB2_3-.Ltmp2, $4  }
0x9b: {  	_ =	swait.ge [sflag:s31], $0x2000  }
0x9c: {  	[sflag:s31] =	ssyncset.done $0x0  }
0x9d: {  	s13 =	sadd.s32 $0x680, s4;
	s25 =	sadd.s32 $0xA00, s25;
	[sflag:s31] =	ssyncadd.s32 $0xFFFFE000  }
0x9e: {  	[tilespmem:s9], [sflag:$0x4] =	stream.indirect.gather [hbm4b:s5+s16], $0x40, s13, s16, $0xb8;
	[tilespmem:$0x1FC60] =	vst v63  }
.LBB2_9:
0x9f: {  	[tilespmem:s18], [sflag:$0x1] =	stream.indirect.gather [hbm4b:s6+s16], $0x40, s25, s16, $0xb8;
	[tilespmem:$0x1FC60] =	vst v63  }
0xa0: {  	_ = 	snop  }
0xa1: {  	[tilespmem:s22], [sflag:$0x2] =	stream.indirect.gather [hbm4b:s6+s16], $0x40, s16, s16, $0xb8;
	[tilespmem:$0x1FC60] =	vst v63  }
0xa2: {  	s2 =	simm.s32 $0x100  }
0xa3: {  	[tilespmem:s17], [sflag:$0x3] =	stream.indirect.gather [hbm4b:s6+s16], $0x40, s2, s16, $0xb8;
	[tilespmem:$0x1FC60] =	vst v63  }
0xa4: {  	s10 =	simm.s32 $0x180  }
0xa5: {  	[tilespmem:s9], [sflag:$0x4] =	stream.indirect.gather [hbm4b:s6+s16], $0x40, s10, s16, $0xb8;
	[tilespmem:$0x1FC60] =	vst v63  }
0xa6: {  	s13 =	simm.s32 $0x200  }
0xa7: {  	[tilespmem:s20], [sflag:$0x5] =	stream.indirect.gather [hbm4b:s6+s16], $0x40, s13, s16, $0xb8;
	[tilespmem:$0x1FC60] =	vst v63  }
0xa8: {  	_ =	swait.ge [sflag:s21], $0x2000  }
0xa9: {  	[sflag:s21] =	ssyncset.done $0x0  }
0xaa: {  	[sflag:s21] =	ssyncadd.s32 $0xFFFFE000  }
0xab: {  	[spmem:s3] =	stream.indirect.scatter.add.f32 [tilespmem:s18], [sflag:$0x1], $0x40, s0, s16, $0xb8;
	[tilespmem:$0x1FC60] =	vst v63  }
0xac: {  	_ =	swait.ge [sflag:s23], $0x2000  }
0xad: {  	[sflag:s23] =	ssyncset.done $0x0  }
0xae: {  	s2 =	simm.s32 $0x5080;
	[sflag:s23] =	ssyncadd.s32 $0xFFFFE000  }
0xaf: {  	[spmem:s3] =	stream.indirect.scatter.add.f32 [tilespmem:s22], [sflag:$0x2], $0x40, s2, s16, $0xb8;
	[tilespmem:$0x1FC60] =	vst v63  }
0xb0: {  	_ =	swait.ge [sflag:s21], $0x2000  }
0xb1: {  	[sflag:s21] =	ssyncset.done $0x0  }
0xb2: {  	s4 =	simm.s32 $0x280;
	[sflag:s21] =	ssyncadd.s32 $0xFFFFE000  }
0xb3: {  	[tilespmem:s18], [sflag:$0x1] =	stream.indirect.gather [hbm4b:s6+s16], $0x40, s4, s16, $0xb8;
	[tilespmem:$0x1FC60] =	vst v63  }
0xb4: {  	_ =	swait.ge [sflag:s28], $0x2000  }
0xb5: {  	[sflag:s28] =	ssyncset.done $0x0  }
0xb6: {  	s10 =	simm.s32 $0x5100;
	[sflag:s28] =	ssyncadd.s32 $0xFFFFE000  }
0xb7: {  	[spmem:s3] =	stream.indirect.scatter.add.f32 [tilespmem:s17], [sflag:$0x3], $0x40, s10, s16, $0xb8;
	[tilespmem:$0x1FC60] =	vst v63  }
0xb8: {  	_ =	swait.ge [sflag:s23], $0x2000  }
0xb9: {  	[sflag:s23] =	ssyncset.done $0x0  }
0xba: {  	s13 =	simm.s32 $0x300;
	[sflag:s23] =	ssyncadd.s32 $0xFFFFE000  }
0xbb: {  	[tilespmem:s22], [sflag:$0x2] =	stream.indirect.gather [hbm4b:s6+s16], $0x40, s13, s16, $0xb8;
	[tilespmem:$0x1FC60] =	vst v63  }
0xbc: {  	_ =	swait.ge [sflag:s31], $0x2000  }
0xbd: {  	[sflag:s31] =	ssyncset.done $0x0  }
0xbe: {  	s2 =	simm.s32 $0x5180;
	[sflag:s31] =	ssyncadd.s32 $0xFFFFE000  }
0xbf: {  	[spmem:s3] =	stream.indirect.scatter.add.f32 [tilespmem:s9], [sflag:$0x4], $0x40, s2, s16, $0xb8;
	[tilespmem:$0x1FC60] =	vst v63  }
0xc0: {  	_ =	swait.ge [sflag:s28], $0x2000  }
0xc1: {  	[sflag:s28] =	ssyncset.done $0x0  }
0xc2: {  	s4 =	simm.s32 $0x380;
	[sflag:s28] =	ssyncadd.s32 $0xFFFFE000  }
0xc3: {  	[tilespmem:s17], [sflag:$0x3] =	stream.indirect.gather [hbm4b:s6+s16], $0x40, s4, s16, $0xb8;
	[tilespmem:$0x1FC60] =	vst v63  }
0xc4: {  	_ =	swait.ge [sflag:s12], $0x2000  }
0xc5: {  	[sflag:s12] =	ssyncset.done $0x0  }
0xc6: {  	s10 =	simm.s32 $0x5200;
	[sflag:s12] =	ssyncadd.s32 $0xFFFFE000  }
0xc7: {  	[spmem:s3] =	stream.indirect.scatter.add.f32 [tilespmem:s20], [sflag:$0x5], $0x40, s10, s16, $0xb8;
	[tilespmem:$0x1FC60] =	vst v63  }
0xc8: {  	_ =	swait.ge [sflag:s31], $0x2000  }
0xc9: {  	[sflag:s31] =	ssyncset.done $0x0  }
0xca: {  	s13 =	simm.s32 $0x400;
	[sflag:s31] =	ssyncadd.s32 $0xFFFFE000  }
0xcb: {  	[tilespmem:s9], [sflag:$0x4] =	stream.indirect.gather [hbm4b:s6+s16], $0x40, s13, s16, $0xb8;
	[tilespmem:$0x1FC60] =	vst v63  }
.LBB2_10:
0xcc: {  	_ =	swait.ge [sflag:s21], $0x2000  }
0xcd: {  	s4 =	sshra.s32 s25, $0x2;
	[sflag:s21] =	ssyncset.done $0x0  }
0xce: {  	s0 =	sadd.s32 $0x5280, s4;
	[sflag:s21] =	ssyncadd.s32 $0xFFFFE000  }
0xcf: {  	[spmem:s3] =	stream.indirect.scatter.add.f32 [tilespmem:s18], [sflag:$0x1], $0x40, s0, s16, $0xb8;
	[tilespmem:$0x1FC60] =	vst v63  }
0xd0: {  	_ =	swait.ge [sflag:s12], $0x2000  }
0xd1: {  	[sflag:s12] =	ssyncset.done $0x0  }
0xd2: {  	s2 =	sadd.s32 $0x480, s4;
	[sflag:s12] =	ssyncadd.s32 $0xFFFFE000  }
0xd3: {  	[tilespmem:s20], [sflag:$0x5] =	stream.indirect.gather [hbm4b:s6+s16], $0x40, s2, s16, $0xb8;
	[tilespmem:$0x1FC60] =	vst v63  }
0xd4: {  	_ =	swait.ge [sflag:s23], $0x2000  }
0xd5: {  	[sflag:s23] =	ssyncset.done $0x0  }
0xd6: {  	s10 =	sadd.s32 $0x5300, s4;
	[sflag:s23] =	ssyncadd.s32 $0xFFFFE000  }
0xd7: {  	[spmem:s3] =	stream.indirect.scatter.add.f32 [tilespmem:s22], [sflag:$0x2], $0x40, s10, s16, $0xb8;
	[tilespmem:$0x1FC60] =	vst v63  }
0xd8: {  	_ =	swait.ge [sflag:s21], $0x2000  }
0xd9: {  	p6 =	seq.s32 s25, $0x12C00;
	[sflag:s21] =	ssyncset.done $0x0  }
0xda: {  	s0 =	simm.s32 @p6 $0x3;
	[sflag:s21] =	ssyncadd.s32 $0xFFFFE000  }
0xdb: {  	_ =	swait.ge @p6 [sflag:s0], $0x2000  }
0xdc: {  	[sflag:s0] =	ssyncset.done @p6 $0x0  }
0xdd: {  	[sflag:s0] =	ssyncadd.s32 @p6 $0xFFFFE000;
	s0 =	sshra.s32 @p6 s25, $0x2  }
0xde: {  	s2 =	simm.s32 @p6 $0x80;
	s10 =	simm.s32 @p6 $0xE000;
	s0 =	sadd.s32 @p6 $0x5380, s0  }
0xdf: {  	[spmem:s3] =	stream.indirect.scatter.add.f32 @p6 [tilespmem:s10], [sflag:$0x3], $0x40, s0, s2, $0xb8;
	[tilespmem:$0x1FC60] =	vst v63  }
0xe0: {  	s0 =	simm.s32 @p6 $0x2  }
0xe1: {  	_ =	swait.ge @p6 [sflag:s0], $0x2000  }
0xe2: {  	[sflag:s0] =	ssyncset.done @p6 $0x0  }
0xe3: {  	[sflag:s0] =	ssyncadd.s32 @p6 $0xFFFFE000;
	s0 =	sshra.s32 @!p6 s25, $0x2  }
0xe4: {  	s13 =	simm.s32 @!p6 $0xA000;
	s10 =	simm.s32 @!p6 $0x80;
	s2 =	sadd.s32 @!p6 $0x500, s0  }
0xe5: {  	[tilespmem:s13], [sflag:$0x1] =	stream.indirect.gather @!p6 [hbm4b:s6+s10], $0x40, s2, s10, $0xb8;
	[tilespmem:$0x1FC60] =	vst v63  }
0xe6: {  	s2 =	simm.s32 @!p6 $0x3  }
0xe7: {  	_ =	swait.ge @!p6 [sflag:s2], $0x2000  }
0xe8: {  	[sflag:s2] =	ssyncset.done @!p6 $0x0  }
0xe9: {  	s13 =	simm.s32 @!p6 $0xE000;
	[sflag:s2] =	ssyncadd.s32 @!p6 $0xFFFFE000;
	s2 =	sadd.s32 @!p6 $0x5380, s0  }
0xea: {  	[spmem:s3] =	stream.indirect.scatter.add.f32 @!p6 [tilespmem:s13], [sflag:$0x3], $0x40, s2, s10, $0xb8;
	[tilespmem:$0x1FC60] =	vst v63  }
0xeb: {  	s2 =	simm.s32 @!p6 $0x2  }
0xec: {  	_ =	swait.ge @!p6 [sflag:s2], $0x2000  }
0xed: {  	[sflag:s2] =	ssyncset.done @!p6 $0x0  }
0xee: {  	s0 =	sadd.s32 @!p6 $0x580, s0;
	[sflag:s2] =	ssyncadd.s32 @!p6 $0xFFFFE000;
	s2 =	simm.s32 @!p6 $0xC000  }
0xef: {  	[tilespmem:s2], [sflag:$0x2] =	stream.indirect.gather @!p6 [hbm4b:s6+s10], $0x40, s0, s10, $0xb8;
	[tilespmem:$0x1FC60] =	vst v63  }
0xf0: {  	_ =	swait.ge [sflag:s31], $0x2000  }
0xf1: {  	[sflag:s31] =	ssyncset.done $0x0  }
.Ltmp3:
0xf2: {  	s13 =	sadd.s32 $0x5400, s4;
	[sflag:s31] =	ssyncadd.s32 $0xFFFFE000;
	(pc) =	sbr.rel @p6 .LBB2_12-.Ltmp3, $4  }
0xf3: {  	[spmem:s3] =	stream.indirect.scatter.add.f32 [tilespmem:s9], [sflag:$0x4], $0x40, s13, s16, $0xb8;
	[tilespmem:$0x1FC60] =	vst v63  }
0xf4: {  	_ =	swait.ge [sflag:s28], $0x2000  }
0xf5: {  	[sflag:s28] =	ssyncset.done $0x0  }
0xf6: {  	s2 =	sadd.s32 $0x5480, s4;
	[sflag:s28] =	ssyncadd.s32 $0xFFFFE000  }
0xf7: {  	s0 =	sadd.s32 $0x600, s4  }
0xf8: {  	[tilespmem:s17], [sflag:$0x3] =	stream.indirect.gather [hbm4b:s6+s16], $0x40, s0, s16, $0xb8;
	[tilespmem:$0x1FC60] =	vst v63  }
0xf9: {  	_ =	swait.ge [sflag:s12], $0x2000  }
0xfa: {  	[sflag:s12] =	ssyncset.done $0x0  }
0xfb: {  	[sflag:s12] =	ssyncadd.s32 $0xFFFFE000  }
0xfc: {  	[spmem:s3] =	stream.indirect.scatter.add.f32 [tilespmem:s20], [sflag:$0x5], $0x40, s2, s16, $0xb8;
	[tilespmem:$0x1FC60] =	vst v63  }
.Ltmp4:
0xfd: {  	_ = 	snop;
	(pc) =	sbr.rel .LBB2_10-.Ltmp4, $4  }
0xfe: {  	_ =	swait.ge [sflag:s31], $0x2000  }
0xff: {  	[sflag:s31] =	ssyncset.done $0x0  }
0x100: {  	s13 =	sadd.s32 $0x680, s4;
	s25 =	sadd.s32 $0xA00, s25;
	[sflag:s31] =	ssyncadd.s32 $0xFFFFE000  }
0x101: {  	[tilespmem:s9], [sflag:$0x4] =	stream.indirect.gather [hbm4b:s6+s16], $0x40, s13, s16, $0xb8;
	[tilespmem:$0x1FC60] =	vst v63  }
.LBB2_5:
0x102: {  	_ =	swait.ge [sflag:s12], $0x2000  }
0x103: {  	[sflag:s12] =	ssyncset.done $0x0  }
0x104: {  	[sflag:s12] =	ssyncadd.s32 $0xFFFFE000  }
0x105: {  	[spmem:s3] =	stream.indirect.scatter.add.f32 [tilespmem:s20], [sflag:$0x5], $0x40, s2, s16, $0xb8;
	[tilespmem:$0x1FC60] =	vst v63  }
0x106: {  	_ =	swait.ge [sflag:s31], $0x2000  }
0x107: {  	[sflag:s31] =	ssyncset.done $0x0  }
0x108: {  	[sflag:s31] =	ssyncadd.s32 $0xFFFFE000  }
0x109: {  	_ =	swait.ge [sflag:s12], $0x2000  }
0x10a: {  	[sflag:s12] =	ssyncset.done $0x0  }
0x10b: {  	[sflag:s12] =	ssyncadd.s32 $0xFFFFE000  }
0x10c: {  	[bflag:$0x0] =	sbarrier.arrive $0xFFFF  }
0x10d: {  	s0 =	simm.s32 @p0 $0x1FC6;
	s2 =	rddreg [dreg:$0xd]  }
0x10e: {  	[hbm:s2], [sflag:s0] =	dma.local @p0 [spmem:s8], $0x1080  }
0x10f: {  	s2 =	simm.s32 @p0 $0x6  }
0x110: {  	_ =	swait.ge @p0 [sflag:s2], $0x1080  }
0x111: {  	[sflag:s2] =	ssyncset.done @p0 $0x0  }
0x112: {  	[sflag:s2] =	ssyncadd.s32 @p0 $0xFFFFEF80  }
0x113: {  	[spmem:s8], [sflag:s0] =	dma.local @p0 [hbm:s7], $0x1080  }
0x114: {  	_ =	swait.ge @p0 [sflag:s2], $0x1080  }
0x115: {  	[sflag:s2] =	ssyncset.done @p0 $0x0  }
0x116: {  	s0 =	rddreg [dreg:$0xc];
	[sflag:s2] =	ssyncadd.s32 @p0 $0xFFFFEF80  }
0x117: {  	[hbm:s0], [sflag:s30] =	dma.local @!p0 [spmem:s24], $0x13C0  }
0x118: {  	s0 =	simm.s32 @!p0 $0x6  }
0x119: {  	_ =	swait.ge @!p0 [sflag:s0], $0x13C0  }
0x11a: {  	[sflag:s0] =	ssyncset.done @!p0 $0x0  }
0x11b: {  	[sflag:s0] =	ssyncadd.s32 @!p0 $0xFFFFEC40  }
0x11c: {  	[spmem:s24], [sflag:s30] =	dma.local @!p0 [hbm:s7], $0x13C0  }
0x11d: {  	_ =	swait.ge @!p0 [sflag:s0], $0x13C0  }
0x11e: {  	[sflag:s0] =	ssyncset.done @!p0 $0x0  }
0x11f: {  	[sflag:s0] =	ssyncadd.s32 @!p0 $0xFFFFEC40  }
0x120: {  	s24 =	simm.s32 $0x0;
	[bflag:$0x0] =	sbarrier.arrive $0xFFFF  }
0x121: {  	[tilespmem:s18], [sflag:$0x1] =	stream.indirect.gather [hbm4b:s19+s16], $0x40, s24, s16, $0xb8;
	[tilespmem:$0x1FC60] =	vst v63  }
0x122: {  	_ = 	snop  }
0x123: {  	[tilespmem:s22], [sflag:$0x2] =	stream.indirect.gather [hbm4b:s19+s16], $0x40, s16, s16, $0xb8;
	[tilespmem:$0x1FC60] =	vst v63  }
0x124: {  	s10 =	simm.s32 $0x100  }
0x125: {  	[tilespmem:s17], [sflag:$0x3] =	stream.indirect.gather [hbm4b:s19+s16], $0x40, s10, s16, $0xb8;
	[tilespmem:$0x1FC60] =	vst v63  }
0x126: {  	s13 =	simm.s32 $0x180  }
0x127: {  	[tilespmem:s9], [sflag:$0x4] =	stream.indirect.gather [hbm4b:s19+s16], $0x40, s13, s16, $0xb8;
	[tilespmem:$0x1FC60] =	vst v63  }
0x128: {  	s25 =	simm.s32 $0x200  }
0x129: {  	[tilespmem:s20], [sflag:$0x5] =	stream.indirect.gather [hbm4b:s19+s16], $0x40, s25, s16, $0xb8;
	[tilespmem:$0x1FC60] =	vst v63  }
0x12a: {  	_ =	swait.ge [sflag:s21], $0x2000  }
0x12b: {  	[sflag:s21] =	ssyncset.done $0x0  }
0x12c: {  	s25 =	simm.s32 $0x5000;
	[sflag:s21] =	ssyncadd.s32 $0xFFFFE000  }
0x12d: {  	[spmem:s3] =	stream.indirect.scatter.add.f32 [tilespmem:s18], [sflag:$0x1], $0x40, s25, s16, $0xb8;
	[tilespmem:$0x1FC60] =	vst v63  }
0x12e: {  	_ =	swait.ge [sflag:s23], $0x2000  }
0x12f: {  	[sflag:s23] =	ssyncset.done $0x0  }
0x130: {  	s2 =	simm.s32 $0x5080;
	[sflag:s23] =	ssyncadd.s32 $0xFFFFE000  }
0x131: {  	[spmem:s3] =	stream.indirect.scatter.add.f32 [tilespmem:s22], [sflag:$0x2], $0x40, s2, s16, $0xb8;
	[tilespmem:$0x1FC60] =	vst v63  }
0x132: {  	_ =	swait.ge [sflag:s21], $0x2000  }
0x133: {  	[sflag:s21] =	ssyncset.done $0x0  }
0x134: {  	s4 =	simm.s32 $0x280;
	[sflag:s21] =	ssyncadd.s32 $0xFFFFE000  }
0x135: {  	[tilespmem:s18], [sflag:$0x1] =	stream.indirect.gather [hbm4b:s19+s16], $0x40, s4, s16, $0xb8;
	[tilespmem:$0x1FC60] =	vst v63  }
0x136: {  	_ =	swait.ge [sflag:s28], $0x2000  }
0x137: {  	[sflag:s28] =	ssyncset.done $0x0  }
0x138: {  	s10 =	simm.s32 $0x5100;
	[sflag:s28] =	ssyncadd.s32 $0xFFFFE000  }
0x139: {  	[spmem:s3] =	stream.indirect.scatter.add.f32 [tilespmem:s17], [sflag:$0x3], $0x40, s10, s16, $0xb8;
	[tilespmem:$0x1FC60] =	vst v63  }
0x13a: {  	_ =	swait.ge [sflag:s23], $0x2000  }
0x13b: {  	[sflag:s23] =	ssyncset.done $0x0  }
0x13c: {  	s13 =	simm.s32 $0x300;
	[sflag:s23] =	ssyncadd.s32 $0xFFFFE000  }
0x13d: {  	[tilespmem:s22], [sflag:$0x2] =	stream.indirect.gather [hbm4b:s19+s16], $0x40, s13, s16, $0xb8;
	[tilespmem:$0x1FC60] =	vst v63  }
0x13e: {  	_ =	swait.ge [sflag:s31], $0x2000  }
0x13f: {  	[sflag:s31] =	ssyncset.done $0x0  }
0x140: {  	s2 =	simm.s32 $0x5180;
	[sflag:s31] =	ssyncadd.s32 $0xFFFFE000  }
0x141: {  	[spmem:s3] =	stream.indirect.scatter.add.f32 [tilespmem:s9], [sflag:$0x4], $0x40, s2, s16, $0xb8;
	[tilespmem:$0x1FC60] =	vst v63  }
0x142: {  	_ =	swait.ge [sflag:s28], $0x2000  }
0x143: {  	[sflag:s28] =	ssyncset.done $0x0  }
0x144: {  	s4 =	simm.s32 $0x380;
	[sflag:s28] =	ssyncadd.s32 $0xFFFFE000  }
0x145: {  	[tilespmem:s17], [sflag:$0x3] =	stream.indirect.gather [hbm4b:s19+s16], $0x40, s4, s16, $0xb8;
	[tilespmem:$0x1FC60] =	vst v63  }
0x146: {  	_ =	swait.ge [sflag:s12], $0x2000  }
0x147: {  	[sflag:s12] =	ssyncset.done $0x0  }
0x148: {  	s10 =	simm.s32 $0x5200;
	[sflag:s12] =	ssyncadd.s32 $0xFFFFE000  }
0x149: {  	[spmem:s3] =	stream.indirect.scatter.add.f32 [tilespmem:s20], [sflag:$0x5], $0x40, s10, s16, $0xb8;
	[tilespmem:$0x1FC60] =	vst v63  }
0x14a: {  	_ =	swait.ge [sflag:s31], $0x2000  }
0x14b: {  	[sflag:s31] =	ssyncset.done $0x0  }
0x14c: {  	s13 =	simm.s32 $0x400;
	[sflag:s31] =	ssyncadd.s32 $0xFFFFE000  }
0x14d: {  	[tilespmem:s9], [sflag:$0x4] =	stream.indirect.gather [hbm4b:s19+s16], $0x40, s13, s16, $0xb8;
	[tilespmem:$0x1FC60] =	vst v63  }
.LBB2_6:
0x14e: {  	_ =	swait.ge [sflag:s21], $0x2000  }
0x14f: {  	s4 =	sshra.s32 s24, $0x2;
	[sflag:s21] =	ssyncset.done $0x0  }
0x150: {  	s0 =	sadd.s32 $0x5280, s4;
	[sflag:s21] =	ssyncadd.s32 $0xFFFFE000  }
0x151: {  	[spmem:s3] =	stream.indirect.scatter.add.f32 [tilespmem:s18], [sflag:$0x1], $0x40, s0, s16, $0xb8;
	[tilespmem:$0x1FC60] =	vst v63  }
0x152: {  	_ =	swait.ge [sflag:s12], $0x2000  }
0x153: {  	[sflag:s12] =	ssyncset.done $0x0  }
0x154: {  	s2 =	sadd.s32 $0x480, s4;
	[sflag:s12] =	ssyncadd.s32 $0xFFFFE000  }
0x155: {  	[tilespmem:s20], [sflag:$0x5] =	stream.indirect.gather [hbm4b:s19+s16], $0x40, s2, s16, $0xb8;
	[tilespmem:$0x1FC60] =	vst v63  }
0x156: {  	_ =	swait.ge [sflag:s23], $0x2000  }
0x157: {  	[sflag:s23] =	ssyncset.done $0x0  }
0x158: {  	s10 =	sadd.s32 $0x5300, s4;
	[sflag:s23] =	ssyncadd.s32 $0xFFFFE000  }
0x159: {  	[spmem:s3] =	stream.indirect.scatter.add.f32 [tilespmem:s22], [sflag:$0x2], $0x40, s10, s16, $0xb8;
	[tilespmem:$0x1FC60] =	vst v63  }
0x15a: {  	_ =	swait.ge [sflag:s21], $0x2000  }
0x15b: {  	p6 =	seq.s32 s24, $0x12C00;
	[sflag:s21] =	ssyncset.done $0x0  }
0x15c: {  	s0 =	simm.s32 @p6 $0x3;
	[sflag:s21] =	ssyncadd.s32 $0xFFFFE000  }
0x15d: {  	_ =	swait.ge @p6 [sflag:s0], $0x2000  }
0x15e: {  	[sflag:s0] =	ssyncset.done @p6 $0x0  }
0x15f: {  	[sflag:s0] =	ssyncadd.s32 @p6 $0xFFFFE000;
	s0 =	sshra.s32 @p6 s24, $0x2  }
0x160: {  	s2 =	simm.s32 @p6 $0x80;
	s10 =	simm.s32 @p6 $0xE000;
	s0 =	sadd.s32 @p6 $0x5380, s0  }
0x161: {  	[spmem:s3] =	stream.indirect.scatter.add.f32 @p6 [tilespmem:s10], [sflag:$0x3], $0x40, s0, s2, $0xb8;
	[tilespmem:$0x1FC60] =	vst v63  }
0x162: {  	s0 =	simm.s32 @p6 $0x2  }
0x163: {  	_ =	swait.ge @p6 [sflag:s0], $0x2000  }
0x164: {  	[sflag:s0] =	ssyncset.done @p6 $0x0  }
0x165: {  	[sflag:s0] =	ssyncadd.s32 @p6 $0xFFFFE000;
	s0 =	sshra.s32 @!p6 s24, $0x2  }
0x166: {  	s13 =	simm.s32 @!p6 $0xA000;
	s10 =	simm.s32 @!p6 $0x80;
	s2 =	sadd.s32 @!p6 $0x500, s0  }
0x167: {  	[tilespmem:s13], [sflag:$0x1] =	stream.indirect.gather @!p6 [hbm4b:s19+s10], $0x40, s2, s10, $0xb8;
	[tilespmem:$0x1FC60] =	vst v63  }
0x168: {  	s2 =	simm.s32 @!p6 $0x3  }
0x169: {  	_ =	swait.ge @!p6 [sflag:s2], $0x2000  }
0x16a: {  	[sflag:s2] =	ssyncset.done @!p6 $0x0  }
0x16b: {  	s13 =	simm.s32 @!p6 $0xE000;
	[sflag:s2] =	ssyncadd.s32 @!p6 $0xFFFFE000;
	s2 =	sadd.s32 @!p6 $0x5380, s0  }
0x16c: {  	[spmem:s3] =	stream.indirect.scatter.add.f32 @!p6 [tilespmem:s13], [sflag:$0x3], $0x40, s2, s10, $0xb8;
	[tilespmem:$0x1FC60] =	vst v63  }
0x16d: {  	s2 =	simm.s32 @!p6 $0x2  }
0x16e: {  	_ =	swait.ge @!p6 [sflag:s2], $0x2000  }
0x16f: {  	[sflag:s2] =	ssyncset.done @!p6 $0x0  }
0x170: {  	s0 =	sadd.s32 @!p6 $0x580, s0;
	[sflag:s2] =	ssyncadd.s32 @!p6 $0xFFFFE000;
	s2 =	simm.s32 @!p6 $0xC000  }
0x171: {  	[tilespmem:s2], [sflag:$0x2] =	stream.indirect.gather @!p6 [hbm4b:s19+s10], $0x40, s0, s10, $0xb8;
	[tilespmem:$0x1FC60] =	vst v63  }
0x172: {  	_ =	swait.ge [sflag:s31], $0x2000  }
0x173: {  	[sflag:s31] =	ssyncset.done $0x0  }
.Ltmp5:
0x174: {  	s13 =	sadd.s32 $0x5400, s4;
	[sflag:s31] =	ssyncadd.s32 $0xFFFFE000;
	(pc) =	sbr.rel @p6 .LBB2_8-.Ltmp5, $4  }
0x175: {  	[spmem:s3] =	stream.indirect.scatter.add.f32 [tilespmem:s9], [sflag:$0x4], $0x40, s13, s16, $0xb8;
	[tilespmem:$0x1FC60] =	vst v63  }
0x176: {  	_ =	swait.ge [sflag:s28], $0x2000  }
0x177: {  	[sflag:s28] =	ssyncset.done $0x0  }
0x178: {  	s2 =	sadd.s32 $0x5480, s4;
	[sflag:s28] =	ssyncadd.s32 $0xFFFFE000  }
0x179: {  	s0 =	sadd.s32 $0x600, s4  }
0x17a: {  	[tilespmem:s17], [sflag:$0x3] =	stream.indirect.gather [hbm4b:s19+s16], $0x40, s0, s16, $0xb8;
	[tilespmem:$0x1FC60] =	vst v63  }
0x17b: {  	_ =	swait.ge [sflag:s12], $0x2000  }
0x17c: {  	[sflag:s12] =	ssyncset.done $0x0  }
0x17d: {  	[sflag:s12] =	ssyncadd.s32 $0xFFFFE000  }
0x17e: {  	[spmem:s3] =	stream.indirect.scatter.add.f32 [tilespmem:s20], [sflag:$0x5], $0x40, s2, s16, $0xb8;
	[tilespmem:$0x1FC60] =	vst v63  }
.Ltmp6:
0x17f: {  	_ = 	snop;
	(pc) =	sbr.rel .LBB2_6-.Ltmp6, $4  }
0x180: {  	_ =	swait.ge [sflag:s31], $0x2000  }
0x181: {  	[sflag:s31] =	ssyncset.done $0x0  }
0x182: {  	s13 =	sadd.s32 $0x680, s4;
	s24 =	sadd.s32 $0xA00, s24;
	[sflag:s31] =	ssyncadd.s32 $0xFFFFE000  }
0x183: {  	[tilespmem:s9], [sflag:$0x4] =	stream.indirect.gather [hbm4b:s19+s16], $0x40, s13, s16, $0xb8;
	[tilespmem:$0x1FC60] =	vst v63  }
.LBB2_12:
0x184: {  	_ =	swait.ge [sflag:s12], $0x2000  }
0x185: {  	[sflag:s12] =	ssyncset.done $0x0  }
0x186: {  	[sflag:s12] =	ssyncadd.s32 $0xFFFFE000  }
0x187: {  	[spmem:s3] =	stream.indirect.scatter.add.f32 [tilespmem:s20], [sflag:$0x5], $0x40, s2, s16, $0xb8;
	[tilespmem:$0x1FC60] =	vst v63  }
0x188: {  	_ =	swait.ge [sflag:s31], $0x2000  }
0x189: {  	[sflag:s31] =	ssyncset.done $0x0  }
0x18a: {  	[sflag:s31] =	ssyncadd.s32 $0xFFFFE000  }
0x18b: {  	_ =	swait.ge [sflag:s12], $0x2000  }
0x18c: {  	[sflag:s12] =	ssyncset.done $0x0  }
0x18d: {  	[sflag:s12] =	ssyncadd.s32 $0xFFFFE000  }
0x18e: {  	[bflag:$0x0] =	sbarrier.arrive $0xFFFF  }
0x18f: {  	s0 =	simm.s32 @p0 $0x1FC6;
	s2 =	rddreg [dreg:$0x9]  }
0x190: {  	[hbm:s2], [sflag:s0] =	dma.local @p0 [spmem:s8], $0x1080  }
0x191: {  	s2 =	simm.s32 @p0 $0x6  }
0x192: {  	_ =	swait.ge @p0 [sflag:s2], $0x1080  }
0x193: {  	[sflag:s2] =	ssyncset.done @p0 $0x0  }
0x194: {  	[sflag:s2] =	ssyncadd.s32 @p0 $0xFFFFEF80  }
0x195: {  	[spmem:s8], [sflag:s0] =	dma.local @p0 [hbm:s7], $0x1080  }
0x196: {  	_ =	swait.ge @p0 [sflag:s2], $0x1080  }
0x197: {  	[sflag:s2] =	ssyncset.done @p0 $0x0  }
0x198: {  	s0 =	rddreg [dreg:$0x7];
	[sflag:s2] =	ssyncadd.s32 @p0 $0xFFFFEF80  }
0x199: {  	[hbm:s0], [sflag:s30] =	dma.local @!p0 [spmem:s24], $0x13C0  }
0x19a: {  	s0 =	simm.s32 @!p0 $0x6  }
0x19b: {  	_ =	swait.ge @!p0 [sflag:s0], $0x13C0  }
0x19c: {  	[sflag:s0] =	ssyncset.done @!p0 $0x0  }
0x19d: {  	[sflag:s0] =	ssyncadd.s32 @!p0 $0xFFFFEC40  }
0x19e: {  	[spmem:s24], [sflag:s30] =	dma.local @!p0 [hbm:s7], $0x13C0  }
0x19f: {  	_ =	swait.ge @!p0 [sflag:s0], $0x13C0  }
0x1a0: {  	[sflag:s0] =	ssyncset.done @!p0 $0x0  }
0x1a1: {  	[sflag:s0] =	ssyncadd.s32 @!p0 $0xFFFFEC40  }
0x1a2: {  	s24 =	simm.s32 $0x0;
	[bflag:$0x0] =	sbarrier.arrive $0xFFFF  }
0x1a3: {  	[tilespmem:s18], [sflag:$0x1] =	stream.indirect.gather [hbm4b:s14+s16], $0x40, s24, s16, $0xb8;
	[tilespmem:$0x1FC60] =	vst v63  }
0x1a4: {  	_ = 	snop  }
0x1a5: {  	[tilespmem:s22], [sflag:$0x2] =	stream.indirect.gather [hbm4b:s14+s16], $0x40, s16, s16, $0xb8;
	[tilespmem:$0x1FC60] =	vst v63  }
0x1a6: {  	s10 =	simm.s32 $0x100  }
0x1a7: {  	[tilespmem:s17], [sflag:$0x3] =	stream.indirect.gather [hbm4b:s14+s16], $0x40, s10, s16, $0xb8;
	[tilespmem:$0x1FC60] =	vst v63  }
0x1a8: {  	s13 =	simm.s32 $0x180  }
0x1a9: {  	[tilespmem:s9], [sflag:$0x4] =	stream.indirect.gather [hbm4b:s14+s16], $0x40, s13, s16, $0xb8;
	[tilespmem:$0x1FC60] =	vst v63  }
0x1aa: {  	s25 =	simm.s32 $0x200  }
0x1ab: {  	[tilespmem:s20], [sflag:$0x5] =	stream.indirect.gather [hbm4b:s14+s16], $0x40, s25, s16, $0xb8;
	[tilespmem:$0x1FC60] =	vst v63  }
0x1ac: {  	_ =	swait.ge [sflag:s21], $0x2000  }
0x1ad: {  	[sflag:s21] =	ssyncset.done $0x0  }
0x1ae: {  	s25 =	simm.s32 $0x5000;
	[sflag:s21] =	ssyncadd.s32 $0xFFFFE000  }
0x1af: {  	[spmem:s3] =	stream.indirect.scatter.add.f32 [tilespmem:s18], [sflag:$0x1], $0x40, s25, s16, $0xb8;
	[tilespmem:$0x1FC60] =	vst v63  }
0x1b0: {  	_ =	swait.ge [sflag:s23], $0x2000  }
0x1b1: {  	[sflag:s23] =	ssyncset.done $0x0  }
0x1b2: {  	s2 =	simm.s32 $0x5080;
	[sflag:s23] =	ssyncadd.s32 $0xFFFFE000  }
0x1b3: {  	[spmem:s3] =	stream.indirect.scatter.add.f32 [tilespmem:s22], [sflag:$0x2], $0x40, s2, s16, $0xb8;
	[tilespmem:$0x1FC60] =	vst v63  }
0x1b4: {  	_ =	swait.ge [sflag:s21], $0x2000  }
0x1b5: {  	[sflag:s21] =	ssyncset.done $0x0  }
0x1b6: {  	s4 =	simm.s32 $0x280;
	[sflag:s21] =	ssyncadd.s32 $0xFFFFE000  }
0x1b7: {  	[tilespmem:s18], [sflag:$0x1] =	stream.indirect.gather [hbm4b:s14+s16], $0x40, s4, s16, $0xb8;
	[tilespmem:$0x1FC60] =	vst v63  }
0x1b8: {  	_ =	swait.ge [sflag:s28], $0x2000  }
0x1b9: {  	[sflag:s28] =	ssyncset.done $0x0  }
0x1ba: {  	s10 =	simm.s32 $0x5100;
	[sflag:s28] =	ssyncadd.s32 $0xFFFFE000  }
0x1bb: {  	[spmem:s3] =	stream.indirect.scatter.add.f32 [tilespmem:s17], [sflag:$0x3], $0x40, s10, s16, $0xb8;
	[tilespmem:$0x1FC60] =	vst v63  }
0x1bc: {  	_ =	swait.ge [sflag:s23], $0x2000  }
0x1bd: {  	[sflag:s23] =	ssyncset.done $0x0  }
0x1be: {  	s13 =	simm.s32 $0x300;
	[sflag:s23] =	ssyncadd.s32 $0xFFFFE000  }
0x1bf: {  	[tilespmem:s22], [sflag:$0x2] =	stream.indirect.gather [hbm4b:s14+s16], $0x40, s13, s16, $0xb8;
	[tilespmem:$0x1FC60] =	vst v63  }
0x1c0: {  	_ =	swait.ge [sflag:s31], $0x2000  }
0x1c1: {  	[sflag:s31] =	ssyncset.done $0x0  }
0x1c2: {  	s2 =	simm.s32 $0x5180;
	[sflag:s31] =	ssyncadd.s32 $0xFFFFE000  }
0x1c3: {  	[spmem:s3] =	stream.indirect.scatter.add.f32 [tilespmem:s9], [sflag:$0x4], $0x40, s2, s16, $0xb8;
	[tilespmem:$0x1FC60] =	vst v63  }
0x1c4: {  	_ =	swait.ge [sflag:s28], $0x2000  }
0x1c5: {  	[sflag:s28] =	ssyncset.done $0x0  }
0x1c6: {  	s4 =	simm.s32 $0x380;
	[sflag:s28] =	ssyncadd.s32 $0xFFFFE000  }
0x1c7: {  	[tilespmem:s17], [sflag:$0x3] =	stream.indirect.gather [hbm4b:s14+s16], $0x40, s4, s16, $0xb8;
	[tilespmem:$0x1FC60] =	vst v63  }
0x1c8: {  	_ =	swait.ge [sflag:s12], $0x2000  }
0x1c9: {  	[sflag:s12] =	ssyncset.done $0x0  }
0x1ca: {  	s10 =	simm.s32 $0x5200;
	[sflag:s12] =	ssyncadd.s32 $0xFFFFE000  }
0x1cb: {  	[spmem:s3] =	stream.indirect.scatter.add.f32 [tilespmem:s20], [sflag:$0x5], $0x40, s10, s16, $0xb8;
	[tilespmem:$0x1FC60] =	vst v63  }
0x1cc: {  	_ =	swait.ge [sflag:s31], $0x2000  }
0x1cd: {  	[sflag:s31] =	ssyncset.done $0x0  }
0x1ce: {  	s13 =	simm.s32 $0x400;
	[sflag:s31] =	ssyncadd.s32 $0xFFFFE000  }
0x1cf: {  	[tilespmem:s9], [sflag:$0x4] =	stream.indirect.gather [hbm4b:s14+s16], $0x40, s13, s16, $0xb8;
	[tilespmem:$0x1FC60] =	vst v63  }
.LBB2_13:
0x1d0: {  	_ =	swait.ge [sflag:s21], $0x2000  }
0x1d1: {  	s4 =	sshra.s32 s24, $0x2;
	[sflag:s21] =	ssyncset.done $0x0  }
0x1d2: {  	s0 =	sadd.s32 $0x5280, s4;
	[sflag:s21] =	ssyncadd.s32 $0xFFFFE000  }
0x1d3: {  	[spmem:s3] =	stream.indirect.scatter.add.f32 [tilespmem:s18], [sflag:$0x1], $0x40, s0, s16, $0xb8;
	[tilespmem:$0x1FC60] =	vst v63  }
0x1d4: {  	_ =	swait.ge [sflag:s12], $0x2000  }
0x1d5: {  	[sflag:s12] =	ssyncset.done $0x0  }
0x1d6: {  	s2 =	sadd.s32 $0x480, s4;
	[sflag:s12] =	ssyncadd.s32 $0xFFFFE000  }
0x1d7: {  	[tilespmem:s20], [sflag:$0x5] =	stream.indirect.gather [hbm4b:s14+s16], $0x40, s2, s16, $0xb8;
	[tilespmem:$0x1FC60] =	vst v63  }
0x1d8: {  	_ =	swait.ge [sflag:s23], $0x2000  }
0x1d9: {  	[sflag:s23] =	ssyncset.done $0x0  }
0x1da: {  	s10 =	sadd.s32 $0x5300, s4;
	[sflag:s23] =	ssyncadd.s32 $0xFFFFE000  }
0x1db: {  	[spmem:s3] =	stream.indirect.scatter.add.f32 [tilespmem:s22], [sflag:$0x2], $0x40, s10, s16, $0xb8;
	[tilespmem:$0x1FC60] =	vst v63  }
0x1dc: {  	_ =	swait.ge [sflag:s21], $0x2000  }
0x1dd: {  	p6 =	seq.s32 s24, $0x12C00;
	[sflag:s21] =	ssyncset.done $0x0  }
0x1de: {  	s0 =	simm.s32 @p6 $0x3;
	[sflag:s21] =	ssyncadd.s32 $0xFFFFE000  }
0x1df: {  	_ =	swait.ge @p6 [sflag:s0], $0x2000  }
0x1e0: {  	[sflag:s0] =	ssyncset.done @p6 $0x0  }
0x1e1: {  	[sflag:s0] =	ssyncadd.s32 @p6 $0xFFFFE000;
	s0 =	sshra.s32 @p6 s24, $0x2  }
0x1e2: {  	s2 =	simm.s32 @p6 $0x80;
	s10 =	simm.s32 @p6 $0xE000;
	s0 =	sadd.s32 @p6 $0x5380, s0  }
0x1e3: {  	[spmem:s3] =	stream.indirect.scatter.add.f32 @p6 [tilespmem:s10], [sflag:$0x3], $0x40, s0, s2, $0xb8;
	[tilespmem:$0x1FC60] =	vst v63  }
0x1e4: {  	s0 =	simm.s32 @p6 $0x2  }
0x1e5: {  	_ =	swait.ge @p6 [sflag:s0], $0x2000  }
0x1e6: {  	[sflag:s0] =	ssyncset.done @p6 $0x0  }
0x1e7: {  	[sflag:s0] =	ssyncadd.s32 @p6 $0xFFFFE000;
	s0 =	sshra.s32 @!p6 s24, $0x2  }
0x1e8: {  	s13 =	simm.s32 @!p6 $0xA000;
	s10 =	simm.s32 @!p6 $0x80;
	s2 =	sadd.s32 @!p6 $0x500, s0  }
0x1e9: {  	[tilespmem:s13], [sflag:$0x1] =	stream.indirect.gather @!p6 [hbm4b:s14+s10], $0x40, s2, s10, $0xb8;
	[tilespmem:$0x1FC60] =	vst v63  }
0x1ea: {  	s2 =	simm.s32 @!p6 $0x3  }
0x1eb: {  	_ =	swait.ge @!p6 [sflag:s2], $0x2000  }
0x1ec: {  	[sflag:s2] =	ssyncset.done @!p6 $0x0  }
0x1ed: {  	s13 =	simm.s32 @!p6 $0xE000;
	[sflag:s2] =	ssyncadd.s32 @!p6 $0xFFFFE000;
	s2 =	sadd.s32 @!p6 $0x5380, s0  }
0x1ee: {  	[spmem:s3] =	stream.indirect.scatter.add.f32 @!p6 [tilespmem:s13], [sflag:$0x3], $0x40, s2, s10, $0xb8;
	[tilespmem:$0x1FC60] =	vst v63  }
0x1ef: {  	s2 =	simm.s32 @!p6 $0x2  }
0x1f0: {  	_ =	swait.ge @!p6 [sflag:s2], $0x2000  }
0x1f1: {  	[sflag:s2] =	ssyncset.done @!p6 $0x0  }
0x1f2: {  	s0 =	sadd.s32 @!p6 $0x580, s0;
	[sflag:s2] =	ssyncadd.s32 @!p6 $0xFFFFE000;
	s2 =	simm.s32 @!p6 $0xC000  }
0x1f3: {  	[tilespmem:s2], [sflag:$0x2] =	stream.indirect.gather @!p6 [hbm4b:s14+s10], $0x40, s0, s10, $0xb8;
	[tilespmem:$0x1FC60] =	vst v63  }
0x1f4: {  	_ =	swait.ge [sflag:s31], $0x2000  }
0x1f5: {  	[sflag:s31] =	ssyncset.done $0x0  }
.Ltmp7:
0x1f6: {  	s13 =	sadd.s32 $0x5400, s4;
	[sflag:s31] =	ssyncadd.s32 $0xFFFFE000;
	(pc) =	sbr.rel @p6 .LBB2_15-.Ltmp7, $4  }
0x1f7: {  	[spmem:s3] =	stream.indirect.scatter.add.f32 [tilespmem:s9], [sflag:$0x4], $0x40, s13, s16, $0xb8;
	[tilespmem:$0x1FC60] =	vst v63  }
0x1f8: {  	_ =	swait.ge [sflag:s28], $0x2000  }
0x1f9: {  	[sflag:s28] =	ssyncset.done $0x0  }
0x1fa: {  	s2 =	sadd.s32 $0x5480, s4;
	[sflag:s28] =	ssyncadd.s32 $0xFFFFE000  }
0x1fb: {  	s0 =	sadd.s32 $0x600, s4  }
0x1fc: {  	[tilespmem:s17], [sflag:$0x3] =	stream.indirect.gather [hbm4b:s14+s16], $0x40, s0, s16, $0xb8;
	[tilespmem:$0x1FC60] =	vst v63  }
0x1fd: {  	_ =	swait.ge [sflag:s12], $0x2000  }
0x1fe: {  	[sflag:s12] =	ssyncset.done $0x0  }
0x1ff: {  	[sflag:s12] =	ssyncadd.s32 $0xFFFFE000  }
0x200: {  	[spmem:s3] =	stream.indirect.scatter.add.f32 [tilespmem:s20], [sflag:$0x5], $0x40, s2, s16, $0xb8;
	[tilespmem:$0x1FC60] =	vst v63  }
.Ltmp8:
0x201: {  	_ = 	snop;
	(pc) =	sbr.rel .LBB2_13-.Ltmp8, $4  }
0x202: {  	_ =	swait.ge [sflag:s31], $0x2000  }
0x203: {  	[sflag:s31] =	ssyncset.done $0x0  }
0x204: {  	s13 =	sadd.s32 $0x680, s4;
	s24 =	sadd.s32 $0xA00, s24;
	[sflag:s31] =	ssyncadd.s32 $0xFFFFE000  }
0x205: {  	[tilespmem:s9], [sflag:$0x4] =	stream.indirect.gather [hbm4b:s14+s16], $0x40, s13, s16, $0xb8;
	[tilespmem:$0x1FC60] =	vst v63  }
.LBB2_8:
0x206: {  	_ =	swait.ge [sflag:s12], $0x2000  }
0x207: {  	[sflag:s12] =	ssyncset.done $0x0  }
0x208: {  	[sflag:s12] =	ssyncadd.s32 $0xFFFFE000  }
0x209: {  	[spmem:s3] =	stream.indirect.scatter.add.f32 [tilespmem:s20], [sflag:$0x5], $0x40, s2, s16, $0xb8;
	[tilespmem:$0x1FC60] =	vst v63  }
0x20a: {  	_ =	swait.ge [sflag:s31], $0x2000  }
0x20b: {  	[sflag:s31] =	ssyncset.done $0x0  }
0x20c: {  	[sflag:s31] =	ssyncadd.s32 $0xFFFFE000  }
0x20d: {  	_ =	swait.ge [sflag:s12], $0x2000  }
0x20e: {  	[sflag:s12] =	ssyncset.done $0x0  }
0x20f: {  	[sflag:s12] =	ssyncadd.s32 $0xFFFFE000  }
0x210: {  	[bflag:$0x0] =	sbarrier.arrive $0xFFFF  }
0x211: {  	s0 =	simm.s32 @p0 $0x1FC6;
	s2 =	rddreg [dreg:$0x10]  }
0x212: {  	[hbm:s2], [sflag:s0] =	dma.local @p0 [spmem:s8], $0x1080  }
0x213: {  	s2 =	simm.s32 @p0 $0x6  }
0x214: {  	_ =	swait.ge @p0 [sflag:s2], $0x1080  }
0x215: {  	[sflag:s2] =	ssyncset.done @p0 $0x0  }
0x216: {  	[sflag:s2] =	ssyncadd.s32 @p0 $0xFFFFEF80  }
0x217: {  	[spmem:s8], [sflag:s0] =	dma.local @p0 [hbm:s7], $0x1080  }
0x218: {  	_ =	swait.ge @p0 [sflag:s2], $0x1080  }
0x219: {  	[sflag:s2] =	ssyncset.done @p0 $0x0  }
0x21a: {  	s0 =	rddreg [dreg:$0x19];
	[sflag:s2] =	ssyncadd.s32 @p0 $0xFFFFEF80  }
0x21b: {  	[hbm:s0], [sflag:s30] =	dma.local @!p0 [spmem:s1], $0x13C0  }
0x21c: {  	s0 =	simm.s32 @!p0 $0x6  }
0x21d: {  	_ =	swait.ge @!p0 [sflag:s0], $0x13C0  }
0x21e: {  	[sflag:s0] =	ssyncset.done @!p0 $0x0  }
.Ltmp9:
0x21f: {  	[sflag:s0] =	ssyncadd.s32 @!p0 $0xFFFFEC40;
	(pc) =	sbr.rel .LBB2_16-.Ltmp9, $4  }
0x220: {  	[spmem:s1], [sflag:s30] =	dma.local @!p0 [hbm:s7], $0x13C0  }
0x221: {  	_ =	swait.ge @!p0 [sflag:s0], $0x13C0  }
0x222: {  	[sflag:s0] =	ssyncset.done @!p0 $0x0  }
0x223: {  	[sflag:s0] =	ssyncadd.s32 @!p0 $0xFFFFEC40  }
.LBB2_15:
0x224: {  	_ =	swait.ge [sflag:s12], $0x2000  }
0x225: {  	[sflag:s12] =	ssyncset.done $0x0  }
0x226: {  	[sflag:s12] =	ssyncadd.s32 $0xFFFFE000  }
0x227: {  	[spmem:s3] =	stream.indirect.scatter.add.f32 [tilespmem:s20], [sflag:$0x5], $0x40, s2, s16, $0xb8;
	[tilespmem:$0x1FC60] =	vst v63  }
0x228: {  	_ =	swait.ge [sflag:s31], $0x2000  }
0x229: {  	[sflag:s31] =	ssyncset.done $0x0  }
0x22a: {  	[sflag:s31] =	ssyncadd.s32 $0xFFFFE000  }
0x22b: {  	_ =	swait.ge [sflag:s12], $0x2000  }
0x22c: {  	[sflag:s12] =	ssyncset.done $0x0  }
0x22d: {  	[sflag:s12] =	ssyncadd.s32 $0xFFFFE000  }
0x22e: {  	[bflag:$0x0] =	sbarrier.arrive $0xFFFF  }
0x22f: {  	s0 =	simm.s32 @p0 $0x1FC6;
	s2 =	rddreg [dreg:$0xb]  }
0x230: {  	[hbm:s2], [sflag:s0] =	dma.local @p0 [spmem:s8], $0x1080  }
0x231: {  	s2 =	simm.s32 @p0 $0x6  }
0x232: {  	_ =	swait.ge @p0 [sflag:s2], $0x1080  }
0x233: {  	[sflag:s2] =	ssyncset.done @p0 $0x0  }
0x234: {  	[sflag:s2] =	ssyncadd.s32 @p0 $0xFFFFEF80  }
0x235: {  	[spmem:s8], [sflag:s0] =	dma.local @p0 [hbm:s7], $0x1080  }
0x236: {  	_ =	swait.ge @p0 [sflag:s2], $0x1080  }
0x237: {  	[sflag:s2] =	ssyncset.done @p0 $0x0  }
0x238: {  	s0 =	rddreg [dreg:$0xa];
	[sflag:s2] =	ssyncadd.s32 @p0 $0xFFFFEF80  }
0x239: {  	[hbm:s0], [sflag:s30] =	dma.local @!p0 [spmem:s1], $0x13C0  }
0x23a: {  	s0 =	simm.s32 @!p0 $0x6  }
0x23b: {  	_ =	swait.ge @!p0 [sflag:s0], $0x13C0  }
0x23c: {  	[sflag:s0] =	ssyncset.done @!p0 $0x0  }
0x23d: {  	[sflag:s0] =	ssyncadd.s32 @!p0 $0xFFFFEC40  }
0x23e: {  	[spmem:s1], [sflag:s30] =	dma.local @!p0 [hbm:s7], $0x13C0  }
0x23f: {  	_ =	swait.ge @!p0 [sflag:s0], $0x13C0  }
0x240: {  	[sflag:s0] =	ssyncset.done @!p0 $0x0  }
0x241: {  	[sflag:s0] =	ssyncadd.s32 @!p0 $0xFFFFEC40  }
.LBB2_16:
0x242: {  	[bflag:$0x0] =	sbarrier.arrive $0xFFFF  }
0x243: {  	[spmem:s3] =	stream.indirect.scatter.add.f32 [tilespmem:s15], [sflag:$0x1], $0x40, s26, s16, $0xb8;
	[tilespmem:$0x1FC60] =	vst v63  }
0x244: {  	s0 =	rddreg [dreg:$0x14]  }
0x245: {  	[spmem:s3] =	stream.indirect.scatter.add.f32 [tilespmem:s15], [sflag:$0x2], $0x40, s0, s16, $0xb8;
	[tilespmem:$0x1FC60] =	vst v63  }
0x246: {  	s2 =	rddreg [dreg:$0x15]  }
0x247: {  	[spmem:s3] =	stream.indirect.scatter.add.f32 [tilespmem:s15], [sflag:$0x3], $0x40, s2, s16, $0xb8;
	[tilespmem:$0x1FC60] =	vst v63  }
0x248: {  	s4 =	rddreg [dreg:$0x16]  }
0x249: {  	[spmem:s3] =	stream.indirect.scatter.add.f32 [tilespmem:s15], [sflag:$0x4], $0x40, s4, s16, $0xb8;
	[tilespmem:$0x1FC60] =	vst v63  }
0x24a: {  	s8 =	rddreg [dreg:$0x17]  }
0x24b: {  	[spmem:s3] =	stream.indirect.scatter.add.f32 [tilespmem:s15], [sflag:$0x5], $0x40, s8, s16, $0xb8;
	[tilespmem:$0x1FC60] =	vst v63  }
0x24c: {  	_ =	swait.ge [sflag:s21], $0x2000  }
0x24d: {  	s10 =	sadd.s32 $0x0, s26;
	[sflag:s21] =	ssyncset.done $0x0  }
0x24e: {  	s1 =	sadd.s32 $0x280, s10;
	[sflag:s21] =	ssyncadd.s32 $0xFFFFE000  }
0x24f: {  	[spmem:s3] =	stream.indirect.scatter.add.f32 [tilespmem:s15], [sflag:$0x1], $0x40, s1, s16, $0xb8;
	[tilespmem:$0x1FC60] =	vst v63  }
0x250: {  	_ =	swait.ge [sflag:s23], $0x2000  }
0x251: {  	[sflag:s23] =	ssyncset.done $0x0  }
0x252: {  	s13 =	sadd.s32 $0x300, s10;
	[sflag:s23] =	ssyncadd.s32 $0xFFFFE000  }
0x253: {  	[spmem:s3] =	stream.indirect.scatter.add.f32 [tilespmem:s15], [sflag:$0x2], $0x40, s13, s16, $0xb8;
	[tilespmem:$0x1FC60] =	vst v63  }
0x254: {  	_ =	swait.ge [sflag:s28], $0x2000  }
0x255: {  	[sflag:s28] =	ssyncset.done $0x0  }
0x256: {  	s24 =	sadd.s32 $0x380, s10;
	[sflag:s28] =	ssyncadd.s32 $0xFFFFE000  }
0x257: {  	[spmem:s3] =	stream.indirect.scatter.add.f32 [tilespmem:s15], [sflag:$0x3], $0x40, s24, s16, $0xb8;
	[tilespmem:$0x1FC60] =	vst v63  }
0x258: {  	_ =	swait.ge [sflag:s31], $0x2000  }
0x259: {  	[sflag:s31] =	ssyncset.done $0x0  }
0x25a: {  	s30 =	sadd.s32 $0x400, s10;
	[sflag:s31] =	ssyncadd.s32 $0xFFFFE000  }
0x25b: {  	[spmem:s3] =	stream.indirect.scatter.add.f32 [tilespmem:s15], [sflag:$0x4], $0x40, s30, s16, $0xb8;
	[tilespmem:$0x1FC60] =	vst v63  }
0x25c: {  	s2 =	sadd.s32 $0x480, s10;
	_ =	swait.ge [sflag:s12], $0x2000  }
0x25d: {  	s1 =	simm.s32 $0xA00;
	[sflag:s12] =	ssyncset.done $0x0;
	s10 =	rddreg [dreg:$0x6]  }
0x25e: {  	s13 =	stileid.u32;
	s4 =	rddreg [dreg:$0x18];
	[sflag:s12] =	ssyncadd.s32 $0xFFFFE000  }
.LBB2_17:
0x25f: {  	[spmem:s3] =	stream.indirect.scatter.add.f32 [tilespmem:s15], [sflag:$0x5], $0x40, s2, s16, $0xb8;
	[tilespmem:$0x1FC60] =	vst v63  }
0x260: {  	s0 =	sshra.s32 s1, $0x2;
	p6 =	sne.s32 s1, $0x8C00;
	_ =	swait.ge [sflag:s21], $0x2000  }
0x261: {  	s1 =	sadd.s32 $0xA00, s1;
	s0 =	sadd.s32 s0, s26;
	[sflag:s21] =	ssyncset.done $0x0  }
0x262: {  	s2 =	sadd.s32 $0x280, s0;
	[sflag:s21] =	ssyncadd.s32 $0xFFFFE000  }
0x263: {  	[spmem:s3] =	stream.indirect.scatter.add.f32 [tilespmem:s15], [sflag:$0x1], $0x40, s2, s16, $0xb8;
	[tilespmem:$0x1FC60] =	vst v63  }
0x264: {  	_ =	swait.ge [sflag:s23], $0x2000  }
0x265: {  	[sflag:s23] =	ssyncset.done $0x0  }
0x266: {  	s2 =	sadd.s32 $0x300, s0;
	[sflag:s23] =	ssyncadd.s32 $0xFFFFE000  }
0x267: {  	[spmem:s3] =	stream.indirect.scatter.add.f32 [tilespmem:s15], [sflag:$0x2], $0x40, s2, s16, $0xb8;
	[tilespmem:$0x1FC60] =	vst v63  }
0x268: {  	_ =	swait.ge [sflag:s28], $0x2000  }
0x269: {  	[sflag:s28] =	ssyncset.done $0x0  }
0x26a: {  	s2 =	sadd.s32 $0x380, s0;
	[sflag:s28] =	ssyncadd.s32 $0xFFFFE000  }
0x26b: {  	[spmem:s3] =	stream.indirect.scatter.add.f32 [tilespmem:s15], [sflag:$0x3], $0x40, s2, s16, $0xb8;
	[tilespmem:$0x1FC60] =	vst v63  }
0x26c: {  	_ =	swait.ge [sflag:s31], $0x2000  }
0x26d: {  	[sflag:s31] =	ssyncset.done $0x0  }
.Ltmp10:
0x26e: {  	s2 =	sadd.s32 $0x400, s0;
	[sflag:s31] =	ssyncadd.s32 $0xFFFFE000;
	(pc) =	sbr.rel @p6 .LBB2_17-.Ltmp10, $4  }
0x26f: {  	[spmem:s3] =	stream.indirect.scatter.add.f32 [tilespmem:s15], [sflag:$0x4], $0x40, s2, s16, $0xb8;
	[tilespmem:$0x1FC60] =	vst v63  }
0x270: {  	_ =	swait.ge [sflag:s12], $0x2000  }
0x271: {  	[sflag:s12] =	ssyncset.done $0x0  }
0x272: {  	s2 =	sadd.s32 $0x480, s0;
	[sflag:s12] =	ssyncadd.s32 $0xFFFFE000  }
0x273: {  	[spmem:s3] =	stream.indirect.scatter.add.f32 [tilespmem:s15], [sflag:$0x5], $0x40, s2, s16, $0xb8;
	[tilespmem:$0x1FC60] =	vst v63  }
0x274: {  	_ =	swait.ge [sflag:s21], $0x2000  }
0x275: {  	[sflag:s21] =	ssyncset.done $0x0  }
0x276: {  	[sflag:s21] =	ssyncadd.s32 $0xFFFFE000  }
0x277: {  	_ =	swait.ge [sflag:s23], $0x2000  }
0x278: {  	[sflag:s23] =	ssyncset.done $0x0  }
0x279: {  	[sflag:s23] =	ssyncadd.s32 $0xFFFFE000  }
0x27a: {  	_ =	swait.ge [sflag:s28], $0x2000  }
0x27b: {  	[sflag:s28] =	ssyncset.done $0x0  }
0x27c: {  	[sflag:s28] =	ssyncadd.s32 $0xFFFFE000  }
0x27d: {  	_ =	swait.ge [sflag:s31], $0x2000  }
0x27e: {  	[sflag:s31] =	ssyncset.done $0x0  }
0x27f: {  	[sflag:s31] =	ssyncadd.s32 $0xFFFFE000  }
0x280: {  	_ =	swait.ge [sflag:s12], $0x2000  }
0x281: {  	[sflag:s12] =	ssyncset.done $0x0  }
0x282: {  	[sflag:s12] =	ssyncadd.s32 $0xFFFFE000  }
0x283: {  	[bflag:$0x0] =	sbarrier.arrive $0xFFFF  }
0x284: {  	s0 =	sshrl.u32 @!p2 s4, $0x3;
	s1 =	simm.s32 @!p2 $0x1FC6;
	s2 =	rddreg [dreg:$0x11]  }
0x285: {  	[hbm:s2], [sflag:s1] =	dma.local @!p2 [spmem:s0], $0x1080  }
0x286: {  	s0 =	simm.s32 @!p2 $0x6  }
0x287: {  	_ =	swait.ge @!p2 [sflag:s0], $0x1080  }
0x288: {  	s1 =	simm.s32 @!p3 $0x1FC6;
	[sflag:s0] =	ssyncset.done @!p2 $0x0  }
0x289: {  	s2 =	rddreg [dreg:$0x12];
	[sflag:s0] =	ssyncadd.s32 @!p2 $0xFFFFEF80;
	s0 =	sshrl.u32 @!p3 s4, $0x3  }
0x28a: {  	[hbm:s2], [sflag:s1] =	dma.local @!p3 [spmem:s0], $0x1080  }
0x28b: {  	s0 =	simm.s32 @!p3 $0x6  }
0x28c: {  	_ =	swait.ge @!p3 [sflag:s0], $0x1080  }
0x28d: {  	s1 =	sshll.u32 @!p4 s13, $0x6;
	[sflag:s0] =	ssyncset.done @!p3 $0x0;
	s2 =	rddreg [dreg:$0xe]  }
0x28e: {  	[sflag:s0] =	ssyncadd.s32 @!p3 $0xFFFFEF80;
	s0 =	sor.u32 @!p4 $0x1C06, s1;
	s1 =	sshrl.u32 @!p4 s10, $0x3  }
0x28f: {  	[hbm:s2], [sflag:s0] =	dma.local @!p4 [spmem:s1], $0x13C0  }
0x290: {  	s0 =	simm.s32 @!p4 $0x6  }
0x291: {  	_ =	swait.ge @!p4 [sflag:s0], $0x13C0  }
0x292: {  	s1 =	sshll.u32 @!p5 s13, $0x6;
	[sflag:s0] =	ssyncset.done @!p4 $0x0;
	s2 =	rddreg [dreg:$0xf]  }
0x293: {  	[sflag:s0] =	ssyncadd.s32 @!p4 $0xFFFFEC40;
	s0 =	sor.u32 @!p5 $0x1C06, s1;
	s1 =	sshrl.u32 @!p5 s10, $0x3  }
0x294: {  	[hbm:s2], [sflag:s0] =	dma.local @!p5 [spmem:s1], $0x13C0  }
0x295: {  	s0 =	simm.s32 @!p5 $0x6  }
0x296: {  	_ =	swait.ge @!p5 [sflag:s0], $0x13C0  }
0x297: {  	s29 =	sadd.s32 $0x1, s29;
	s30 =	rddreg [dreg:$0x13]  }
0x298: {  	p6 =	sne.s32 s29, s30  }
.Ltmp11:
0x299: {  	_ = 	snop;
	(pc) =	sbr.rel @p6 .LBB2_1-.Ltmp11, $3  }
0x29a: {  	_ =	sdelay $0x1  }
0x29b: {  	[sflag:s0] =	ssyncset.done @!p5 $0x0  }
0x29c: {  	[sflag:s0] =	ssyncadd.s32 @!p5 $0xFFFFEC40  }
0x29d: {  	_ =	sfence.sel $0x180000  }
0x29e: {  	[bflag:$0x0] =	sbarrier.arrive $0xFFFF  }
0x29f: {  	_ =	strace $0x90000047  }
0x2a0: {  	[bflag:$0x2] =	sbarrier.arrive $0xFFFF  }
0x2a1: {  	p0 =	sne.s32 s13, $0x0;
	s0 =	rddreg [dreg:$0x3]  }
0x2a2: {  	s0 =	sadd.s32 @!p0 $0x100000, s0  }
0x2a3: {  	[sflag:s0] =	ssyncadd.tile.s32 @!p0 $0x1;
	_ =	shalt  }
.Lfunc_end2:
_tile_overlayer_lowered:
.L_overlay_start_2:
0x2a4: {  	(tag) =	ssettag $0x2  }
0x2a5: {  	s0 =	rddreg [dreg:$0x0];
	s2 =	stileid.u32  }
0x2a6: {  	s1 =	rddreg [dreg:$0x1];
	p0 =	sne.s32 s2, $0x0  }
0x2a7: {  	s3 =	rddreg [dreg:$0x2];
	[bflag:$0x3] =	sbarrier.arrive $0xFFFF;
	s2 =	simm.s32 @!p0 $0x1C06  }
0x2a8: {  	[timem:s3], [sflag:s2] =	dma.local @!p0 [hbm:s0], s1  }
0x2a9: {  	s0 =	simm.s32 @!p0 $0x6  }
0x2aa: {  	_ =	swait.ge @!p0 [sflag:s0], s1  }
0x2ab: {  	s1 =	ssub.s32 @!p0 $0x0, s1;
	[sflag:s0] =	ssyncset.done @!p0 $0x0  }
0x2ac: {  	[sflag:s0] =	ssyncadd.s32 @!p0 s1  }
0x2ad: {  	[bflag:$0x3] =	sbarrier.arrive $0xFFFF  }
0x2ae: {  	_ =	shalt  }

</sc_bundles>
